<compile_context>
chip_gen: v7x
topology: tpu7x:2x2x1
jax: 0.10.2.dev20260603
libtpu: 0.0.44.dev20260713+nightly
codegen_flags: <defaults>
</compile_context>

<pallas_src>
import functools

import jax
import jax.numpy as jnp
from jax import lax
from jax.experimental import pallas as pl
from jax.experimental.pallas import tpu as pltpu
from jax.experimental.pallas import tpu_sc as plsc

EMBED_DIM = 128
BATCH = 16384
NUM_CORES = 2
NUM_SUBCORES = 16
NUM_WORKERS = NUM_CORES * NUM_SUBCORES
ROWS_PER_W = BATCH // NUM_WORKERS
CHUNK = 128
NCHUNK = ROWS_PER_W // CHUNK
RING = 3
LANES = 16


def _build_tables_body(res_ref, inc_ref, typ_ref, wrk_ref, w_ref, b_ref,
                       t12_ref, t34_ref):
    w = w_ref[...]
    t1 = jnp.dot(res_ref[...], w[0:8, :], preferred_element_type=jnp.float32)
    t2 = jnp.dot(inc_ref[...], w[8:24, :], preferred_element_type=jnp.float32)
    t3 = jnp.dot(typ_ref[...], w[24:32, :], preferred_element_type=jnp.float32)
    t4 = jnp.dot(wrk_ref[...], w[32:40, :], preferred_element_type=jnp.float32)
    bias = b_ref[...]
    for i in range(20):
        t12_ref[pl.ds(i * 20, 20), :] = t1[i:i + 1, :] + t2
    t4b = t4 + bias
    for i in range(10):
        t34_ref[pl.ds(i * 10, 10), :] = t3[i:i + 1, :] + t4b


def _build_tables(emb_res, emb_inc, emb_typ, emb_wrk, W, b):
    return pl.pallas_call(
        _build_tables_body,
        out_shape=(
            jax.ShapeDtypeStruct((400, EMBED_DIM), jnp.float32),
            jax.ShapeDtypeStruct((100, EMBED_DIM), jnp.float32),
        ),
    )(emb_res, emb_inc, emb_typ, emb_wrk, W, b.reshape(1, EMBED_DIM))


def _sc_lookup(xt, t12, t34):
    mesh = plsc.VectorSubcoreMesh(core_axis_name="c", subcore_axis_name="s")

    @functools.partial(
        pl.kernel,
        mesh=mesh,
        out_type=jax.ShapeDtypeStruct((BATCH, EMBED_DIM), jnp.float32),
        scratch_types=[
            pltpu.VMEM((ROWS_PER_W,), jnp.int32),
            pltpu.VMEM((ROWS_PER_W,), jnp.int32),
            pltpu.VMEM((ROWS_PER_W,), jnp.int32),
            pltpu.VMEM((ROWS_PER_W,), jnp.int32),
            pltpu.VMEM((ROWS_PER_W,), jnp.int32),
            pltpu.VMEM((ROWS_PER_W,), jnp.int32),
        ] + [pltpu.VMEM((CHUNK, EMBED_DIM), jnp.float32)
             for _ in range(RING)]
          + [pltpu.VMEM((CHUNK, EMBED_DIM), jnp.float32)
             for _ in range(RING)]
          + [
            pltpu.VMEM_SHARED((400, EMBED_DIM), jnp.float32),
            pltpu.VMEM_SHARED((100, EMBED_DIM), jnp.float32),
            pltpu.SemaphoreType.DMA,
        ] + [pltpu.SemaphoreType.DMA for _ in range(RING)]
          + [pltpu.SemaphoreType.DMA for _ in range(RING)],
    )
    def k(xth, t12h, t34h, outh,
          x0v, x1v, x2v, x3v, i12v, i34v, *rest):
        b12s = list(rest[0:RING])
        b34s = list(rest[RING:2 * RING])
        t12s, t34s, sx = rest[2 * RING], rest[2 * RING + 1], rest[2 * RING + 2]
        sg = list(rest[2 * RING + 3:2 * RING + 3 + RING])
        so = list(rest[2 * RING + 3 + RING:2 * RING + 3 + 2 * RING])
        sid = lax.axis_index("s")
        wid = sid * NUM_CORES + lax.axis_index("c")
        base = wid * ROWS_PER_W

        xcp = [pltpu.async_copy(xth.at[f, pl.ds(base, ROWS_PER_W)], xv, sx)
               for f, xv in enumerate([x0v, x1v, x2v, x3v])]

        @pl.when(sid == 0)
        def _stage_tables():
            pltpu.sync_copy(t12h, t12s)
            pltpu.sync_copy(t34h, t34s)

        for c in xcp:
            c.wait()
        for r in range(ROWS_PER_W // LANES):
            sl = pl.ds(r * LANES, LANES)
            i12v[sl] = x0v[sl] * 20 + x1v[sl]
            i34v[sl] = x2v[sl] * 10 + x3v[sl]

        plsc.subcore_barrier()

        def issue(c):
            s = c % RING
            isl = pl.ds(c * CHUNK, CHUNK)
            return (pltpu.async_copy(t12s.at[i12v.at[isl]], b12s[s], sg[s]),
                    pltpu.async_copy(t34s.at[i34v.at[isl]], b34s[s], sg[s]))

        UNROLL = 4
        LOOKAHEAD = RING - 1
        gcp = [None] * NCHUNK
        ocp = [None] * NCHUNK
        for c0 in range(min(LOOKAHEAD, NCHUNK)):
            gcp[c0] = issue(c0)
        for c in range(NCHUNK):
            s = c % RING
            n = c + LOOKAHEAD
            if n < NCHUNK:
                if n - RING >= 0:
                    ocp[n - RING].wait()
                gcp[n] = issue(n)
            gcp[c][0].wait()
            gcp[c][1].wait()
            b12, b34 = b12s[s], b34s[s]

            def add_body(r, carry):
                for u in range(UNROLL):
                    for jj in range(EMBED_DIM // LANES):
                        sl = pl.ds(jj * LANES, LANES)
                        plsc.addupdate(b12.at[r * UNROLL + u, sl],
                                       b34[r * UNROLL + u, sl])
                return carry

            lax.fori_loop(0, CHUNK // UNROLL, add_body, 0)
            ocp[c] = pltpu.async_copy(
                b12, outh.at[pl.ds(base + c * CHUNK, CHUNK)], so[s])
        for c in range(max(0, NCHUNK - RING), NCHUNK):
            ocp[c].wait()

    return k(xt, t12, t34)


def kernel(x, emb_res, emb_inc, emb_typ, emb_wrk, W, b):
    t12, t34 = _build_tables(emb_res, emb_inc, emb_typ, emb_wrk, W, b)
    out = _sc_lookup(x.astype(jnp.int32).T, t12, t34)
    return out[:, None, :]

# --- scband reference (transcript-rebuilt; emitter-appended) ---
"""Pipeline reference for scband-static-context-encoder-13099650253250 (READ-ONLY COPY).

The authoritative reference and input builder live on the scoring server;
editing this copy changes nothing except your own understanding.
"""

import jax, jax.numpy as jnp
import numpy as np

EMBED_DIM = 128

def setup_inputs(seed: int = 0) -> dict:
    key = jax.random.key(seed)
    ks = jax.random.split(key, 8)
    x = jax.random.randint(ks[0], (16384, 4), 0, 10, dtype=jnp.int64)
    emb_res = jax.random.normal(ks[1], (20, 8), dtype=jnp.float32)
    emb_inc = jax.random.normal(ks[2], (20, 16), dtype=jnp.float32)
    emb_typ = jax.random.normal(ks[3], (10, 8), dtype=jnp.float32)
    emb_wrk = jax.random.normal(ks[4], (10, 8), dtype=jnp.float32)
    in_dim = 8 + 16 + 8 + 8
    bound = 1.0 / np.sqrt(in_dim)
    W = jax.random.uniform(ks[5], (in_dim, EMBED_DIM), dtype=jnp.float32, minval=-bound, maxval=bound)
    b = jax.random.uniform(ks[6], (EMBED_DIM,), dtype=jnp.float32, minval=-bound, maxval=bound)
    return {"x": x, "emb_res": emb_res, "emb_inc": emb_inc, "emb_typ": emb_typ, "emb_wrk": emb_wrk, "W": W, "b": b}

def reference(x, emb_res, emb_inc, emb_typ, emb_wrk, W, b):
    e1 = jnp.take(emb_res, x[:, 0], axis=0)
    e2 = jnp.take(emb_inc, x[:, 1], axis=0)
    e3 = jnp.take(emb_typ, x[:, 2], axis=0)
    e4 = jnp.take(emb_wrk, x[:, 3], axis=0)
    cat = jnp.concatenate([e1, e2, e3, e4], axis=1)
    out = cat @ W + b
    return out[:, None, :]

if __name__ == "__main__":
    import jax
    _d = setup_inputs()
    print(jax.jit(kernel)(*tuple(_d.values())))

</pallas_src>

<mosaic_0001>
#map = affine_map<(d0, d1) -> (0, 0)>
module attributes {stable_mosaic.version = 14 : i64} {
  func.func @k(%arg0: i32, %arg1: i32, %arg2: memref<4x16384xi32, #tpu.memory_space<hbm>>, %arg3: memref<400x128xf32, #tpu.memory_space<hbm>>, %arg4: memref<100x128xf32, #tpu.memory_space<hbm>>, %arg5: memref<16384x128xf32, #tpu.memory_space<hbm>>, %arg6: memref<512xi32, #tpu.memory_space<vmem>>, %arg7: memref<512xi32, #tpu.memory_space<vmem>>, %arg8: memref<512xi32, #tpu.memory_space<vmem>>, %arg9: memref<512xi32, #tpu.memory_space<vmem>>, %arg10: memref<512xi32, #tpu.memory_space<vmem>>, %arg11: memref<512xi32, #tpu.memory_space<vmem>>, %arg12: memref<128x128xf32, #tpu.memory_space<vmem>>, %arg13: memref<128x128xf32, #tpu.memory_space<vmem>>, %arg14: memref<128x128xf32, #tpu.memory_space<vmem>>, %arg15: memref<128x128xf32, #tpu.memory_space<vmem>>, %arg16: memref<128x128xf32, #tpu.memory_space<vmem>>, %arg17: memref<128x128xf32, #tpu.memory_space<vmem>>, %arg18: memref<400x128xf32, #tpu.memory_space<vmem_shared>>, %arg19: memref<100x128xf32, #tpu.memory_space<vmem_shared>>, %arg20: memref<!tpu.dma_semaphore, #tpu.memory_space<semaphore_mem>>, %arg21: memref<!tpu.dma_semaphore, #tpu.memory_space<semaphore_mem>>, %arg22: memref<!tpu.dma_semaphore, #tpu.memory_space<semaphore_mem>>, %arg23: memref<!tpu.dma_semaphore, #tpu.memory_space<semaphore_mem>>, %arg24: memref<!tpu.dma_semaphore, #tpu.memory_space<semaphore_mem>>, %arg25: memref<!tpu.dma_semaphore, #tpu.memory_space<semaphore_mem>>, %arg26: memref<!tpu.dma_semaphore, #tpu.memory_space<semaphore_mem>>) attributes {dimension_semantics = [#tpu.dimension_semantics<core_parallel>, #tpu.dimension_semantics<subcore_parallel>], iteration_bounds = array<i64: 2, 16>, scalar_prefetch = 0 : i64, scratch_operands = 21 : i64, tpu.core_type = #tpu.core_type<sc_vector_subcore>, window_params = [{transform_indices = #map}, {transform_indices = #map}, {transform_indices = #map}, {transform_indices = #map}]} {
    %mul3A = arith.constant 2 : i32
    %mul3A_0 = arith.muli %arg1, %mul3A : i32
    %add3A = arith.addi %mul3A_0, %arg0 : i32
    %mul3A_1 = arith.constant 512 : i32
    %mul3A_2 = arith.muli %add3A, %mul3A_1 : i32
    %dma_start3A = arith.constant 0 : i32
    %dma_start3A_3 = tpu.memref_slice %arg2[%dma_start3A, %mul3A_2] : memref<4x16384xi32, #tpu.memory_space<hbm>> -> memref<1x512xi32, #tpu.memory_space<hbm>>
    %dma_start3A_4 = tpu.memref_squeeze %dma_start3A_3 : memref<1x512xi32, #tpu.memory_space<hbm>> -> memref<512xi32, #tpu.memory_space<hbm>>
    %dma_start3A_5 = tpu.memref_slice %arg2[%dma_start3A, %mul3A_2] : memref<4x16384xi32, #tpu.memory_space<hbm>> -> memref<1x512xi32, #tpu.memory_space<hbm>>
    %dma_start3A_6 = tpu.memref_squeeze %dma_start3A_5 : memref<1x512xi32, #tpu.memory_space<hbm>> -> memref<512xi32, #tpu.memory_space<hbm>>
    tpu.enqueue_dma source(%dma_start3A_6 : memref<512xi32, #tpu.memory_space<hbm>>) target(%arg6 : memref<512xi32, #tpu.memory_space<vmem>>) target_semaphore(%arg20 : memref<!tpu.dma_semaphore, #tpu.memory_space<semaphore_mem>>)
    %dma_start3A_7 = arith.constant 1 : i32
    %dma_start3A_8 = tpu.memref_slice %arg2[%dma_start3A_7, %mul3A_2] : memref<4x16384xi32, #tpu.memory_space<hbm>> -> memref<1x512xi32, #tpu.memory_space<hbm>>
    %dma_start3A_9 = tpu.memref_squeeze %dma_start3A_8 : memref<1x512xi32, #tpu.memory_space<hbm>> -> memref<512xi32, #tpu.memory_space<hbm>>
    %dma_start3A_10 = tpu.memref_slice %arg2[%dma_start3A_7, %mul3A_2] : memref<4x16384xi32, #tpu.memory_space<hbm>> -> memref<1x512xi32, #tpu.memory_space<hbm>>
    %dma_start3A_11 = tpu.memref_squeeze %dma_start3A_10 : memref<1x512xi32, #tpu.memory_space<hbm>> -> memref<512xi32, #tpu.memory_space<hbm>>
    tpu.enqueue_dma source(%dma_start3A_11 : memref<512xi32, #tpu.memory_space<hbm>>) target(%arg7 : memref<512xi32, #tpu.memory_space<vmem>>) target_semaphore(%arg20 : memref<!tpu.dma_semaphore, #tpu.memory_space<semaphore_mem>>)
    %dma_start3A_12 = arith.constant 2 : i32
    %dma_start3A_13 = tpu.memref_slice %arg2[%dma_start3A_12, %mul3A_2] : memref<4x16384xi32, #tpu.memory_space<hbm>> -> memref<1x512xi32, #tpu.memory_space<hbm>>
    %dma_start3A_14 = tpu.memref_squeeze %dma_start3A_13 : memref<1x512xi32, #tpu.memory_space<hbm>> -> memref<512xi32, #tpu.memory_space<hbm>>
    %dma_start3A_15 = tpu.memref_slice %arg2[%dma_start3A_12, %mul3A_2] : memref<4x16384xi32, #tpu.memory_space<hbm>> -> memref<1x512xi32, #tpu.memory_space<hbm>>
    %dma_start3A_16 = tpu.memref_squeeze %dma_start3A_15 : memref<1x512xi32, #tpu.memory_space<hbm>> -> memref<512xi32, #tpu.memory_space<hbm>>
    tpu.enqueue_dma source(%dma_start3A_16 : memref<512xi32, #tpu.memory_space<hbm>>) target(%arg8 : memref<512xi32, #tpu.memory_space<vmem>>) target_semaphore(%arg20 : memref<!tpu.dma_semaphore, #tpu.memory_space<semaphore_mem>>)
    %dma_start3A_17 = arith.constant 3 : i32
    %dma_start3A_18 = tpu.memref_slice %arg2[%dma_start3A_17, %mul3A_2] : memref<4x16384xi32, #tpu.memory_space<hbm>> -> memref<1x512xi32, #tpu.memory_space<hbm>>
    %dma_start3A_19 = tpu.memref_squeeze %dma_start3A_18 : memref<1x512xi32, #tpu.memory_space<hbm>> -> memref<512xi32, #tpu.memory_space<hbm>>
    %dma_start3A_20 = tpu.memref_slice %arg2[%dma_start3A_17, %mul3A_2] : memref<4x16384xi32, #tpu.memory_space<hbm>> -> memref<1x512xi32, #tpu.memory_space<hbm>>
    %dma_start3A_21 = tpu.memref_squeeze %dma_start3A_20 : memref<1x512xi32, #tpu.memory_space<hbm>> -> memref<512xi32, #tpu.memory_space<hbm>>
    tpu.enqueue_dma source(%dma_start3A_21 : memref<512xi32, #tpu.memory_space<hbm>>) target(%arg9 : memref<512xi32, #tpu.memory_space<vmem>>) target_semaphore(%arg20 : memref<!tpu.dma_semaphore, #tpu.memory_space<semaphore_mem>>)
    %eq3A = arith.constant 0 : i32
    %eq3A_22 = arith.cmpi eq, %arg1, %eq3A : i32
    %convert_element_type3A = arith.extui %eq3A_22 : i1 to i32
    %cond3A = arith.constant 0 : i32
    %cond3A_23 = arith.cmpi ne, %convert_element_type3A, %cond3A : i32
    scf.if %cond3A_23 {
      "tpu.region"() ({
        %run_scoped3A = tpu.sem_alloc : memref<!tpu.dma_semaphore, #tpu.memory_space<semaphore_mem>>
        tpu.enqueue_dma source(%arg3 : memref<400x128xf32, #tpu.memory_space<hbm>>) target(%arg18 : memref<400x128xf32, #tpu.memory_space<vmem_shared>>) target_semaphore(%run_scoped3A : memref<!tpu.dma_semaphore, #tpu.memory_space<semaphore_mem>>)
        tpu.wait_dma2 semaphore(%run_scoped3A : memref<!tpu.dma_semaphore, #tpu.memory_space<semaphore_mem>>) src(%arg3 : memref<400x128xf32, #tpu.memory_space<hbm>>) dst(%arg18 : memref<400x128xf32, #tpu.memory_space<vmem_shared>>)
        tpu.yield
      }) : () -> ()
      "tpu.region"() ({
        %run_scoped3A = tpu.sem_alloc : memref<!tpu.dma_semaphore, #tpu.memory_space<semaphore_mem>>
        tpu.enqueue_dma source(%arg4 : memref<100x128xf32, #tpu.memory_space<hbm>>) target(%arg19 : memref<100x128xf32, #tpu.memory_space<vmem_shared>>) target_semaphore(%run_scoped3A : memref<!tpu.dma_semaphore, #tpu.memory_space<semaphore_mem>>)
        tpu.wait_dma2 semaphore(%run_scoped3A : memref<!tpu.dma_semaphore, #tpu.memory_space<semaphore_mem>>) src(%arg4 : memref<100x128xf32, #tpu.memory_space<hbm>>) dst(%arg19 : memref<100x128xf32, #tpu.memory_space<vmem_shared>>)
        tpu.yield
      }) : () -> ()
    } else {
    }
    %dma_wait3A = arith.constant 0 : i32
    %dma_wait3A_24 = tpu.memref_slice %arg2[%dma_wait3A, %mul3A_2] : memref<4x16384xi32, #tpu.memory_space<hbm>> -> memref<1x512xi32, #tpu.memory_space<hbm>>
    %dma_wait3A_25 = tpu.memref_squeeze %dma_wait3A_24 : memref<1x512xi32, #tpu.memory_space<hbm>> -> memref<512xi32, #tpu.memory_space<hbm>>
    %dma_wait3A_26 = tpu.memref_slice %arg2[%dma_wait3A, %mul3A_2] : memref<4x16384xi32, #tpu.memory_space<hbm>> -> memref<1x512xi32, #tpu.memory_space<hbm>>
    %dma_wait3A_27 = tpu.memref_squeeze %dma_wait3A_26 : memref<1x512xi32, #tpu.memory_space<hbm>> -> memref<512xi32, #tpu.memory_space<hbm>>
    tpu.wait_dma2 semaphore(%arg20 : memref<!tpu.dma_semaphore, #tpu.memory_space<semaphore_mem>>) src(%dma_wait3A_27 : memref<512xi32, #tpu.memory_space<hbm>>) dst(%arg6 : memref<512xi32, #tpu.memory_space<vmem>>)
    %dma_wait3A_28 = arith.constant 1 : i32
    %dma_wait3A_29 = tpu.memref_slice %arg2[%dma_wait3A_28, %mul3A_2] : memref<4x16384xi32, #tpu.memory_space<hbm>> -> memref<1x512xi32, #tpu.memory_space<hbm>>
    %dma_wait3A_30 = tpu.memref_squeeze %dma_wait3A_29 : memref<1x512xi32, #tpu.memory_space<hbm>> -> memref<512xi32, #tpu.memory_space<hbm>>
    %dma_wait3A_31 = tpu.memref_slice %arg2[%dma_wait3A_28, %mul3A_2] : memref<4x16384xi32, #tpu.memory_space<hbm>> -> memref<1x512xi32, #tpu.memory_space<hbm>>
    %dma_wait3A_32 = tpu.memref_squeeze %dma_wait3A_31 : memref<1x512xi32, #tpu.memory_space<hbm>> -> memref<512xi32, #tpu.memory_space<hbm>>
    tpu.wait_dma2 semaphore(%arg20 : memref<!tpu.dma_semaphore, #tpu.memory_space<semaphore_mem>>) src(%dma_wait3A_32 : memref<512xi32, #tpu.memory_space<hbm>>) dst(%arg7 : memref<512xi32, #tpu.memory_space<vmem>>)
    %dma_wait3A_33 = arith.constant 2 : i32
    %dma_wait3A_34 = tpu.memref_slice %arg2[%dma_wait3A_33, %mul3A_2] : memref<4x16384xi32, #tpu.memory_space<hbm>> -> memref<1x512xi32, #tpu.memory_space<hbm>>
    %dma_wait3A_35 = tpu.memref_squeeze %dma_wait3A_34 : memref<1x512xi32, #tpu.memory_space<hbm>> -> memref<512xi32, #tpu.memory_space<hbm>>
    %dma_wait3A_36 = tpu.memref_slice %arg2[%dma_wait3A_33, %mul3A_2] : memref<4x16384xi32, #tpu.memory_space<hbm>> -> memref<1x512xi32, #tpu.memory_space<hbm>>
    %dma_wait3A_37 = tpu.memref_squeeze %dma_wait3A_36 : memref<1x512xi32, #tpu.memory_space<hbm>> -> memref<512xi32, #tpu.memory_space<hbm>>
    tpu.wait_dma2 semaphore(%arg20 : memref<!tpu.dma_semaphore, #tpu.memory_space<semaphore_mem>>) src(%dma_wait3A_37 : memref<512xi32, #tpu.memory_space<hbm>>) dst(%arg8 : memref<512xi32, #tpu.memory_space<vmem>>)
    %dma_wait3A_38 = arith.constant 3 : i32
    %dma_wait3A_39 = tpu.memref_slice %arg2[%dma_wait3A_38, %mul3A_2] : memref<4x16384xi32, #tpu.memory_space<hbm>> -> memref<1x512xi32, #tpu.memory_space<hbm>>
    %dma_wait3A_40 = tpu.memref_squeeze %dma_wait3A_39 : memref<1x512xi32, #tpu.memory_space<hbm>> -> memref<512xi32, #tpu.memory_space<hbm>>
    %dma_wait3A_41 = tpu.memref_slice %arg2[%dma_wait3A_38, %mul3A_2] : memref<4x16384xi32, #tpu.memory_space<hbm>> -> memref<1x512xi32, #tpu.memory_space<hbm>>
    %dma_wait3A_42 = tpu.memref_squeeze %dma_wait3A_41 : memref<1x512xi32, #tpu.memory_space<hbm>> -> memref<512xi32, #tpu.memory_space<hbm>>
    tpu.wait_dma2 semaphore(%arg20 : memref<!tpu.dma_semaphore, #tpu.memory_space<semaphore_mem>>) src(%dma_wait3A_42 : memref<512xi32, #tpu.memory_space<hbm>>) dst(%arg9 : memref<512xi32, #tpu.memory_space<vmem>>)
    %get3A = arith.constant 0 : index
    %get3A_43 = tpu.vector_load %arg6[%get3A] {strides = array<i32>} : memref<512xi32, #tpu.memory_space<vmem>>, vector<16xi32>,
    %get3A_44 = vector.shape_cast %get3A_43 : vector<16xi32> to vector<16xi32>
    %mul3A_45 = arith.constant 20 : i32
    %mul3A_46 = vector.broadcast %mul3A_45 : i32 to vector<16xi32>
    %mul3A_47 = arith.muli %get3A_44, %mul3A_46 : vector<16xi32>
    %get3A_48 = arith.constant 0 : index
    %get3A_49 = tpu.vector_load %arg7[%get3A_48] {strides = array<i32>} : memref<512xi32, #tpu.memory_space<vmem>>, vector<16xi32>,
    %get3A_50 = vector.shape_cast %get3A_49 : vector<16xi32> to vector<16xi32>
    %add3A_51 = arith.addi %mul3A_47, %get3A_50 : vector<16xi32>
    %swap3A = arith.constant 0 : index
    %swap3A_52 = tpu.vector_load %arg10[%swap3A] {strides = array<i32>} : memref<512xi32, #tpu.memory_space<vmem>>, vector<16xi32>,
    %swap3A_53 = vector.shape_cast %swap3A_52 : vector<16xi32> to vector<16xi32>
    %swap3A_54 = vector.shape_cast %add3A_51 : vector<16xi32> to vector<16xi32>
    tpu.vector_store %arg10[%swap3A], %swap3A_54 {strides = array<i32>} : memref<512xi32, #tpu.memory_space<vmem>>, vector<16xi32>,
    %get3A_55 = arith.constant 0 : index
    %get3A_56 = tpu.vector_load %arg8[%get3A_55] {strides = array<i32>} : memref<512xi32, #tpu.memory_space<vmem>>, vector<16xi32>,
    %get3A_57 = vector.shape_cast %get3A_56 : vector<16xi32> to vector<16xi32>
    %mul3A_58 = arith.constant 10 : i32
    %mul3A_59 = vector.broadcast %mul3A_58 : i32 to vector<16xi32>
    %mul3A_60 = arith.muli %get3A_57, %mul3A_59 : vector<16xi32>
    %get3A_61 = arith.constant 0 : index
    %get3A_62 = tpu.vector_load %arg9[%get3A_61] {strides = array<i32>} : memref<512xi32, #tpu.memory_space<vmem>>, vector<16xi32>,
    %get3A_63 = vector.shape_cast %get3A_62 : vector<16xi32> to vector<16xi32>
    %add3A_64 = arith.addi %mul3A_60, %get3A_63 : vector<16xi32>
    %swap3A_65 = arith.constant 0 : index
    %swap3A_66 = tpu.vector_load %arg11[%swap3A_65] {strides = array<i32>} : memref<512xi32, #tpu.memory_space<vmem>>, vector<16xi32>,
    %swap3A_67 = vector.shape_cast %swap3A_66 : vector<16xi32> to vector<16xi32>
    %swap3A_68 = vector.shape_cast %add3A_64 : vector<16xi32> to vector<16xi32>
    tpu.vector_store %arg11[%swap3A_65], %swap3A_68 {strides = array<i32>} : memref<512xi32, #tpu.memory_space<vmem>>, vector<16xi32>,
    %get3A_69 = arith.constant 16 : index
    %get3A_70 = tpu.vector_load %arg6[%get3A_69] {strides = array<i32>} : memref<512xi32, #tpu.memory_space<vmem>>, vector<16xi32>,
    %get3A_71 = vector.shape_cast %get3A_70 : vector<16xi32> to vector<16xi32>
    %mul3A_72 = arith.constant 20 : i32
    %mul3A_73 = vector.broadcast %mul3A_72 : i32 to vector<16xi32>
    %mul3A_74 = arith.muli %get3A_71, %mul3A_73 : vector<16xi32>
    %get3A_75 = arith.constant 16 : index
    %get3A_76 = tpu.vector_load %arg7[%get3A_75] {strides = array<i32>} : memref<512xi32, #tpu.memory_space<vmem>>, vector<16xi32>,
    %get3A_77 = vector.shape_cast %get3A_76 : vector<16xi32> to vector<16xi32>
    %add3A_78 = arith.addi %mul3A_74, %get3A_77 : vector<16xi32>
    %swap3A_79 = arith.constant 16 : index
    %swap3A_80 = tpu.vector_load %arg10[%swap3A_79] {strides = array<i32>} : memref<512xi32, #tpu.memory_space<vmem>>, vector<16xi32>,
    %swap3A_81 = vector.shape_cast %swap3A_80 : vector<16xi32> to vector<16xi32>
    %swap3A_82 = vector.shape_cast %add3A_78 : vector<16xi32> to vector<16xi32>
    tpu.vector_store %arg10[%swap3A_79], %swap3A_82 {strides = array<i32>} : memref<512xi32, #tpu.memory_space<vmem>>, vector<16xi32>,
    %get3A_83 = arith.constant 16 : index
    %get3A_84 = tpu.vector_load %arg8[%get3A_83] {strides = array<i32>} : memref<512xi32, #tpu.memory_space<vmem>>, vector<16xi32>,
    %get3A_85 = vector.shape_cast %get3A_84 : vector<16xi32> to vector<16xi32>
    %mul3A_86 = arith.constant 10 : i32
    %mul3A_87 = vector.broadcast %mul3A_86 : i32 to vector<16xi32>
    %mul3A_88 = arith.muli %get3A_85, %mul3A_87 : vector<16xi32>
    %get3A_89 = arith.constant 16 : index
    %get3A_90 = tpu.vector_load %arg9[%get3A_89] {strides = array<i32>} : memref<512xi32, #tpu.memory_space<vmem>>, vector<16xi32>,
    %get3A_91 = vector.shape_cast %get3A_90 : vector<16xi32> to vector<16xi32>
    %add3A_92 = arith.addi %mul3A_88, %get3A_91 : vector<16xi32>
    %swap3A_93 = arith.constant 16 : index
    %swap3A_94 = tpu.vector_load %arg11[%swap3A_93] {strides = array<i32>} : memref<512xi32, #tpu.memory_space<vmem>>, vector<16xi32>,
    %swap3A_95 = vector.shape_cast %swap3A_94 : vector<16xi32> to vector<16xi32>
    %swap3A_96 = vector.shape_cast %add3A_92 : vector<16xi32> to vector<16xi32>
    tpu.vector_store %arg11[%swap3A_93], %swap3A_96 {strides = array<i32>} : memref<512xi32, #tpu.memory_space<vmem>>, vector<16xi32>,
    %get3A_97 = arith.constant 32 : index
    %get3A_98 = tpu.vector_load %arg6[%get3A_97] {strides = array<i32>} : memref<512xi32, #tpu.memory_space<vmem>>, vector<16xi32>,
    %get3A_99 = vector.shape_cast %get3A_98 : vector<16xi32> to vector<16xi32>
    %mul3A_100 = arith.constant 20 : i32
    %mul3A_101 = vector.broadcast %mul3A_100 : i32 to vector<16xi32>
    %mul3A_102 = arith.muli %get3A_99, %mul3A_101 : vector<16xi32>
    %get3A_103 = arith.constant 32 : index
    %get3A_104 = tpu.vector_load %arg7[%get3A_103] {strides = array<i32>} : memref<512xi32, #tpu.memory_space<vmem>>, vector<16xi32>,
    %get3A_105 = vector.shape_cast %get3A_104 : vector<16xi32> to vector<16xi32>
    %add3A_106 = arith.addi %mul3A_102, %get3A_105 : vector<16xi32>
    %swap3A_107 = arith.constant 32 : index
    %swap3A_108 = tpu.vector_load %arg10[%swap3A_107] {strides = array<i32>} : memref<512xi32, #tpu.memory_space<vmem>>, vector<16xi32>,
    %swap3A_109 = vector.shape_cast %swap3A_108 : vector<16xi32> to vector<16xi32>
    %swap3A_110 = vector.shape_cast %add3A_106 : vector<16xi32> to vector<16xi32>
    tpu.vector_store %arg10[%swap3A_107], %swap3A_110 {strides = array<i32>} : memref<512xi32, #tpu.memory_space<vmem>>, vector<16xi32>,
    %get3A_111 = arith.constant 32 : index
    %get3A_112 = tpu.vector_load %arg8[%get3A_111] {strides = array<i32>} : memref<512xi32, #tpu.memory_space<vmem>>, vector<16xi32>,
    %get3A_113 = vector.shape_cast %get3A_112 : vector<16xi32> to vector<16xi32>
    %mul3A_114 = arith.constant 10 : i32
    %mul3A_115 = vector.broadcast %mul3A_114 : i32 to vector<16xi32>
    %mul3A_116 = arith.muli %get3A_113, %mul3A_115 : vector<16xi32>
    %get3A_117 = arith.constant 32 : index
    %get3A_118 = tpu.vector_load %arg9[%get3A_117] {strides = array<i32>} : memref<512xi32, #tpu.memory_space<vmem>>, vector<16xi32>,
    %get3A_119 = vector.shape_cast %get3A_118 : vector<16xi32> to vector<16xi32>
    %add3A_120 = arith.addi %mul3A_116, %get3A_119 : vector<16xi32>
    %swap3A_121 = arith.constant 32 : index
    %swap3A_122 = tpu.vector_load %arg11[%swap3A_121] {strides = array<i32>} : memref<512xi32, #tpu.memory_space<vmem>>, vector<16xi32>,
    %swap3A_123 = vector.shape_cast %swap3A_122 : vector<16xi32> to vector<16xi32>
    %swap3A_124 = vector.shape_cast %add3A_120 : vector<16xi32> to vector<16xi32>
    tpu.vector_store %arg11[%swap3A_121], %swap3A_124 {strides = array<i32>} : memref<512xi32, #tpu.memory_space<vmem>>, vector<16xi32>,
    %get3A_125 = arith.constant 48 : index
    %get3A_126 = tpu.vector_load %arg6[%get3A_125] {strides = array<i32>} : memref<512xi32, #tpu.memory_space<vmem>>, vector<16xi32>,
    %get3A_127 = vector.shape_cast %get3A_126 : vector<16xi32> to vector<16xi32>
    %mul3A_128 = arith.constant 20 : i32
    %mul3A_129 = vector.broadcast %mul3A_128 : i32 to vector<16xi32>
    %mul3A_130 = arith.muli %get3A_127, %mul3A_129 : vector<16xi32>
    %get3A_131 = arith.constant 48 : index
    %get3A_132 = tpu.vector_load %arg7[%get3A_131] {strides = array<i32>} : memref<512xi32, #tpu.memory_space<vmem>>, vector<16xi32>,
    %get3A_133 = vector.shape_cast %get3A_132 : vector<16xi32> to vector<16xi32>
    %add3A_134 = arith.addi %mul3A_130, %get3A_133 : vector<16xi32>
    %swap3A_135 = arith.constant 48 : index
    %swap3A_136 = tpu.vector_load %arg10[%swap3A_135] {strides = array<i32>} : memref<512xi32, #tpu.memory_space<vmem>>, vector<16xi32>,
    %swap3A_137 = vector.shape_cast %swap3A_136 : vector<16xi32> to vector<16xi32>
    %swap3A_138 = vector.shape_cast %add3A_134 : vector<16xi32> to vector<16xi32>
    tpu.vector_store %arg10[%swap3A_135], %swap3A_138 {strides = array<i32>} : memref<512xi32, #tpu.memory_space<vmem>>, vector<16xi32>,
    %get3A_139 = arith.constant 48 : index
    %get3A_140 = tpu.vector_load %arg8[%get3A_139] {strides = array<i32>} : memref<512xi32, #tpu.memory_space<vmem>>, vector<16xi32>,
    %get3A_141 = vector.shape_cast %get3A_140 : vector<16xi32> to vector<16xi32>
    %mul3A_142 = arith.constant 10 : i32
    %mul3A_143 = vector.broadcast %mul3A_142 : i32 to vector<16xi32>
    %mul3A_144 = arith.muli %get3A_141, %mul3A_143 : vector<16xi32>
    %get3A_145 = arith.constant 48 : index
    %get3A_146 = tpu.vector_load %arg9[%get3A_145] {strides = array<i32>} : memref<512xi32, #tpu.memory_space<vmem>>, vector<16xi32>,
    %get3A_147 = vector.shape_cast %get3A_146 : vector<16xi32> to vector<16xi32>
    %add3A_148 = arith.addi %mul3A_144, %get3A_147 : vector<16xi32>
    %swap3A_149 = arith.constant 48 : index
    %swap3A_150 = tpu.vector_load %arg11[%swap3A_149] {strides = array<i32>} : memref<512xi32, #tpu.memory_space<vmem>>, vector<16xi32>,
    %swap3A_151 = vector.shape_cast %swap3A_150 : vector<16xi32> to vector<16xi32>
    %swap3A_152 = vector.shape_cast %add3A_148 : vector<16xi32> to vector<16xi32>
    tpu.vector_store %arg11[%swap3A_149], %swap3A_152 {strides = array<i32>} : memref<512xi32, #tpu.memory_space<vmem>>, vector<16xi32>,
    %get3A_153 = arith.constant 64 : index
    %get3A_154 = tpu.vector_load %arg6[%get3A_153] {strides = array<i32>} : memref<512xi32, #tpu.memory_space<vmem>>, vector<16xi32>,
    %get3A_155 = vector.shape_cast %get3A_154 : vector<16xi32> to vector<16xi32>
    %mul3A_156 = arith.constant 20 : i32
    %mul3A_157 = vector.broadcast %mul3A_156 : i32 to vector<16xi32>
    %mul3A_158 = arith.muli %get3A_155, %mul3A_157 : vector<16xi32>
    %get3A_159 = arith.constant 64 : index
    %get3A_160 = tpu.vector_load %arg7[%get3A_159] {strides = array<i32>} : memref<512xi32, #tpu.memory_space<vmem>>, vector<16xi32>,
    %get3A_161 = vector.shape_cast %get3A_160 : vector<16xi32> to vector<16xi32>
    %add3A_162 = arith.addi %mul3A_158, %get3A_161 : vector<16xi32>
    %swap3A_163 = arith.constant 64 : index
    %swap3A_164 = tpu.vector_load %arg10[%swap3A_163] {strides = array<i32>} : memref<512xi32, #tpu.memory_space<vmem>>, vector<16xi32>,
    %swap3A_165 = vector.shape_cast %swap3A_164 : vector<16xi32> to vector<16xi32>
    %swap3A_166 = vector.shape_cast %add3A_162 : vector<16xi32> to vector<16xi32>
    tpu.vector_store %arg10[%swap3A_163], %swap3A_166 {strides = array<i32>} : memref<512xi32, #tpu.memory_space<vmem>>, vector<16xi32>,
    %get3A_167 = arith.constant 64 : index
    %get3A_168 = tpu.vector_load %arg8[%get3A_167] {strides = array<i32>} : memref<512xi32, #tpu.memory_space<vmem>>, vector<16xi32>,
    %get3A_169 = vector.shape_cast %get3A_168 : vector<16xi32> to vector<16xi32>
    %mul3A_170 = arith.constant 10 : i32
    %mul3A_171 = vector.broadcast %mul3A_170 : i32 to vector<16xi32>
    %mul3A_172 = arith.muli %get3A_169, %mul3A_171 : vector<16xi32>
    %get3A_173 = arith.constant 64 : index
    %get3A_174 = tpu.vector_load %arg9[%get3A_173] {strides = array<i32>} : memref<512xi32, #tpu.memory_space<vmem>>, vector<16xi32>,
    %get3A_175 = vector.shape_cast %get3A_174 : vector<16xi32> to vector<16xi32>
    %add3A_176 = arith.addi %mul3A_172, %get3A_175 : vector<16xi32>
    %swap3A_177 = arith.constant 64 : index
    %swap3A_178 = tpu.vector_load %arg11[%swap3A_177] {strides = array<i32>} : memref<512xi32, #tpu.memory_space<vmem>>, vector<16xi32>,
    %swap3A_179 = vector.shape_cast %swap3A_178 : vector<16xi32> to vector<16xi32>
    %swap3A_180 = vector.shape_cast %add3A_176 : vector<16xi32> to vector<16xi32>
    tpu.vector_store %arg11[%swap3A_177], %swap3A_180 {strides = array<i32>} : memref<512xi32, #tpu.memory_space<vmem>>, vector<16xi32>,
    %get3A_181 = arith.constant 80 : index
    %get3A_182 = tpu.vector_load %arg6[%get3A_181] {strides = array<i32>} : memref<512xi32, #tpu.memory_space<vmem>>, vector<16xi32>,
    %get3A_183 = vector.shape_cast %get3A_182 : vector<16xi32> to vector<16xi32>
    %mul3A_184 = arith.constant 20 : i32
    %mul3A_185 = vector.broadcast %mul3A_184 : i32 to vector<16xi32>
    %mul3A_186 = arith.muli %get3A_183, %mul3A_185 : vector<16xi32>
    %get3A_187 = arith.constant 80 : index
    %get3A_188 = tpu.vector_load %arg7[%get3A_187] {strides = array<i32>} : memref<512xi32, #tpu.memory_space<vmem>>, vector<16xi32>,
    %get3A_189 = vector.shape_cast %get3A_188 : vector<16xi32> to vector<16xi32>
    %add3A_190 = arith.addi %mul3A_186, %get3A_189 : vector<16xi32>
    %swap3A_191 = arith.constant 80 : index
    %swap3A_192 = tpu.vector_load %arg10[%swap3A_191] {strides = array<i32>} : memref<512xi32, #tpu.memory_space<vmem>>, vector<16xi32>,
    %swap3A_193 = vector.shape_cast %swap3A_192 : vector<16xi32> to vector<16xi32>
    %swap3A_194 = vector.shape_cast %add3A_190 : vector<16xi32> to vector<16xi32>
    tpu.vector_store %arg10[%swap3A_191], %swap3A_194 {strides = array<i32>} : memref<512xi32, #tpu.memory_space<vmem>>, vector<16xi32>,
    %get3A_195 = arith.constant 80 : index
    %get3A_196 = tpu.vector_load %arg8[%get3A_195] {strides = array<i32>} : memref<512xi32, #tpu.memory_space<vmem>>, vector<16xi32>,
    %get3A_197 = vector.shape_cast %get3A_196 : vector<16xi32> to vector<16xi32>
    %mul3A_198 = arith.constant 10 : i32
    %mul3A_199 = vector.broadcast %mul3A_198 : i32 to vector<16xi32>
    %mul3A_200 = arith.muli %get3A_197, %mul3A_199 : vector<16xi32>
    %get3A_201 = arith.constant 80 : index
    %get3A_202 = tpu.vector_load %arg9[%get3A_201] {strides = array<i32>} : memref<512xi32, #tpu.memory_space<vmem>>, vector<16xi32>,
    %get3A_203 = vector.shape_cast %get3A_202 : vector<16xi32> to vector<16xi32>
    %add3A_204 = arith.addi %mul3A_200, %get3A_203 : vector<16xi32>
    %swap3A_205 = arith.constant 80 : index
    %swap3A_206 = tpu.vector_load %arg11[%swap3A_205] {strides = array<i32>} : memref<512xi32, #tpu.memory_space<vmem>>, vector<16xi32>,
    %swap3A_207 = vector.shape_cast %swap3A_206 : vector<16xi32> to vector<16xi32>
    %swap3A_208 = vector.shape_cast %add3A_204 : vector<16xi32> to vector<16xi32>
    tpu.vector_store %arg11[%swap3A_205], %swap3A_208 {strides = array<i32>} : memref<512xi32, #tpu.memory_space<vmem>>, vector<16xi32>,
    %get3A_209 = arith.constant 96 : index
    %get3A_210 = tpu.vector_load %arg6[%get3A_209] {strides = array<i32>} : memref<512xi32, #tpu.memory_space<vmem>>, vector<16xi32>,
    %get3A_211 = vector.shape_cast %get3A_210 : vector<16xi32> to vector<16xi32>
    %mul3A_212 = arith.constant 20 : i32
    %mul3A_213 = vector.broadcast %mul3A_212 : i32 to vector<16xi32>
    %mul3A_214 = arith.muli %get3A_211, %mul3A_213 : vector<16xi32>
    %get3A_215 = arith.constant 96 : index
    %get3A_216 = tpu.vector_load %arg7[%get3A_215] {strides = array<i32>} : memref<512xi32, #tpu.memory_space<vmem>>, vector<16xi32>,
    %get3A_217 = vector.shape_cast %get3A_216 : vector<16xi32> to vector<16xi32>
    %add3A_218 = arith.addi %mul3A_214, %get3A_217 : vector<16xi32>
    %swap3A_219 = arith.constant 96 : index
    %swap3A_220 = tpu.vector_load %arg10[%swap3A_219] {strides = array<i32>} : memref<512xi32, #tpu.memory_space<vmem>>, vector<16xi32>,
    %swap3A_221 = vector.shape_cast %swap3A_220 : vector<16xi32> to vector<16xi32>
    %swap3A_222 = vector.shape_cast %add3A_218 : vector<16xi32> to vector<16xi32>
    tpu.vector_store %arg10[%swap3A_219], %swap3A_222 {strides = array<i32>} : memref<512xi32, #tpu.memory_space<vmem>>, vector<16xi32>,
    %get3A_223 = arith.constant 96 : index
    %get3A_224 = tpu.vector_load %arg8[%get3A_223] {strides = array<i32>} : memref<512xi32, #tpu.memory_space<vmem>>, vector<16xi32>,
    %get3A_225 = vector.shape_cast %get3A_224 : vector<16xi32> to vector<16xi32>
    %mul3A_226 = arith.constant 10 : i32
    %mul3A_227 = vector.broadcast %mul3A_226 : i32 to vector<16xi32>
    %mul3A_228 = arith.muli %get3A_225, %mul3A_227 : vector<16xi32>
    %get3A_229 = arith.constant 96 : index
    %get3A_230 = tpu.vector_load %arg9[%get3A_229] {strides = array<i32>} : memref<512xi32, #tpu.memory_space<vmem>>, vector<16xi32>,
    %get3A_231 = vector.shape_cast %get3A_230 : vector<16xi32> to vector<16xi32>
    %add3A_232 = arith.addi %mul3A_228, %get3A_231 : vector<16xi32>
    %swap3A_233 = arith.constant 96 : index
    %swap3A_234 = tpu.vector_load %arg11[%swap3A_233] {strides = array<i32>} : memref<512xi32, #tpu.memory_space<vmem>>, vector<16xi32>,
    %swap3A_235 = vector.shape_cast %swap3A_234 : vector<16xi32> to vector<16xi32>
    %swap3A_236 = vector.shape_cast %add3A_232 : vector<16xi32> to vector<16xi32>
    tpu.vector_store %arg11[%swap3A_233], %swap3A_236 {strides = array<i32>} : memref<512xi32, #tpu.memory_space<vmem>>, vector<16xi32>,
    %get3A_237 = arith.constant 112 : index
    %get3A_238 = tpu.vector_load %arg6[%get3A_237] {strides = array<i32>} : memref<512xi32, #tpu.memory_space<vmem>>, vector<16xi32>,
    %get3A_239 = vector.shape_cast %get3A_238 : vector<16xi32> to vector<16xi32>
    %mul3A_240 = arith.constant 20 : i32
    %mul3A_241 = vector.broadcast %mul3A_240 : i32 to vector<16xi32>
    %mul3A_242 = arith.muli %get3A_239, %mul3A_241 : vector<16xi32>
    %get3A_243 = arith.constant 112 : index
    %get3A_244 = tpu.vector_load %arg7[%get3A_243] {strides = array<i32>} : memref<512xi32, #tpu.memory_space<vmem>>, vector<16xi32>,
    %get3A_245 = vector.shape_cast %get3A_244 : vector<16xi32> to vector<16xi32>
    %add3A_246 = arith.addi %mul3A_242, %get3A_245 : vector<16xi32>
    %swap3A_247 = arith.constant 112 : index
    %swap3A_248 = tpu.vector_load %arg10[%swap3A_247] {strides = array<i32>} : memref<512xi32, #tpu.memory_space<vmem>>, vector<16xi32>,
    %swap3A_249 = vector.shape_cast %swap3A_248 : vector<16xi32> to vector<16xi32>
    %swap3A_250 = vector.shape_cast %add3A_246 : vector<16xi32> to vector<16xi32>
    tpu.vector_store %arg10[%swap3A_247], %swap3A_250 {strides = array<i32>} : memref<512xi32, #tpu.memory_space<vmem>>, vector<16xi32>,
    %get3A_251 = arith.constant 112 : index
    %get3A_252 = tpu.vector_load %arg8[%get3A_251] {strides = array<i32>} : memref<512xi32, #tpu.memory_space<vmem>>, vector<16xi32>,
    %get3A_253 = vector.shape_cast %get3A_252 : vector<16xi32> to vector<16xi32>
    %mul3A_254 = arith.constant 10 : i32
    %mul3A_255 = vector.broadcast %mul3A_254 : i32 to vector<16xi32>
    %mul3A_256 = arith.muli %get3A_253, %mul3A_255 : vector<16xi32>
    %get3A_257 = arith.constant 112 : index
    %get3A_258 = tpu.vector_load %arg9[%get3A_257] {strides = array<i32>} : memref<512xi32, #tpu.memory_space<vmem>>, vector<16xi32>,
    %get3A_259 = vector.shape_cast %get3A_258 : vector<16xi32> to vector<16xi32>
    %add3A_260 = arith.addi %mul3A_256, %get3A_259 : vector<16xi32>
    %swap3A_261 = arith.constant 112 : index
    %swap3A_262 = tpu.vector_load %arg11[%swap3A_261] {strides = array<i32>} : memref<512xi32, #tpu.memory_space<vmem>>, vector<16xi32>,
    %swap3A_263 = vector.shape_cast %swap3A_262 : vector<16xi32> to vector<16xi32>
    %swap3A_264 = vector.shape_cast %add3A_260 : vector<16xi32> to vector<16xi32>
    tpu.vector_store %arg11[%swap3A_261], %swap3A_264 {strides = array<i32>} : memref<512xi32, #tpu.memory_space<vmem>>, vector<16xi32>,
    %get3A_265 = arith.constant 128 : index
    %get3A_266 = tpu.vector_load %arg6[%get3A_265] {strides = array<i32>} : memref<512xi32, #tpu.memory_space<vmem>>, vector<16xi32>,
    %get3A_267 = vector.shape_cast %get3A_266 : vector<16xi32> to vector<16xi32>
    %mul3A_268 = arith.constant 20 : i32
    %mul3A_269 = vector.broadcast %mul3A_268 : i32 to vector<16xi32>
    %mul3A_270 = arith.muli %get3A_267, %mul3A_269 : vector<16xi32>
    %get3A_271 = arith.constant 128 : index
    %get3A_272 = tpu.vector_load %arg7[%get3A_271] {strides = array<i32>} : memref<512xi32, #tpu.memory_space<vmem>>, vector<16xi32>,
    %get3A_273 = vector.shape_cast %get3A_272 : vector<16xi32> to vector<16xi32>
    %add3A_274 = arith.addi %mul3A_270, %get3A_273 : vector<16xi32>
    %swap3A_275 = arith.constant 128 : index
    %swap3A_276 = tpu.vector_load %arg10[%swap3A_275] {strides = array<i32>} : memref<512xi32, #tpu.memory_space<vmem>>, vector<16xi32>,
    %swap3A_277 = vector.shape_cast %swap3A_276 : vector<16xi32> to vector<16xi32>
    %swap3A_278 = vector.shape_cast %add3A_274 : vector<16xi32> to vector<16xi32>
    tpu.vector_store %arg10[%swap3A_275], %swap3A_278 {strides = array<i32>} : memref<512xi32, #tpu.memory_space<vmem>>, vector<16xi32>,
    %get3A_279 = arith.constant 128 : index
    %get3A_280 = tpu.vector_load %arg8[%get3A_279] {strides = array<i32>} : memref<512xi32, #tpu.memory_space<vmem>>, vector<16xi32>,
    %get3A_281 = vector.shape_cast %get3A_280 : vector<16xi32> to vector<16xi32>
    %mul3A_282 = arith.constant 10 : i32
    %mul3A_283 = vector.broadcast %mul3A_282 : i32 to vector<16xi32>
    %mul3A_284 = arith.muli %get3A_281, %mul3A_283 : vector<16xi32>
    %get3A_285 = arith.constant 128 : index
    %get3A_286 = tpu.vector_load %arg9[%get3A_285] {strides = array<i32>} : memref<512xi32, #tpu.memory_space<vmem>>, vector<16xi32>,
    %get3A_287 = vector.shape_cast %get3A_286 : vector<16xi32> to vector<16xi32>
    %add3A_288 = arith.addi %mul3A_284, %get3A_287 : vector<16xi32>
    %swap3A_289 = arith.constant 128 : index
    %swap3A_290 = tpu.vector_load %arg11[%swap3A_289] {strides = array<i32>} : memref<512xi32, #tpu.memory_space<vmem>>, vector<16xi32>,
    %swap3A_291 = vector.shape_cast %swap3A_290 : vector<16xi32> to vector<16xi32>
    %swap3A_292 = vector.shape_cast %add3A_288 : vector<16xi32> to vector<16xi32>
    tpu.vector_store %arg11[%swap3A_289], %swap3A_292 {strides = array<i32>} : memref<512xi32, #tpu.memory_space<vmem>>, vector<16xi32>,
    %get3A_293 = arith.constant 144 : index
    %get3A_294 = tpu.vector_load %arg6[%get3A_293] {strides = array<i32>} : memref<512xi32, #tpu.memory_space<vmem>>, vector<16xi32>,
    %get3A_295 = vector.shape_cast %get3A_294 : vector<16xi32> to vector<16xi32>
    %mul3A_296 = arith.constant 20 : i32
    %mul3A_297 = vector.broadcast %mul3A_296 : i32 to vector<16xi32>
    %mul3A_298 = arith.muli %get3A_295, %mul3A_297 : vector<16xi32>
    %get3A_299 = arith.constant 144 : index
    %get3A_300 = tpu.vector_load %arg7[%get3A_299] {strides = array<i32>} : memref<512xi32, #tpu.memory_space<vmem>>, vector<16xi32>,
    %get3A_301 = vector.shape_cast %get3A_300 : vector<16xi32> to vector<16xi32>
    %add3A_302 = arith.addi %mul3A_298, %get3A_301 : vector<16xi32>
    %swap3A_303 = arith.constant 144 : index
    %swap3A_304 = tpu.vector_load %arg10[%swap3A_303] {strides = array<i32>} : memref<512xi32, #tpu.memory_space<vmem>>, vector<16xi32>,
    %swap3A_305 = vector.shape_cast %swap3A_304 : vector<16xi32> to vector<16xi32>
    %swap3A_306 = vector.shape_cast %add3A_302 : vector<16xi32> to vector<16xi32>
    tpu.vector_store %arg10[%swap3A_303], %swap3A_306 {strides = array<i32>} : memref<512xi32, #tpu.memory_space<vmem>>, vector<16xi32>,
    %get3A_307 = arith.constant 144 : index
    %get3A_308 = tpu.vector_load %arg8[%get3A_307] {strides = array<i32>} : memref<512xi32, #tpu.memory_space<vmem>>, vector<16xi32>,
    %get3A_309 = vector.shape_cast %get3A_308 : vector<16xi32> to vector<16xi32>
    %mul3A_310 = arith.constant 10 : i32
    %mul3A_311 = vector.broadcast %mul3A_310 : i32 to vector<16xi32>
    %mul3A_312 = arith.muli %get3A_309, %mul3A_311 : vector<16xi32>
    %get3A_313 = arith.constant 144 : index
    %get3A_314 = tpu.vector_load %arg9[%get3A_313] {strides = array<i32>} : memref<512xi32, #tpu.memory_space<vmem>>, vector<16xi32>,
    %get3A_315 = vector.shape_cast %get3A_314 : vector<16xi32> to vector<16xi32>
    %add3A_316 = arith.addi %mul3A_312, %get3A_315 : vector<16xi32>
    %swap3A_317 = arith.constant 144 : index
    %swap3A_318 = tpu.vector_load %arg11[%swap3A_317] {strides = array<i32>} : memref<512xi32, #tpu.memory_space<vmem>>, vector<16xi32>,
    %swap3A_319 = vector.shape_cast %swap3A_318 : vector<16xi32> to vector<16xi32>
    %swap3A_320 = vector.shape_cast %add3A_316 : vector<16xi32> to vector<16xi32>
    tpu.vector_store %arg11[%swap3A_317], %swap3A_320 {strides = array<i32>} : memref<512xi32, #tpu.memory_space<vmem>>, vector<16xi32>,
    %get3A_321 = arith.constant 160 : index
    %get3A_322 = tpu.vector_load %arg6[%get3A_321] {strides = array<i32>} : memref<512xi32, #tpu.memory_space<vmem>>, vector<16xi32>,
    %get3A_323 = vector.shape_cast %get3A_322 : vector<16xi32> to vector<16xi32>
    %mul3A_324 = arith.constant 20 : i32
    %mul3A_325 = vector.broadcast %mul3A_324 : i32 to vector<16xi32>
    %mul3A_326 = arith.muli %get3A_323, %mul3A_325 : vector<16xi32>
    %get3A_327 = arith.constant 160 : index
    %get3A_328 = tpu.vector_load %arg7[%get3A_327] {strides = array<i32>} : memref<512xi32, #tpu.memory_space<vmem>>, vector<16xi32>,
    %get3A_329 = vector.shape_cast %get3A_328 : vector<16xi32> to vector<16xi32>
    %add3A_330 = arith.addi %mul3A_326, %get3A_329 : vector<16xi32>
    %swap3A_331 = arith.constant 160 : index
    %swap3A_332 = tpu.vector_load %arg10[%swap3A_331] {strides = array<i32>} : memref<512xi32, #tpu.memory_space<vmem>>, vector<16xi32>,
    %swap3A_333 = vector.shape_cast %swap3A_332 : vector<16xi32> to vector<16xi32>
    %swap3A_334 = vector.shape_cast %add3A_330 : vector<16xi32> to vector<16xi32>
    tpu.vector_store %arg10[%swap3A_331], %swap3A_334 {strides = array<i32>} : memref<512xi32, #tpu.memory_space<vmem>>, vector<16xi32>,
    %get3A_335 = arith.constant 160 : index
    %get3A_336 = tpu.vector_load %arg8[%get3A_335] {strides = array<i32>} : memref<512xi32, #tpu.memory_space<vmem>>, vector<16xi32>,
    %get3A_337 = vector.shape_cast %get3A_336 : vector<16xi32> to vector<16xi32>
    %mul3A_338 = arith.constant 10 : i32
    %mul3A_339 = vector.broadcast %mul3A_338 : i32 to vector<16xi32>
    %mul3A_340 = arith.muli %get3A_337, %mul3A_339 : vector<16xi32>
    %get3A_341 = arith.constant 160 : index
    %get3A_342 = tpu.vector_load %arg9[%get3A_341] {strides = array<i32>} : memref<512xi32, #tpu.memory_space<vmem>>, vector<16xi32>,
    %get3A_343 = vector.shape_cast %get3A_342 : vector<16xi32> to vector<16xi32>
    %add3A_344 = arith.addi %mul3A_340, %get3A_343 : vector<16xi32>
    %swap3A_345 = arith.constant 160 : index
    %swap3A_346 = tpu.vector_load %arg11[%swap3A_345] {strides = array<i32>} : memref<512xi32, #tpu.memory_space<vmem>>, vector<16xi32>,
    %swap3A_347 = vector.shape_cast %swap3A_346 : vector<16xi32> to vector<16xi32>
    %swap3A_348 = vector.shape_cast %add3A_344 : vector<16xi32> to vector<16xi32>
    tpu.vector_store %arg11[%swap3A_345], %swap3A_348 {strides = array<i32>} : memref<512xi32, #tpu.memory_space<vmem>>, vector<16xi32>,
    %get3A_349 = arith.constant 176 : index
    %get3A_350 = tpu.vector_load %arg6[%get3A_349] {strides = array<i32>} : memref<512xi32, #tpu.memory_space<vmem>>, vector<16xi32>,
    %get3A_351 = vector.shape_cast %get3A_350 : vector<16xi32> to vector<16xi32>
    %mul3A_352 = arith.constant 20 : i32
    %mul3A_353 = vector.broadcast %mul3A_352 : i32 to vector<16xi32>
    %mul3A_354 = arith.muli %get3A_351, %mul3A_353 : vector<16xi32>
    %get3A_355 = arith.constant 176 : index
    %get3A_356 = tpu.vector_load %arg7[%get3A_355] {strides = array<i32>} : memref<512xi32, #tpu.memory_space<vmem>>, vector<16xi32>,
    %get3A_357 = vector.shape_cast %get3A_356 : vector<16xi32> to vector<16xi32>
    %add3A_358 = arith.addi %mul3A_354, %get3A_357 : vector<16xi32>
    %swap3A_359 = arith.constant 176 : index
    %swap3A_360 = tpu.vector_load %arg10[%swap3A_359] {strides = array<i32>} : memref<512xi32, #tpu.memory_space<vmem>>, vector<16xi32>,
    %swap3A_361 = vector.shape_cast %swap3A_360 : vector<16xi32> to vector<16xi32>
    %swap3A_362 = vector.shape_cast %add3A_358 : vector<16xi32> to vector<16xi32>
    tpu.vector_store %arg10[%swap3A_359], %swap3A_362 {strides = array<i32>} : memref<512xi32, #tpu.memory_space<vmem>>, vector<16xi32>,
    %get3A_363 = arith.constant 176 : index
    %get3A_364 = tpu.vector_load %arg8[%get3A_363] {strides = array<i32>} : memref<512xi32, #tpu.memory_space<vmem>>, vector<16xi32>,
    %get3A_365 = vector.shape_cast %get3A_364 : vector<16xi32> to vector<16xi32>
    %mul3A_366 = arith.constant 10 : i32
    %mul3A_367 = vector.broadcast %mul3A_366 : i32 to vector<16xi32>
    %mul3A_368 = arith.muli %get3A_365, %mul3A_367 : vector<16xi32>
    %get3A_369 = arith.constant 176 : index
    %get3A_370 = tpu.vector_load %arg9[%get3A_369] {strides = array<i32>} : memref<512xi32, #tpu.memory_space<vmem>>, vector<16xi32>,
    %get3A_371 = vector.shape_cast %get3A_370 : vector<16xi32> to vector<16xi32>
    %add3A_372 = arith.addi %mul3A_368, %get3A_371 : vector<16xi32>
    %swap3A_373 = arith.constant 176 : index
    %swap3A_374 = tpu.vector_load %arg11[%swap3A_373] {strides = array<i32>} : memref<512xi32, #tpu.memory_space<vmem>>, vector<16xi32>,
    %swap3A_375 = vector.shape_cast %swap3A_374 : vector<16xi32> to vector<16xi32>
    %swap3A_376 = vector.shape_cast %add3A_372 : vector<16xi32> to vector<16xi32>
    tpu.vector_store %arg11[%swap3A_373], %swap3A_376 {strides = array<i32>} : memref<512xi32, #tpu.memory_space<vmem>>, vector<16xi32>,
    %get3A_377 = arith.constant 192 : index
    %get3A_378 = tpu.vector_load %arg6[%get3A_377] {strides = array<i32>} : memref<512xi32, #tpu.memory_space<vmem>>, vector<16xi32>,
    %get3A_379 = vector.shape_cast %get3A_378 : vector<16xi32> to vector<16xi32>
    %mul3A_380 = arith.constant 20 : i32
    %mul3A_381 = vector.broadcast %mul3A_380 : i32 to vector<16xi32>
    %mul3A_382 = arith.muli %get3A_379, %mul3A_381 : vector<16xi32>
    %get3A_383 = arith.constant 192 : index
    %get3A_384 = tpu.vector_load %arg7[%get3A_383] {strides = array<i32>} : memref<512xi32, #tpu.memory_space<vmem>>, vector<16xi32>,
    %get3A_385 = vector.shape_cast %get3A_384 : vector<16xi32> to vector<16xi32>
    %add3A_386 = arith.addi %mul3A_382, %get3A_385 : vector<16xi32>
    %swap3A_387 = arith.constant 192 : index
    %swap3A_388 = tpu.vector_load %arg10[%swap3A_387] {strides = array<i32>} : memref<512xi32, #tpu.memory_space<vmem>>, vector<16xi32>,
    %swap3A_389 = vector.shape_cast %swap3A_388 : vector<16xi32> to vector<16xi32>
    %swap3A_390 = vector.shape_cast %add3A_386 : vector<16xi32> to vector<16xi32>
    tpu.vector_store %arg10[%swap3A_387], %swap3A_390 {strides = array<i32>} : memref<512xi32, #tpu.memory_space<vmem>>, vector<16xi32>,
    %get3A_391 = arith.constant 192 : index
    %get3A_392 = tpu.vector_load %arg8[%get3A_391] {strides = array<i32>} : memref<512xi32, #tpu.memory_space<vmem>>, vector<16xi32>,
    %get3A_393 = vector.shape_cast %get3A_392 : vector<16xi32> to vector<16xi32>
    %mul3A_394 = arith.constant 10 : i32
    %mul3A_395 = vector.broadcast %mul3A_394 : i32 to vector<16xi32>
    %mul3A_396 = arith.muli %get3A_393, %mul3A_395 : vector<16xi32>
    %get3A_397 = arith.constant 192 : index
    %get3A_398 = tpu.vector_load %arg9[%get3A_397] {strides = array<i32>} : memref<512xi32, #tpu.memory_space<vmem>>, vector<16xi32>,
    %get3A_399 = vector.shape_cast %get3A_398 : vector<16xi32> to vector<16xi32>
    %add3A_400 = arith.addi %mul3A_396, %get3A_399 : vector<16xi32>
    %swap3A_401 = arith.constant 192 : index
    %swap3A_402 = tpu.vector_load %arg11[%swap3A_401] {strides = array<i32>} : memref<512xi32, #tpu.memory_space<vmem>>, vector<16xi32>,
    %swap3A_403 = vector.shape_cast %swap3A_402 : vector<16xi32> to vector<16xi32>
    %swap3A_404 = vector.shape_cast %add3A_400 : vector<16xi32> to vector<16xi32>
    tpu.vector_store %arg11[%swap3A_401], %swap3A_404 {strides = array<i32>} : memref<512xi32, #tpu.memory_space<vmem>>, vector<16xi32>,
    %get3A_405 = arith.constant 208 : index
    %get3A_406 = tpu.vector_load %arg6[%get3A_405] {strides = array<i32>} : memref<512xi32, #tpu.memory_space<vmem>>, vector<16xi32>,
    %get3A_407 = vector.shape_cast %get3A_406 : vector<16xi32> to vector<16xi32>
    %mul3A_408 = arith.constant 20 : i32
    %mul3A_409 = vector.broadcast %mul3A_408 : i32 to vector<16xi32>
    %mul3A_410 = arith.muli %get3A_407, %mul3A_409 : vector<16xi32>
    %get3A_411 = arith.constant 208 : index
    %get3A_412 = tpu.vector_load %arg7[%get3A_411] {strides = array<i32>} : memref<512xi32, #tpu.memory_space<vmem>>, vector<16xi32>,
    %get3A_413 = vector.shape_cast %get3A_412 : vector<16xi32> to vector<16xi32>
    %add3A_414 = arith.addi %mul3A_410, %get3A_413 : vector<16xi32>
    %swap3A_415 = arith.constant 208 : index
    %swap3A_416 = tpu.vector_load %arg10[%swap3A_415] {strides = array<i32>} : memref<512xi32, #tpu.memory_space<vmem>>, vector<16xi32>,
    %swap3A_417 = vector.shape_cast %swap3A_416 : vector<16xi32> to vector<16xi32>
    %swap3A_418 = vector.shape_cast %add3A_414 : vector<16xi32> to vector<16xi32>
    tpu.vector_store %arg10[%swap3A_415], %swap3A_418 {strides = array<i32>} : memref<512xi32, #tpu.memory_space<vmem>>, vector<16xi32>,
    %get3A_419 = arith.constant 208 : index
    %get3A_420 = tpu.vector_load %arg8[%get3A_419] {strides = array<i32>} : memref<512xi32, #tpu.memory_space<vmem>>, vector<16xi32>,
    %get3A_421 = vector.shape_cast %get3A_420 : vector<16xi32> to vector<16xi32>
    %mul3A_422 = arith.constant 10 : i32
    %mul3A_423 = vector.broadcast %mul3A_422 : i32 to vector<16xi32>
    %mul3A_424 = arith.muli %get3A_421, %mul3A_423 : vector<16xi32>
    %get3A_425 = arith.constant 208 : index
    %get3A_426 = tpu.vector_load %arg9[%get3A_425] {strides = array<i32>} : memref<512xi32, #tpu.memory_space<vmem>>, vector<16xi32>,
    %get3A_427 = vector.shape_cast %get3A_426 : vector<16xi32> to vector<16xi32>
    %add3A_428 = arith.addi %mul3A_424, %get3A_427 : vector<16xi32>
    %swap3A_429 = arith.constant 208 : index
    %swap3A_430 = tpu.vector_load %arg11[%swap3A_429] {strides = array<i32>} : memref<512xi32, #tpu.memory_space<vmem>>, vector<16xi32>,
    %swap3A_431 = vector.shape_cast %swap3A_430 : vector<16xi32> to vector<16xi32>
    %swap3A_432 = vector.shape_cast %add3A_428 : vector<16xi32> to vector<16xi32>
    tpu.vector_store %arg11[%swap3A_429], %swap3A_432 {strides = array<i32>} : memref<512xi32, #tpu.memory_space<vmem>>, vector<16xi32>,
    %get3A_433 = arith.constant 224 : index
    %get3A_434 = tpu.vector_load %arg6[%get3A_433] {strides = array<i32>} : memref<512xi32, #tpu.memory_space<vmem>>, vector<16xi32>,
    %get3A_435 = vector.shape_cast %get3A_434 : vector<16xi32> to vector<16xi32>
    %mul3A_436 = arith.constant 20 : i32
    %mul3A_437 = vector.broadcast %mul3A_436 : i32 to vector<16xi32>
    %mul3A_438 = arith.muli %get3A_435, %mul3A_437 : vector<16xi32>
    %get3A_439 = arith.constant 224 : index
    %get3A_440 = tpu.vector_load %arg7[%get3A_439] {strides = array<i32>} : memref<512xi32, #tpu.memory_space<vmem>>, vector<16xi32>,
    %get3A_441 = vector.shape_cast %get3A_440 : vector<16xi32> to vector<16xi32>
    %add3A_442 = arith.addi %mul3A_438, %get3A_441 : vector<16xi32>
    %swap3A_443 = arith.constant 224 : index
    %swap3A_444 = tpu.vector_load %arg10[%swap3A_443] {strides = array<i32>} : memref<512xi32, #tpu.memory_space<vmem>>, vector<16xi32>,
    %swap3A_445 = vector.shape_cast %swap3A_444 : vector<16xi32> to vector<16xi32>
    %swap3A_446 = vector.shape_cast %add3A_442 : vector<16xi32> to vector<16xi32>
    tpu.vector_store %arg10[%swap3A_443], %swap3A_446 {strides = array<i32>} : memref<512xi32, #tpu.memory_space<vmem>>, vector<16xi32>,
    %get3A_447 = arith.constant 224 : index
    %get3A_448 = tpu.vector_load %arg8[%get3A_447] {strides = array<i32>} : memref<512xi32, #tpu.memory_space<vmem>>, vector<16xi32>,
    %get3A_449 = vector.shape_cast %get3A_448 : vector<16xi32> to vector<16xi32>
    %mul3A_450 = arith.constant 10 : i32
    %mul3A_451 = vector.broadcast %mul3A_450 : i32 to vector<16xi32>
    %mul3A_452 = arith.muli %get3A_449, %mul3A_451 : vector<16xi32>
    %get3A_453 = arith.constant 224 : index
    %get3A_454 = tpu.vector_load %arg9[%get3A_453] {strides = array<i32>} : memref<512xi32, #tpu.memory_space<vmem>>, vector<16xi32>,
    %get3A_455 = vector.shape_cast %get3A_454 : vector<16xi32> to vector<16xi32>
    %add3A_456 = arith.addi %mul3A_452, %get3A_455 : vector<16xi32>
    %swap3A_457 = arith.constant 224 : index
    %swap3A_458 = tpu.vector_load %arg11[%swap3A_457] {strides = array<i32>} : memref<512xi32, #tpu.memory_space<vmem>>, vector<16xi32>,
    %swap3A_459 = vector.shape_cast %swap3A_458 : vector<16xi32> to vector<16xi32>
    %swap3A_460 = vector.shape_cast %add3A_456 : vector<16xi32> to vector<16xi32>
    tpu.vector_store %arg11[%swap3A_457], %swap3A_460 {strides = array<i32>} : memref<512xi32, #tpu.memory_space<vmem>>, vector<16xi32>,
    %get3A_461 = arith.constant 240 : index
    %get3A_462 = tpu.vector_load %arg6[%get3A_461] {strides = array<i32>} : memref<512xi32, #tpu.memory_space<vmem>>, vector<16xi32>,
    %get3A_463 = vector.shape_cast %get3A_462 : vector<16xi32> to vector<16xi32>
    %mul3A_464 = arith.constant 20 : i32
    %mul3A_465 = vector.broadcast %mul3A_464 : i32 to vector<16xi32>
    %mul3A_466 = arith.muli %get3A_463, %mul3A_465 : vector<16xi32>
    %get3A_467 = arith.constant 240 : index
    %get3A_468 = tpu.vector_load %arg7[%get3A_467] {strides = array<i32>} : memref<512xi32, #tpu.memory_space<vmem>>, vector<16xi32>,
    %get3A_469 = vector.shape_cast %get3A_468 : vector<16xi32> to vector<16xi32>
    %add3A_470 = arith.addi %mul3A_466, %get3A_469 : vector<16xi32>
    %swap3A_471 = arith.constant 240 : index
    %swap3A_472 = tpu.vector_load %arg10[%swap3A_471] {strides = array<i32>} : memref<512xi32, #tpu.memory_space<vmem>>, vector<16xi32>,
    %swap3A_473 = vector.shape_cast %swap3A_472 : vector<16xi32> to vector<16xi32>
    %swap3A_474 = vector.shape_cast %add3A_470 : vector<16xi32> to vector<16xi32>
    tpu.vector_store %arg10[%swap3A_471], %swap3A_474 {strides = array<i32>} : memref<512xi32, #tpu.memory_space<vmem>>, vector<16xi32>,
    %get3A_475 = arith.constant 240 : index
    %get3A_476 = tpu.vector_load %arg8[%get3A_475] {strides = array<i32>} : memref<512xi32, #tpu.memory_space<vmem>>, vector<16xi32>,
    %get3A_477 = vector.shape_cast %get3A_476 : vector<16xi32> to vector<16xi32>
    %mul3A_478 = arith.constant 10 : i32
    %mul3A_479 = vector.broadcast %mul3A_478 : i32 to vector<16xi32>
    %mul3A_480 = arith.muli %get3A_477, %mul3A_479 : vector<16xi32>
    %get3A_481 = arith.constant 240 : index
    %get3A_482 = tpu.vector_load %arg9[%get3A_481] {strides = array<i32>} : memref<512xi32, #tpu.memory_space<vmem>>, vector<16xi32>,
    %get3A_483 = vector.shape_cast %get3A_482 : vector<16xi32> to vector<16xi32>
    %add3A_484 = arith.addi %mul3A_480, %get3A_483 : vector<16xi32>
    %swap3A_485 = arith.constant 240 : index
    %swap3A_486 = tpu.vector_load %arg11[%swap3A_485] {strides = array<i32>} : memref<512xi32, #tpu.memory_space<vmem>>, vector<16xi32>,
    %swap3A_487 = vector.shape_cast %swap3A_486 : vector<16xi32> to vector<16xi32>
    %swap3A_488 = vector.shape_cast %add3A_484 : vector<16xi32> to vector<16xi32>
    tpu.vector_store %arg11[%swap3A_485], %swap3A_488 {strides = array<i32>} : memref<512xi32, #tpu.memory_space<vmem>>, vector<16xi32>,
    %get3A_489 = arith.constant 256 : index
    %get3A_490 = tpu.vector_load %arg6[%get3A_489] {strides = array<i32>} : memref<512xi32, #tpu.memory_space<vmem>>, vector<16xi32>,
    %get3A_491 = vector.shape_cast %get3A_490 : vector<16xi32> to vector<16xi32>
    %mul3A_492 = arith.constant 20 : i32
    %mul3A_493 = vector.broadcast %mul3A_492 : i32 to vector<16xi32>
    %mul3A_494 = arith.muli %get3A_491, %mul3A_493 : vector<16xi32>
    %get3A_495 = arith.constant 256 : index
    %get3A_496 = tpu.vector_load %arg7[%get3A_495] {strides = array<i32>} : memref<512xi32, #tpu.memory_space<vmem>>, vector<16xi32>,
    %get3A_497 = vector.shape_cast %get3A_496 : vector<16xi32> to vector<16xi32>
    %add3A_498 = arith.addi %mul3A_494, %get3A_497 : vector<16xi32>
    %swap3A_499 = arith.constant 256 : index
    %swap3A_500 = tpu.vector_load %arg10[%swap3A_499] {strides = array<i32>} : memref<512xi32, #tpu.memory_space<vmem>>, vector<16xi32>,
    %swap3A_501 = vector.shape_cast %swap3A_500 : vector<16xi32> to vector<16xi32>
    %swap3A_502 = vector.shape_cast %add3A_498 : vector<16xi32> to vector<16xi32>
    tpu.vector_store %arg10[%swap3A_499], %swap3A_502 {strides = array<i32>} : memref<512xi32, #tpu.memory_space<vmem>>, vector<16xi32>,
    %get3A_503 = arith.constant 256 : index
    %get3A_504 = tpu.vector_load %arg8[%get3A_503] {strides = array<i32>} : memref<512xi32, #tpu.memory_space<vmem>>, vector<16xi32>,
    %get3A_505 = vector.shape_cast %get3A_504 : vector<16xi32> to vector<16xi32>
    %mul3A_506 = arith.constant 10 : i32
    %mul3A_507 = vector.broadcast %mul3A_506 : i32 to vector<16xi32>
    %mul3A_508 = arith.muli %get3A_505, %mul3A_507 : vector<16xi32>
    %get3A_509 = arith.constant 256 : index
    %get3A_510 = tpu.vector_load %arg9[%get3A_509] {strides = array<i32>} : memref<512xi32, #tpu.memory_space<vmem>>, vector<16xi32>,
    %get3A_511 = vector.shape_cast %get3A_510 : vector<16xi32> to vector<16xi32>
    %add3A_512 = arith.addi %mul3A_508, %get3A_511 : vector<16xi32>
    %swap3A_513 = arith.constant 256 : index
    %swap3A_514 = tpu.vector_load %arg11[%swap3A_513] {strides = array<i32>} : memref<512xi32, #tpu.memory_space<vmem>>, vector<16xi32>,
    %swap3A_515 = vector.shape_cast %swap3A_514 : vector<16xi32> to vector<16xi32>
    %swap3A_516 = vector.shape_cast %add3A_512 : vector<16xi32> to vector<16xi32>
    tpu.vector_store %arg11[%swap3A_513], %swap3A_516 {strides = array<i32>} : memref<512xi32, #tpu.memory_space<vmem>>, vector<16xi32>,
    %get3A_517 = arith.constant 272 : index
    %get3A_518 = tpu.vector_load %arg6[%get3A_517] {strides = array<i32>} : memref<512xi32, #tpu.memory_space<vmem>>, vector<16xi32>,
    %get3A_519 = vector.shape_cast %get3A_518 : vector<16xi32> to vector<16xi32>
    %mul3A_520 = arith.constant 20 : i32
    %mul3A_521 = vector.broadcast %mul3A_520 : i32 to vector<16xi32>
    %mul3A_522 = arith.muli %get3A_519, %mul3A_521 : vector<16xi32>
    %get3A_523 = arith.constant 272 : index
    %get3A_524 = tpu.vector_load %arg7[%get3A_523] {strides = array<i32>} : memref<512xi32, #tpu.memory_space<vmem>>, vector<16xi32>,
    %get3A_525 = vector.shape_cast %get3A_524 : vector<16xi32> to vector<16xi32>
    %add3A_526 = arith.addi %mul3A_522, %get3A_525 : vector<16xi32>
    %swap3A_527 = arith.constant 272 : index
    %swap3A_528 = tpu.vector_load %arg10[%swap3A_527] {strides = array<i32>} : memref<512xi32, #tpu.memory_space<vmem>>, vector<16xi32>,
    %swap3A_529 = vector.shape_cast %swap3A_528 : vector<16xi32> to vector<16xi32>
    %swap3A_530 = vector.shape_cast %add3A_526 : vector<16xi32> to vector<16xi32>
    tpu.vector_store %arg10[%swap3A_527], %swap3A_530 {strides = array<i32>} : memref<512xi32, #tpu.memory_space<vmem>>, vector<16xi32>,
    %get3A_531 = arith.constant 272 : index
    %get3A_532 = tpu.vector_load %arg8[%get3A_531] {strides = array<i32>} : memref<512xi32, #tpu.memory_space<vmem>>, vector<16xi32>,
    %get3A_533 = vector.shape_cast %get3A_532 : vector<16xi32> to vector<16xi32>
    %mul3A_534 = arith.constant 10 : i32
    %mul3A_535 = vector.broadcast %mul3A_534 : i32 to vector<16xi32>
    %mul3A_536 = arith.muli %get3A_533, %mul3A_535 : vector<16xi32>
    %get3A_537 = arith.constant 272 : index
    %get3A_538 = tpu.vector_load %arg9[%get3A_537] {strides = array<i32>} : memref<512xi32, #tpu.memory_space<vmem>>, vector<16xi32>,
    %get3A_539 = vector.shape_cast %get3A_538 : vector<16xi32> to vector<16xi32>
    %add3A_540 = arith.addi %mul3A_536, %get3A_539 : vector<16xi32>
    %swap3A_541 = arith.constant 272 : index
    %swap3A_542 = tpu.vector_load %arg11[%swap3A_541] {strides = array<i32>} : memref<512xi32, #tpu.memory_space<vmem>>, vector<16xi32>,
    %swap3A_543 = vector.shape_cast %swap3A_542 : vector<16xi32> to vector<16xi32>
    %swap3A_544 = vector.shape_cast %add3A_540 : vector<16xi32> to vector<16xi32>
    tpu.vector_store %arg11[%swap3A_541], %swap3A_544 {strides = array<i32>} : memref<512xi32, #tpu.memory_space<vmem>>, vector<16xi32>,
    %get3A_545 = arith.constant 288 : index
    %get3A_546 = tpu.vector_load %arg6[%get3A_545] {strides = array<i32>} : memref<512xi32, #tpu.memory_space<vmem>>, vector<16xi32>,
    %get3A_547 = vector.shape_cast %get3A_546 : vector<16xi32> to vector<16xi32>
    %mul3A_548 = arith.constant 20 : i32
    %mul3A_549 = vector.broadcast %mul3A_548 : i32 to vector<16xi32>
    %mul3A_550 = arith.muli %get3A_547, %mul3A_549 : vector<16xi32>
    %get3A_551 = arith.constant 288 : index
    %get3A_552 = tpu.vector_load %arg7[%get3A_551] {strides = array<i32>} : memref<512xi32, #tpu.memory_space<vmem>>, vector<16xi32>,
    %get3A_553 = vector.shape_cast %get3A_552 : vector<16xi32> to vector<16xi32>
    %add3A_554 = arith.addi %mul3A_550, %get3A_553 : vector<16xi32>
    %swap3A_555 = arith.constant 288 : index
    %swap3A_556 = tpu.vector_load %arg10[%swap3A_555] {strides = array<i32>} : memref<512xi32, #tpu.memory_space<vmem>>, vector<16xi32>,
    %swap3A_557 = vector.shape_cast %swap3A_556 : vector<16xi32> to vector<16xi32>
    %swap3A_558 = vector.shape_cast %add3A_554 : vector<16xi32> to vector<16xi32>
    tpu.vector_store %arg10[%swap3A_555], %swap3A_558 {strides = array<i32>} : memref<512xi32, #tpu.memory_space<vmem>>, vector<16xi32>,
    %get3A_559 = arith.constant 288 : index
    %get3A_560 = tpu.vector_load %arg8[%get3A_559] {strides = array<i32>} : memref<512xi32, #tpu.memory_space<vmem>>, vector<16xi32>,
    %get3A_561 = vector.shape_cast %get3A_560 : vector<16xi32> to vector<16xi32>
    %mul3A_562 = arith.constant 10 : i32
    %mul3A_563 = vector.broadcast %mul3A_562 : i32 to vector<16xi32>
    %mul3A_564 = arith.muli %get3A_561, %mul3A_563 : vector<16xi32>
    %get3A_565 = arith.constant 288 : index
    %get3A_566 = tpu.vector_load %arg9[%get3A_565] {strides = array<i32>} : memref<512xi32, #tpu.memory_space<vmem>>, vector<16xi32>,
    %get3A_567 = vector.shape_cast %get3A_566 : vector<16xi32> to vector<16xi32>
    %add3A_568 = arith.addi %mul3A_564, %get3A_567 : vector<16xi32>
    %swap3A_569 = arith.constant 288 : index
    %swap3A_570 = tpu.vector_load %arg11[%swap3A_569] {strides = array<i32>} : memref<512xi32, #tpu.memory_space<vmem>>, vector<16xi32>,
    %swap3A_571 = vector.shape_cast %swap3A_570 : vector<16xi32> to vector<16xi32>
    %swap3A_572 = vector.shape_cast %add3A_568 : vector<16xi32> to vector<16xi32>
    tpu.vector_store %arg11[%swap3A_569], %swap3A_572 {strides = array<i32>} : memref<512xi32, #tpu.memory_space<vmem>>, vector<16xi32>,
    %get3A_573 = arith.constant 304 : index
    %get3A_574 = tpu.vector_load %arg6[%get3A_573] {strides = array<i32>} : memref<512xi32, #tpu.memory_space<vmem>>, vector<16xi32>,
    %get3A_575 = vector.shape_cast %get3A_574 : vector<16xi32> to vector<16xi32>
    %mul3A_576 = arith.constant 20 : i32
    %mul3A_577 = vector.broadcast %mul3A_576 : i32 to vector<16xi32>
    %mul3A_578 = arith.muli %get3A_575, %mul3A_577 : vector<16xi32>
    %get3A_579 = arith.constant 304 : index
    %get3A_580 = tpu.vector_load %arg7[%get3A_579] {strides = array<i32>} : memref<512xi32, #tpu.memory_space<vmem>>, vector<16xi32>,
    %get3A_581 = vector.shape_cast %get3A_580 : vector<16xi32> to vector<16xi32>
    %add3A_582 = arith.addi %mul3A_578, %get3A_581 : vector<16xi32>
    %swap3A_583 = arith.constant 304 : index
    %swap3A_584 = tpu.vector_load %arg10[%swap3A_583] {strides = array<i32>} : memref<512xi32, #tpu.memory_space<vmem>>, vector<16xi32>,
    %swap3A_585 = vector.shape_cast %swap3A_584 : vector<16xi32> to vector<16xi32>
    %swap3A_586 = vector.shape_cast %add3A_582 : vector<16xi32> to vector<16xi32>
    tpu.vector_store %arg10[%swap3A_583], %swap3A_586 {strides = array<i32>} : memref<512xi32, #tpu.memory_space<vmem>>, vector<16xi32>,
    %get3A_587 = arith.constant 304 : index
    %get3A_588 = tpu.vector_load %arg8[%get3A_587] {strides = array<i32>} : memref<512xi32, #tpu.memory_space<vmem>>, vector<16xi32>,
    %get3A_589 = vector.shape_cast %get3A_588 : vector<16xi32> to vector<16xi32>
    %mul3A_590 = arith.constant 10 : i32
    %mul3A_591 = vector.broadcast %mul3A_590 : i32 to vector<16xi32>
    %mul3A_592 = arith.muli %get3A_589, %mul3A_591 : vector<16xi32>
    %get3A_593 = arith.constant 304 : index
    %get3A_594 = tpu.vector_load %arg9[%get3A_593] {strides = array<i32>} : memref<512xi32, #tpu.memory_space<vmem>>, vector<16xi32>,
    %get3A_595 = vector.shape_cast %get3A_594 : vector<16xi32> to vector<16xi32>
    %add3A_596 = arith.addi %mul3A_592, %get3A_595 : vector<16xi32>
    %swap3A_597 = arith.constant 304 : index
    %swap3A_598 = tpu.vector_load %arg11[%swap3A_597] {strides = array<i32>} : memref<512xi32, #tpu.memory_space<vmem>>, vector<16xi32>,
    %swap3A_599 = vector.shape_cast %swap3A_598 : vector<16xi32> to vector<16xi32>
    %swap3A_600 = vector.shape_cast %add3A_596 : vector<16xi32> to vector<16xi32>
    tpu.vector_store %arg11[%swap3A_597], %swap3A_600 {strides = array<i32>} : memref<512xi32, #tpu.memory_space<vmem>>, vector<16xi32>,
    %get3A_601 = arith.constant 320 : index
    %get3A_602 = tpu.vector_load %arg6[%get3A_601] {strides = array<i32>} : memref<512xi32, #tpu.memory_space<vmem>>, vector<16xi32>,
    %get3A_603 = vector.shape_cast %get3A_602 : vector<16xi32> to vector<16xi32>
    %mul3A_604 = arith.constant 20 : i32
    %mul3A_605 = vector.broadcast %mul3A_604 : i32 to vector<16xi32>
    %mul3A_606 = arith.muli %get3A_603, %mul3A_605 : vector<16xi32>
    %get3A_607 = arith.constant 320 : index
    %get3A_608 = tpu.vector_load %arg7[%get3A_607] {strides = array<i32>} : memref<512xi32, #tpu.memory_space<vmem>>, vector<16xi32>,
    %get3A_609 = vector.shape_cast %get3A_608 : vector<16xi32> to vector<16xi32>
    %add3A_610 = arith.addi %mul3A_606, %get3A_609 : vector<16xi32>
    %swap3A_611 = arith.constant 320 : index
    %swap3A_612 = tpu.vector_load %arg10[%swap3A_611] {strides = array<i32>} : memref<512xi32, #tpu.memory_space<vmem>>, vector<16xi32>,
    %swap3A_613 = vector.shape_cast %swap3A_612 : vector<16xi32> to vector<16xi32>
    %swap3A_614 = vector.shape_cast %add3A_610 : vector<16xi32> to vector<16xi32>
    tpu.vector_store %arg10[%swap3A_611], %swap3A_614 {strides = array<i32>} : memref<512xi32, #tpu.memory_space<vmem>>, vector<16xi32>,
    %get3A_615 = arith.constant 320 : index
    %get3A_616 = tpu.vector_load %arg8[%get3A_615] {strides = array<i32>} : memref<512xi32, #tpu.memory_space<vmem>>, vector<16xi32>,
    %get3A_617 = vector.shape_cast %get3A_616 : vector<16xi32> to vector<16xi32>
    %mul3A_618 = arith.constant 10 : i32
    %mul3A_619 = vector.broadcast %mul3A_618 : i32 to vector<16xi32>
    %mul3A_620 = arith.muli %get3A_617, %mul3A_619 : vector<16xi32>
    %get3A_621 = arith.constant 320 : index
    %get3A_622 = tpu.vector_load %arg9[%get3A_621] {strides = array<i32>} : memref<512xi32, #tpu.memory_space<vmem>>, vector<16xi32>,
    %get3A_623 = vector.shape_cast %get3A_622 : vector<16xi32> to vector<16xi32>
    %add3A_624 = arith.addi %mul3A_620, %get3A_623 : vector<16xi32>
    %swap3A_625 = arith.constant 320 : index
    %swap3A_626 = tpu.vector_load %arg11[%swap3A_625] {strides = array<i32>} : memref<512xi32, #tpu.memory_space<vmem>>, vector<16xi32>,
    %swap3A_627 = vector.shape_cast %swap3A_626 : vector<16xi32> to vector<16xi32>
    %swap3A_628 = vector.shape_cast %add3A_624 : vector<16xi32> to vector<16xi32>
    tpu.vector_store %arg11[%swap3A_625], %swap3A_628 {strides = array<i32>} : memref<512xi32, #tpu.memory_space<vmem>>, vector<16xi32>,
    %get3A_629 = arith.constant 336 : index
    %get3A_630 = tpu.vector_load %arg6[%get3A_629] {strides = array<i32>} : memref<512xi32, #tpu.memory_space<vmem>>, vector<16xi32>,
    %get3A_631 = vector.shape_cast %get3A_630 : vector<16xi32> to vector<16xi32>
    %mul3A_632 = arith.constant 20 : i32
    %mul3A_633 = vector.broadcast %mul3A_632 : i32 to vector<16xi32>
    %mul3A_634 = arith.muli %get3A_631, %mul3A_633 : vector<16xi32>
    %get3A_635 = arith.constant 336 : index
    %get3A_636 = tpu.vector_load %arg7[%get3A_635] {strides = array<i32>} : memref<512xi32, #tpu.memory_space<vmem>>, vector<16xi32>,
    %get3A_637 = vector.shape_cast %get3A_636 : vector<16xi32> to vector<16xi32>
    %add3A_638 = arith.addi %mul3A_634, %get3A_637 : vector<16xi32>
    %swap3A_639 = arith.constant 336 : index
    %swap3A_640 = tpu.vector_load %arg10[%swap3A_639] {strides = array<i32>} : memref<512xi32, #tpu.memory_space<vmem>>, vector<16xi32>,
    %swap3A_641 = vector.shape_cast %swap3A_640 : vector<16xi32> to vector<16xi32>
    %swap3A_642 = vector.shape_cast %add3A_638 : vector<16xi32> to vector<16xi32>
    tpu.vector_store %arg10[%swap3A_639], %swap3A_642 {strides = array<i32>} : memref<512xi32, #tpu.memory_space<vmem>>, vector<16xi32>,
    %get3A_643 = arith.constant 336 : index
    %get3A_644 = tpu.vector_load %arg8[%get3A_643] {strides = array<i32>} : memref<512xi32, #tpu.memory_space<vmem>>, vector<16xi32>,
    %get3A_645 = vector.shape_cast %get3A_644 : vector<16xi32> to vector<16xi32>
    %mul3A_646 = arith.constant 10 : i32
    %mul3A_647 = vector.broadcast %mul3A_646 : i32 to vector<16xi32>
    %mul3A_648 = arith.muli %get3A_645, %mul3A_647 : vector<16xi32>
    %get3A_649 = arith.constant 336 : index
    %get3A_650 = tpu.vector_load %arg9[%get3A_649] {strides = array<i32>} : memref<512xi32, #tpu.memory_space<vmem>>, vector<16xi32>,
    %get3A_651 = vector.shape_cast %get3A_650 : vector<16xi32> to vector<16xi32>
    %add3A_652 = arith.addi %mul3A_648, %get3A_651 : vector<16xi32>
    %swap3A_653 = arith.constant 336 : index
    %swap3A_654 = tpu.vector_load %arg11[%swap3A_653] {strides = array<i32>} : memref<512xi32, #tpu.memory_space<vmem>>, vector<16xi32>,
    %swap3A_655 = vector.shape_cast %swap3A_654 : vector<16xi32> to vector<16xi32>
    %swap3A_656 = vector.shape_cast %add3A_652 : vector<16xi32> to vector<16xi32>
    tpu.vector_store %arg11[%swap3A_653], %swap3A_656 {strides = array<i32>} : memref<512xi32, #tpu.memory_space<vmem>>, vector<16xi32>,
    %get3A_657 = arith.constant 352 : index
    %get3A_658 = tpu.vector_load %arg6[%get3A_657] {strides = array<i32>} : memref<512xi32, #tpu.memory_space<vmem>>, vector<16xi32>,
    %get3A_659 = vector.shape_cast %get3A_658 : vector<16xi32> to vector<16xi32>
    %mul3A_660 = arith.constant 20 : i32
    %mul3A_661 = vector.broadcast %mul3A_660 : i32 to vector<16xi32>
    %mul3A_662 = arith.muli %get3A_659, %mul3A_661 : vector<16xi32>
    %get3A_663 = arith.constant 352 : index
    %get3A_664 = tpu.vector_load %arg7[%get3A_663] {strides = array<i32>} : memref<512xi32, #tpu.memory_space<vmem>>, vector<16xi32>,
    %get3A_665 = vector.shape_cast %get3A_664 : vector<16xi32> to vector<16xi32>
    %add3A_666 = arith.addi %mul3A_662, %get3A_665 : vector<16xi32>
    %swap3A_667 = arith.constant 352 : index
    %swap3A_668 = tpu.vector_load %arg10[%swap3A_667] {strides = array<i32>} : memref<512xi32, #tpu.memory_space<vmem>>, vector<16xi32>,
    %swap3A_669 = vector.shape_cast %swap3A_668 : vector<16xi32> to vector<16xi32>
    %swap3A_670 = vector.shape_cast %add3A_666 : vector<16xi32> to vector<16xi32>
    tpu.vector_store %arg10[%swap3A_667], %swap3A_670 {strides = array<i32>} : memref<512xi32, #tpu.memory_space<vmem>>, vector<16xi32>,
    %get3A_671 = arith.constant 352 : index
    %get3A_672 = tpu.vector_load %arg8[%get3A_671] {strides = array<i32>} : memref<512xi32, #tpu.memory_space<vmem>>, vector<16xi32>,
    %get3A_673 = vector.shape_cast %get3A_672 : vector<16xi32> to vector<16xi32>
    %mul3A_674 = arith.constant 10 : i32
    %mul3A_675 = vector.broadcast %mul3A_674 : i32 to vector<16xi32>
    %mul3A_676 = arith.muli %get3A_673, %mul3A_675 : vector<16xi32>
    %get3A_677 = arith.constant 352 : index
    %get3A_678 = tpu.vector_load %arg9[%get3A_677] {strides = array<i32>} : memref<512xi32, #tpu.memory_space<vmem>>, vector<16xi32>,
    %get3A_679 = vector.shape_cast %get3A_678 : vector<16xi32> to vector<16xi32>
    %add3A_680 = arith.addi %mul3A_676, %get3A_679 : vector<16xi32>
    %swap3A_681 = arith.constant 352 : index
    %swap3A_682 = tpu.vector_load %arg11[%swap3A_681] {strides = array<i32>} : memref<512xi32, #tpu.memory_space<vmem>>, vector<16xi32>,
    %swap3A_683 = vector.shape_cast %swap3A_682 : vector<16xi32> to vector<16xi32>
    %swap3A_684 = vector.shape_cast %add3A_680 : vector<16xi32> to vector<16xi32>
    tpu.vector_store %arg11[%swap3A_681], %swap3A_684 {strides = array<i32>} : memref<512xi32, #tpu.memory_space<vmem>>, vector<16xi32>,
    %get3A_685 = arith.constant 368 : index
    %get3A_686 = tpu.vector_load %arg6[%get3A_685] {strides = array<i32>} : memref<512xi32, #tpu.memory_space<vmem>>, vector<16xi32>,
    %get3A_687 = vector.shape_cast %get3A_686 : vector<16xi32> to vector<16xi32>
    %mul3A_688 = arith.constant 20 : i32
    %mul3A_689 = vector.broadcast %mul3A_688 : i32 to vector<16xi32>
    %mul3A_690 = arith.muli %get3A_687, %mul3A_689 : vector<16xi32>
    %get3A_691 = arith.constant 368 : index
    %get3A_692 = tpu.vector_load %arg7[%get3A_691] {strides = array<i32>} : memref<512xi32, #tpu.memory_space<vmem>>, vector<16xi32>,
    %get3A_693 = vector.shape_cast %get3A_692 : vector<16xi32> to vector<16xi32>
    %add3A_694 = arith.addi %mul3A_690, %get3A_693 : vector<16xi32>
    %swap3A_695 = arith.constant 368 : index
    %swap3A_696 = tpu.vector_load %arg10[%swap3A_695] {strides = array<i32>} : memref<512xi32, #tpu.memory_space<vmem>>, vector<16xi32>,
    %swap3A_697 = vector.shape_cast %swap3A_696 : vector<16xi32> to vector<16xi32>
    %swap3A_698 = vector.shape_cast %add3A_694 : vector<16xi32> to vector<16xi32>
    tpu.vector_store %arg10[%swap3A_695], %swap3A_698 {strides = array<i32>} : memref<512xi32, #tpu.memory_space<vmem>>, vector<16xi32>,
    %get3A_699 = arith.constant 368 : index
    %get3A_700 = tpu.vector_load %arg8[%get3A_699] {strides = array<i32>} : memref<512xi32, #tpu.memory_space<vmem>>, vector<16xi32>,
    %get3A_701 = vector.shape_cast %get3A_700 : vector<16xi32> to vector<16xi32>
    %mul3A_702 = arith.constant 10 : i32
    %mul3A_703 = vector.broadcast %mul3A_702 : i32 to vector<16xi32>
    %mul3A_704 = arith.muli %get3A_701, %mul3A_703 : vector<16xi32>
    %get3A_705 = arith.constant 368 : index
    %get3A_706 = tpu.vector_load %arg9[%get3A_705] {strides = array<i32>} : memref<512xi32, #tpu.memory_space<vmem>>, vector<16xi32>,
    %get3A_707 = vector.shape_cast %get3A_706 : vector<16xi32> to vector<16xi32>
    %add3A_708 = arith.addi %mul3A_704, %get3A_707 : vector<16xi32>
    %swap3A_709 = arith.constant 368 : index
    %swap3A_710 = tpu.vector_load %arg11[%swap3A_709] {strides = array<i32>} : memref<512xi32, #tpu.memory_space<vmem>>, vector<16xi32>,
    %swap3A_711 = vector.shape_cast %swap3A_710 : vector<16xi32> to vector<16xi32>
    %swap3A_712 = vector.shape_cast %add3A_708 : vector<16xi32> to vector<16xi32>
    tpu.vector_store %arg11[%swap3A_709], %swap3A_712 {strides = array<i32>} : memref<512xi32, #tpu.memory_space<vmem>>, vector<16xi32>,
    %get3A_713 = arith.constant 384 : index
    %get3A_714 = tpu.vector_load %arg6[%get3A_713] {strides = array<i32>} : memref<512xi32, #tpu.memory_space<vmem>>, vector<16xi32>,
    %get3A_715 = vector.shape_cast %get3A_714 : vector<16xi32> to vector<16xi32>
    %mul3A_716 = arith.constant 20 : i32
    %mul3A_717 = vector.broadcast %mul3A_716 : i32 to vector<16xi32>
    %mul3A_718 = arith.muli %get3A_715, %mul3A_717 : vector<16xi32>
    %get3A_719 = arith.constant 384 : index
    %get3A_720 = tpu.vector_load %arg7[%get3A_719] {strides = array<i32>} : memref<512xi32, #tpu.memory_space<vmem>>, vector<16xi32>,
    %get3A_721 = vector.shape_cast %get3A_720 : vector<16xi32> to vector<16xi32>
    %add3A_722 = arith.addi %mul3A_718, %get3A_721 : vector<16xi32>
    %swap3A_723 = arith.constant 384 : index
    %swap3A_724 = tpu.vector_load %arg10[%swap3A_723] {strides = array<i32>} : memref<512xi32, #tpu.memory_space<vmem>>, vector<16xi32>,
    %swap3A_725 = vector.shape_cast %swap3A_724 : vector<16xi32> to vector<16xi32>
    %swap3A_726 = vector.shape_cast %add3A_722 : vector<16xi32> to vector<16xi32>
    tpu.vector_store %arg10[%swap3A_723], %swap3A_726 {strides = array<i32>} : memref<512xi32, #tpu.memory_space<vmem>>, vector<16xi32>,
    %get3A_727 = arith.constant 384 : index
    %get3A_728 = tpu.vector_load %arg8[%get3A_727] {strides = array<i32>} : memref<512xi32, #tpu.memory_space<vmem>>, vector<16xi32>,
    %get3A_729 = vector.shape_cast %get3A_728 : vector<16xi32> to vector<16xi32>
    %mul3A_730 = arith.constant 10 : i32
    %mul3A_731 = vector.broadcast %mul3A_730 : i32 to vector<16xi32>
    %mul3A_732 = arith.muli %get3A_729, %mul3A_731 : vector<16xi32>
    %get3A_733 = arith.constant 384 : index
    %get3A_734 = tpu.vector_load %arg9[%get3A_733] {strides = array<i32>} : memref<512xi32, #tpu.memory_space<vmem>>, vector<16xi32>,
    %get3A_735 = vector.shape_cast %get3A_734 : vector<16xi32> to vector<16xi32>
    %add3A_736 = arith.addi %mul3A_732, %get3A_735 : vector<16xi32>
    %swap3A_737 = arith.constant 384 : index
    %swap3A_738 = tpu.vector_load %arg11[%swap3A_737] {strides = array<i32>} : memref<512xi32, #tpu.memory_space<vmem>>, vector<16xi32>,
    %swap3A_739 = vector.shape_cast %swap3A_738 : vector<16xi32> to vector<16xi32>
    %swap3A_740 = vector.shape_cast %add3A_736 : vector<16xi32> to vector<16xi32>
    tpu.vector_store %arg11[%swap3A_737], %swap3A_740 {strides = array<i32>} : memref<512xi32, #tpu.memory_space<vmem>>, vector<16xi32>,
    %get3A_741 = arith.constant 400 : index
    %get3A_742 = tpu.vector_load %arg6[%get3A_741] {strides = array<i32>} : memref<512xi32, #tpu.memory_space<vmem>>, vector<16xi32>,
    %get3A_743 = vector.shape_cast %get3A_742 : vector<16xi32> to vector<16xi32>
    %mul3A_744 = arith.constant 20 : i32
    %mul3A_745 = vector.broadcast %mul3A_744 : i32 to vector<16xi32>
    %mul3A_746 = arith.muli %get3A_743, %mul3A_745 : vector<16xi32>
    %get3A_747 = arith.constant 400 : index
    %get3A_748 = tpu.vector_load %arg7[%get3A_747] {strides = array<i32>} : memref<512xi32, #tpu.memory_space<vmem>>, vector<16xi32>,
    %get3A_749 = vector.shape_cast %get3A_748 : vector<16xi32> to vector<16xi32>
    %add3A_750 = arith.addi %mul3A_746, %get3A_749 : vector<16xi32>
    %swap3A_751 = arith.constant 400 : index
    %swap3A_752 = tpu.vector_load %arg10[%swap3A_751] {strides = array<i32>} : memref<512xi32, #tpu.memory_space<vmem>>, vector<16xi32>,
    %swap3A_753 = vector.shape_cast %swap3A_752 : vector<16xi32> to vector<16xi32>
    %swap3A_754 = vector.shape_cast %add3A_750 : vector<16xi32> to vector<16xi32>
    tpu.vector_store %arg10[%swap3A_751], %swap3A_754 {strides = array<i32>} : memref<512xi32, #tpu.memory_space<vmem>>, vector<16xi32>,
    %get3A_755 = arith.constant 400 : index
    %get3A_756 = tpu.vector_load %arg8[%get3A_755] {strides = array<i32>} : memref<512xi32, #tpu.memory_space<vmem>>, vector<16xi32>,
    %get3A_757 = vector.shape_cast %get3A_756 : vector<16xi32> to vector<16xi32>
    %mul3A_758 = arith.constant 10 : i32
    %mul3A_759 = vector.broadcast %mul3A_758 : i32 to vector<16xi32>
    %mul3A_760 = arith.muli %get3A_757, %mul3A_759 : vector<16xi32>
    %get3A_761 = arith.constant 400 : index
    %get3A_762 = tpu.vector_load %arg9[%get3A_761] {strides = array<i32>} : memref<512xi32, #tpu.memory_space<vmem>>, vector<16xi32>,
    %get3A_763 = vector.shape_cast %get3A_762 : vector<16xi32> to vector<16xi32>
    %add3A_764 = arith.addi %mul3A_760, %get3A_763 : vector<16xi32>
    %swap3A_765 = arith.constant 400 : index
    %swap3A_766 = tpu.vector_load %arg11[%swap3A_765] {strides = array<i32>} : memref<512xi32, #tpu.memory_space<vmem>>, vector<16xi32>,
    %swap3A_767 = vector.shape_cast %swap3A_766 : vector<16xi32> to vector<16xi32>
    %swap3A_768 = vector.shape_cast %add3A_764 : vector<16xi32> to vector<16xi32>
    tpu.vector_store %arg11[%swap3A_765], %swap3A_768 {strides = array<i32>} : memref<512xi32, #tpu.memory_space<vmem>>, vector<16xi32>,
    %get3A_769 = arith.constant 416 : index
    %get3A_770 = tpu.vector_load %arg6[%get3A_769] {strides = array<i32>} : memref<512xi32, #tpu.memory_space<vmem>>, vector<16xi32>,
    %get3A_771 = vector.shape_cast %get3A_770 : vector<16xi32> to vector<16xi32>
    %mul3A_772 = arith.constant 20 : i32
    %mul3A_773 = vector.broadcast %mul3A_772 : i32 to vector<16xi32>
    %mul3A_774 = arith.muli %get3A_771, %mul3A_773 : vector<16xi32>
    %get3A_775 = arith.constant 416 : index
    %get3A_776 = tpu.vector_load %arg7[%get3A_775] {strides = array<i32>} : memref<512xi32, #tpu.memory_space<vmem>>, vector<16xi32>,
    %get3A_777 = vector.shape_cast %get3A_776 : vector<16xi32> to vector<16xi32>
    %add3A_778 = arith.addi %mul3A_774, %get3A_777 : vector<16xi32>
    %swap3A_779 = arith.constant 416 : index
    %swap3A_780 = tpu.vector_load %arg10[%swap3A_779] {strides = array<i32>} : memref<512xi32, #tpu.memory_space<vmem>>, vector<16xi32>,
    %swap3A_781 = vector.shape_cast %swap3A_780 : vector<16xi32> to vector<16xi32>
    %swap3A_782 = vector.shape_cast %add3A_778 : vector<16xi32> to vector<16xi32>
    tpu.vector_store %arg10[%swap3A_779], %swap3A_782 {strides = array<i32>} : memref<512xi32, #tpu.memory_space<vmem>>, vector<16xi32>,
    %get3A_783 = arith.constant 416 : index
    %get3A_784 = tpu.vector_load %arg8[%get3A_783] {strides = array<i32>} : memref<512xi32, #tpu.memory_space<vmem>>, vector<16xi32>,
    %get3A_785 = vector.shape_cast %get3A_784 : vector<16xi32> to vector<16xi32>
    %mul3A_786 = arith.constant 10 : i32
    %mul3A_787 = vector.broadcast %mul3A_786 : i32 to vector<16xi32>
    %mul3A_788 = arith.muli %get3A_785, %mul3A_787 : vector<16xi32>
    %get3A_789 = arith.constant 416 : index
    %get3A_790 = tpu.vector_load %arg9[%get3A_789] {strides = array<i32>} : memref<512xi32, #tpu.memory_space<vmem>>, vector<16xi32>,
    %get3A_791 = vector.shape_cast %get3A_790 : vector<16xi32> to vector<16xi32>
    %add3A_792 = arith.addi %mul3A_788, %get3A_791 : vector<16xi32>
    %swap3A_793 = arith.constant 416 : index
    %swap3A_794 = tpu.vector_load %arg11[%swap3A_793] {strides = array<i32>} : memref<512xi32, #tpu.memory_space<vmem>>, vector<16xi32>,
    %swap3A_795 = vector.shape_cast %swap3A_794 : vector<16xi32> to vector<16xi32>
    %swap3A_796 = vector.shape_cast %add3A_792 : vector<16xi32> to vector<16xi32>
    tpu.vector_store %arg11[%swap3A_793], %swap3A_796 {strides = array<i32>} : memref<512xi32, #tpu.memory_space<vmem>>, vector<16xi32>,
    %get3A_797 = arith.constant 432 : index
    %get3A_798 = tpu.vector_load %arg6[%get3A_797] {strides = array<i32>} : memref<512xi32, #tpu.memory_space<vmem>>, vector<16xi32>,
    %get3A_799 = vector.shape_cast %get3A_798 : vector<16xi32> to vector<16xi32>
    %mul3A_800 = arith.constant 20 : i32
    %mul3A_801 = vector.broadcast %mul3A_800 : i32 to vector<16xi32>
    %mul3A_802 = arith.muli %get3A_799, %mul3A_801 : vector<16xi32>
    %get3A_803 = arith.constant 432 : index
    %get3A_804 = tpu.vector_load %arg7[%get3A_803] {strides = array<i32>} : memref<512xi32, #tpu.memory_space<vmem>>, vector<16xi32>,
    %get3A_805 = vector.shape_cast %get3A_804 : vector<16xi32> to vector<16xi32>
    %add3A_806 = arith.addi %mul3A_802, %get3A_805 : vector<16xi32>
    %swap3A_807 = arith.constant 432 : index
    %swap3A_808 = tpu.vector_load %arg10[%swap3A_807] {strides = array<i32>} : memref<512xi32, #tpu.memory_space<vmem>>, vector<16xi32>,
    %swap3A_809 = vector.shape_cast %swap3A_808 : vector<16xi32> to vector<16xi32>
    %swap3A_810 = vector.shape_cast %add3A_806 : vector<16xi32> to vector<16xi32>
    tpu.vector_store %arg10[%swap3A_807], %swap3A_810 {strides = array<i32>} : memref<512xi32, #tpu.memory_space<vmem>>, vector<16xi32>,
    %get3A_811 = arith.constant 432 : index
    %get3A_812 = tpu.vector_load %arg8[%get3A_811] {strides = array<i32>} : memref<512xi32, #tpu.memory_space<vmem>>, vector<16xi32>,
    %get3A_813 = vector.shape_cast %get3A_812 : vector<16xi32> to vector<16xi32>
    %mul3A_814 = arith.constant 10 : i32
    %mul3A_815 = vector.broadcast %mul3A_814 : i32 to vector<16xi32>
    %mul3A_816 = arith.muli %get3A_813, %mul3A_815 : vector<16xi32>
    %get3A_817 = arith.constant 432 : index
    %get3A_818 = tpu.vector_load %arg9[%get3A_817] {strides = array<i32>} : memref<512xi32, #tpu.memory_space<vmem>>, vector<16xi32>,
    %get3A_819 = vector.shape_cast %get3A_818 : vector<16xi32> to vector<16xi32>
    %add3A_820 = arith.addi %mul3A_816, %get3A_819 : vector<16xi32>
    %swap3A_821 = arith.constant 432 : index
    %swap3A_822 = tpu.vector_load %arg11[%swap3A_821] {strides = array<i32>} : memref<512xi32, #tpu.memory_space<vmem>>, vector<16xi32>,
    %swap3A_823 = vector.shape_cast %swap3A_822 : vector<16xi32> to vector<16xi32>
    %swap3A_824 = vector.shape_cast %add3A_820 : vector<16xi32> to vector<16xi32>
    tpu.vector_store %arg11[%swap3A_821], %swap3A_824 {strides = array<i32>} : memref<512xi32, #tpu.memory_space<vmem>>, vector<16xi32>,
    %get3A_825 = arith.constant 448 : index
    %get3A_826 = tpu.vector_load %arg6[%get3A_825] {strides = array<i32>} : memref<512xi32, #tpu.memory_space<vmem>>, vector<16xi32>,
    %get3A_827 = vector.shape_cast %get3A_826 : vector<16xi32> to vector<16xi32>
    %mul3A_828 = arith.constant 20 : i32
    %mul3A_829 = vector.broadcast %mul3A_828 : i32 to vector<16xi32>
    %mul3A_830 = arith.muli %get3A_827, %mul3A_829 : vector<16xi32>
    %get3A_831 = arith.constant 448 : index
    %get3A_832 = tpu.vector_load %arg7[%get3A_831] {strides = array<i32>} : memref<512xi32, #tpu.memory_space<vmem>>, vector<16xi32>,
    %get3A_833 = vector.shape_cast %get3A_832 : vector<16xi32> to vector<16xi32>
    %add3A_834 = arith.addi %mul3A_830, %get3A_833 : vector<16xi32>
    %swap3A_835 = arith.constant 448 : index
    %swap3A_836 = tpu.vector_load %arg10[%swap3A_835] {strides = array<i32>} : memref<512xi32, #tpu.memory_space<vmem>>, vector<16xi32>,
    %swap3A_837 = vector.shape_cast %swap3A_836 : vector<16xi32> to vector<16xi32>
    %swap3A_838 = vector.shape_cast %add3A_834 : vector<16xi32> to vector<16xi32>
    tpu.vector_store %arg10[%swap3A_835], %swap3A_838 {strides = array<i32>} : memref<512xi32, #tpu.memory_space<vmem>>, vector<16xi32>,
    %get3A_839 = arith.constant 448 : index
    %get3A_840 = tpu.vector_load %arg8[%get3A_839] {strides = array<i32>} : memref<512xi32, #tpu.memory_space<vmem>>, vector<16xi32>,
    %get3A_841 = vector.shape_cast %get3A_840 : vector<16xi32> to vector<16xi32>
    %mul3A_842 = arith.constant 10 : i32
    %mul3A_843 = vector.broadcast %mul3A_842 : i32 to vector<16xi32>
    %mul3A_844 = arith.muli %get3A_841, %mul3A_843 : vector<16xi32>
    %get3A_845 = arith.constant 448 : index
    %get3A_846 = tpu.vector_load %arg9[%get3A_845] {strides = array<i32>} : memref<512xi32, #tpu.memory_space<vmem>>, vector<16xi32>,
    %get3A_847 = vector.shape_cast %get3A_846 : vector<16xi32> to vector<16xi32>
    %add3A_848 = arith.addi %mul3A_844, %get3A_847 : vector<16xi32>
    %swap3A_849 = arith.constant 448 : index
    %swap3A_850 = tpu.vector_load %arg11[%swap3A_849] {strides = array<i32>} : memref<512xi32, #tpu.memory_space<vmem>>, vector<16xi32>,
    %swap3A_851 = vector.shape_cast %swap3A_850 : vector<16xi32> to vector<16xi32>
    %swap3A_852 = vector.shape_cast %add3A_848 : vector<16xi32> to vector<16xi32>
    tpu.vector_store %arg11[%swap3A_849], %swap3A_852 {strides = array<i32>} : memref<512xi32, #tpu.memory_space<vmem>>, vector<16xi32>,
    %get3A_853 = arith.constant 464 : index
    %get3A_854 = tpu.vector_load %arg6[%get3A_853] {strides = array<i32>} : memref<512xi32, #tpu.memory_space<vmem>>, vector<16xi32>,
    %get3A_855 = vector.shape_cast %get3A_854 : vector<16xi32> to vector<16xi32>
    %mul3A_856 = arith.constant 20 : i32
    %mul3A_857 = vector.broadcast %mul3A_856 : i32 to vector<16xi32>
    %mul3A_858 = arith.muli %get3A_855, %mul3A_857 : vector<16xi32>
    %get3A_859 = arith.constant 464 : index
    %get3A_860 = tpu.vector_load %arg7[%get3A_859] {strides = array<i32>} : memref<512xi32, #tpu.memory_space<vmem>>, vector<16xi32>,
    %get3A_861 = vector.shape_cast %get3A_860 : vector<16xi32> to vector<16xi32>
    %add3A_862 = arith.addi %mul3A_858, %get3A_861 : vector<16xi32>
    %swap3A_863 = arith.constant 464 : index
    %swap3A_864 = tpu.vector_load %arg10[%swap3A_863] {strides = array<i32>} : memref<512xi32, #tpu.memory_space<vmem>>, vector<16xi32>,
    %swap3A_865 = vector.shape_cast %swap3A_864 : vector<16xi32> to vector<16xi32>
    %swap3A_866 = vector.shape_cast %add3A_862 : vector<16xi32> to vector<16xi32>
    tpu.vector_store %arg10[%swap3A_863], %swap3A_866 {strides = array<i32>} : memref<512xi32, #tpu.memory_space<vmem>>, vector<16xi32>,
    %get3A_867 = arith.constant 464 : index
    %get3A_868 = tpu.vector_load %arg8[%get3A_867] {strides = array<i32>} : memref<512xi32, #tpu.memory_space<vmem>>, vector<16xi32>,
    %get3A_869 = vector.shape_cast %get3A_868 : vector<16xi32> to vector<16xi32>
    %mul3A_870 = arith.constant 10 : i32
    %mul3A_871 = vector.broadcast %mul3A_870 : i32 to vector<16xi32>
    %mul3A_872 = arith.muli %get3A_869, %mul3A_871 : vector<16xi32>
    %get3A_873 = arith.constant 464 : index
    %get3A_874 = tpu.vector_load %arg9[%get3A_873] {strides = array<i32>} : memref<512xi32, #tpu.memory_space<vmem>>, vector<16xi32>,
    %get3A_875 = vector.shape_cast %get3A_874 : vector<16xi32> to vector<16xi32>
    %add3A_876 = arith.addi %mul3A_872, %get3A_875 : vector<16xi32>
    %swap3A_877 = arith.constant 464 : index
    %swap3A_878 = tpu.vector_load %arg11[%swap3A_877] {strides = array<i32>} : memref<512xi32, #tpu.memory_space<vmem>>, vector<16xi32>,
    %swap3A_879 = vector.shape_cast %swap3A_878 : vector<16xi32> to vector<16xi32>
    %swap3A_880 = vector.shape_cast %add3A_876 : vector<16xi32> to vector<16xi32>
    tpu.vector_store %arg11[%swap3A_877], %swap3A_880 {strides = array<i32>} : memref<512xi32, #tpu.memory_space<vmem>>, vector<16xi32>,
    %get3A_881 = arith.constant 480 : index
    %get3A_882 = tpu.vector_load %arg6[%get3A_881] {strides = array<i32>} : memref<512xi32, #tpu.memory_space<vmem>>, vector<16xi32>,
    %get3A_883 = vector.shape_cast %get3A_882 : vector<16xi32> to vector<16xi32>
    %mul3A_884 = arith.constant 20 : i32
    %mul3A_885 = vector.broadcast %mul3A_884 : i32 to vector<16xi32>
    %mul3A_886 = arith.muli %get3A_883, %mul3A_885 : vector<16xi32>
    %get3A_887 = arith.constant 480 : index
    %get3A_888 = tpu.vector_load %arg7[%get3A_887] {strides = array<i32>} : memref<512xi32, #tpu.memory_space<vmem>>, vector<16xi32>,
    %get3A_889 = vector.shape_cast %get3A_888 : vector<16xi32> to vector<16xi32>
    %add3A_890 = arith.addi %mul3A_886, %get3A_889 : vector<16xi32>
    %swap3A_891 = arith.constant 480 : index
    %swap3A_892 = tpu.vector_load %arg10[%swap3A_891] {strides = array<i32>} : memref<512xi32, #tpu.memory_space<vmem>>, vector<16xi32>,
    %swap3A_893 = vector.shape_cast %swap3A_892 : vector<16xi32> to vector<16xi32>
    %swap3A_894 = vector.shape_cast %add3A_890 : vector<16xi32> to vector<16xi32>
    tpu.vector_store %arg10[%swap3A_891], %swap3A_894 {strides = array<i32>} : memref<512xi32, #tpu.memory_space<vmem>>, vector<16xi32>,
    %get3A_895 = arith.constant 480 : index
    %get3A_896 = tpu.vector_load %arg8[%get3A_895] {strides = array<i32>} : memref<512xi32, #tpu.memory_space<vmem>>, vector<16xi32>,
    %get3A_897 = vector.shape_cast %get3A_896 : vector<16xi32> to vector<16xi32>
    %mul3A_898 = arith.constant 10 : i32
    %mul3A_899 = vector.broadcast %mul3A_898 : i32 to vector<16xi32>
    %mul3A_900 = arith.muli %get3A_897, %mul3A_899 : vector<16xi32>
    %get3A_901 = arith.constant 480 : index
    %get3A_902 = tpu.vector_load %arg9[%get3A_901] {strides = array<i32>} : memref<512xi32, #tpu.memory_space<vmem>>, vector<16xi32>,
    %get3A_903 = vector.shape_cast %get3A_902 : vector<16xi32> to vector<16xi32>
    %add3A_904 = arith.addi %mul3A_900, %get3A_903 : vector<16xi32>
    %swap3A_905 = arith.constant 480 : index
    %swap3A_906 = tpu.vector_load %arg11[%swap3A_905] {strides = array<i32>} : memref<512xi32, #tpu.memory_space<vmem>>, vector<16xi32>,
    %swap3A_907 = vector.shape_cast %swap3A_906 : vector<16xi32> to vector<16xi32>
    %swap3A_908 = vector.shape_cast %add3A_904 : vector<16xi32> to vector<16xi32>
    tpu.vector_store %arg11[%swap3A_905], %swap3A_908 {strides = array<i32>} : memref<512xi32, #tpu.memory_space<vmem>>, vector<16xi32>,
    %get3A_909 = arith.constant 496 : index
    %get3A_910 = tpu.vector_load %arg6[%get3A_909] {strides = array<i32>} : memref<512xi32, #tpu.memory_space<vmem>>, vector<16xi32>,
    %get3A_911 = vector.shape_cast %get3A_910 : vector<16xi32> to vector<16xi32>
    %mul3A_912 = arith.constant 20 : i32
    %mul3A_913 = vector.broadcast %mul3A_912 : i32 to vector<16xi32>
    %mul3A_914 = arith.muli %get3A_911, %mul3A_913 : vector<16xi32>
    %get3A_915 = arith.constant 496 : index
    %get3A_916 = tpu.vector_load %arg7[%get3A_915] {strides = array<i32>} : memref<512xi32, #tpu.memory_space<vmem>>, vector<16xi32>,
    %get3A_917 = vector.shape_cast %get3A_916 : vector<16xi32> to vector<16xi32>
    %add3A_918 = arith.addi %mul3A_914, %get3A_917 : vector<16xi32>
    %swap3A_919 = arith.constant 496 : index
    %swap3A_920 = tpu.vector_load %arg10[%swap3A_919] {strides = array<i32>} : memref<512xi32, #tpu.memory_space<vmem>>, vector<16xi32>,
    %swap3A_921 = vector.shape_cast %swap3A_920 : vector<16xi32> to vector<16xi32>
    %swap3A_922 = vector.shape_cast %add3A_918 : vector<16xi32> to vector<16xi32>
    tpu.vector_store %arg10[%swap3A_919], %swap3A_922 {strides = array<i32>} : memref<512xi32, #tpu.memory_space<vmem>>, vector<16xi32>,
    %get3A_923 = arith.constant 496 : index
    %get3A_924 = tpu.vector_load %arg8[%get3A_923] {strides = array<i32>} : memref<512xi32, #tpu.memory_space<vmem>>, vector<16xi32>,
    %get3A_925 = vector.shape_cast %get3A_924 : vector<16xi32> to vector<16xi32>
    %mul3A_926 = arith.constant 10 : i32
    %mul3A_927 = vector.broadcast %mul3A_926 : i32 to vector<16xi32>
    %mul3A_928 = arith.muli %get3A_925, %mul3A_927 : vector<16xi32>
    %get3A_929 = arith.constant 496 : index
    %get3A_930 = tpu.vector_load %arg9[%get3A_929] {strides = array<i32>} : memref<512xi32, #tpu.memory_space<vmem>>, vector<16xi32>,
    %get3A_931 = vector.shape_cast %get3A_930 : vector<16xi32> to vector<16xi32>
    %add3A_932 = arith.addi %mul3A_928, %get3A_931 : vector<16xi32>
    %swap3A_933 = arith.constant 496 : index
    %swap3A_934 = tpu.vector_load %arg11[%swap3A_933] {strides = array<i32>} : memref<512xi32, #tpu.memory_space<vmem>>, vector<16xi32>,
    %swap3A_935 = vector.shape_cast %swap3A_934 : vector<16xi32> to vector<16xi32>
    %swap3A_936 = vector.shape_cast %add3A_932 : vector<16xi32> to vector<16xi32>
    tpu.vector_store %arg11[%swap3A_933], %swap3A_936 {strides = array<i32>} : memref<512xi32, #tpu.memory_space<vmem>>, vector<16xi32>,
    %barrier3A = arith.constant 0 : index
    tpu.barrier barrier_id(%barrier3A)
    %dma_start3A_937 = arith.constant 0 : i32
    %dma_start3A_938 = tpu.memref_slice %arg10[%dma_start3A_937] : memref<512xi32, #tpu.memory_space<vmem>> -> memref<128xi32, #tpu.memory_space<vmem>>
    %dma_start3A_939 = arith.constant 0 : i32
    %dma_start3A_940 = arith.constant 0 : i32
    %dma_start3A_941 = tpu.memref_slice %arg18[%dma_start3A_939, %dma_start3A_940] : memref<400x128xf32, #tpu.memory_space<vmem_shared>> -> memref<400x128xf32, #tpu.memory_space<vmem_shared>>
    tpu.enqueue_indirect_dma source(%dma_start3A_941 : memref<400x128xf32, #tpu.memory_space<vmem_shared>>) target(%arg12 : memref<128x128xf32, #tpu.memory_space<vmem>>) offsets(%dma_start3A_938 : memref<128xi32, #tpu.memory_space<vmem>>) semaphore(%arg21 : memref<!tpu.dma_semaphore, #tpu.memory_space<semaphore_mem>>)
    %dma_start3A_942 = arith.constant 0 : i32
    %dma_start3A_943 = tpu.memref_slice %arg11[%dma_start3A_942] : memref<512xi32, #tpu.memory_space<vmem>> -> memref<128xi32, #tpu.memory_space<vmem>>
    %dma_start3A_944 = arith.constant 0 : i32
    %dma_start3A_945 = arith.constant 0 : i32
    %dma_start3A_946 = tpu.memref_slice %arg19[%dma_start3A_944, %dma_start3A_945] : memref<100x128xf32, #tpu.memory_space<vmem_shared>> -> memref<100x128xf32, #tpu.memory_space<vmem_shared>>
    tpu.enqueue_indirect_dma source(%dma_start3A_946 : memref<100x128xf32, #tpu.memory_space<vmem_shared>>) target(%arg15 : memref<128x128xf32, #tpu.memory_space<vmem>>) offsets(%dma_start3A_943 : memref<128xi32, #tpu.memory_space<vmem>>) semaphore(%arg21 : memref<!tpu.dma_semaphore, #tpu.memory_space<semaphore_mem>>)
    %dma_start3A_947 = arith.constant 128 : i32
    %dma_start3A_948 = tpu.memref_slice %arg10[%dma_start3A_947] : memref<512xi32, #tpu.memory_space<vmem>> -> memref<128xi32, #tpu.memory_space<vmem>>
    %dma_start3A_949 = arith.constant 0 : i32
    %dma_start3A_950 = arith.constant 0 : i32
    %dma_start3A_951 = tpu.memref_slice %arg18[%dma_start3A_949, %dma_start3A_950] : memref<400x128xf32, #tpu.memory_space<vmem_shared>> -> memref<400x128xf32, #tpu.memory_space<vmem_shared>>
    tpu.enqueue_indirect_dma source(%dma_start3A_951 : memref<400x128xf32, #tpu.memory_space<vmem_shared>>) target(%arg13 : memref<128x128xf32, #tpu.memory_space<vmem>>) offsets(%dma_start3A_948 : memref<128xi32, #tpu.memory_space<vmem>>) semaphore(%arg22 : memref<!tpu.dma_semaphore, #tpu.memory_space<semaphore_mem>>)
    %dma_start3A_952 = arith.constant 128 : i32
    %dma_start3A_953 = tpu.memref_slice %arg11[%dma_start3A_952] : memref<512xi32, #tpu.memory_space<vmem>> -> memref<128xi32, #tpu.memory_space<vmem>>
    %dma_start3A_954 = arith.constant 0 : i32
    %dma_start3A_955 = arith.constant 0 : i32
    %dma_start3A_956 = tpu.memref_slice %arg19[%dma_start3A_954, %dma_start3A_955] : memref<100x128xf32, #tpu.memory_space<vmem_shared>> -> memref<100x128xf32, #tpu.memory_space<vmem_shared>>
    tpu.enqueue_indirect_dma source(%dma_start3A_956 : memref<100x128xf32, #tpu.memory_space<vmem_shared>>) target(%arg16 : memref<128x128xf32, #tpu.memory_space<vmem>>) offsets(%dma_start3A_953 : memref<128xi32, #tpu.memory_space<vmem>>) semaphore(%arg22 : memref<!tpu.dma_semaphore, #tpu.memory_space<semaphore_mem>>)
    %dma_start3A_957 = arith.constant 256 : i32
    %dma_start3A_958 = tpu.memref_slice %arg10[%dma_start3A_957] : memref<512xi32, #tpu.memory_space<vmem>> -> memref<128xi32, #tpu.memory_space<vmem>>
    %dma_start3A_959 = arith.constant 0 : i32
    %dma_start3A_960 = arith.constant 0 : i32
    %dma_start3A_961 = tpu.memref_slice %arg18[%dma_start3A_959, %dma_start3A_960] : memref<400x128xf32, #tpu.memory_space<vmem_shared>> -> memref<400x128xf32, #tpu.memory_space<vmem_shared>>
    tpu.enqueue_indirect_dma source(%dma_start3A_961 : memref<400x128xf32, #tpu.memory_space<vmem_shared>>) target(%arg14 : memref<128x128xf32, #tpu.memory_space<vmem>>) offsets(%dma_start3A_958 : memref<128xi32, #tpu.memory_space<vmem>>) semaphore(%arg23 : memref<!tpu.dma_semaphore, #tpu.memory_space<semaphore_mem>>)
    %dma_start3A_962 = arith.constant 256 : i32
    %dma_start3A_963 = tpu.memref_slice %arg11[%dma_start3A_962] : memref<512xi32, #tpu.memory_space<vmem>> -> memref<128xi32, #tpu.memory_space<vmem>>
    %dma_start3A_964 = arith.constant 0 : i32
    %dma_start3A_965 = arith.constant 0 : i32
    %dma_start3A_966 = tpu.memref_slice %arg19[%dma_start3A_964, %dma_start3A_965] : memref<100x128xf32, #tpu.memory_space<vmem_shared>> -> memref<100x128xf32, #tpu.memory_space<vmem_shared>>
    tpu.enqueue_indirect_dma source(%dma_start3A_966 : memref<100x128xf32, #tpu.memory_space<vmem_shared>>) target(%arg17 : memref<128x128xf32, #tpu.memory_space<vmem>>) offsets(%dma_start3A_963 : memref<128xi32, #tpu.memory_space<vmem>>) semaphore(%arg23 : memref<!tpu.dma_semaphore, #tpu.memory_space<semaphore_mem>>)
    %dma_wait3A_967 = arith.constant 0 : i32
    %dma_wait3A_968 = tpu.memref_slice %arg10[%dma_wait3A_967] : memref<512xi32, #tpu.memory_space<vmem>> -> memref<128xi32, #tpu.memory_space<vmem>>
    %dma_wait3A_969 = arith.constant 0 : i32
    %dma_wait3A_970 = arith.constant 0 : i32
    %dma_wait3A_971 = tpu.memref_slice %arg18[%dma_wait3A_969, %dma_wait3A_970] : memref<400x128xf32, #tpu.memory_space<vmem_shared>> -> memref<400x128xf32, #tpu.memory_space<vmem_shared>>
    tpu.wait_indirect_dma semaphore(%arg21 : memref<!tpu.dma_semaphore, #tpu.memory_space<semaphore_mem>>) src(%dma_wait3A_971 : memref<400x128xf32, #tpu.memory_space<vmem_shared>>) dst(%arg12 : memref<128x128xf32, #tpu.memory_space<vmem>>)
    %dma_wait3A_972 = arith.constant 0 : i32
    %dma_wait3A_973 = tpu.memref_slice %arg11[%dma_wait3A_972] : memref<512xi32, #tpu.memory_space<vmem>> -> memref<128xi32, #tpu.memory_space<vmem>>
    %dma_wait3A_974 = arith.constant 0 : i32
    %dma_wait3A_975 = arith.constant 0 : i32
    %dma_wait3A_976 = tpu.memref_slice %arg19[%dma_wait3A_974, %dma_wait3A_975] : memref<100x128xf32, #tpu.memory_space<vmem_shared>> -> memref<100x128xf32, #tpu.memory_space<vmem_shared>>
    tpu.wait_indirect_dma semaphore(%arg21 : memref<!tpu.dma_semaphore, #tpu.memory_space<semaphore_mem>>) src(%dma_wait3A_976 : memref<100x128xf32, #tpu.memory_space<vmem_shared>>) dst(%arg15 : memref<128x128xf32, #tpu.memory_space<vmem>>)
    %scan3A = arith.constant 0 : i32
    %scan3A_977 = arith.constant 0 : i32
    %scan3A_978 = arith.constant 32 : i32
    %scan3A_979 = arith.addi %scan3A_977, %scan3A_978 : i32
    %scan3A_980 = arith.constant 1 : i32
    scf.for %scan3A_1080 = %scan3A_977 to %scan3A_979 step %scan3A_980  : i32 {
      %mul3A_1081 = arith.constant 4 : i32
      %mul3A_1082 = arith.muli %scan3A_1080, %mul3A_1081 : i32
      %add3A_1083 = arith.constant 0 : i32
      %add3A_1084 = arith.addi %mul3A_1082, %add3A_1083 : i32
      %mul3A_1085 = arith.constant 4 : i32
      %mul3A_1086 = arith.muli %scan3A_1080, %mul3A_1085 : i32
      %add3A_1087 = arith.constant 0 : i32
      %add3A_1088 = arith.addi %mul3A_1086, %add3A_1087 : i32
      %get3A_1089 = arith.index_cast %add3A_1088 : i32 to index
      %get3A_1090 = arith.constant 0 : index
      %get3A_1091 = tpu.vector_load %arg15[%get3A_1089, %get3A_1090] {strides = array<i32>} : memref<128x128xf32, #tpu.memory_space<vmem>>, vector<1x16xf32>,
      %get3A_1092 = vector.shape_cast %get3A_1091 : vector<1x16xf32> to vector<16xf32>
      %swap3A_1093 = arith.index_cast %add3A_1084 : i32 to index
      %swap3A_1094 = arith.constant 0 : index
      %swap3A_1095 = tpu.vector_load %arg12[%swap3A_1093, %swap3A_1094] {strides = array<i32>} : memref<128x128xf32, #tpu.memory_space<vmem>>, vector<1x16xf32>,
      %swap3A_1096 = vector.shape_cast %swap3A_1095 : vector<1x16xf32> to vector<16xf32>
      %swap3A_1097 = vector.shape_cast %get3A_1092 : vector<16xf32> to vector<1x16xf32>
      tpu.vector_store %arg12[%swap3A_1093, %swap3A_1094], %swap3A_1097 {add = true, strides = array<i32>} : memref<128x128xf32, #tpu.memory_space<vmem>>, vector<1x16xf32>,
      %mul3A_1098 = arith.constant 4 : i32
      %mul3A_1099 = arith.muli %scan3A_1080, %mul3A_1098 : i32
      %add3A_1100 = arith.constant 0 : i32
      %add3A_1101 = arith.addi %mul3A_1099, %add3A_1100 : i32
      %mul3A_1102 = arith.constant 4 : i32
      %mul3A_1103 = arith.muli %scan3A_1080, %mul3A_1102 : i32
      %add3A_1104 = arith.constant 0 : i32
      %add3A_1105 = arith.addi %mul3A_1103, %add3A_1104 : i32
      %get3A_1106 = arith.index_cast %add3A_1105 : i32 to index
      %get3A_1107 = arith.constant 16 : index
      %get3A_1108 = tpu.vector_load %arg15[%get3A_1106, %get3A_1107] {strides = array<i32>} : memref<128x128xf32, #tpu.memory_space<vmem>>, vector<1x16xf32>,
      %get3A_1109 = vector.shape_cast %get3A_1108 : vector<1x16xf32> to vector<16xf32>
      %swap3A_1110 = arith.index_cast %add3A_1101 : i32 to index
      %swap3A_1111 = arith.constant 16 : index
      %swap3A_1112 = tpu.vector_load %arg12[%swap3A_1110, %swap3A_1111] {strides = array<i32>} : memref<128x128xf32, #tpu.memory_space<vmem>>, vector<1x16xf32>,
      %swap3A_1113 = vector.shape_cast %swap3A_1112 : vector<1x16xf32> to vector<16xf32>
      %swap3A_1114 = vector.shape_cast %get3A_1109 : vector<16xf32> to vector<1x16xf32>
      tpu.vector_store %arg12[%swap3A_1110, %swap3A_1111], %swap3A_1114 {add = true, strides = array<i32>} : memref<128x128xf32, #tpu.memory_space<vmem>>, vector<1x16xf32>,
      %mul3A_1115 = arith.constant 4 : i32
      %mul3A_1116 = arith.muli %scan3A_1080, %mul3A_1115 : i32
      %add3A_1117 = arith.constant 0 : i32
      %add3A_1118 = arith.addi %mul3A_1116, %add3A_1117 : i32
      %mul3A_1119 = arith.constant 4 : i32
      %mul3A_1120 = arith.muli %scan3A_1080, %mul3A_1119 : i32
      %add3A_1121 = arith.constant 0 : i32
      %add3A_1122 = arith.addi %mul3A_1120, %add3A_1121 : i32
      %get3A_1123 = arith.index_cast %add3A_1122 : i32 to index
      %get3A_1124 = arith.constant 32 : index
      %get3A_1125 = tpu.vector_load %arg15[%get3A_1123, %get3A_1124] {strides = array<i32>} : memref<128x128xf32, #tpu.memory_space<vmem>>, vector<1x16xf32>,
      %get3A_1126 = vector.shape_cast %get3A_1125 : vector<1x16xf32> to vector<16xf32>
      %swap3A_1127 = arith.index_cast %add3A_1118 : i32 to index
      %swap3A_1128 = arith.constant 32 : index
      %swap3A_1129 = tpu.vector_load %arg12[%swap3A_1127, %swap3A_1128] {strides = array<i32>} : memref<128x128xf32, #tpu.memory_space<vmem>>, vector<1x16xf32>,
      %swap3A_1130 = vector.shape_cast %swap3A_1129 : vector<1x16xf32> to vector<16xf32>
      %swap3A_1131 = vector.shape_cast %get3A_1126 : vector<16xf32> to vector<1x16xf32>
      tpu.vector_store %arg12[%swap3A_1127, %swap3A_1128], %swap3A_1131 {add = true, strides = array<i32>} : memref<128x128xf32, #tpu.memory_space<vmem>>, vector<1x16xf32>,
      %mul3A_1132 = arith.constant 4 : i32
      %mul3A_1133 = arith.muli %scan3A_1080, %mul3A_1132 : i32
      %add3A_1134 = arith.constant 0 : i32
      %add3A_1135 = arith.addi %mul3A_1133, %add3A_1134 : i32
      %mul3A_1136 = arith.constant 4 : i32
      %mul3A_1137 = arith.muli %scan3A_1080, %mul3A_1136 : i32
      %add3A_1138 = arith.constant 0 : i32
      %add3A_1139 = arith.addi %mul3A_1137, %add3A_1138 : i32
      %get3A_1140 = arith.index_cast %add3A_1139 : i32 to index
      %get3A_1141 = arith.constant 48 : index
      %get3A_1142 = tpu.vector_load %arg15[%get3A_1140, %get3A_1141] {strides = array<i32>} : memref<128x128xf32, #tpu.memory_space<vmem>>, vector<1x16xf32>,
      %get3A_1143 = vector.shape_cast %get3A_1142 : vector<1x16xf32> to vector<16xf32>
      %swap3A_1144 = arith.index_cast %add3A_1135 : i32 to index
      %swap3A_1145 = arith.constant 48 : index
      %swap3A_1146 = tpu.vector_load %arg12[%swap3A_1144, %swap3A_1145] {strides = array<i32>} : memref<128x128xf32, #tpu.memory_space<vmem>>, vector<1x16xf32>,
      %swap3A_1147 = vector.shape_cast %swap3A_1146 : vector<1x16xf32> to vector<16xf32>
      %swap3A_1148 = vector.shape_cast %get3A_1143 : vector<16xf32> to vector<1x16xf32>
      tpu.vector_store %arg12[%swap3A_1144, %swap3A_1145], %swap3A_1148 {add = true, strides = array<i32>} : memref<128x128xf32, #tpu.memory_space<vmem>>, vector<1x16xf32>,
      %mul3A_1149 = arith.constant 4 : i32
      %mul3A_1150 = arith.muli %scan3A_1080, %mul3A_1149 : i32
      %add3A_1151 = arith.constant 0 : i32
      %add3A_1152 = arith.addi %mul3A_1150, %add3A_1151 : i32
      %mul3A_1153 = arith.constant 4 : i32
      %mul3A_1154 = arith.muli %scan3A_1080, %mul3A_1153 : i32
      %add3A_1155 = arith.constant 0 : i32
      %add3A_1156 = arith.addi %mul3A_1154, %add3A_1155 : i32
      %get3A_1157 = arith.index_cast %add3A_1156 : i32 to index
      %get3A_1158 = arith.constant 64 : index
      %get3A_1159 = tpu.vector_load %arg15[%get3A_1157, %get3A_1158] {strides = array<i32>} : memref<128x128xf32, #tpu.memory_space<vmem>>, vector<1x16xf32>,
      %get3A_1160 = vector.shape_cast %get3A_1159 : vector<1x16xf32> to vector<16xf32>
      %swap3A_1161 = arith.index_cast %add3A_1152 : i32 to index
      %swap3A_1162 = arith.constant 64 : index
      %swap3A_1163 = tpu.vector_load %arg12[%swap3A_1161, %swap3A_1162] {strides = array<i32>} : memref<128x128xf32, #tpu.memory_space<vmem>>, vector<1x16xf32>,
      %swap3A_1164 = vector.shape_cast %swap3A_1163 : vector<1x16xf32> to vector<16xf32>
      %swap3A_1165 = vector.shape_cast %get3A_1160 : vector<16xf32> to vector<1x16xf32>
      tpu.vector_store %arg12[%swap3A_1161, %swap3A_1162], %swap3A_1165 {add = true, strides = array<i32>} : memref<128x128xf32, #tpu.memory_space<vmem>>, vector<1x16xf32>,
      %mul3A_1166 = arith.constant 4 : i32
      %mul3A_1167 = arith.muli %scan3A_1080, %mul3A_1166 : i32
      %add3A_1168 = arith.constant 0 : i32
      %add3A_1169 = arith.addi %mul3A_1167, %add3A_1168 : i32
      %mul3A_1170 = arith.constant 4 : i32
      %mul3A_1171 = arith.muli %scan3A_1080, %mul3A_1170 : i32
      %add3A_1172 = arith.constant 0 : i32
      %add3A_1173 = arith.addi %mul3A_1171, %add3A_1172 : i32
      %get3A_1174 = arith.index_cast %add3A_1173 : i32 to index
      %get3A_1175 = arith.constant 80 : index
      %get3A_1176 = tpu.vector_load %arg15[%get3A_1174, %get3A_1175] {strides = array<i32>} : memref<128x128xf32, #tpu.memory_space<vmem>>, vector<1x16xf32>,
      %get3A_1177 = vector.shape_cast %get3A_1176 : vector<1x16xf32> to vector<16xf32>
      %swap3A_1178 = arith.index_cast %add3A_1169 : i32 to index
      %swap3A_1179 = arith.constant 80 : index
      %swap3A_1180 = tpu.vector_load %arg12[%swap3A_1178, %swap3A_1179] {strides = array<i32>} : memref<128x128xf32, #tpu.memory_space<vmem>>, vector<1x16xf32>,
      %swap3A_1181 = vector.shape_cast %swap3A_1180 : vector<1x16xf32> to vector<16xf32>
      %swap3A_1182 = vector.shape_cast %get3A_1177 : vector<16xf32> to vector<1x16xf32>
      tpu.vector_store %arg12[%swap3A_1178, %swap3A_1179], %swap3A_1182 {add = true, strides = array<i32>} : memref<128x128xf32, #tpu.memory_space<vmem>>, vector<1x16xf32>,
      %mul3A_1183 = arith.constant 4 : i32
      %mul3A_1184 = arith.muli %scan3A_1080, %mul3A_1183 : i32
      %add3A_1185 = arith.constant 0 : i32
      %add3A_1186 = arith.addi %mul3A_1184, %add3A_1185 : i32
      %mul3A_1187 = arith.constant 4 : i32
      %mul3A_1188 = arith.muli %scan3A_1080, %mul3A_1187 : i32
      %add3A_1189 = arith.constant 0 : i32
      %add3A_1190 = arith.addi %mul3A_1188, %add3A_1189 : i32
      %get3A_1191 = arith.index_cast %add3A_1190 : i32 to index
      %get3A_1192 = arith.constant 96 : index
      %get3A_1193 = tpu.vector_load %arg15[%get3A_1191, %get3A_1192] {strides = array<i32>} : memref<128x128xf32, #tpu.memory_space<vmem>>, vector<1x16xf32>,
      %get3A_1194 = vector.shape_cast %get3A_1193 : vector<1x16xf32> to vector<16xf32>
      %swap3A_1195 = arith.index_cast %add3A_1186 : i32 to index
      %swap3A_1196 = arith.constant 96 : index
      %swap3A_1197 = tpu.vector_load %arg12[%swap3A_1195, %swap3A_1196] {strides = array<i32>} : memref<128x128xf32, #tpu.memory_space<vmem>>, vector<1x16xf32>,
      %swap3A_1198 = vector.shape_cast %swap3A_1197 : vector<1x16xf32> to vector<16xf32>
      %swap3A_1199 = vector.shape_cast %get3A_1194 : vector<16xf32> to vector<1x16xf32>
      tpu.vector_store %arg12[%swap3A_1195, %swap3A_1196], %swap3A_1199 {add = true, strides = array<i32>} : memref<128x128xf32, #tpu.memory_space<vmem>>, vector<1x16xf32>,
      %mul3A_1200 = arith.constant 4 : i32
      %mul3A_1201 = arith.muli %scan3A_1080, %mul3A_1200 : i32
      %add3A_1202 = arith.constant 0 : i32
      %add3A_1203 = arith.addi %mul3A_1201, %add3A_1202 : i32
      %mul3A_1204 = arith.constant 4 : i32
      %mul3A_1205 = arith.muli %scan3A_1080, %mul3A_1204 : i32
      %add3A_1206 = arith.constant 0 : i32
      %add3A_1207 = arith.addi %mul3A_1205, %add3A_1206 : i32
      %get3A_1208 = arith.index_cast %add3A_1207 : i32 to index
      %get3A_1209 = arith.constant 112 : index
      %get3A_1210 = tpu.vector_load %arg15[%get3A_1208, %get3A_1209] {strides = array<i32>} : memref<128x128xf32, #tpu.memory_space<vmem>>, vector<1x16xf32>,
      %get3A_1211 = vector.shape_cast %get3A_1210 : vector<1x16xf32> to vector<16xf32>
      %swap3A_1212 = arith.index_cast %add3A_1203 : i32 to index
      %swap3A_1213 = arith.constant 112 : index
      %swap3A_1214 = tpu.vector_load %arg12[%swap3A_1212, %swap3A_1213] {strides = array<i32>} : memref<128x128xf32, #tpu.memory_space<vmem>>, vector<1x16xf32>,
      %swap3A_1215 = vector.shape_cast %swap3A_1214 : vector<1x16xf32> to vector<16xf32>
      %swap3A_1216 = vector.shape_cast %get3A_1211 : vector<16xf32> to vector<1x16xf32>
      tpu.vector_store %arg12[%swap3A_1212, %swap3A_1213], %swap3A_1216 {add = true, strides = array<i32>} : memref<128x128xf32, #tpu.memory_space<vmem>>, vector<1x16xf32>,
      %mul3A_1217 = arith.constant 4 : i32
      %mul3A_1218 = arith.muli %scan3A_1080, %mul3A_1217 : i32
      %add3A_1219 = arith.constant 1 : i32
      %add3A_1220 = arith.addi %mul3A_1218, %add3A_1219 : i32
      %mul3A_1221 = arith.constant 4 : i32
      %mul3A_1222 = arith.muli %scan3A_1080, %mul3A_1221 : i32
      %add3A_1223 = arith.constant 1 : i32
      %add3A_1224 = arith.addi %mul3A_1222, %add3A_1223 : i32
      %get3A_1225 = arith.index_cast %add3A_1224 : i32 to index
      %get3A_1226 = arith.constant 0 : index
      %get3A_1227 = tpu.vector_load %arg15[%get3A_1225, %get3A_1226] {strides = array<i32>} : memref<128x128xf32, #tpu.memory_space<vmem>>, vector<1x16xf32>,
      %get3A_1228 = vector.shape_cast %get3A_1227 : vector<1x16xf32> to vector<16xf32>
      %swap3A_1229 = arith.index_cast %add3A_1220 : i32 to index
      %swap3A_1230 = arith.constant 0 : index
      %swap3A_1231 = tpu.vector_load %arg12[%swap3A_1229, %swap3A_1230] {strides = array<i32>} : memref<128x128xf32, #tpu.memory_space<vmem>>, vector<1x16xf32>,
      %swap3A_1232 = vector.shape_cast %swap3A_1231 : vector<1x16xf32> to vector<16xf32>
      %swap3A_1233 = vector.shape_cast %get3A_1228 : vector<16xf32> to vector<1x16xf32>
      tpu.vector_store %arg12[%swap3A_1229, %swap3A_1230], %swap3A_1233 {add = true, strides = array<i32>} : memref<128x128xf32, #tpu.memory_space<vmem>>, vector<1x16xf32>,
      %mul3A_1234 = arith.constant 4 : i32
      %mul3A_1235 = arith.muli %scan3A_1080, %mul3A_1234 : i32
      %add3A_1236 = arith.constant 1 : i32
      %add3A_1237 = arith.addi %mul3A_1235, %add3A_1236 : i32
      %mul3A_1238 = arith.constant 4 : i32
      %mul3A_1239 = arith.muli %scan3A_1080, %mul3A_1238 : i32
      %add3A_1240 = arith.constant 1 : i32
      %add3A_1241 = arith.addi %mul3A_1239, %add3A_1240 : i32
      %get3A_1242 = arith.index_cast %add3A_1241 : i32 to index
      %get3A_1243 = arith.constant 16 : index
      %get3A_1244 = tpu.vector_load %arg15[%get3A_1242, %get3A_1243] {strides = array<i32>} : memref<128x128xf32, #tpu.memory_space<vmem>>, vector<1x16xf32>,
      %get3A_1245 = vector.shape_cast %get3A_1244 : vector<1x16xf32> to vector<16xf32>
      %swap3A_1246 = arith.index_cast %add3A_1237 : i32 to index
      %swap3A_1247 = arith.constant 16 : index
      %swap3A_1248 = tpu.vector_load %arg12[%swap3A_1246, %swap3A_1247] {strides = array<i32>} : memref<128x128xf32, #tpu.memory_space<vmem>>, vector<1x16xf32>,
      %swap3A_1249 = vector.shape_cast %swap3A_1248 : vector<1x16xf32> to vector<16xf32>
      %swap3A_1250 = vector.shape_cast %get3A_1245 : vector<16xf32> to vector<1x16xf32>
      tpu.vector_store %arg12[%swap3A_1246, %swap3A_1247], %swap3A_1250 {add = true, strides = array<i32>} : memref<128x128xf32, #tpu.memory_space<vmem>>, vector<1x16xf32>,
      %mul3A_1251 = arith.constant 4 : i32
      %mul3A_1252 = arith.muli %scan3A_1080, %mul3A_1251 : i32
      %add3A_1253 = arith.constant 1 : i32
      %add3A_1254 = arith.addi %mul3A_1252, %add3A_1253 : i32
      %mul3A_1255 = arith.constant 4 : i32
      %mul3A_1256 = arith.muli %scan3A_1080, %mul3A_1255 : i32
      %add3A_1257 = arith.constant 1 : i32
      %add3A_1258 = arith.addi %mul3A_1256, %add3A_1257 : i32
      %get3A_1259 = arith.index_cast %add3A_1258 : i32 to index
      %get3A_1260 = arith.constant 32 : index
      %get3A_1261 = tpu.vector_load %arg15[%get3A_1259, %get3A_1260] {strides = array<i32>} : memref<128x128xf32, #tpu.memory_space<vmem>>, vector<1x16xf32>,
      %get3A_1262 = vector.shape_cast %get3A_1261 : vector<1x16xf32> to vector<16xf32>
      %swap3A_1263 = arith.index_cast %add3A_1254 : i32 to index
      %swap3A_1264 = arith.constant 32 : index
      %swap3A_1265 = tpu.vector_load %arg12[%swap3A_1263, %swap3A_1264] {strides = array<i32>} : memref<128x128xf32, #tpu.memory_space<vmem>>, vector<1x16xf32>,
      %swap3A_1266 = vector.shape_cast %swap3A_1265 : vector<1x16xf32> to vector<16xf32>
      %swap3A_1267 = vector.shape_cast %get3A_1262 : vector<16xf32> to vector<1x16xf32>
      tpu.vector_store %arg12[%swap3A_1263, %swap3A_1264], %swap3A_1267 {add = true, strides = array<i32>} : memref<128x128xf32, #tpu.memory_space<vmem>>, vector<1x16xf32>,
      %mul3A_1268 = arith.constant 4 : i32
      %mul3A_1269 = arith.muli %scan3A_1080, %mul3A_1268 : i32
      %add3A_1270 = arith.constant 1 : i32
      %add3A_1271 = arith.addi %mul3A_1269, %add3A_1270 : i32
      %mul3A_1272 = arith.constant 4 : i32
      %mul3A_1273 = arith.muli %scan3A_1080, %mul3A_1272 : i32
      %add3A_1274 = arith.constant 1 : i32
      %add3A_1275 = arith.addi %mul3A_1273, %add3A_1274 : i32
      %get3A_1276 = arith.index_cast %add3A_1275 : i32 to index
      %get3A_1277 = arith.constant 48 : index
      %get3A_1278 = tpu.vector_load %arg15[%get3A_1276, %get3A_1277] {strides = array<i32>} : memref<128x128xf32, #tpu.memory_space<vmem>>, vector<1x16xf32>,
      %get3A_1279 = vector.shape_cast %get3A_1278 : vector<1x16xf32> to vector<16xf32>
      %swap3A_1280 = arith.index_cast %add3A_1271 : i32 to index
      %swap3A_1281 = arith.constant 48 : index
      %swap3A_1282 = tpu.vector_load %arg12[%swap3A_1280, %swap3A_1281] {strides = array<i32>} : memref<128x128xf32, #tpu.memory_space<vmem>>, vector<1x16xf32>,
      %swap3A_1283 = vector.shape_cast %swap3A_1282 : vector<1x16xf32> to vector<16xf32>
      %swap3A_1284 = vector.shape_cast %get3A_1279 : vector<16xf32> to vector<1x16xf32>
      tpu.vector_store %arg12[%swap3A_1280, %swap3A_1281], %swap3A_1284 {add = true, strides = array<i32>} : memref<128x128xf32, #tpu.memory_space<vmem>>, vector<1x16xf32>,
      %mul3A_1285 = arith.constant 4 : i32
      %mul3A_1286 = arith.muli %scan3A_1080, %mul3A_1285 : i32
      %add3A_1287 = arith.constant 1 : i32
      %add3A_1288 = arith.addi %mul3A_1286, %add3A_1287 : i32
      %mul3A_1289 = arith.constant 4 : i32
      %mul3A_1290 = arith.muli %scan3A_1080, %mul3A_1289 : i32
      %add3A_1291 = arith.constant 1 : i32
      %add3A_1292 = arith.addi %mul3A_1290, %add3A_1291 : i32
      %get3A_1293 = arith.index_cast %add3A_1292 : i32 to index
      %get3A_1294 = arith.constant 64 : index
      %get3A_1295 = tpu.vector_load %arg15[%get3A_1293, %get3A_1294] {strides = array<i32>} : memref<128x128xf32, #tpu.memory_space<vmem>>, vector<1x16xf32>,
      %get3A_1296 = vector.shape_cast %get3A_1295 : vector<1x16xf32> to vector<16xf32>
      %swap3A_1297 = arith.index_cast %add3A_1288 : i32 to index
      %swap3A_1298 = arith.constant 64 : index
      %swap3A_1299 = tpu.vector_load %arg12[%swap3A_1297, %swap3A_1298] {strides = array<i32>} : memref<128x128xf32, #tpu.memory_space<vmem>>, vector<1x16xf32>,
      %swap3A_1300 = vector.shape_cast %swap3A_1299 : vector<1x16xf32> to vector<16xf32>
      %swap3A_1301 = vector.shape_cast %get3A_1296 : vector<16xf32> to vector<1x16xf32>
      tpu.vector_store %arg12[%swap3A_1297, %swap3A_1298], %swap3A_1301 {add = true, strides = array<i32>} : memref<128x128xf32, #tpu.memory_space<vmem>>, vector<1x16xf32>,
      %mul3A_1302 = arith.constant 4 : i32
      %mul3A_1303 = arith.muli %scan3A_1080, %mul3A_1302 : i32
      %add3A_1304 = arith.constant 1 : i32
      %add3A_1305 = arith.addi %mul3A_1303, %add3A_1304 : i32
      %mul3A_1306 = arith.constant 4 : i32
      %mul3A_1307 = arith.muli %scan3A_1080, %mul3A_1306 : i32
      %add3A_1308 = arith.constant 1 : i32
      %add3A_1309 = arith.addi %mul3A_1307, %add3A_1308 : i32
      %get3A_1310 = arith.index_cast %add3A_1309 : i32 to index
      %get3A_1311 = arith.constant 80 : index
      %get3A_1312 = tpu.vector_load %arg15[%get3A_1310, %get3A_1311] {strides = array<i32>} : memref<128x128xf32, #tpu.memory_space<vmem>>, vector<1x16xf32>,
      %get3A_1313 = vector.shape_cast %get3A_1312 : vector<1x16xf32> to vector<16xf32>
      %swap3A_1314 = arith.index_cast %add3A_1305 : i32 to index
      %swap3A_1315 = arith.constant 80 : index
      %swap3A_1316 = tpu.vector_load %arg12[%swap3A_1314, %swap3A_1315] {strides = array<i32>} : memref<128x128xf32, #tpu.memory_space<vmem>>, vector<1x16xf32>,
      %swap3A_1317 = vector.shape_cast %swap3A_1316 : vector<1x16xf32> to vector<16xf32>
      %swap3A_1318 = vector.shape_cast %get3A_1313 : vector<16xf32> to vector<1x16xf32>
      tpu.vector_store %arg12[%swap3A_1314, %swap3A_1315], %swap3A_1318 {add = true, strides = array<i32>} : memref<128x128xf32, #tpu.memory_space<vmem>>, vector<1x16xf32>,
      %mul3A_1319 = arith.constant 4 : i32
      %mul3A_1320 = arith.muli %scan3A_1080, %mul3A_1319 : i32
      %add3A_1321 = arith.constant 1 : i32
      %add3A_1322 = arith.addi %mul3A_1320, %add3A_1321 : i32
      %mul3A_1323 = arith.constant 4 : i32
      %mul3A_1324 = arith.muli %scan3A_1080, %mul3A_1323 : i32
      %add3A_1325 = arith.constant 1 : i32
      %add3A_1326 = arith.addi %mul3A_1324, %add3A_1325 : i32
      %get3A_1327 = arith.index_cast %add3A_1326 : i32 to index
      %get3A_1328 = arith.constant 96 : index
      %get3A_1329 = tpu.vector_load %arg15[%get3A_1327, %get3A_1328] {strides = array<i32>} : memref<128x128xf32, #tpu.memory_space<vmem>>, vector<1x16xf32>,
      %get3A_1330 = vector.shape_cast %get3A_1329 : vector<1x16xf32> to vector<16xf32>
      %swap3A_1331 = arith.index_cast %add3A_1322 : i32 to index
      %swap3A_1332 = arith.constant 96 : index
      %swap3A_1333 = tpu.vector_load %arg12[%swap3A_1331, %swap3A_1332] {strides = array<i32>} : memref<128x128xf32, #tpu.memory_space<vmem>>, vector<1x16xf32>,
      %swap3A_1334 = vector.shape_cast %swap3A_1333 : vector<1x16xf32> to vector<16xf32>
      %swap3A_1335 = vector.shape_cast %get3A_1330 : vector<16xf32> to vector<1x16xf32>
      tpu.vector_store %arg12[%swap3A_1331, %swap3A_1332], %swap3A_1335 {add = true, strides = array<i32>} : memref<128x128xf32, #tpu.memory_space<vmem>>, vector<1x16xf32>,
      %mul3A_1336 = arith.constant 4 : i32
      %mul3A_1337 = arith.muli %scan3A_1080, %mul3A_1336 : i32
      %add3A_1338 = arith.constant 1 : i32
      %add3A_1339 = arith.addi %mul3A_1337, %add3A_1338 : i32
      %mul3A_1340 = arith.constant 4 : i32
      %mul3A_1341 = arith.muli %scan3A_1080, %mul3A_1340 : i32
      %add3A_1342 = arith.constant 1 : i32
      %add3A_1343 = arith.addi %mul3A_1341, %add3A_1342 : i32
      %get3A_1344 = arith.index_cast %add3A_1343 : i32 to index
      %get3A_1345 = arith.constant 112 : index
      %get3A_1346 = tpu.vector_load %arg15[%get3A_1344, %get3A_1345] {strides = array<i32>} : memref<128x128xf32, #tpu.memory_space<vmem>>, vector<1x16xf32>,
      %get3A_1347 = vector.shape_cast %get3A_1346 : vector<1x16xf32> to vector<16xf32>
      %swap3A_1348 = arith.index_cast %add3A_1339 : i32 to index
      %swap3A_1349 = arith.constant 112 : index
      %swap3A_1350 = tpu.vector_load %arg12[%swap3A_1348, %swap3A_1349] {strides = array<i32>} : memref<128x128xf32, #tpu.memory_space<vmem>>, vector<1x16xf32>,
      %swap3A_1351 = vector.shape_cast %swap3A_1350 : vector<1x16xf32> to vector<16xf32>
      %swap3A_1352 = vector.shape_cast %get3A_1347 : vector<16xf32> to vector<1x16xf32>
      tpu.vector_store %arg12[%swap3A_1348, %swap3A_1349], %swap3A_1352 {add = true, strides = array<i32>} : memref<128x128xf32, #tpu.memory_space<vmem>>, vector<1x16xf32>,
      %mul3A_1353 = arith.constant 4 : i32
      %mul3A_1354 = arith.muli %scan3A_1080, %mul3A_1353 : i32
      %add3A_1355 = arith.constant 2 : i32
      %add3A_1356 = arith.addi %mul3A_1354, %add3A_1355 : i32
      %mul3A_1357 = arith.constant 4 : i32
      %mul3A_1358 = arith.muli %scan3A_1080, %mul3A_1357 : i32
      %add3A_1359 = arith.constant 2 : i32
      %add3A_1360 = arith.addi %mul3A_1358, %add3A_1359 : i32
      %get3A_1361 = arith.index_cast %add3A_1360 : i32 to index
      %get3A_1362 = arith.constant 0 : index
      %get3A_1363 = tpu.vector_load %arg15[%get3A_1361, %get3A_1362] {strides = array<i32>} : memref<128x128xf32, #tpu.memory_space<vmem>>, vector<1x16xf32>,
      %get3A_1364 = vector.shape_cast %get3A_1363 : vector<1x16xf32> to vector<16xf32>
      %swap3A_1365 = arith.index_cast %add3A_1356 : i32 to index
      %swap3A_1366 = arith.constant 0 : index
      %swap3A_1367 = tpu.vector_load %arg12[%swap3A_1365, %swap3A_1366] {strides = array<i32>} : memref<128x128xf32, #tpu.memory_space<vmem>>, vector<1x16xf32>,
      %swap3A_1368 = vector.shape_cast %swap3A_1367 : vector<1x16xf32> to vector<16xf32>
      %swap3A_1369 = vector.shape_cast %get3A_1364 : vector<16xf32> to vector<1x16xf32>
      tpu.vector_store %arg12[%swap3A_1365, %swap3A_1366], %swap3A_1369 {add = true, strides = array<i32>} : memref<128x128xf32, #tpu.memory_space<vmem>>, vector<1x16xf32>,
      %mul3A_1370 = arith.constant 4 : i32
      %mul3A_1371 = arith.muli %scan3A_1080, %mul3A_1370 : i32
      %add3A_1372 = arith.constant 2 : i32
      %add3A_1373 = arith.addi %mul3A_1371, %add3A_1372 : i32
      %mul3A_1374 = arith.constant 4 : i32
      %mul3A_1375 = arith.muli %scan3A_1080, %mul3A_1374 : i32
      %add3A_1376 = arith.constant 2 : i32
      %add3A_1377 = arith.addi %mul3A_1375, %add3A_1376 : i32
      %get3A_1378 = arith.index_cast %add3A_1377 : i32 to index
      %get3A_1379 = arith.constant 16 : index
      %get3A_1380 = tpu.vector_load %arg15[%get3A_1378, %get3A_1379] {strides = array<i32>} : memref<128x128xf32, #tpu.memory_space<vmem>>, vector<1x16xf32>,
      %get3A_1381 = vector.shape_cast %get3A_1380 : vector<1x16xf32> to vector<16xf32>
      %swap3A_1382 = arith.index_cast %add3A_1373 : i32 to index
      %swap3A_1383 = arith.constant 16 : index
      %swap3A_1384 = tpu.vector_load %arg12[%swap3A_1382, %swap3A_1383] {strides = array<i32>} : memref<128x128xf32, #tpu.memory_space<vmem>>, vector<1x16xf32>,
      %swap3A_1385 = vector.shape_cast %swap3A_1384 : vector<1x16xf32> to vector<16xf32>
      %swap3A_1386 = vector.shape_cast %get3A_1381 : vector<16xf32> to vector<1x16xf32>
      tpu.vector_store %arg12[%swap3A_1382, %swap3A_1383], %swap3A_1386 {add = true, strides = array<i32>} : memref<128x128xf32, #tpu.memory_space<vmem>>, vector<1x16xf32>,
      %mul3A_1387 = arith.constant 4 : i32
      %mul3A_1388 = arith.muli %scan3A_1080, %mul3A_1387 : i32
      %add3A_1389 = arith.constant 2 : i32
      %add3A_1390 = arith.addi %mul3A_1388, %add3A_1389 : i32
      %mul3A_1391 = arith.constant 4 : i32
      %mul3A_1392 = arith.muli %scan3A_1080, %mul3A_1391 : i32
      %add3A_1393 = arith.constant 2 : i32
      %add3A_1394 = arith.addi %mul3A_1392, %add3A_1393 : i32
      %get3A_1395 = arith.index_cast %add3A_1394 : i32 to index
      %get3A_1396 = arith.constant 32 : index
      %get3A_1397 = tpu.vector_load %arg15[%get3A_1395, %get3A_1396] {strides = array<i32>} : memref<128x128xf32, #tpu.memory_space<vmem>>, vector<1x16xf32>,
      %get3A_1398 = vector.shape_cast %get3A_1397 : vector<1x16xf32> to vector<16xf32>
      %swap3A_1399 = arith.index_cast %add3A_1390 : i32 to index
      %swap3A_1400 = arith.constant 32 : index
      %swap3A_1401 = tpu.vector_load %arg12[%swap3A_1399, %swap3A_1400] {strides = array<i32>} : memref<128x128xf32, #tpu.memory_space<vmem>>, vector<1x16xf32>,
      %swap3A_1402 = vector.shape_cast %swap3A_1401 : vector<1x16xf32> to vector<16xf32>
      %swap3A_1403 = vector.shape_cast %get3A_1398 : vector<16xf32> to vector<1x16xf32>
      tpu.vector_store %arg12[%swap3A_1399, %swap3A_1400], %swap3A_1403 {add = true, strides = array<i32>} : memref<128x128xf32, #tpu.memory_space<vmem>>, vector<1x16xf32>,
      %mul3A_1404 = arith.constant 4 : i32
      %mul3A_1405 = arith.muli %scan3A_1080, %mul3A_1404 : i32
      %add3A_1406 = arith.constant 2 : i32
      %add3A_1407 = arith.addi %mul3A_1405, %add3A_1406 : i32
      %mul3A_1408 = arith.constant 4 : i32
      %mul3A_1409 = arith.muli %scan3A_1080, %mul3A_1408 : i32
      %add3A_1410 = arith.constant 2 : i32
      %add3A_1411 = arith.addi %mul3A_1409, %add3A_1410 : i32
      %get3A_1412 = arith.index_cast %add3A_1411 : i32 to index
      %get3A_1413 = arith.constant 48 : index
      %get3A_1414 = tpu.vector_load %arg15[%get3A_1412, %get3A_1413] {strides = array<i32>} : memref<128x128xf32, #tpu.memory_space<vmem>>, vector<1x16xf32>,
      %get3A_1415 = vector.shape_cast %get3A_1414 : vector<1x16xf32> to vector<16xf32>
      %swap3A_1416 = arith.index_cast %add3A_1407 : i32 to index
      %swap3A_1417 = arith.constant 48 : index
      %swap3A_1418 = tpu.vector_load %arg12[%swap3A_1416, %swap3A_1417] {strides = array<i32>} : memref<128x128xf32, #tpu.memory_space<vmem>>, vector<1x16xf32>,
      %swap3A_1419 = vector.shape_cast %swap3A_1418 : vector<1x16xf32> to vector<16xf32>
      %swap3A_1420 = vector.shape_cast %get3A_1415 : vector<16xf32> to vector<1x16xf32>
      tpu.vector_store %arg12[%swap3A_1416, %swap3A_1417], %swap3A_1420 {add = true, strides = array<i32>} : memref<128x128xf32, #tpu.memory_space<vmem>>, vector<1x16xf32>,
      %mul3A_1421 = arith.constant 4 : i32
      %mul3A_1422 = arith.muli %scan3A_1080, %mul3A_1421 : i32
      %add3A_1423 = arith.constant 2 : i32
      %add3A_1424 = arith.addi %mul3A_1422, %add3A_1423 : i32
      %mul3A_1425 = arith.constant 4 : i32
      %mul3A_1426 = arith.muli %scan3A_1080, %mul3A_1425 : i32
      %add3A_1427 = arith.constant 2 : i32
      %add3A_1428 = arith.addi %mul3A_1426, %add3A_1427 : i32
      %get3A_1429 = arith.index_cast %add3A_1428 : i32 to index
      %get3A_1430 = arith.constant 64 : index
      %get3A_1431 = tpu.vector_load %arg15[%get3A_1429, %get3A_1430] {strides = array<i32>} : memref<128x128xf32, #tpu.memory_space<vmem>>, vector<1x16xf32>,
      %get3A_1432 = vector.shape_cast %get3A_1431 : vector<1x16xf32> to vector<16xf32>
      %swap3A_1433 = arith.index_cast %add3A_1424 : i32 to index
      %swap3A_1434 = arith.constant 64 : index
      %swap3A_1435 = tpu.vector_load %arg12[%swap3A_1433, %swap3A_1434] {strides = array<i32>} : memref<128x128xf32, #tpu.memory_space<vmem>>, vector<1x16xf32>,
      %swap3A_1436 = vector.shape_cast %swap3A_1435 : vector<1x16xf32> to vector<16xf32>
      %swap3A_1437 = vector.shape_cast %get3A_1432 : vector<16xf32> to vector<1x16xf32>
      tpu.vector_store %arg12[%swap3A_1433, %swap3A_1434], %swap3A_1437 {add = true, strides = array<i32>} : memref<128x128xf32, #tpu.memory_space<vmem>>, vector<1x16xf32>,
      %mul3A_1438 = arith.constant 4 : i32
      %mul3A_1439 = arith.muli %scan3A_1080, %mul3A_1438 : i32
      %add3A_1440 = arith.constant 2 : i32
      %add3A_1441 = arith.addi %mul3A_1439, %add3A_1440 : i32
      %mul3A_1442 = arith.constant 4 : i32
      %mul3A_1443 = arith.muli %scan3A_1080, %mul3A_1442 : i32
      %add3A_1444 = arith.constant 2 : i32
      %add3A_1445 = arith.addi %mul3A_1443, %add3A_1444 : i32
      %get3A_1446 = arith.index_cast %add3A_1445 : i32 to index
      %get3A_1447 = arith.constant 80 : index
      %get3A_1448 = tpu.vector_load %arg15[%get3A_1446, %get3A_1447] {strides = array<i32>} : memref<128x128xf32, #tpu.memory_space<vmem>>, vector<1x16xf32>,
      %get3A_1449 = vector.shape_cast %get3A_1448 : vector<1x16xf32> to vector<16xf32>
      %swap3A_1450 = arith.index_cast %add3A_1441 : i32 to index
      %swap3A_1451 = arith.constant 80 : index
      %swap3A_1452 = tpu.vector_load %arg12[%swap3A_1450, %swap3A_1451] {strides = array<i32>} : memref<128x128xf32, #tpu.memory_space<vmem>>, vector<1x16xf32>,
      %swap3A_1453 = vector.shape_cast %swap3A_1452 : vector<1x16xf32> to vector<16xf32>
      %swap3A_1454 = vector.shape_cast %get3A_1449 : vector<16xf32> to vector<1x16xf32>
      tpu.vector_store %arg12[%swap3A_1450, %swap3A_1451], %swap3A_1454 {add = true, strides = array<i32>} : memref<128x128xf32, #tpu.memory_space<vmem>>, vector<1x16xf32>,
      %mul3A_1455 = arith.constant 4 : i32
      %mul3A_1456 = arith.muli %scan3A_1080, %mul3A_1455 : i32
      %add3A_1457 = arith.constant 2 : i32
      %add3A_1458 = arith.addi %mul3A_1456, %add3A_1457 : i32
      %mul3A_1459 = arith.constant 4 : i32
      %mul3A_1460 = arith.muli %scan3A_1080, %mul3A_1459 : i32
      %add3A_1461 = arith.constant 2 : i32
      %add3A_1462 = arith.addi %mul3A_1460, %add3A_1461 : i32
      %get3A_1463 = arith.index_cast %add3A_1462 : i32 to index
      %get3A_1464 = arith.constant 96 : index
      %get3A_1465 = tpu.vector_load %arg15[%get3A_1463, %get3A_1464] {strides = array<i32>} : memref<128x128xf32, #tpu.memory_space<vmem>>, vector<1x16xf32>,
      %get3A_1466 = vector.shape_cast %get3A_1465 : vector<1x16xf32> to vector<16xf32>
      %swap3A_1467 = arith.index_cast %add3A_1458 : i32 to index
      %swap3A_1468 = arith.constant 96 : index
      %swap3A_1469 = tpu.vector_load %arg12[%swap3A_1467, %swap3A_1468] {strides = array<i32>} : memref<128x128xf32, #tpu.memory_space<vmem>>, vector<1x16xf32>,
      %swap3A_1470 = vector.shape_cast %swap3A_1469 : vector<1x16xf32> to vector<16xf32>
      %swap3A_1471 = vector.shape_cast %get3A_1466 : vector<16xf32> to vector<1x16xf32>
      tpu.vector_store %arg12[%swap3A_1467, %swap3A_1468], %swap3A_1471 {add = true, strides = array<i32>} : memref<128x128xf32, #tpu.memory_space<vmem>>, vector<1x16xf32>,
      %mul3A_1472 = arith.constant 4 : i32
      %mul3A_1473 = arith.muli %scan3A_1080, %mul3A_1472 : i32
      %add3A_1474 = arith.constant 2 : i32
      %add3A_1475 = arith.addi %mul3A_1473, %add3A_1474 : i32
      %mul3A_1476 = arith.constant 4 : i32
      %mul3A_1477 = arith.muli %scan3A_1080, %mul3A_1476 : i32
      %add3A_1478 = arith.constant 2 : i32
      %add3A_1479 = arith.addi %mul3A_1477, %add3A_1478 : i32
      %get3A_1480 = arith.index_cast %add3A_1479 : i32 to index
      %get3A_1481 = arith.constant 112 : index
      %get3A_1482 = tpu.vector_load %arg15[%get3A_1480, %get3A_1481] {strides = array<i32>} : memref<128x128xf32, #tpu.memory_space<vmem>>, vector<1x16xf32>,
      %get3A_1483 = vector.shape_cast %get3A_1482 : vector<1x16xf32> to vector<16xf32>
      %swap3A_1484 = arith.index_cast %add3A_1475 : i32 to index
      %swap3A_1485 = arith.constant 112 : index
      %swap3A_1486 = tpu.vector_load %arg12[%swap3A_1484, %swap3A_1485] {strides = array<i32>} : memref<128x128xf32, #tpu.memory_space<vmem>>, vector<1x16xf32>,
      %swap3A_1487 = vector.shape_cast %swap3A_1486 : vector<1x16xf32> to vector<16xf32>
      %swap3A_1488 = vector.shape_cast %get3A_1483 : vector<16xf32> to vector<1x16xf32>
      tpu.vector_store %arg12[%swap3A_1484, %swap3A_1485], %swap3A_1488 {add = true, strides = array<i32>} : memref<128x128xf32, #tpu.memory_space<vmem>>, vector<1x16xf32>,
      %mul3A_1489 = arith.constant 4 : i32
      %mul3A_1490 = arith.muli %scan3A_1080, %mul3A_1489 : i32
      %add3A_1491 = arith.constant 3 : i32
      %add3A_1492 = arith.addi %mul3A_1490, %add3A_1491 : i32
      %mul3A_1493 = arith.constant 4 : i32
      %mul3A_1494 = arith.muli %scan3A_1080, %mul3A_1493 : i32
      %add3A_1495 = arith.constant 3 : i32
      %add3A_1496 = arith.addi %mul3A_1494, %add3A_1495 : i32
      %get3A_1497 = arith.index_cast %add3A_1496 : i32 to index
      %get3A_1498 = arith.constant 0 : index
      %get3A_1499 = tpu.vector_load %arg15[%get3A_1497, %get3A_1498] {strides = array<i32>} : memref<128x128xf32, #tpu.memory_space<vmem>>, vector<1x16xf32>,
      %get3A_1500 = vector.shape_cast %get3A_1499 : vector<1x16xf32> to vector<16xf32>
      %swap3A_1501 = arith.index_cast %add3A_1492 : i32 to index
      %swap3A_1502 = arith.constant 0 : index
      %swap3A_1503 = tpu.vector_load %arg12[%swap3A_1501, %swap3A_1502] {strides = array<i32>} : memref<128x128xf32, #tpu.memory_space<vmem>>, vector<1x16xf32>,
      %swap3A_1504 = vector.shape_cast %swap3A_1503 : vector<1x16xf32> to vector<16xf32>
      %swap3A_1505 = vector.shape_cast %get3A_1500 : vector<16xf32> to vector<1x16xf32>
      tpu.vector_store %arg12[%swap3A_1501, %swap3A_1502], %swap3A_1505 {add = true, strides = array<i32>} : memref<128x128xf32, #tpu.memory_space<vmem>>, vector<1x16xf32>,
      %mul3A_1506 = arith.constant 4 : i32
      %mul3A_1507 = arith.muli %scan3A_1080, %mul3A_1506 : i32
      %add3A_1508 = arith.constant 3 : i32
      %add3A_1509 = arith.addi %mul3A_1507, %add3A_1508 : i32
      %mul3A_1510 = arith.constant 4 : i32
      %mul3A_1511 = arith.muli %scan3A_1080, %mul3A_1510 : i32
      %add3A_1512 = arith.constant 3 : i32
      %add3A_1513 = arith.addi %mul3A_1511, %add3A_1512 : i32
      %get3A_1514 = arith.index_cast %add3A_1513 : i32 to index
      %get3A_1515 = arith.constant 16 : index
      %get3A_1516 = tpu.vector_load %arg15[%get3A_1514, %get3A_1515] {strides = array<i32>} : memref<128x128xf32, #tpu.memory_space<vmem>>, vector<1x16xf32>,
      %get3A_1517 = vector.shape_cast %get3A_1516 : vector<1x16xf32> to vector<16xf32>
      %swap3A_1518 = arith.index_cast %add3A_1509 : i32 to index
      %swap3A_1519 = arith.constant 16 : index
      %swap3A_1520 = tpu.vector_load %arg12[%swap3A_1518, %swap3A_1519] {strides = array<i32>} : memref<128x128xf32, #tpu.memory_space<vmem>>, vector<1x16xf32>,
      %swap3A_1521 = vector.shape_cast %swap3A_1520 : vector<1x16xf32> to vector<16xf32>
      %swap3A_1522 = vector.shape_cast %get3A_1517 : vector<16xf32> to vector<1x16xf32>
      tpu.vector_store %arg12[%swap3A_1518, %swap3A_1519], %swap3A_1522 {add = true, strides = array<i32>} : memref<128x128xf32, #tpu.memory_space<vmem>>, vector<1x16xf32>,
      %mul3A_1523 = arith.constant 4 : i32
      %mul3A_1524 = arith.muli %scan3A_1080, %mul3A_1523 : i32
      %add3A_1525 = arith.constant 3 : i32
      %add3A_1526 = arith.addi %mul3A_1524, %add3A_1525 : i32
      %mul3A_1527 = arith.constant 4 : i32
      %mul3A_1528 = arith.muli %scan3A_1080, %mul3A_1527 : i32
      %add3A_1529 = arith.constant 3 : i32
      %add3A_1530 = arith.addi %mul3A_1528, %add3A_1529 : i32
      %get3A_1531 = arith.index_cast %add3A_1530 : i32 to index
      %get3A_1532 = arith.constant 32 : index
      %get3A_1533 = tpu.vector_load %arg15[%get3A_1531, %get3A_1532] {strides = array<i32>} : memref<128x128xf32, #tpu.memory_space<vmem>>, vector<1x16xf32>,
      %get3A_1534 = vector.shape_cast %get3A_1533 : vector<1x16xf32> to vector<16xf32>
      %swap3A_1535 = arith.index_cast %add3A_1526 : i32 to index
      %swap3A_1536 = arith.constant 32 : index
      %swap3A_1537 = tpu.vector_load %arg12[%swap3A_1535, %swap3A_1536] {strides = array<i32>} : memref<128x128xf32, #tpu.memory_space<vmem>>, vector<1x16xf32>,
      %swap3A_1538 = vector.shape_cast %swap3A_1537 : vector<1x16xf32> to vector<16xf32>
      %swap3A_1539 = vector.shape_cast %get3A_1534 : vector<16xf32> to vector<1x16xf32>
      tpu.vector_store %arg12[%swap3A_1535, %swap3A_1536], %swap3A_1539 {add = true, strides = array<i32>} : memref<128x128xf32, #tpu.memory_space<vmem>>, vector<1x16xf32>,
      %mul3A_1540 = arith.constant 4 : i32
      %mul3A_1541 = arith.muli %scan3A_1080, %mul3A_1540 : i32
      %add3A_1542 = arith.constant 3 : i32
      %add3A_1543 = arith.addi %mul3A_1541, %add3A_1542 : i32
      %mul3A_1544 = arith.constant 4 : i32
      %mul3A_1545 = arith.muli %scan3A_1080, %mul3A_1544 : i32
      %add3A_1546 = arith.constant 3 : i32
      %add3A_1547 = arith.addi %mul3A_1545, %add3A_1546 : i32
      %get3A_1548 = arith.index_cast %add3A_1547 : i32 to index
      %get3A_1549 = arith.constant 48 : index
      %get3A_1550 = tpu.vector_load %arg15[%get3A_1548, %get3A_1549] {strides = array<i32>} : memref<128x128xf32, #tpu.memory_space<vmem>>, vector<1x16xf32>,
      %get3A_1551 = vector.shape_cast %get3A_1550 : vector<1x16xf32> to vector<16xf32>
      %swap3A_1552 = arith.index_cast %add3A_1543 : i32 to index
      %swap3A_1553 = arith.constant 48 : index
      %swap3A_1554 = tpu.vector_load %arg12[%swap3A_1552, %swap3A_1553] {strides = array<i32>} : memref<128x128xf32, #tpu.memory_space<vmem>>, vector<1x16xf32>,
      %swap3A_1555 = vector.shape_cast %swap3A_1554 : vector<1x16xf32> to vector<16xf32>
      %swap3A_1556 = vector.shape_cast %get3A_1551 : vector<16xf32> to vector<1x16xf32>
      tpu.vector_store %arg12[%swap3A_1552, %swap3A_1553], %swap3A_1556 {add = true, strides = array<i32>} : memref<128x128xf32, #tpu.memory_space<vmem>>, vector<1x16xf32>,
      %mul3A_1557 = arith.constant 4 : i32
      %mul3A_1558 = arith.muli %scan3A_1080, %mul3A_1557 : i32
      %add3A_1559 = arith.constant 3 : i32
      %add3A_1560 = arith.addi %mul3A_1558, %add3A_1559 : i32
      %mul3A_1561 = arith.constant 4 : i32
      %mul3A_1562 = arith.muli %scan3A_1080, %mul3A_1561 : i32
      %add3A_1563 = arith.constant 3 : i32
      %add3A_1564 = arith.addi %mul3A_1562, %add3A_1563 : i32
      %get3A_1565 = arith.index_cast %add3A_1564 : i32 to index
      %get3A_1566 = arith.constant 64 : index
      %get3A_1567 = tpu.vector_load %arg15[%get3A_1565, %get3A_1566] {strides = array<i32>} : memref<128x128xf32, #tpu.memory_space<vmem>>, vector<1x16xf32>,
      %get3A_1568 = vector.shape_cast %get3A_1567 : vector<1x16xf32> to vector<16xf32>
      %swap3A_1569 = arith.index_cast %add3A_1560 : i32 to index
      %swap3A_1570 = arith.constant 64 : index
      %swap3A_1571 = tpu.vector_load %arg12[%swap3A_1569, %swap3A_1570] {strides = array<i32>} : memref<128x128xf32, #tpu.memory_space<vmem>>, vector<1x16xf32>,
      %swap3A_1572 = vector.shape_cast %swap3A_1571 : vector<1x16xf32> to vector<16xf32>
      %swap3A_1573 = vector.shape_cast %get3A_1568 : vector<16xf32> to vector<1x16xf32>
      tpu.vector_store %arg12[%swap3A_1569, %swap3A_1570], %swap3A_1573 {add = true, strides = array<i32>} : memref<128x128xf32, #tpu.memory_space<vmem>>, vector<1x16xf32>,
      %mul3A_1574 = arith.constant 4 : i32
      %mul3A_1575 = arith.muli %scan3A_1080, %mul3A_1574 : i32
      %add3A_1576 = arith.constant 3 : i32
      %add3A_1577 = arith.addi %mul3A_1575, %add3A_1576 : i32
      %mul3A_1578 = arith.constant 4 : i32
      %mul3A_1579 = arith.muli %scan3A_1080, %mul3A_1578 : i32
      %add3A_1580 = arith.constant 3 : i32
      %add3A_1581 = arith.addi %mul3A_1579, %add3A_1580 : i32
      %get3A_1582 = arith.index_cast %add3A_1581 : i32 to index
      %get3A_1583 = arith.constant 80 : index
      %get3A_1584 = tpu.vector_load %arg15[%get3A_1582, %get3A_1583] {strides = array<i32>} : memref<128x128xf32, #tpu.memory_space<vmem>>, vector<1x16xf32>,
      %get3A_1585 = vector.shape_cast %get3A_1584 : vector<1x16xf32> to vector<16xf32>
      %swap3A_1586 = arith.index_cast %add3A_1577 : i32 to index
      %swap3A_1587 = arith.constant 80 : index
      %swap3A_1588 = tpu.vector_load %arg12[%swap3A_1586, %swap3A_1587] {strides = array<i32>} : memref<128x128xf32, #tpu.memory_space<vmem>>, vector<1x16xf32>,
      %swap3A_1589 = vector.shape_cast %swap3A_1588 : vector<1x16xf32> to vector<16xf32>
      %swap3A_1590 = vector.shape_cast %get3A_1585 : vector<16xf32> to vector<1x16xf32>
      tpu.vector_store %arg12[%swap3A_1586, %swap3A_1587], %swap3A_1590 {add = true, strides = array<i32>} : memref<128x128xf32, #tpu.memory_space<vmem>>, vector<1x16xf32>,
      %mul3A_1591 = arith.constant 4 : i32
      %mul3A_1592 = arith.muli %scan3A_1080, %mul3A_1591 : i32
      %add3A_1593 = arith.constant 3 : i32
      %add3A_1594 = arith.addi %mul3A_1592, %add3A_1593 : i32
      %mul3A_1595 = arith.constant 4 : i32
      %mul3A_1596 = arith.muli %scan3A_1080, %mul3A_1595 : i32
      %add3A_1597 = arith.constant 3 : i32
      %add3A_1598 = arith.addi %mul3A_1596, %add3A_1597 : i32
      %get3A_1599 = arith.index_cast %add3A_1598 : i32 to index
      %get3A_1600 = arith.constant 96 : index
      %get3A_1601 = tpu.vector_load %arg15[%get3A_1599, %get3A_1600] {strides = array<i32>} : memref<128x128xf32, #tpu.memory_space<vmem>>, vector<1x16xf32>,
      %get3A_1602 = vector.shape_cast %get3A_1601 : vector<1x16xf32> to vector<16xf32>
      %swap3A_1603 = arith.index_cast %add3A_1594 : i32 to index
      %swap3A_1604 = arith.constant 96 : index
      %swap3A_1605 = tpu.vector_load %arg12[%swap3A_1603, %swap3A_1604] {strides = array<i32>} : memref<128x128xf32, #tpu.memory_space<vmem>>, vector<1x16xf32>,
      %swap3A_1606 = vector.shape_cast %swap3A_1605 : vector<1x16xf32> to vector<16xf32>
      %swap3A_1607 = vector.shape_cast %get3A_1602 : vector<16xf32> to vector<1x16xf32>
      tpu.vector_store %arg12[%swap3A_1603, %swap3A_1604], %swap3A_1607 {add = true, strides = array<i32>} : memref<128x128xf32, #tpu.memory_space<vmem>>, vector<1x16xf32>,
      %mul3A_1608 = arith.constant 4 : i32
      %mul3A_1609 = arith.muli %scan3A_1080, %mul3A_1608 : i32
      %add3A_1610 = arith.constant 3 : i32
      %add3A_1611 = arith.addi %mul3A_1609, %add3A_1610 : i32
      %mul3A_1612 = arith.constant 4 : i32
      %mul3A_1613 = arith.muli %scan3A_1080, %mul3A_1612 : i32
      %add3A_1614 = arith.constant 3 : i32
      %add3A_1615 = arith.addi %mul3A_1613, %add3A_1614 : i32
      %get3A_1616 = arith.index_cast %add3A_1615 : i32 to index
      %get3A_1617 = arith.constant 112 : index
      %get3A_1618 = tpu.vector_load %arg15[%get3A_1616, %get3A_1617] {strides = array<i32>} : memref<128x128xf32, #tpu.memory_space<vmem>>, vector<1x16xf32>,
      %get3A_1619 = vector.shape_cast %get3A_1618 : vector<1x16xf32> to vector<16xf32>
      %swap3A_1620 = arith.index_cast %add3A_1611 : i32 to index
      %swap3A_1621 = arith.constant 112 : index
      %swap3A_1622 = tpu.vector_load %arg12[%swap3A_1620, %swap3A_1621] {strides = array<i32>} : memref<128x128xf32, #tpu.memory_space<vmem>>, vector<1x16xf32>,
      %swap3A_1623 = vector.shape_cast %swap3A_1622 : vector<1x16xf32> to vector<16xf32>
      %swap3A_1624 = vector.shape_cast %get3A_1619 : vector<16xf32> to vector<1x16xf32>
      tpu.vector_store %arg12[%swap3A_1620, %swap3A_1621], %swap3A_1624 {add = true, strides = array<i32>} : memref<128x128xf32, #tpu.memory_space<vmem>>, vector<1x16xf32>,
    }
    %scan3A_981 = arith.constant 32 : i32
    %add3A_982 = arith.constant 0 : i32
    %add3A_983 = arith.addi %mul3A_2, %add3A_982 : i32
    %dma_start3A_984 = arith.constant 0 : i32
    %dma_start3A_985 = tpu.memref_slice %arg5[%add3A_983, %dma_start3A_984] : memref<16384x128xf32, #tpu.memory_space<hbm>> -> memref<128x128xf32, #tpu.memory_space<hbm>>
    %dma_start3A_986 = arith.constant 0 : i32
    %dma_start3A_987 = tpu.memref_slice %arg5[%add3A_983, %dma_start3A_986] : memref<16384x128xf32, #tpu.memory_space<hbm>> -> memref<128x128xf32, #tpu.memory_space<hbm>>
    tpu.enqueue_dma source(%arg12 : memref<128x128xf32, #tpu.memory_space<vmem>>) target(%dma_start3A_987 : memref<128x128xf32, #tpu.memory_space<hbm>>) target_semaphore(%arg24 : memref<!tpu.dma_semaphore, #tpu.memory_space<semaphore_mem>>)
    %dma_wait3A_988 = arith.constant 0 : i32
    %dma_wait3A_989 = tpu.memref_slice %arg5[%add3A_983, %dma_wait3A_988] : memref<16384x128xf32, #tpu.memory_space<hbm>> -> memref<128x128xf32, #tpu.memory_space<hbm>>
    %dma_wait3A_990 = arith.constant 0 : i32
    %dma_wait3A_991 = tpu.memref_slice %arg5[%add3A_983, %dma_wait3A_990] : memref<16384x128xf32, #tpu.memory_space<hbm>> -> memref<128x128xf32, #tpu.memory_space<hbm>>
    tpu.wait_dma2 semaphore(%arg24 : memref<!tpu.dma_semaphore, #tpu.memory_space<semaphore_mem>>) src(%arg12 : memref<128x128xf32, #tpu.memory_space<vmem>>) dst(%dma_wait3A_991 : memref<128x128xf32, #tpu.memory_space<hbm>>)
    %dma_start3A_992 = arith.constant 384 : i32
    %dma_start3A_993 = tpu.memref_slice %arg10[%dma_start3A_992] : memref<512xi32, #tpu.memory_space<vmem>> -> memref<128xi32, #tpu.memory_space<vmem>>
    %dma_start3A_994 = arith.constant 0 : i32
    %dma_start3A_995 = arith.constant 0 : i32
    %dma_start3A_996 = tpu.memref_slice %arg18[%dma_start3A_994, %dma_start3A_995] : memref<400x128xf32, #tpu.memory_space<vmem_shared>> -> memref<400x128xf32, #tpu.memory_space<vmem_shared>>
    tpu.enqueue_indirect_dma source(%dma_start3A_996 : memref<400x128xf32, #tpu.memory_space<vmem_shared>>) target(%arg12 : memref<128x128xf32, #tpu.memory_space<vmem>>) offsets(%dma_start3A_993 : memref<128xi32, #tpu.memory_space<vmem>>) semaphore(%arg21 : memref<!tpu.dma_semaphore, #tpu.memory_space<semaphore_mem>>)
    %dma_start3A_997 = arith.constant 384 : i32
    %dma_start3A_998 = tpu.memref_slice %arg11[%dma_start3A_997] : memref<512xi32, #tpu.memory_space<vmem>> -> memref<128xi32, #tpu.memory_space<vmem>>
    %dma_start3A_999 = arith.constant 0 : i32
    %dma_start3A_1000 = arith.constant 0 : i32
    %dma_start3A_1001 = tpu.memref_slice %arg19[%dma_start3A_999, %dma_start3A_1000] : memref<100x128xf32, #tpu.memory_space<vmem_shared>> -> memref<100x128xf32, #tpu.memory_space<vmem_shared>>
    tpu.enqueue_indirect_dma source(%dma_start3A_1001 : memref<100x128xf32, #tpu.memory_space<vmem_shared>>) target(%arg15 : memref<128x128xf32, #tpu.memory_space<vmem>>) offsets(%dma_start3A_998 : memref<128xi32, #tpu.memory_space<vmem>>) semaphore(%arg21 : memref<!tpu.dma_semaphore, #tpu.memory_space<semaphore_mem>>)
    %dma_wait3A_1002 = arith.constant 128 : i32
    %dma_wait3A_1003 = tpu.memref_slice %arg10[%dma_wait3A_1002] : memref<512xi32, #tpu.memory_space<vmem>> -> memref<128xi32, #tpu.memory_space<vmem>>
    %dma_wait3A_1004 = arith.constant 0 : i32
    %dma_wait3A_1005 = arith.constant 0 : i32
    %dma_wait3A_1006 = tpu.memref_slice %arg18[%dma_wait3A_1004, %dma_wait3A_1005] : memref<400x128xf32, #tpu.memory_space<vmem_shared>> -> memref<400x128xf32, #tpu.memory_space<vmem_shared>>
    tpu.wait_indirect_dma semaphore(%arg22 : memref<!tpu.dma_semaphore, #tpu.memory_space<semaphore_mem>>) src(%dma_wait3A_1006 : memref<400x128xf32, #tpu.memory_space<vmem_shared>>) dst(%arg13 : memref<128x128xf32, #tpu.memory_space<vmem>>)
    %dma_wait3A_1007 = arith.constant 128 : i32
    %dma_wait3A_1008 = tpu.memref_slice %arg11[%dma_wait3A_1007] : memref<512xi32, #tpu.memory_space<vmem>> -> memref<128xi32, #tpu.memory_space<vmem>>
    %dma_wait3A_1009 = arith.constant 0 : i32
    %dma_wait3A_1010 = arith.constant 0 : i32
    %dma_wait3A_1011 = tpu.memref_slice %arg19[%dma_wait3A_1009, %dma_wait3A_1010] : memref<100x128xf32, #tpu.memory_space<vmem_shared>> -> memref<100x128xf32, #tpu.memory_space<vmem_shared>>
    tpu.wait_indirect_dma semaphore(%arg22 : memref<!tpu.dma_semaphore, #tpu.memory_space<semaphore_mem>>) src(%dma_wait3A_1011 : memref<100x128xf32, #tpu.memory_space<vmem_shared>>) dst(%arg16 : memref<128x128xf32, #tpu.memory_space<vmem>>)
    %scan3A_1012 = arith.constant 0 : i32
    %scan3A_1013 = arith.constant 0 : i32
    %scan3A_1014 = arith.constant 32 : i32
    %scan3A_1015 = arith.addi %scan3A_1013, %scan3A_1014 : i32
    %scan3A_1016 = arith.constant 1 : i32
    scf.for %scan3A_1080 = %scan3A_1013 to %scan3A_1015 step %scan3A_1016  : i32 {
      %mul3A_1081 = arith.constant 4 : i32
      %mul3A_1082 = arith.muli %scan3A_1080, %mul3A_1081 : i32
      %add3A_1083 = arith.constant 0 : i32
      %add3A_1084 = arith.addi %mul3A_1082, %add3A_1083 : i32
      %mul3A_1085 = arith.constant 4 : i32
      %mul3A_1086 = arith.muli %scan3A_1080, %mul3A_1085 : i32
      %add3A_1087 = arith.constant 0 : i32
      %add3A_1088 = arith.addi %mul3A_1086, %add3A_1087 : i32
      %get3A_1089 = arith.index_cast %add3A_1088 : i32 to index
      %get3A_1090 = arith.constant 0 : index
      %get3A_1091 = tpu.vector_load %arg16[%get3A_1089, %get3A_1090] {strides = array<i32>} : memref<128x128xf32, #tpu.memory_space<vmem>>, vector<1x16xf32>,
      %get3A_1092 = vector.shape_cast %get3A_1091 : vector<1x16xf32> to vector<16xf32>
      %swap3A_1093 = arith.index_cast %add3A_1084 : i32 to index
      %swap3A_1094 = arith.constant 0 : index
      %swap3A_1095 = tpu.vector_load %arg13[%swap3A_1093, %swap3A_1094] {strides = array<i32>} : memref<128x128xf32, #tpu.memory_space<vmem>>, vector<1x16xf32>,
      %swap3A_1096 = vector.shape_cast %swap3A_1095 : vector<1x16xf32> to vector<16xf32>
      %swap3A_1097 = vector.shape_cast %get3A_1092 : vector<16xf32> to vector<1x16xf32>
      tpu.vector_store %arg13[%swap3A_1093, %swap3A_1094], %swap3A_1097 {add = true, strides = array<i32>} : memref<128x128xf32, #tpu.memory_space<vmem>>, vector<1x16xf32>,
      %mul3A_1098 = arith.constant 4 : i32
      %mul3A_1099 = arith.muli %scan3A_1080, %mul3A_1098 : i32
      %add3A_1100 = arith.constant 0 : i32
      %add3A_1101 = arith.addi %mul3A_1099, %add3A_1100 : i32
      %mul3A_1102 = arith.constant 4 : i32
      %mul3A_1103 = arith.muli %scan3A_1080, %mul3A_1102 : i32
      %add3A_1104 = arith.constant 0 : i32
      %add3A_1105 = arith.addi %mul3A_1103, %add3A_1104 : i32
      %get3A_1106 = arith.index_cast %add3A_1105 : i32 to index
      %get3A_1107 = arith.constant 16 : index
      %get3A_1108 = tpu.vector_load %arg16[%get3A_1106, %get3A_1107] {strides = array<i32>} : memref<128x128xf32, #tpu.memory_space<vmem>>, vector<1x16xf32>,
      %get3A_1109 = vector.shape_cast %get3A_1108 : vector<1x16xf32> to vector<16xf32>
      %swap3A_1110 = arith.index_cast %add3A_1101 : i32 to index
      %swap3A_1111 = arith.constant 16 : index
      %swap3A_1112 = tpu.vector_load %arg13[%swap3A_1110, %swap3A_1111] {strides = array<i32>} : memref<128x128xf32, #tpu.memory_space<vmem>>, vector<1x16xf32>,
      %swap3A_1113 = vector.shape_cast %swap3A_1112 : vector<1x16xf32> to vector<16xf32>
      %swap3A_1114 = vector.shape_cast %get3A_1109 : vector<16xf32> to vector<1x16xf32>
      tpu.vector_store %arg13[%swap3A_1110, %swap3A_1111], %swap3A_1114 {add = true, strides = array<i32>} : memref<128x128xf32, #tpu.memory_space<vmem>>, vector<1x16xf32>,
      %mul3A_1115 = arith.constant 4 : i32
      %mul3A_1116 = arith.muli %scan3A_1080, %mul3A_1115 : i32
      %add3A_1117 = arith.constant 0 : i32
      %add3A_1118 = arith.addi %mul3A_1116, %add3A_1117 : i32
      %mul3A_1119 = arith.constant 4 : i32
      %mul3A_1120 = arith.muli %scan3A_1080, %mul3A_1119 : i32
      %add3A_1121 = arith.constant 0 : i32
      %add3A_1122 = arith.addi %mul3A_1120, %add3A_1121 : i32
      %get3A_1123 = arith.index_cast %add3A_1122 : i32 to index
      %get3A_1124 = arith.constant 32 : index
      %get3A_1125 = tpu.vector_load %arg16[%get3A_1123, %get3A_1124] {strides = array<i32>} : memref<128x128xf32, #tpu.memory_space<vmem>>, vector<1x16xf32>,
      %get3A_1126 = vector.shape_cast %get3A_1125 : vector<1x16xf32> to vector<16xf32>
      %swap3A_1127 = arith.index_cast %add3A_1118 : i32 to index
      %swap3A_1128 = arith.constant 32 : index
      %swap3A_1129 = tpu.vector_load %arg13[%swap3A_1127, %swap3A_1128] {strides = array<i32>} : memref<128x128xf32, #tpu.memory_space<vmem>>, vector<1x16xf32>,
      %swap3A_1130 = vector.shape_cast %swap3A_1129 : vector<1x16xf32> to vector<16xf32>
      %swap3A_1131 = vector.shape_cast %get3A_1126 : vector<16xf32> to vector<1x16xf32>
      tpu.vector_store %arg13[%swap3A_1127, %swap3A_1128], %swap3A_1131 {add = true, strides = array<i32>} : memref<128x128xf32, #tpu.memory_space<vmem>>, vector<1x16xf32>,
      %mul3A_1132 = arith.constant 4 : i32
      %mul3A_1133 = arith.muli %scan3A_1080, %mul3A_1132 : i32
      %add3A_1134 = arith.constant 0 : i32
      %add3A_1135 = arith.addi %mul3A_1133, %add3A_1134 : i32
      %mul3A_1136 = arith.constant 4 : i32
      %mul3A_1137 = arith.muli %scan3A_1080, %mul3A_1136 : i32
      %add3A_1138 = arith.constant 0 : i32
      %add3A_1139 = arith.addi %mul3A_1137, %add3A_1138 : i32
      %get3A_1140 = arith.index_cast %add3A_1139 : i32 to index
      %get3A_1141 = arith.constant 48 : index
      %get3A_1142 = tpu.vector_load %arg16[%get3A_1140, %get3A_1141] {strides = array<i32>} : memref<128x128xf32, #tpu.memory_space<vmem>>, vector<1x16xf32>,
      %get3A_1143 = vector.shape_cast %get3A_1142 : vector<1x16xf32> to vector<16xf32>
      %swap3A_1144 = arith.index_cast %add3A_1135 : i32 to index
      %swap3A_1145 = arith.constant 48 : index
      %swap3A_1146 = tpu.vector_load %arg13[%swap3A_1144, %swap3A_1145] {strides = array<i32>} : memref<128x128xf32, #tpu.memory_space<vmem>>, vector<1x16xf32>,
      %swap3A_1147 = vector.shape_cast %swap3A_1146 : vector<1x16xf32> to vector<16xf32>
      %swap3A_1148 = vector.shape_cast %get3A_1143 : vector<16xf32> to vector<1x16xf32>
      tpu.vector_store %arg13[%swap3A_1144, %swap3A_1145], %swap3A_1148 {add = true, strides = array<i32>} : memref<128x128xf32, #tpu.memory_space<vmem>>, vector<1x16xf32>,
      %mul3A_1149 = arith.constant 4 : i32
      %mul3A_1150 = arith.muli %scan3A_1080, %mul3A_1149 : i32
      %add3A_1151 = arith.constant 0 : i32
      %add3A_1152 = arith.addi %mul3A_1150, %add3A_1151 : i32
      %mul3A_1153 = arith.constant 4 : i32
      %mul3A_1154 = arith.muli %scan3A_1080, %mul3A_1153 : i32
      %add3A_1155 = arith.constant 0 : i32
      %add3A_1156 = arith.addi %mul3A_1154, %add3A_1155 : i32
      %get3A_1157 = arith.index_cast %add3A_1156 : i32 to index
      %get3A_1158 = arith.constant 64 : index
      %get3A_1159 = tpu.vector_load %arg16[%get3A_1157, %get3A_1158] {strides = array<i32>} : memref<128x128xf32, #tpu.memory_space<vmem>>, vector<1x16xf32>,
      %get3A_1160 = vector.shape_cast %get3A_1159 : vector<1x16xf32> to vector<16xf32>
      %swap3A_1161 = arith.index_cast %add3A_1152 : i32 to index
      %swap3A_1162 = arith.constant 64 : index
      %swap3A_1163 = tpu.vector_load %arg13[%swap3A_1161, %swap3A_1162] {strides = array<i32>} : memref<128x128xf32, #tpu.memory_space<vmem>>, vector<1x16xf32>,
      %swap3A_1164 = vector.shape_cast %swap3A_1163 : vector<1x16xf32> to vector<16xf32>
      %swap3A_1165 = vector.shape_cast %get3A_1160 : vector<16xf32> to vector<1x16xf32>
      tpu.vector_store %arg13[%swap3A_1161, %swap3A_1162], %swap3A_1165 {add = true, strides = array<i32>} : memref<128x128xf32, #tpu.memory_space<vmem>>, vector<1x16xf32>,
      %mul3A_1166 = arith.constant 4 : i32
      %mul3A_1167 = arith.muli %scan3A_1080, %mul3A_1166 : i32
      %add3A_1168 = arith.constant 0 : i32
      %add3A_1169 = arith.addi %mul3A_1167, %add3A_1168 : i32
      %mul3A_1170 = arith.constant 4 : i32
      %mul3A_1171 = arith.muli %scan3A_1080, %mul3A_1170 : i32
      %add3A_1172 = arith.constant 0 : i32
      %add3A_1173 = arith.addi %mul3A_1171, %add3A_1172 : i32
      %get3A_1174 = arith.index_cast %add3A_1173 : i32 to index
      %get3A_1175 = arith.constant 80 : index
      %get3A_1176 = tpu.vector_load %arg16[%get3A_1174, %get3A_1175] {strides = array<i32>} : memref<128x128xf32, #tpu.memory_space<vmem>>, vector<1x16xf32>,
      %get3A_1177 = vector.shape_cast %get3A_1176 : vector<1x16xf32> to vector<16xf32>
      %swap3A_1178 = arith.index_cast %add3A_1169 : i32 to index
      %swap3A_1179 = arith.constant 80 : index
      %swap3A_1180 = tpu.vector_load %arg13[%swap3A_1178, %swap3A_1179] {strides = array<i32>} : memref<128x128xf32, #tpu.memory_space<vmem>>, vector<1x16xf32>,
      %swap3A_1181 = vector.shape_cast %swap3A_1180 : vector<1x16xf32> to vector<16xf32>
      %swap3A_1182 = vector.shape_cast %get3A_1177 : vector<16xf32> to vector<1x16xf32>
      tpu.vector_store %arg13[%swap3A_1178, %swap3A_1179], %swap3A_1182 {add = true, strides = array<i32>} : memref<128x128xf32, #tpu.memory_space<vmem>>, vector<1x16xf32>,
      %mul3A_1183 = arith.constant 4 : i32
      %mul3A_1184 = arith.muli %scan3A_1080, %mul3A_1183 : i32
      %add3A_1185 = arith.constant 0 : i32
      %add3A_1186 = arith.addi %mul3A_1184, %add3A_1185 : i32
      %mul3A_1187 = arith.constant 4 : i32
      %mul3A_1188 = arith.muli %scan3A_1080, %mul3A_1187 : i32
      %add3A_1189 = arith.constant 0 : i32
      %add3A_1190 = arith.addi %mul3A_1188, %add3A_1189 : i32
      %get3A_1191 = arith.index_cast %add3A_1190 : i32 to index
      %get3A_1192 = arith.constant 96 : index
      %get3A_1193 = tpu.vector_load %arg16[%get3A_1191, %get3A_1192] {strides = array<i32>} : memref<128x128xf32, #tpu.memory_space<vmem>>, vector<1x16xf32>,
      %get3A_1194 = vector.shape_cast %get3A_1193 : vector<1x16xf32> to vector<16xf32>
      %swap3A_1195 = arith.index_cast %add3A_1186 : i32 to index
      %swap3A_1196 = arith.constant 96 : index
      %swap3A_1197 = tpu.vector_load %arg13[%swap3A_1195, %swap3A_1196] {strides = array<i32>} : memref<128x128xf32, #tpu.memory_space<vmem>>, vector<1x16xf32>,
      %swap3A_1198 = vector.shape_cast %swap3A_1197 : vector<1x16xf32> to vector<16xf32>
      %swap3A_1199 = vector.shape_cast %get3A_1194 : vector<16xf32> to vector<1x16xf32>
      tpu.vector_store %arg13[%swap3A_1195, %swap3A_1196], %swap3A_1199 {add = true, strides = array<i32>} : memref<128x128xf32, #tpu.memory_space<vmem>>, vector<1x16xf32>,
      %mul3A_1200 = arith.constant 4 : i32
      %mul3A_1201 = arith.muli %scan3A_1080, %mul3A_1200 : i32
      %add3A_1202 = arith.constant 0 : i32
      %add3A_1203 = arith.addi %mul3A_1201, %add3A_1202 : i32
      %mul3A_1204 = arith.constant 4 : i32
      %mul3A_1205 = arith.muli %scan3A_1080, %mul3A_1204 : i32
      %add3A_1206 = arith.constant 0 : i32
      %add3A_1207 = arith.addi %mul3A_1205, %add3A_1206 : i32
      %get3A_1208 = arith.index_cast %add3A_1207 : i32 to index
      %get3A_1209 = arith.constant 112 : index
      %get3A_1210 = tpu.vector_load %arg16[%get3A_1208, %get3A_1209] {strides = array<i32>} : memref<128x128xf32, #tpu.memory_space<vmem>>, vector<1x16xf32>,
      %get3A_1211 = vector.shape_cast %get3A_1210 : vector<1x16xf32> to vector<16xf32>
      %swap3A_1212 = arith.index_cast %add3A_1203 : i32 to index
      %swap3A_1213 = arith.constant 112 : index
      %swap3A_1214 = tpu.vector_load %arg13[%swap3A_1212, %swap3A_1213] {strides = array<i32>} : memref<128x128xf32, #tpu.memory_space<vmem>>, vector<1x16xf32>,
      %swap3A_1215 = vector.shape_cast %swap3A_1214 : vector<1x16xf32> to vector<16xf32>
      %swap3A_1216 = vector.shape_cast %get3A_1211 : vector<16xf32> to vector<1x16xf32>
      tpu.vector_store %arg13[%swap3A_1212, %swap3A_1213], %swap3A_1216 {add = true, strides = array<i32>} : memref<128x128xf32, #tpu.memory_space<vmem>>, vector<1x16xf32>,
      %mul3A_1217 = arith.constant 4 : i32
      %mul3A_1218 = arith.muli %scan3A_1080, %mul3A_1217 : i32
      %add3A_1219 = arith.constant 1 : i32
      %add3A_1220 = arith.addi %mul3A_1218, %add3A_1219 : i32
      %mul3A_1221 = arith.constant 4 : i32
      %mul3A_1222 = arith.muli %scan3A_1080, %mul3A_1221 : i32
      %add3A_1223 = arith.constant 1 : i32
      %add3A_1224 = arith.addi %mul3A_1222, %add3A_1223 : i32
      %get3A_1225 = arith.index_cast %add3A_1224 : i32 to index
      %get3A_1226 = arith.constant 0 : index
      %get3A_1227 = tpu.vector_load %arg16[%get3A_1225, %get3A_1226] {strides = array<i32>} : memref<128x128xf32, #tpu.memory_space<vmem>>, vector<1x16xf32>,
      %get3A_1228 = vector.shape_cast %get3A_1227 : vector<1x16xf32> to vector<16xf32>
      %swap3A_1229 = arith.index_cast %add3A_1220 : i32 to index
      %swap3A_1230 = arith.constant 0 : index
      %swap3A_1231 = tpu.vector_load %arg13[%swap3A_1229, %swap3A_1230] {strides = array<i32>} : memref<128x128xf32, #tpu.memory_space<vmem>>, vector<1x16xf32>,
      %swap3A_1232 = vector.shape_cast %swap3A_1231 : vector<1x16xf32> to vector<16xf32>
      %swap3A_1233 = vector.shape_cast %get3A_1228 : vector<16xf32> to vector<1x16xf32>
      tpu.vector_store %arg13[%swap3A_1229, %swap3A_1230], %swap3A_1233 {add = true, strides = array<i32>} : memref<128x128xf32, #tpu.memory_space<vmem>>, vector<1x16xf32>,
      %mul3A_1234 = arith.constant 4 : i32
      %mul3A_1235 = arith.muli %scan3A_1080, %mul3A_1234 : i32
      %add3A_1236 = arith.constant 1 : i32
      %add3A_1237 = arith.addi %mul3A_1235, %add3A_1236 : i32
      %mul3A_1238 = arith.constant 4 : i32
      %mul3A_1239 = arith.muli %scan3A_1080, %mul3A_1238 : i32
      %add3A_1240 = arith.constant 1 : i32
      %add3A_1241 = arith.addi %mul3A_1239, %add3A_1240 : i32
      %get3A_1242 = arith.index_cast %add3A_1241 : i32 to index
      %get3A_1243 = arith.constant 16 : index
      %get3A_1244 = tpu.vector_load %arg16[%get3A_1242, %get3A_1243] {strides = array<i32>} : memref<128x128xf32, #tpu.memory_space<vmem>>, vector<1x16xf32>,
      %get3A_1245 = vector.shape_cast %get3A_1244 : vector<1x16xf32> to vector<16xf32>
      %swap3A_1246 = arith.index_cast %add3A_1237 : i32 to index
      %swap3A_1247 = arith.constant 16 : index
      %swap3A_1248 = tpu.vector_load %arg13[%swap3A_1246, %swap3A_1247] {strides = array<i32>} : memref<128x128xf32, #tpu.memory_space<vmem>>, vector<1x16xf32>,
      %swap3A_1249 = vector.shape_cast %swap3A_1248 : vector<1x16xf32> to vector<16xf32>
      %swap3A_1250 = vector.shape_cast %get3A_1245 : vector<16xf32> to vector<1x16xf32>
      tpu.vector_store %arg13[%swap3A_1246, %swap3A_1247], %swap3A_1250 {add = true, strides = array<i32>} : memref<128x128xf32, #tpu.memory_space<vmem>>, vector<1x16xf32>,
      %mul3A_1251 = arith.constant 4 : i32
      %mul3A_1252 = arith.muli %scan3A_1080, %mul3A_1251 : i32
      %add3A_1253 = arith.constant 1 : i32
      %add3A_1254 = arith.addi %mul3A_1252, %add3A_1253 : i32
      %mul3A_1255 = arith.constant 4 : i32
      %mul3A_1256 = arith.muli %scan3A_1080, %mul3A_1255 : i32
      %add3A_1257 = arith.constant 1 : i32
      %add3A_1258 = arith.addi %mul3A_1256, %add3A_1257 : i32
      %get3A_1259 = arith.index_cast %add3A_1258 : i32 to index
      %get3A_1260 = arith.constant 32 : index
      %get3A_1261 = tpu.vector_load %arg16[%get3A_1259, %get3A_1260] {strides = array<i32>} : memref<128x128xf32, #tpu.memory_space<vmem>>, vector<1x16xf32>,
      %get3A_1262 = vector.shape_cast %get3A_1261 : vector<1x16xf32> to vector<16xf32>
      %swap3A_1263 = arith.index_cast %add3A_1254 : i32 to index
      %swap3A_1264 = arith.constant 32 : index
      %swap3A_1265 = tpu.vector_load %arg13[%swap3A_1263, %swap3A_1264] {strides = array<i32>} : memref<128x128xf32, #tpu.memory_space<vmem>>, vector<1x16xf32>,
      %swap3A_1266 = vector.shape_cast %swap3A_1265 : vector<1x16xf32> to vector<16xf32>
      %swap3A_1267 = vector.shape_cast %get3A_1262 : vector<16xf32> to vector<1x16xf32>
      tpu.vector_store %arg13[%swap3A_1263, %swap3A_1264], %swap3A_1267 {add = true, strides = array<i32>} : memref<128x128xf32, #tpu.memory_space<vmem>>, vector<1x16xf32>,
      %mul3A_1268 = arith.constant 4 : i32
      %mul3A_1269 = arith.muli %scan3A_1080, %mul3A_1268 : i32
      %add3A_1270 = arith.constant 1 : i32
      %add3A_1271 = arith.addi %mul3A_1269, %add3A_1270 : i32
      %mul3A_1272 = arith.constant 4 : i32
      %mul3A_1273 = arith.muli %scan3A_1080, %mul3A_1272 : i32
      %add3A_1274 = arith.constant 1 : i32
      %add3A_1275 = arith.addi %mul3A_1273, %add3A_1274 : i32
      %get3A_1276 = arith.index_cast %add3A_1275 : i32 to index
      %get3A_1277 = arith.constant 48 : index
      %get3A_1278 = tpu.vector_load %arg16[%get3A_1276, %get3A_1277] {strides = array<i32>} : memref<128x128xf32, #tpu.memory_space<vmem>>, vector<1x16xf32>,
      %get3A_1279 = vector.shape_cast %get3A_1278 : vector<1x16xf32> to vector<16xf32>
      %swap3A_1280 = arith.index_cast %add3A_1271 : i32 to index
      %swap3A_1281 = arith.constant 48 : index
      %swap3A_1282 = tpu.vector_load %arg13[%swap3A_1280, %swap3A_1281] {strides = array<i32>} : memref<128x128xf32, #tpu.memory_space<vmem>>, vector<1x16xf32>,
      %swap3A_1283 = vector.shape_cast %swap3A_1282 : vector<1x16xf32> to vector<16xf32>
      %swap3A_1284 = vector.shape_cast %get3A_1279 : vector<16xf32> to vector<1x16xf32>
      tpu.vector_store %arg13[%swap3A_1280, %swap3A_1281], %swap3A_1284 {add = true, strides = array<i32>} : memref<128x128xf32, #tpu.memory_space<vmem>>, vector<1x16xf32>,
      %mul3A_1285 = arith.constant 4 : i32
      %mul3A_1286 = arith.muli %scan3A_1080, %mul3A_1285 : i32
      %add3A_1287 = arith.constant 1 : i32
      %add3A_1288 = arith.addi %mul3A_1286, %add3A_1287 : i32
      %mul3A_1289 = arith.constant 4 : i32
      %mul3A_1290 = arith.muli %scan3A_1080, %mul3A_1289 : i32
      %add3A_1291 = arith.constant 1 : i32
      %add3A_1292 = arith.addi %mul3A_1290, %add3A_1291 : i32
      %get3A_1293 = arith.index_cast %add3A_1292 : i32 to index
      %get3A_1294 = arith.constant 64 : index
      %get3A_1295 = tpu.vector_load %arg16[%get3A_1293, %get3A_1294] {strides = array<i32>} : memref<128x128xf32, #tpu.memory_space<vmem>>, vector<1x16xf32>,
      %get3A_1296 = vector.shape_cast %get3A_1295 : vector<1x16xf32> to vector<16xf32>
      %swap3A_1297 = arith.index_cast %add3A_1288 : i32 to index
      %swap3A_1298 = arith.constant 64 : index
      %swap3A_1299 = tpu.vector_load %arg13[%swap3A_1297, %swap3A_1298] {strides = array<i32>} : memref<128x128xf32, #tpu.memory_space<vmem>>, vector<1x16xf32>,
      %swap3A_1300 = vector.shape_cast %swap3A_1299 : vector<1x16xf32> to vector<16xf32>
      %swap3A_1301 = vector.shape_cast %get3A_1296 : vector<16xf32> to vector<1x16xf32>
      tpu.vector_store %arg13[%swap3A_1297, %swap3A_1298], %swap3A_1301 {add = true, strides = array<i32>} : memref<128x128xf32, #tpu.memory_space<vmem>>, vector<1x16xf32>,
      %mul3A_1302 = arith.constant 4 : i32
      %mul3A_1303 = arith.muli %scan3A_1080, %mul3A_1302 : i32
      %add3A_1304 = arith.constant 1 : i32
      %add3A_1305 = arith.addi %mul3A_1303, %add3A_1304 : i32
      %mul3A_1306 = arith.constant 4 : i32
      %mul3A_1307 = arith.muli %scan3A_1080, %mul3A_1306 : i32
      %add3A_1308 = arith.constant 1 : i32
      %add3A_1309 = arith.addi %mul3A_1307, %add3A_1308 : i32
      %get3A_1310 = arith.index_cast %add3A_1309 : i32 to index
      %get3A_1311 = arith.constant 80 : index
      %get3A_1312 = tpu.vector_load %arg16[%get3A_1310, %get3A_1311] {strides = array<i32>} : memref<128x128xf32, #tpu.memory_space<vmem>>, vector<1x16xf32>,
      %get3A_1313 = vector.shape_cast %get3A_1312 : vector<1x16xf32> to vector<16xf32>
      %swap3A_1314 = arith.index_cast %add3A_1305 : i32 to index
      %swap3A_1315 = arith.constant 80 : index
      %swap3A_1316 = tpu.vector_load %arg13[%swap3A_1314, %swap3A_1315] {strides = array<i32>} : memref<128x128xf32, #tpu.memory_space<vmem>>, vector<1x16xf32>,
      %swap3A_1317 = vector.shape_cast %swap3A_1316 : vector<1x16xf32> to vector<16xf32>
      %swap3A_1318 = vector.shape_cast %get3A_1313 : vector<16xf32> to vector<1x16xf32>
      tpu.vector_store %arg13[%swap3A_1314, %swap3A_1315], %swap3A_1318 {add = true, strides = array<i32>} : memref<128x128xf32, #tpu.memory_space<vmem>>, vector<1x16xf32>,
      %mul3A_1319 = arith.constant 4 : i32
      %mul3A_1320 = arith.muli %scan3A_1080, %mul3A_1319 : i32
      %add3A_1321 = arith.constant 1 : i32
      %add3A_1322 = arith.addi %mul3A_1320, %add3A_1321 : i32
      %mul3A_1323 = arith.constant 4 : i32
      %mul3A_1324 = arith.muli %scan3A_1080, %mul3A_1323 : i32
      %add3A_1325 = arith.constant 1 : i32
      %add3A_1326 = arith.addi %mul3A_1324, %add3A_1325 : i32
      %get3A_1327 = arith.index_cast %add3A_1326 : i32 to index
      %get3A_1328 = arith.constant 96 : index
      %get3A_1329 = tpu.vector_load %arg16[%get3A_1327, %get3A_1328] {strides = array<i32>} : memref<128x128xf32, #tpu.memory_space<vmem>>, vector<1x16xf32>,
      %get3A_1330 = vector.shape_cast %get3A_1329 : vector<1x16xf32> to vector<16xf32>
      %swap3A_1331 = arith.index_cast %add3A_1322 : i32 to index
      %swap3A_1332 = arith.constant 96 : index
      %swap3A_1333 = tpu.vector_load %arg13[%swap3A_1331, %swap3A_1332] {strides = array<i32>} : memref<128x128xf32, #tpu.memory_space<vmem>>, vector<1x16xf32>,
      %swap3A_1334 = vector.shape_cast %swap3A_1333 : vector<1x16xf32> to vector<16xf32>
      %swap3A_1335 = vector.shape_cast %get3A_1330 : vector<16xf32> to vector<1x16xf32>
      tpu.vector_store %arg13[%swap3A_1331, %swap3A_1332], %swap3A_1335 {add = true, strides = array<i32>} : memref<128x128xf32, #tpu.memory_space<vmem>>, vector<1x16xf32>,
      %mul3A_1336 = arith.constant 4 : i32
      %mul3A_1337 = arith.muli %scan3A_1080, %mul3A_1336 : i32
      %add3A_1338 = arith.constant 1 : i32
      %add3A_1339 = arith.addi %mul3A_1337, %add3A_1338 : i32
      %mul3A_1340 = arith.constant 4 : i32
      %mul3A_1341 = arith.muli %scan3A_1080, %mul3A_1340 : i32
      %add3A_1342 = arith.constant 1 : i32
      %add3A_1343 = arith.addi %mul3A_1341, %add3A_1342 : i32
      %get3A_1344 = arith.index_cast %add3A_1343 : i32 to index
      %get3A_1345 = arith.constant 112 : index
      %get3A_1346 = tpu.vector_load %arg16[%get3A_1344, %get3A_1345] {strides = array<i32>} : memref<128x128xf32, #tpu.memory_space<vmem>>, vector<1x16xf32>,
      %get3A_1347 = vector.shape_cast %get3A_1346 : vector<1x16xf32> to vector<16xf32>
      %swap3A_1348 = arith.index_cast %add3A_1339 : i32 to index
      %swap3A_1349 = arith.constant 112 : index
      %swap3A_1350 = tpu.vector_load %arg13[%swap3A_1348, %swap3A_1349] {strides = array<i32>} : memref<128x128xf32, #tpu.memory_space<vmem>>, vector<1x16xf32>,
      %swap3A_1351 = vector.shape_cast %swap3A_1350 : vector<1x16xf32> to vector<16xf32>
      %swap3A_1352 = vector.shape_cast %get3A_1347 : vector<16xf32> to vector<1x16xf32>
      tpu.vector_store %arg13[%swap3A_1348, %swap3A_1349], %swap3A_1352 {add = true, strides = array<i32>} : memref<128x128xf32, #tpu.memory_space<vmem>>, vector<1x16xf32>,
      %mul3A_1353 = arith.constant 4 : i32
      %mul3A_1354 = arith.muli %scan3A_1080, %mul3A_1353 : i32
      %add3A_1355 = arith.constant 2 : i32
      %add3A_1356 = arith.addi %mul3A_1354, %add3A_1355 : i32
      %mul3A_1357 = arith.constant 4 : i32
      %mul3A_1358 = arith.muli %scan3A_1080, %mul3A_1357 : i32
      %add3A_1359 = arith.constant 2 : i32
      %add3A_1360 = arith.addi %mul3A_1358, %add3A_1359 : i32
      %get3A_1361 = arith.index_cast %add3A_1360 : i32 to index
      %get3A_1362 = arith.constant 0 : index
      %get3A_1363 = tpu.vector_load %arg16[%get3A_1361, %get3A_1362] {strides = array<i32>} : memref<128x128xf32, #tpu.memory_space<vmem>>, vector<1x16xf32>,
      %get3A_1364 = vector.shape_cast %get3A_1363 : vector<1x16xf32> to vector<16xf32>
      %swap3A_1365 = arith.index_cast %add3A_1356 : i32 to index
      %swap3A_1366 = arith.constant 0 : index
      %swap3A_1367 = tpu.vector_load %arg13[%swap3A_1365, %swap3A_1366] {strides = array<i32>} : memref<128x128xf32, #tpu.memory_space<vmem>>, vector<1x16xf32>,
      %swap3A_1368 = vector.shape_cast %swap3A_1367 : vector<1x16xf32> to vector<16xf32>
      %swap3A_1369 = vector.shape_cast %get3A_1364 : vector<16xf32> to vector<1x16xf32>
      tpu.vector_store %arg13[%swap3A_1365, %swap3A_1366], %swap3A_1369 {add = true, strides = array<i32>} : memref<128x128xf32, #tpu.memory_space<vmem>>, vector<1x16xf32>,
      %mul3A_1370 = arith.constant 4 : i32
      %mul3A_1371 = arith.muli %scan3A_1080, %mul3A_1370 : i32
      %add3A_1372 = arith.constant 2 : i32
      %add3A_1373 = arith.addi %mul3A_1371, %add3A_1372 : i32
      %mul3A_1374 = arith.constant 4 : i32
      %mul3A_1375 = arith.muli %scan3A_1080, %mul3A_1374 : i32
      %add3A_1376 = arith.constant 2 : i32
      %add3A_1377 = arith.addi %mul3A_1375, %add3A_1376 : i32
      %get3A_1378 = arith.index_cast %add3A_1377 : i32 to index
      %get3A_1379 = arith.constant 16 : index
      %get3A_1380 = tpu.vector_load %arg16[%get3A_1378, %get3A_1379] {strides = array<i32>} : memref<128x128xf32, #tpu.memory_space<vmem>>, vector<1x16xf32>,
      %get3A_1381 = vector.shape_cast %get3A_1380 : vector<1x16xf32> to vector<16xf32>
      %swap3A_1382 = arith.index_cast %add3A_1373 : i32 to index
      %swap3A_1383 = arith.constant 16 : index
      %swap3A_1384 = tpu.vector_load %arg13[%swap3A_1382, %swap3A_1383] {strides = array<i32>} : memref<128x128xf32, #tpu.memory_space<vmem>>, vector<1x16xf32>,
      %swap3A_1385 = vector.shape_cast %swap3A_1384 : vector<1x16xf32> to vector<16xf32>
      %swap3A_1386 = vector.shape_cast %get3A_1381 : vector<16xf32> to vector<1x16xf32>
      tpu.vector_store %arg13[%swap3A_1382, %swap3A_1383], %swap3A_1386 {add = true, strides = array<i32>} : memref<128x128xf32, #tpu.memory_space<vmem>>, vector<1x16xf32>,
      %mul3A_1387 = arith.constant 4 : i32
      %mul3A_1388 = arith.muli %scan3A_1080, %mul3A_1387 : i32
      %add3A_1389 = arith.constant 2 : i32
      %add3A_1390 = arith.addi %mul3A_1388, %add3A_1389 : i32
      %mul3A_1391 = arith.constant 4 : i32
      %mul3A_1392 = arith.muli %scan3A_1080, %mul3A_1391 : i32
      %add3A_1393 = arith.constant 2 : i32
      %add3A_1394 = arith.addi %mul3A_1392, %add3A_1393 : i32
      %get3A_1395 = arith.index_cast %add3A_1394 : i32 to index
      %get3A_1396 = arith.constant 32 : index
      %get3A_1397 = tpu.vector_load %arg16[%get3A_1395, %get3A_1396] {strides = array<i32>} : memref<128x128xf32, #tpu.memory_space<vmem>>, vector<1x16xf32>,
      %get3A_1398 = vector.shape_cast %get3A_1397 : vector<1x16xf32> to vector<16xf32>
      %swap3A_1399 = arith.index_cast %add3A_1390 : i32 to index
      %swap3A_1400 = arith.constant 32 : index
      %swap3A_1401 = tpu.vector_load %arg13[%swap3A_1399, %swap3A_1400] {strides = array<i32>} : memref<128x128xf32, #tpu.memory_space<vmem>>, vector<1x16xf32>,
      %swap3A_1402 = vector.shape_cast %swap3A_1401 : vector<1x16xf32> to vector<16xf32>
      %swap3A_1403 = vector.shape_cast %get3A_1398 : vector<16xf32> to vector<1x16xf32>
      tpu.vector_store %arg13[%swap3A_1399, %swap3A_1400], %swap3A_1403 {add = true, strides = array<i32>} : memref<128x128xf32, #tpu.memory_space<vmem>>, vector<1x16xf32>,
      %mul3A_1404 = arith.constant 4 : i32
      %mul3A_1405 = arith.muli %scan3A_1080, %mul3A_1404 : i32
      %add3A_1406 = arith.constant 2 : i32
      %add3A_1407 = arith.addi %mul3A_1405, %add3A_1406 : i32
      %mul3A_1408 = arith.constant 4 : i32
      %mul3A_1409 = arith.muli %scan3A_1080, %mul3A_1408 : i32
      %add3A_1410 = arith.constant 2 : i32
      %add3A_1411 = arith.addi %mul3A_1409, %add3A_1410 : i32
      %get3A_1412 = arith.index_cast %add3A_1411 : i32 to index
      %get3A_1413 = arith.constant 48 : index
      %get3A_1414 = tpu.vector_load %arg16[%get3A_1412, %get3A_1413] {strides = array<i32>} : memref<128x128xf32, #tpu.memory_space<vmem>>, vector<1x16xf32>,
      %get3A_1415 = vector.shape_cast %get3A_1414 : vector<1x16xf32> to vector<16xf32>
      %swap3A_1416 = arith.index_cast %add3A_1407 : i32 to index
      %swap3A_1417 = arith.constant 48 : index
      %swap3A_1418 = tpu.vector_load %arg13[%swap3A_1416, %swap3A_1417] {strides = array<i32>} : memref<128x128xf32, #tpu.memory_space<vmem>>, vector<1x16xf32>,
      %swap3A_1419 = vector.shape_cast %swap3A_1418 : vector<1x16xf32> to vector<16xf32>
      %swap3A_1420 = vector.shape_cast %get3A_1415 : vector<16xf32> to vector<1x16xf32>
      tpu.vector_store %arg13[%swap3A_1416, %swap3A_1417], %swap3A_1420 {add = true, strides = array<i32>} : memref<128x128xf32, #tpu.memory_space<vmem>>, vector<1x16xf32>,
      %mul3A_1421 = arith.constant 4 : i32
      %mul3A_1422 = arith.muli %scan3A_1080, %mul3A_1421 : i32
      %add3A_1423 = arith.constant 2 : i32
      %add3A_1424 = arith.addi %mul3A_1422, %add3A_1423 : i32
      %mul3A_1425 = arith.constant 4 : i32
      %mul3A_1426 = arith.muli %scan3A_1080, %mul3A_1425 : i32
      %add3A_1427 = arith.constant 2 : i32
      %add3A_1428 = arith.addi %mul3A_1426, %add3A_1427 : i32
      %get3A_1429 = arith.index_cast %add3A_1428 : i32 to index
      %get3A_1430 = arith.constant 64 : index
      %get3A_1431 = tpu.vector_load %arg16[%get3A_1429, %get3A_1430] {strides = array<i32>} : memref<128x128xf32, #tpu.memory_space<vmem>>, vector<1x16xf32>,
      %get3A_1432 = vector.shape_cast %get3A_1431 : vector<1x16xf32> to vector<16xf32>
      %swap3A_1433 = arith.index_cast %add3A_1424 : i32 to index
      %swap3A_1434 = arith.constant 64 : index
      %swap3A_1435 = tpu.vector_load %arg13[%swap3A_1433, %swap3A_1434] {strides = array<i32>} : memref<128x128xf32, #tpu.memory_space<vmem>>, vector<1x16xf32>,
      %swap3A_1436 = vector.shape_cast %swap3A_1435 : vector<1x16xf32> to vector<16xf32>
      %swap3A_1437 = vector.shape_cast %get3A_1432 : vector<16xf32> to vector<1x16xf32>
      tpu.vector_store %arg13[%swap3A_1433, %swap3A_1434], %swap3A_1437 {add = true, strides = array<i32>} : memref<128x128xf32, #tpu.memory_space<vmem>>, vector<1x16xf32>,
      %mul3A_1438 = arith.constant 4 : i32
      %mul3A_1439 = arith.muli %scan3A_1080, %mul3A_1438 : i32
      %add3A_1440 = arith.constant 2 : i32
      %add3A_1441 = arith.addi %mul3A_1439, %add3A_1440 : i32
      %mul3A_1442 = arith.constant 4 : i32
      %mul3A_1443 = arith.muli %scan3A_1080, %mul3A_1442 : i32
      %add3A_1444 = arith.constant 2 : i32
      %add3A_1445 = arith.addi %mul3A_1443, %add3A_1444 : i32
      %get3A_1446 = arith.index_cast %add3A_1445 : i32 to index
      %get3A_1447 = arith.constant 80 : index
      %get3A_1448 = tpu.vector_load %arg16[%get3A_1446, %get3A_1447] {strides = array<i32>} : memref<128x128xf32, #tpu.memory_space<vmem>>, vector<1x16xf32>,
      %get3A_1449 = vector.shape_cast %get3A_1448 : vector<1x16xf32> to vector<16xf32>
      %swap3A_1450 = arith.index_cast %add3A_1441 : i32 to index
      %swap3A_1451 = arith.constant 80 : index
      %swap3A_1452 = tpu.vector_load %arg13[%swap3A_1450, %swap3A_1451] {strides = array<i32>} : memref<128x128xf32, #tpu.memory_space<vmem>>, vector<1x16xf32>,
      %swap3A_1453 = vector.shape_cast %swap3A_1452 : vector<1x16xf32> to vector<16xf32>
      %swap3A_1454 = vector.shape_cast %get3A_1449 : vector<16xf32> to vector<1x16xf32>
      tpu.vector_store %arg13[%swap3A_1450, %swap3A_1451], %swap3A_1454 {add = true, strides = array<i32>} : memref<128x128xf32, #tpu.memory_space<vmem>>, vector<1x16xf32>,
      %mul3A_1455 = arith.constant 4 : i32
      %mul3A_1456 = arith.muli %scan3A_1080, %mul3A_1455 : i32
      %add3A_1457 = arith.constant 2 : i32
      %add3A_1458 = arith.addi %mul3A_1456, %add3A_1457 : i32
      %mul3A_1459 = arith.constant 4 : i32
      %mul3A_1460 = arith.muli %scan3A_1080, %mul3A_1459 : i32
      %add3A_1461 = arith.constant 2 : i32
      %add3A_1462 = arith.addi %mul3A_1460, %add3A_1461 : i32
      %get3A_1463 = arith.index_cast %add3A_1462 : i32 to index
      %get3A_1464 = arith.constant 96 : index
      %get3A_1465 = tpu.vector_load %arg16[%get3A_1463, %get3A_1464] {strides = array<i32>} : memref<128x128xf32, #tpu.memory_space<vmem>>, vector<1x16xf32>,
      %get3A_1466 = vector.shape_cast %get3A_1465 : vector<1x16xf32> to vector<16xf32>
      %swap3A_1467 = arith.index_cast %add3A_1458 : i32 to index
      %swap3A_1468 = arith.constant 96 : index
      %swap3A_1469 = tpu.vector_load %arg13[%swap3A_1467, %swap3A_1468] {strides = array<i32>} : memref<128x128xf32, #tpu.memory_space<vmem>>, vector<1x16xf32>,
      %swap3A_1470 = vector.shape_cast %swap3A_1469 : vector<1x16xf32> to vector<16xf32>
      %swap3A_1471 = vector.shape_cast %get3A_1466 : vector<16xf32> to vector<1x16xf32>
      tpu.vector_store %arg13[%swap3A_1467, %swap3A_1468], %swap3A_1471 {add = true, strides = array<i32>} : memref<128x128xf32, #tpu.memory_space<vmem>>, vector<1x16xf32>,
      %mul3A_1472 = arith.constant 4 : i32
      %mul3A_1473 = arith.muli %scan3A_1080, %mul3A_1472 : i32
      %add3A_1474 = arith.constant 2 : i32
      %add3A_1475 = arith.addi %mul3A_1473, %add3A_1474 : i32
      %mul3A_1476 = arith.constant 4 : i32
      %mul3A_1477 = arith.muli %scan3A_1080, %mul3A_1476 : i32
      %add3A_1478 = arith.constant 2 : i32
      %add3A_1479 = arith.addi %mul3A_1477, %add3A_1478 : i32
      %get3A_1480 = arith.index_cast %add3A_1479 : i32 to index
      %get3A_1481 = arith.constant 112 : index
      %get3A_1482 = tpu.vector_load %arg16[%get3A_1480, %get3A_1481] {strides = array<i32>} : memref<128x128xf32, #tpu.memory_space<vmem>>, vector<1x16xf32>,
      %get3A_1483 = vector.shape_cast %get3A_1482 : vector<1x16xf32> to vector<16xf32>
      %swap3A_1484 = arith.index_cast %add3A_1475 : i32 to index
      %swap3A_1485 = arith.constant 112 : index
      %swap3A_1486 = tpu.vector_load %arg13[%swap3A_1484, %swap3A_1485] {strides = array<i32>} : memref<128x128xf32, #tpu.memory_space<vmem>>, vector<1x16xf32>,
      %swap3A_1487 = vector.shape_cast %swap3A_1486 : vector<1x16xf32> to vector<16xf32>
      %swap3A_1488 = vector.shape_cast %get3A_1483 : vector<16xf32> to vector<1x16xf32>
      tpu.vector_store %arg13[%swap3A_1484, %swap3A_1485], %swap3A_1488 {add = true, strides = array<i32>} : memref<128x128xf32, #tpu.memory_space<vmem>>, vector<1x16xf32>,
      %mul3A_1489 = arith.constant 4 : i32
      %mul3A_1490 = arith.muli %scan3A_1080, %mul3A_1489 : i32
      %add3A_1491 = arith.constant 3 : i32
      %add3A_1492 = arith.addi %mul3A_1490, %add3A_1491 : i32
      %mul3A_1493 = arith.constant 4 : i32
      %mul3A_1494 = arith.muli %scan3A_1080, %mul3A_1493 : i32
      %add3A_1495 = arith.constant 3 : i32
      %add3A_1496 = arith.addi %mul3A_1494, %add3A_1495 : i32
      %get3A_1497 = arith.index_cast %add3A_1496 : i32 to index
      %get3A_1498 = arith.constant 0 : index
      %get3A_1499 = tpu.vector_load %arg16[%get3A_1497, %get3A_1498] {strides = array<i32>} : memref<128x128xf32, #tpu.memory_space<vmem>>, vector<1x16xf32>,
      %get3A_1500 = vector.shape_cast %get3A_1499 : vector<1x16xf32> to vector<16xf32>
      %swap3A_1501 = arith.index_cast %add3A_1492 : i32 to index
      %swap3A_1502 = arith.constant 0 : index
      %swap3A_1503 = tpu.vector_load %arg13[%swap3A_1501, %swap3A_1502] {strides = array<i32>} : memref<128x128xf32, #tpu.memory_space<vmem>>, vector<1x16xf32>,
      %swap3A_1504 = vector.shape_cast %swap3A_1503 : vector<1x16xf32> to vector<16xf32>
      %swap3A_1505 = vector.shape_cast %get3A_1500 : vector<16xf32> to vector<1x16xf32>
      tpu.vector_store %arg13[%swap3A_1501, %swap3A_1502], %swap3A_1505 {add = true, strides = array<i32>} : memref<128x128xf32, #tpu.memory_space<vmem>>, vector<1x16xf32>,
      %mul3A_1506 = arith.constant 4 : i32
      %mul3A_1507 = arith.muli %scan3A_1080, %mul3A_1506 : i32
      %add3A_1508 = arith.constant 3 : i32
      %add3A_1509 = arith.addi %mul3A_1507, %add3A_1508 : i32
      %mul3A_1510 = arith.constant 4 : i32
      %mul3A_1511 = arith.muli %scan3A_1080, %mul3A_1510 : i32
      %add3A_1512 = arith.constant 3 : i32
      %add3A_1513 = arith.addi %mul3A_1511, %add3A_1512 : i32
      %get3A_1514 = arith.index_cast %add3A_1513 : i32 to index
      %get3A_1515 = arith.constant 16 : index
      %get3A_1516 = tpu.vector_load %arg16[%get3A_1514, %get3A_1515] {strides = array<i32>} : memref<128x128xf32, #tpu.memory_space<vmem>>, vector<1x16xf32>,
      %get3A_1517 = vector.shape_cast %get3A_1516 : vector<1x16xf32> to vector<16xf32>
      %swap3A_1518 = arith.index_cast %add3A_1509 : i32 to index
      %swap3A_1519 = arith.constant 16 : index
      %swap3A_1520 = tpu.vector_load %arg13[%swap3A_1518, %swap3A_1519] {strides = array<i32>} : memref<128x128xf32, #tpu.memory_space<vmem>>, vector<1x16xf32>,
      %swap3A_1521 = vector.shape_cast %swap3A_1520 : vector<1x16xf32> to vector<16xf32>
      %swap3A_1522 = vector.shape_cast %get3A_1517 : vector<16xf32> to vector<1x16xf32>
      tpu.vector_store %arg13[%swap3A_1518, %swap3A_1519], %swap3A_1522 {add = true, strides = array<i32>} : memref<128x128xf32, #tpu.memory_space<vmem>>, vector<1x16xf32>,
      %mul3A_1523 = arith.constant 4 : i32
      %mul3A_1524 = arith.muli %scan3A_1080, %mul3A_1523 : i32
      %add3A_1525 = arith.constant 3 : i32
      %add3A_1526 = arith.addi %mul3A_1524, %add3A_1525 : i32
      %mul3A_1527 = arith.constant 4 : i32
      %mul3A_1528 = arith.muli %scan3A_1080, %mul3A_1527 : i32
      %add3A_1529 = arith.constant 3 : i32
      %add3A_1530 = arith.addi %mul3A_1528, %add3A_1529 : i32
      %get3A_1531 = arith.index_cast %add3A_1530 : i32 to index
      %get3A_1532 = arith.constant 32 : index
      %get3A_1533 = tpu.vector_load %arg16[%get3A_1531, %get3A_1532] {strides = array<i32>} : memref<128x128xf32, #tpu.memory_space<vmem>>, vector<1x16xf32>,
      %get3A_1534 = vector.shape_cast %get3A_1533 : vector<1x16xf32> to vector<16xf32>
      %swap3A_1535 = arith.index_cast %add3A_1526 : i32 to index
      %swap3A_1536 = arith.constant 32 : index
      %swap3A_1537 = tpu.vector_load %arg13[%swap3A_1535, %swap3A_1536] {strides = array<i32>} : memref<128x128xf32, #tpu.memory_space<vmem>>, vector<1x16xf32>,
      %swap3A_1538 = vector.shape_cast %swap3A_1537 : vector<1x16xf32> to vector<16xf32>
      %swap3A_1539 = vector.shape_cast %get3A_1534 : vector<16xf32> to vector<1x16xf32>
      tpu.vector_store %arg13[%swap3A_1535, %swap3A_1536], %swap3A_1539 {add = true, strides = array<i32>} : memref<128x128xf32, #tpu.memory_space<vmem>>, vector<1x16xf32>,
      %mul3A_1540 = arith.constant 4 : i32
      %mul3A_1541 = arith.muli %scan3A_1080, %mul3A_1540 : i32
      %add3A_1542 = arith.constant 3 : i32
      %add3A_1543 = arith.addi %mul3A_1541, %add3A_1542 : i32
      %mul3A_1544 = arith.constant 4 : i32
      %mul3A_1545 = arith.muli %scan3A_1080, %mul3A_1544 : i32
      %add3A_1546 = arith.constant 3 : i32
      %add3A_1547 = arith.addi %mul3A_1545, %add3A_1546 : i32
      %get3A_1548 = arith.index_cast %add3A_1547 : i32 to index
      %get3A_1549 = arith.constant 48 : index
      %get3A_1550 = tpu.vector_load %arg16[%get3A_1548, %get3A_1549] {strides = array<i32>} : memref<128x128xf32, #tpu.memory_space<vmem>>, vector<1x16xf32>,
      %get3A_1551 = vector.shape_cast %get3A_1550 : vector<1x16xf32> to vector<16xf32>
      %swap3A_1552 = arith.index_cast %add3A_1543 : i32 to index
      %swap3A_1553 = arith.constant 48 : index
      %swap3A_1554 = tpu.vector_load %arg13[%swap3A_1552, %swap3A_1553] {strides = array<i32>} : memref<128x128xf32, #tpu.memory_space<vmem>>, vector<1x16xf32>,
      %swap3A_1555 = vector.shape_cast %swap3A_1554 : vector<1x16xf32> to vector<16xf32>
      %swap3A_1556 = vector.shape_cast %get3A_1551 : vector<16xf32> to vector<1x16xf32>
      tpu.vector_store %arg13[%swap3A_1552, %swap3A_1553], %swap3A_1556 {add = true, strides = array<i32>} : memref<128x128xf32, #tpu.memory_space<vmem>>, vector<1x16xf32>,
      %mul3A_1557 = arith.constant 4 : i32
      %mul3A_1558 = arith.muli %scan3A_1080, %mul3A_1557 : i32
      %add3A_1559 = arith.constant 3 : i32
      %add3A_1560 = arith.addi %mul3A_1558, %add3A_1559 : i32
      %mul3A_1561 = arith.constant 4 : i32
      %mul3A_1562 = arith.muli %scan3A_1080, %mul3A_1561 : i32
      %add3A_1563 = arith.constant 3 : i32
      %add3A_1564 = arith.addi %mul3A_1562, %add3A_1563 : i32
      %get3A_1565 = arith.index_cast %add3A_1564 : i32 to index
      %get3A_1566 = arith.constant 64 : index
      %get3A_1567 = tpu.vector_load %arg16[%get3A_1565, %get3A_1566] {strides = array<i32>} : memref<128x128xf32, #tpu.memory_space<vmem>>, vector<1x16xf32>,
      %get3A_1568 = vector.shape_cast %get3A_1567 : vector<1x16xf32> to vector<16xf32>
      %swap3A_1569 = arith.index_cast %add3A_1560 : i32 to index
      %swap3A_1570 = arith.constant 64 : index
      %swap3A_1571 = tpu.vector_load %arg13[%swap3A_1569, %swap3A_1570] {strides = array<i32>} : memref<128x128xf32, #tpu.memory_space<vmem>>, vector<1x16xf32>,
      %swap3A_1572 = vector.shape_cast %swap3A_1571 : vector<1x16xf32> to vector<16xf32>
      %swap3A_1573 = vector.shape_cast %get3A_1568 : vector<16xf32> to vector<1x16xf32>
      tpu.vector_store %arg13[%swap3A_1569, %swap3A_1570], %swap3A_1573 {add = true, strides = array<i32>} : memref<128x128xf32, #tpu.memory_space<vmem>>, vector<1x16xf32>,
      %mul3A_1574 = arith.constant 4 : i32
      %mul3A_1575 = arith.muli %scan3A_1080, %mul3A_1574 : i32
      %add3A_1576 = arith.constant 3 : i32
      %add3A_1577 = arith.addi %mul3A_1575, %add3A_1576 : i32
      %mul3A_1578 = arith.constant 4 : i32
      %mul3A_1579 = arith.muli %scan3A_1080, %mul3A_1578 : i32
      %add3A_1580 = arith.constant 3 : i32
      %add3A_1581 = arith.addi %mul3A_1579, %add3A_1580 : i32
      %get3A_1582 = arith.index_cast %add3A_1581 : i32 to index
      %get3A_1583 = arith.constant 80 : index
      %get3A_1584 = tpu.vector_load %arg16[%get3A_1582, %get3A_1583] {strides = array<i32>} : memref<128x128xf32, #tpu.memory_space<vmem>>, vector<1x16xf32>,
      %get3A_1585 = vector.shape_cast %get3A_1584 : vector<1x16xf32> to vector<16xf32>
      %swap3A_1586 = arith.index_cast %add3A_1577 : i32 to index
      %swap3A_1587 = arith.constant 80 : index
      %swap3A_1588 = tpu.vector_load %arg13[%swap3A_1586, %swap3A_1587] {strides = array<i32>} : memref<128x128xf32, #tpu.memory_space<vmem>>, vector<1x16xf32>,
      %swap3A_1589 = vector.shape_cast %swap3A_1588 : vector<1x16xf32> to vector<16xf32>
      %swap3A_1590 = vector.shape_cast %get3A_1585 : vector<16xf32> to vector<1x16xf32>
      tpu.vector_store %arg13[%swap3A_1586, %swap3A_1587], %swap3A_1590 {add = true, strides = array<i32>} : memref<128x128xf32, #tpu.memory_space<vmem>>, vector<1x16xf32>,
      %mul3A_1591 = arith.constant 4 : i32
      %mul3A_1592 = arith.muli %scan3A_1080, %mul3A_1591 : i32
      %add3A_1593 = arith.constant 3 : i32
      %add3A_1594 = arith.addi %mul3A_1592, %add3A_1593 : i32
      %mul3A_1595 = arith.constant 4 : i32
      %mul3A_1596 = arith.muli %scan3A_1080, %mul3A_1595 : i32
      %add3A_1597 = arith.constant 3 : i32
      %add3A_1598 = arith.addi %mul3A_1596, %add3A_1597 : i32
      %get3A_1599 = arith.index_cast %add3A_1598 : i32 to index
      %get3A_1600 = arith.constant 96 : index
      %get3A_1601 = tpu.vector_load %arg16[%get3A_1599, %get3A_1600] {strides = array<i32>} : memref<128x128xf32, #tpu.memory_space<vmem>>, vector<1x16xf32>,
      %get3A_1602 = vector.shape_cast %get3A_1601 : vector<1x16xf32> to vector<16xf32>
      %swap3A_1603 = arith.index_cast %add3A_1594 : i32 to index
      %swap3A_1604 = arith.constant 96 : index
      %swap3A_1605 = tpu.vector_load %arg13[%swap3A_1603, %swap3A_1604] {strides = array<i32>} : memref<128x128xf32, #tpu.memory_space<vmem>>, vector<1x16xf32>,
      %swap3A_1606 = vector.shape_cast %swap3A_1605 : vector<1x16xf32> to vector<16xf32>
      %swap3A_1607 = vector.shape_cast %get3A_1602 : vector<16xf32> to vector<1x16xf32>
      tpu.vector_store %arg13[%swap3A_1603, %swap3A_1604], %swap3A_1607 {add = true, strides = array<i32>} : memref<128x128xf32, #tpu.memory_space<vmem>>, vector<1x16xf32>,
      %mul3A_1608 = arith.constant 4 : i32
      %mul3A_1609 = arith.muli %scan3A_1080, %mul3A_1608 : i32
      %add3A_1610 = arith.constant 3 : i32
      %add3A_1611 = arith.addi %mul3A_1609, %add3A_1610 : i32
      %mul3A_1612 = arith.constant 4 : i32
      %mul3A_1613 = arith.muli %scan3A_1080, %mul3A_1612 : i32
      %add3A_1614 = arith.constant 3 : i32
      %add3A_1615 = arith.addi %mul3A_1613, %add3A_1614 : i32
      %get3A_1616 = arith.index_cast %add3A_1615 : i32 to index
      %get3A_1617 = arith.constant 112 : index
      %get3A_1618 = tpu.vector_load %arg16[%get3A_1616, %get3A_1617] {strides = array<i32>} : memref<128x128xf32, #tpu.memory_space<vmem>>, vector<1x16xf32>,
      %get3A_1619 = vector.shape_cast %get3A_1618 : vector<1x16xf32> to vector<16xf32>
      %swap3A_1620 = arith.index_cast %add3A_1611 : i32 to index
      %swap3A_1621 = arith.constant 112 : index
      %swap3A_1622 = tpu.vector_load %arg13[%swap3A_1620, %swap3A_1621] {strides = array<i32>} : memref<128x128xf32, #tpu.memory_space<vmem>>, vector<1x16xf32>,
      %swap3A_1623 = vector.shape_cast %swap3A_1622 : vector<1x16xf32> to vector<16xf32>
      %swap3A_1624 = vector.shape_cast %get3A_1619 : vector<16xf32> to vector<1x16xf32>
      tpu.vector_store %arg13[%swap3A_1620, %swap3A_1621], %swap3A_1624 {add = true, strides = array<i32>} : memref<128x128xf32, #tpu.memory_space<vmem>>, vector<1x16xf32>,
    }
    %scan3A_1017 = arith.constant 32 : i32
    %add3A_1018 = arith.constant 128 : i32
    %add3A_1019 = arith.addi %mul3A_2, %add3A_1018 : i32
    %dma_start3A_1020 = arith.constant 0 : i32
    %dma_start3A_1021 = tpu.memref_slice %arg5[%add3A_1019, %dma_start3A_1020] : memref<16384x128xf32, #tpu.memory_space<hbm>> -> memref<128x128xf32, #tpu.memory_space<hbm>>
    %dma_start3A_1022 = arith.constant 0 : i32
    %dma_start3A_1023 = tpu.memref_slice %arg5[%add3A_1019, %dma_start3A_1022] : memref<16384x128xf32, #tpu.memory_space<hbm>> -> memref<128x128xf32, #tpu.memory_space<hbm>>
    tpu.enqueue_dma source(%arg13 : memref<128x128xf32, #tpu.memory_space<vmem>>) target(%dma_start3A_1023 : memref<128x128xf32, #tpu.memory_space<hbm>>) target_semaphore(%arg25 : memref<!tpu.dma_semaphore, #tpu.memory_space<semaphore_mem>>)
    %dma_wait3A_1024 = arith.constant 256 : i32
    %dma_wait3A_1025 = tpu.memref_slice %arg10[%dma_wait3A_1024] : memref<512xi32, #tpu.memory_space<vmem>> -> memref<128xi32, #tpu.memory_space<vmem>>
    %dma_wait3A_1026 = arith.constant 0 : i32
    %dma_wait3A_1027 = arith.constant 0 : i32
    %dma_wait3A_1028 = tpu.memref_slice %arg18[%dma_wait3A_1026, %dma_wait3A_1027] : memref<400x128xf32, #tpu.memory_space<vmem_shared>> -> memref<400x128xf32, #tpu.memory_space<vmem_shared>>
    tpu.wait_indirect_dma semaphore(%arg23 : memref<!tpu.dma_semaphore, #tpu.memory_space<semaphore_mem>>) src(%dma_wait3A_1028 : memref<400x128xf32, #tpu.memory_space<vmem_shared>>) dst(%arg14 : memref<128x128xf32, #tpu.memory_space<vmem>>)
    %dma_wait3A_1029 = arith.constant 256 : i32
    %dma_wait3A_1030 = tpu.memref_slice %arg11[%dma_wait3A_1029] : memref<512xi32, #tpu.memory_space<vmem>> -> memref<128xi32, #tpu.memory_space<vmem>>
    %dma_wait3A_1031 = arith.constant 0 : i32
    %dma_wait3A_1032 = arith.constant 0 : i32
    %dma_wait3A_1033 = tpu.memref_slice %arg19[%dma_wait3A_1031, %dma_wait3A_1032] : memref<100x128xf32, #tpu.memory_space<vmem_shared>> -> memref<100x128xf32, #tpu.memory_space<vmem_shared>>
    tpu.wait_indirect_dma semaphore(%arg23 : memref<!tpu.dma_semaphore, #tpu.memory_space<semaphore_mem>>) src(%dma_wait3A_1033 : memref<100x128xf32, #tpu.memory_space<vmem_shared>>) dst(%arg17 : memref<128x128xf32, #tpu.memory_space<vmem>>)
    %scan3A_1034 = arith.constant 0 : i32
    %scan3A_1035 = arith.constant 0 : i32
    %scan3A_1036 = arith.constant 32 : i32
    %scan3A_1037 = arith.addi %scan3A_1035, %scan3A_1036 : i32
    %scan3A_1038 = arith.constant 1 : i32
    scf.for %scan3A_1080 = %scan3A_1035 to %scan3A_1037 step %scan3A_1038  : i32 {
      %mul3A_1081 = arith.constant 4 : i32
      %mul3A_1082 = arith.muli %scan3A_1080, %mul3A_1081 : i32
      %add3A_1083 = arith.constant 0 : i32
      %add3A_1084 = arith.addi %mul3A_1082, %add3A_1083 : i32
      %mul3A_1085 = arith.constant 4 : i32
      %mul3A_1086 = arith.muli %scan3A_1080, %mul3A_1085 : i32
      %add3A_1087 = arith.constant 0 : i32
      %add3A_1088 = arith.addi %mul3A_1086, %add3A_1087 : i32
      %get3A_1089 = arith.index_cast %add3A_1088 : i32 to index
      %get3A_1090 = arith.constant 0 : index
      %get3A_1091 = tpu.vector_load %arg17[%get3A_1089, %get3A_1090] {strides = array<i32>} : memref<128x128xf32, #tpu.memory_space<vmem>>, vector<1x16xf32>,
      %get3A_1092 = vector.shape_cast %get3A_1091 : vector<1x16xf32> to vector<16xf32>
      %swap3A_1093 = arith.index_cast %add3A_1084 : i32 to index
      %swap3A_1094 = arith.constant 0 : index
      %swap3A_1095 = tpu.vector_load %arg14[%swap3A_1093, %swap3A_1094] {strides = array<i32>} : memref<128x128xf32, #tpu.memory_space<vmem>>, vector<1x16xf32>,
      %swap3A_1096 = vector.shape_cast %swap3A_1095 : vector<1x16xf32> to vector<16xf32>
      %swap3A_1097 = vector.shape_cast %get3A_1092 : vector<16xf32> to vector<1x16xf32>
      tpu.vector_store %arg14[%swap3A_1093, %swap3A_1094], %swap3A_1097 {add = true, strides = array<i32>} : memref<128x128xf32, #tpu.memory_space<vmem>>, vector<1x16xf32>,
      %mul3A_1098 = arith.constant 4 : i32
      %mul3A_1099 = arith.muli %scan3A_1080, %mul3A_1098 : i32
      %add3A_1100 = arith.constant 0 : i32
      %add3A_1101 = arith.addi %mul3A_1099, %add3A_1100 : i32
      %mul3A_1102 = arith.constant 4 : i32
      %mul3A_1103 = arith.muli %scan3A_1080, %mul3A_1102 : i32
      %add3A_1104 = arith.constant 0 : i32
      %add3A_1105 = arith.addi %mul3A_1103, %add3A_1104 : i32
      %get3A_1106 = arith.index_cast %add3A_1105 : i32 to index
      %get3A_1107 = arith.constant 16 : index
      %get3A_1108 = tpu.vector_load %arg17[%get3A_1106, %get3A_1107] {strides = array<i32>} : memref<128x128xf32, #tpu.memory_space<vmem>>, vector<1x16xf32>,
      %get3A_1109 = vector.shape_cast %get3A_1108 : vector<1x16xf32> to vector<16xf32>
      %swap3A_1110 = arith.index_cast %add3A_1101 : i32 to index
      %swap3A_1111 = arith.constant 16 : index
      %swap3A_1112 = tpu.vector_load %arg14[%swap3A_1110, %swap3A_1111] {strides = array<i32>} : memref<128x128xf32, #tpu.memory_space<vmem>>, vector<1x16xf32>,
      %swap3A_1113 = vector.shape_cast %swap3A_1112 : vector<1x16xf32> to vector<16xf32>
      %swap3A_1114 = vector.shape_cast %get3A_1109 : vector<16xf32> to vector<1x16xf32>
      tpu.vector_store %arg14[%swap3A_1110, %swap3A_1111], %swap3A_1114 {add = true, strides = array<i32>} : memref<128x128xf32, #tpu.memory_space<vmem>>, vector<1x16xf32>,
      %mul3A_1115 = arith.constant 4 : i32
      %mul3A_1116 = arith.muli %scan3A_1080, %mul3A_1115 : i32
      %add3A_1117 = arith.constant 0 : i32
      %add3A_1118 = arith.addi %mul3A_1116, %add3A_1117 : i32
      %mul3A_1119 = arith.constant 4 : i32
      %mul3A_1120 = arith.muli %scan3A_1080, %mul3A_1119 : i32
      %add3A_1121 = arith.constant 0 : i32
      %add3A_1122 = arith.addi %mul3A_1120, %add3A_1121 : i32
      %get3A_1123 = arith.index_cast %add3A_1122 : i32 to index
      %get3A_1124 = arith.constant 32 : index
      %get3A_1125 = tpu.vector_load %arg17[%get3A_1123, %get3A_1124] {strides = array<i32>} : memref<128x128xf32, #tpu.memory_space<vmem>>, vector<1x16xf32>,
      %get3A_1126 = vector.shape_cast %get3A_1125 : vector<1x16xf32> to vector<16xf32>
      %swap3A_1127 = arith.index_cast %add3A_1118 : i32 to index
      %swap3A_1128 = arith.constant 32 : index
      %swap3A_1129 = tpu.vector_load %arg14[%swap3A_1127, %swap3A_1128] {strides = array<i32>} : memref<128x128xf32, #tpu.memory_space<vmem>>, vector<1x16xf32>,
      %swap3A_1130 = vector.shape_cast %swap3A_1129 : vector<1x16xf32> to vector<16xf32>
      %swap3A_1131 = vector.shape_cast %get3A_1126 : vector<16xf32> to vector<1x16xf32>
      tpu.vector_store %arg14[%swap3A_1127, %swap3A_1128], %swap3A_1131 {add = true, strides = array<i32>} : memref<128x128xf32, #tpu.memory_space<vmem>>, vector<1x16xf32>,
      %mul3A_1132 = arith.constant 4 : i32
      %mul3A_1133 = arith.muli %scan3A_1080, %mul3A_1132 : i32
      %add3A_1134 = arith.constant 0 : i32
      %add3A_1135 = arith.addi %mul3A_1133, %add3A_1134 : i32
      %mul3A_1136 = arith.constant 4 : i32
      %mul3A_1137 = arith.muli %scan3A_1080, %mul3A_1136 : i32
      %add3A_1138 = arith.constant 0 : i32
      %add3A_1139 = arith.addi %mul3A_1137, %add3A_1138 : i32
      %get3A_1140 = arith.index_cast %add3A_1139 : i32 to index
      %get3A_1141 = arith.constant 48 : index
      %get3A_1142 = tpu.vector_load %arg17[%get3A_1140, %get3A_1141] {strides = array<i32>} : memref<128x128xf32, #tpu.memory_space<vmem>>, vector<1x16xf32>,
      %get3A_1143 = vector.shape_cast %get3A_1142 : vector<1x16xf32> to vector<16xf32>
      %swap3A_1144 = arith.index_cast %add3A_1135 : i32 to index
      %swap3A_1145 = arith.constant 48 : index
      %swap3A_1146 = tpu.vector_load %arg14[%swap3A_1144, %swap3A_1145] {strides = array<i32>} : memref<128x128xf32, #tpu.memory_space<vmem>>, vector<1x16xf32>,
      %swap3A_1147 = vector.shape_cast %swap3A_1146 : vector<1x16xf32> to vector<16xf32>
      %swap3A_1148 = vector.shape_cast %get3A_1143 : vector<16xf32> to vector<1x16xf32>
      tpu.vector_store %arg14[%swap3A_1144, %swap3A_1145], %swap3A_1148 {add = true, strides = array<i32>} : memref<128x128xf32, #tpu.memory_space<vmem>>, vector<1x16xf32>,
      %mul3A_1149 = arith.constant 4 : i32
      %mul3A_1150 = arith.muli %scan3A_1080, %mul3A_1149 : i32
      %add3A_1151 = arith.constant 0 : i32
      %add3A_1152 = arith.addi %mul3A_1150, %add3A_1151 : i32
      %mul3A_1153 = arith.constant 4 : i32
      %mul3A_1154 = arith.muli %scan3A_1080, %mul3A_1153 : i32
      %add3A_1155 = arith.constant 0 : i32
      %add3A_1156 = arith.addi %mul3A_1154, %add3A_1155 : i32
      %get3A_1157 = arith.index_cast %add3A_1156 : i32 to index
      %get3A_1158 = arith.constant 64 : index
      %get3A_1159 = tpu.vector_load %arg17[%get3A_1157, %get3A_1158] {strides = array<i32>} : memref<128x128xf32, #tpu.memory_space<vmem>>, vector<1x16xf32>,
      %get3A_1160 = vector.shape_cast %get3A_1159 : vector<1x16xf32> to vector<16xf32>
      %swap3A_1161 = arith.index_cast %add3A_1152 : i32 to index
      %swap3A_1162 = arith.constant 64 : index
      %swap3A_1163 = tpu.vector_load %arg14[%swap3A_1161, %swap3A_1162] {strides = array<i32>} : memref<128x128xf32, #tpu.memory_space<vmem>>, vector<1x16xf32>,
      %swap3A_1164 = vector.shape_cast %swap3A_1163 : vector<1x16xf32> to vector<16xf32>
      %swap3A_1165 = vector.shape_cast %get3A_1160 : vector<16xf32> to vector<1x16xf32>
      tpu.vector_store %arg14[%swap3A_1161, %swap3A_1162], %swap3A_1165 {add = true, strides = array<i32>} : memref<128x128xf32, #tpu.memory_space<vmem>>, vector<1x16xf32>,
      %mul3A_1166 = arith.constant 4 : i32
      %mul3A_1167 = arith.muli %scan3A_1080, %mul3A_1166 : i32
      %add3A_1168 = arith.constant 0 : i32
      %add3A_1169 = arith.addi %mul3A_1167, %add3A_1168 : i32
      %mul3A_1170 = arith.constant 4 : i32
      %mul3A_1171 = arith.muli %scan3A_1080, %mul3A_1170 : i32
      %add3A_1172 = arith.constant 0 : i32
      %add3A_1173 = arith.addi %mul3A_1171, %add3A_1172 : i32
      %get3A_1174 = arith.index_cast %add3A_1173 : i32 to index
      %get3A_1175 = arith.constant 80 : index
      %get3A_1176 = tpu.vector_load %arg17[%get3A_1174, %get3A_1175] {strides = array<i32>} : memref<128x128xf32, #tpu.memory_space<vmem>>, vector<1x16xf32>,
      %get3A_1177 = vector.shape_cast %get3A_1176 : vector<1x16xf32> to vector<16xf32>
      %swap3A_1178 = arith.index_cast %add3A_1169 : i32 to index
      %swap3A_1179 = arith.constant 80 : index
      %swap3A_1180 = tpu.vector_load %arg14[%swap3A_1178, %swap3A_1179] {strides = array<i32>} : memref<128x128xf32, #tpu.memory_space<vmem>>, vector<1x16xf32>,
      %swap3A_1181 = vector.shape_cast %swap3A_1180 : vector<1x16xf32> to vector<16xf32>
      %swap3A_1182 = vector.shape_cast %get3A_1177 : vector<16xf32> to vector<1x16xf32>
      tpu.vector_store %arg14[%swap3A_1178, %swap3A_1179], %swap3A_1182 {add = true, strides = array<i32>} : memref<128x128xf32, #tpu.memory_space<vmem>>, vector<1x16xf32>,
      %mul3A_1183 = arith.constant 4 : i32
      %mul3A_1184 = arith.muli %scan3A_1080, %mul3A_1183 : i32
      %add3A_1185 = arith.constant 0 : i32
      %add3A_1186 = arith.addi %mul3A_1184, %add3A_1185 : i32
      %mul3A_1187 = arith.constant 4 : i32
      %mul3A_1188 = arith.muli %scan3A_1080, %mul3A_1187 : i32
      %add3A_1189 = arith.constant 0 : i32
      %add3A_1190 = arith.addi %mul3A_1188, %add3A_1189 : i32
      %get3A_1191 = arith.index_cast %add3A_1190 : i32 to index
      %get3A_1192 = arith.constant 96 : index
      %get3A_1193 = tpu.vector_load %arg17[%get3A_1191, %get3A_1192] {strides = array<i32>} : memref<128x128xf32, #tpu.memory_space<vmem>>, vector<1x16xf32>,
      %get3A_1194 = vector.shape_cast %get3A_1193 : vector<1x16xf32> to vector<16xf32>
      %swap3A_1195 = arith.index_cast %add3A_1186 : i32 to index
      %swap3A_1196 = arith.constant 96 : index
      %swap3A_1197 = tpu.vector_load %arg14[%swap3A_1195, %swap3A_1196] {strides = array<i32>} : memref<128x128xf32, #tpu.memory_space<vmem>>, vector<1x16xf32>,
      %swap3A_1198 = vector.shape_cast %swap3A_1197 : vector<1x16xf32> to vector<16xf32>
      %swap3A_1199 = vector.shape_cast %get3A_1194 : vector<16xf32> to vector<1x16xf32>
      tpu.vector_store %arg14[%swap3A_1195, %swap3A_1196], %swap3A_1199 {add = true, strides = array<i32>} : memref<128x128xf32, #tpu.memory_space<vmem>>, vector<1x16xf32>,
      %mul3A_1200 = arith.constant 4 : i32
      %mul3A_1201 = arith.muli %scan3A_1080, %mul3A_1200 : i32
      %add3A_1202 = arith.constant 0 : i32
      %add3A_1203 = arith.addi %mul3A_1201, %add3A_1202 : i32
      %mul3A_1204 = arith.constant 4 : i32
      %mul3A_1205 = arith.muli %scan3A_1080, %mul3A_1204 : i32
      %add3A_1206 = arith.constant 0 : i32
      %add3A_1207 = arith.addi %mul3A_1205, %add3A_1206 : i32
      %get3A_1208 = arith.index_cast %add3A_1207 : i32 to index
      %get3A_1209 = arith.constant 112 : index
      %get3A_1210 = tpu.vector_load %arg17[%get3A_1208, %get3A_1209] {strides = array<i32>} : memref<128x128xf32, #tpu.memory_space<vmem>>, vector<1x16xf32>,
      %get3A_1211 = vector.shape_cast %get3A_1210 : vector<1x16xf32> to vector<16xf32>
      %swap3A_1212 = arith.index_cast %add3A_1203 : i32 to index
      %swap3A_1213 = arith.constant 112 : index
      %swap3A_1214 = tpu.vector_load %arg14[%swap3A_1212, %swap3A_1213] {strides = array<i32>} : memref<128x128xf32, #tpu.memory_space<vmem>>, vector<1x16xf32>,
      %swap3A_1215 = vector.shape_cast %swap3A_1214 : vector<1x16xf32> to vector<16xf32>
      %swap3A_1216 = vector.shape_cast %get3A_1211 : vector<16xf32> to vector<1x16xf32>
      tpu.vector_store %arg14[%swap3A_1212, %swap3A_1213], %swap3A_1216 {add = true, strides = array<i32>} : memref<128x128xf32, #tpu.memory_space<vmem>>, vector<1x16xf32>,
      %mul3A_1217 = arith.constant 4 : i32
      %mul3A_1218 = arith.muli %scan3A_1080, %mul3A_1217 : i32
      %add3A_1219 = arith.constant 1 : i32
      %add3A_1220 = arith.addi %mul3A_1218, %add3A_1219 : i32
      %mul3A_1221 = arith.constant 4 : i32
      %mul3A_1222 = arith.muli %scan3A_1080, %mul3A_1221 : i32
      %add3A_1223 = arith.constant 1 : i32
      %add3A_1224 = arith.addi %mul3A_1222, %add3A_1223 : i32
      %get3A_1225 = arith.index_cast %add3A_1224 : i32 to index
      %get3A_1226 = arith.constant 0 : index
      %get3A_1227 = tpu.vector_load %arg17[%get3A_1225, %get3A_1226] {strides = array<i32>} : memref<128x128xf32, #tpu.memory_space<vmem>>, vector<1x16xf32>,
      %get3A_1228 = vector.shape_cast %get3A_1227 : vector<1x16xf32> to vector<16xf32>
      %swap3A_1229 = arith.index_cast %add3A_1220 : i32 to index
      %swap3A_1230 = arith.constant 0 : index
      %swap3A_1231 = tpu.vector_load %arg14[%swap3A_1229, %swap3A_1230] {strides = array<i32>} : memref<128x128xf32, #tpu.memory_space<vmem>>, vector<1x16xf32>,
      %swap3A_1232 = vector.shape_cast %swap3A_1231 : vector<1x16xf32> to vector<16xf32>
      %swap3A_1233 = vector.shape_cast %get3A_1228 : vector<16xf32> to vector<1x16xf32>
      tpu.vector_store %arg14[%swap3A_1229, %swap3A_1230], %swap3A_1233 {add = true, strides = array<i32>} : memref<128x128xf32, #tpu.memory_space<vmem>>, vector<1x16xf32>,
      %mul3A_1234 = arith.constant 4 : i32
      %mul3A_1235 = arith.muli %scan3A_1080, %mul3A_1234 : i32
      %add3A_1236 = arith.constant 1 : i32
      %add3A_1237 = arith.addi %mul3A_1235, %add3A_1236 : i32
      %mul3A_1238 = arith.constant 4 : i32
      %mul3A_1239 = arith.muli %scan3A_1080, %mul3A_1238 : i32
      %add3A_1240 = arith.constant 1 : i32
      %add3A_1241 = arith.addi %mul3A_1239, %add3A_1240 : i32
      %get3A_1242 = arith.index_cast %add3A_1241 : i32 to index
      %get3A_1243 = arith.constant 16 : index
      %get3A_1244 = tpu.vector_load %arg17[%get3A_1242, %get3A_1243] {strides = array<i32>} : memref<128x128xf32, #tpu.memory_space<vmem>>, vector<1x16xf32>,
      %get3A_1245 = vector.shape_cast %get3A_1244 : vector<1x16xf32> to vector<16xf32>
      %swap3A_1246 = arith.index_cast %add3A_1237 : i32 to index
      %swap3A_1247 = arith.constant 16 : index
      %swap3A_1248 = tpu.vector_load %arg14[%swap3A_1246, %swap3A_1247] {strides = array<i32>} : memref<128x128xf32, #tpu.memory_space<vmem>>, vector<1x16xf32>,
      %swap3A_1249 = vector.shape_cast %swap3A_1248 : vector<1x16xf32> to vector<16xf32>
      %swap3A_1250 = vector.shape_cast %get3A_1245 : vector<16xf32> to vector<1x16xf32>
      tpu.vector_store %arg14[%swap3A_1246, %swap3A_1247], %swap3A_1250 {add = true, strides = array<i32>} : memref<128x128xf32, #tpu.memory_space<vmem>>, vector<1x16xf32>,
      %mul3A_1251 = arith.constant 4 : i32
      %mul3A_1252 = arith.muli %scan3A_1080, %mul3A_1251 : i32
      %add3A_1253 = arith.constant 1 : i32
      %add3A_1254 = arith.addi %mul3A_1252, %add3A_1253 : i32
      %mul3A_1255 = arith.constant 4 : i32
      %mul3A_1256 = arith.muli %scan3A_1080, %mul3A_1255 : i32
      %add3A_1257 = arith.constant 1 : i32
      %add3A_1258 = arith.addi %mul3A_1256, %add3A_1257 : i32
      %get3A_1259 = arith.index_cast %add3A_1258 : i32 to index
      %get3A_1260 = arith.constant 32 : index
      %get3A_1261 = tpu.vector_load %arg17[%get3A_1259, %get3A_1260] {strides = array<i32>} : memref<128x128xf32, #tpu.memory_space<vmem>>, vector<1x16xf32>,
      %get3A_1262 = vector.shape_cast %get3A_1261 : vector<1x16xf32> to vector<16xf32>
      %swap3A_1263 = arith.index_cast %add3A_1254 : i32 to index
      %swap3A_1264 = arith.constant 32 : index
      %swap3A_1265 = tpu.vector_load %arg14[%swap3A_1263, %swap3A_1264] {strides = array<i32>} : memref<128x128xf32, #tpu.memory_space<vmem>>, vector<1x16xf32>,
      %swap3A_1266 = vector.shape_cast %swap3A_1265 : vector<1x16xf32> to vector<16xf32>
      %swap3A_1267 = vector.shape_cast %get3A_1262 : vector<16xf32> to vector<1x16xf32>
      tpu.vector_store %arg14[%swap3A_1263, %swap3A_1264], %swap3A_1267 {add = true, strides = array<i32>} : memref<128x128xf32, #tpu.memory_space<vmem>>, vector<1x16xf32>,
      %mul3A_1268 = arith.constant 4 : i32
      %mul3A_1269 = arith.muli %scan3A_1080, %mul3A_1268 : i32
      %add3A_1270 = arith.constant 1 : i32
      %add3A_1271 = arith.addi %mul3A_1269, %add3A_1270 : i32
      %mul3A_1272 = arith.constant 4 : i32
      %mul3A_1273 = arith.muli %scan3A_1080, %mul3A_1272 : i32
      %add3A_1274 = arith.constant 1 : i32
      %add3A_1275 = arith.addi %mul3A_1273, %add3A_1274 : i32
      %get3A_1276 = arith.index_cast %add3A_1275 : i32 to index
      %get3A_1277 = arith.constant 48 : index
      %get3A_1278 = tpu.vector_load %arg17[%get3A_1276, %get3A_1277] {strides = array<i32>} : memref<128x128xf32, #tpu.memory_space<vmem>>, vector<1x16xf32>,
      %get3A_1279 = vector.shape_cast %get3A_1278 : vector<1x16xf32> to vector<16xf32>
      %swap3A_1280 = arith.index_cast %add3A_1271 : i32 to index
      %swap3A_1281 = arith.constant 48 : index
      %swap3A_1282 = tpu.vector_load %arg14[%swap3A_1280, %swap3A_1281] {strides = array<i32>} : memref<128x128xf32, #tpu.memory_space<vmem>>, vector<1x16xf32>,
      %swap3A_1283 = vector.shape_cast %swap3A_1282 : vector<1x16xf32> to vector<16xf32>
      %swap3A_1284 = vector.shape_cast %get3A_1279 : vector<16xf32> to vector<1x16xf32>
      tpu.vector_store %arg14[%swap3A_1280, %swap3A_1281], %swap3A_1284 {add = true, strides = array<i32>} : memref<128x128xf32, #tpu.memory_space<vmem>>, vector<1x16xf32>,
      %mul3A_1285 = arith.constant 4 : i32
      %mul3A_1286 = arith.muli %scan3A_1080, %mul3A_1285 : i32
      %add3A_1287 = arith.constant 1 : i32
      %add3A_1288 = arith.addi %mul3A_1286, %add3A_1287 : i32
      %mul3A_1289 = arith.constant 4 : i32
      %mul3A_1290 = arith.muli %scan3A_1080, %mul3A_1289 : i32
      %add3A_1291 = arith.constant 1 : i32
      %add3A_1292 = arith.addi %mul3A_1290, %add3A_1291 : i32
      %get3A_1293 = arith.index_cast %add3A_1292 : i32 to index
      %get3A_1294 = arith.constant 64 : index
      %get3A_1295 = tpu.vector_load %arg17[%get3A_1293, %get3A_1294] {strides = array<i32>} : memref<128x128xf32, #tpu.memory_space<vmem>>, vector<1x16xf32>,
      %get3A_1296 = vector.shape_cast %get3A_1295 : vector<1x16xf32> to vector<16xf32>
      %swap3A_1297 = arith.index_cast %add3A_1288 : i32 to index
      %swap3A_1298 = arith.constant 64 : index
      %swap3A_1299 = tpu.vector_load %arg14[%swap3A_1297, %swap3A_1298] {strides = array<i32>} : memref<128x128xf32, #tpu.memory_space<vmem>>, vector<1x16xf32>,
      %swap3A_1300 = vector.shape_cast %swap3A_1299 : vector<1x16xf32> to vector<16xf32>
      %swap3A_1301 = vector.shape_cast %get3A_1296 : vector<16xf32> to vector<1x16xf32>
      tpu.vector_store %arg14[%swap3A_1297, %swap3A_1298], %swap3A_1301 {add = true, strides = array<i32>} : memref<128x128xf32, #tpu.memory_space<vmem>>, vector<1x16xf32>,
      %mul3A_1302 = arith.constant 4 : i32
      %mul3A_1303 = arith.muli %scan3A_1080, %mul3A_1302 : i32
      %add3A_1304 = arith.constant 1 : i32
      %add3A_1305 = arith.addi %mul3A_1303, %add3A_1304 : i32
      %mul3A_1306 = arith.constant 4 : i32
      %mul3A_1307 = arith.muli %scan3A_1080, %mul3A_1306 : i32
      %add3A_1308 = arith.constant 1 : i32
      %add3A_1309 = arith.addi %mul3A_1307, %add3A_1308 : i32
      %get3A_1310 = arith.index_cast %add3A_1309 : i32 to index
      %get3A_1311 = arith.constant 80 : index
      %get3A_1312 = tpu.vector_load %arg17[%get3A_1310, %get3A_1311] {strides = array<i32>} : memref<128x128xf32, #tpu.memory_space<vmem>>, vector<1x16xf32>,
      %get3A_1313 = vector.shape_cast %get3A_1312 : vector<1x16xf32> to vector<16xf32>
      %swap3A_1314 = arith.index_cast %add3A_1305 : i32 to index
      %swap3A_1315 = arith.constant 80 : index
      %swap3A_1316 = tpu.vector_load %arg14[%swap3A_1314, %swap3A_1315] {strides = array<i32>} : memref<128x128xf32, #tpu.memory_space<vmem>>, vector<1x16xf32>,
      %swap3A_1317 = vector.shape_cast %swap3A_1316 : vector<1x16xf32> to vector<16xf32>
      %swap3A_1318 = vector.shape_cast %get3A_1313 : vector<16xf32> to vector<1x16xf32>
      tpu.vector_store %arg14[%swap3A_1314, %swap3A_1315], %swap3A_1318 {add = true, strides = array<i32>} : memref<128x128xf32, #tpu.memory_space<vmem>>, vector<1x16xf32>,
      %mul3A_1319 = arith.constant 4 : i32
      %mul3A_1320 = arith.muli %scan3A_1080, %mul3A_1319 : i32
      %add3A_1321 = arith.constant 1 : i32
      %add3A_1322 = arith.addi %mul3A_1320, %add3A_1321 : i32
      %mul3A_1323 = arith.constant 4 : i32
      %mul3A_1324 = arith.muli %scan3A_1080, %mul3A_1323 : i32
      %add3A_1325 = arith.constant 1 : i32
      %add3A_1326 = arith.addi %mul3A_1324, %add3A_1325 : i32
      %get3A_1327 = arith.index_cast %add3A_1326 : i32 to index
      %get3A_1328 = arith.constant 96 : index
      %get3A_1329 = tpu.vector_load %arg17[%get3A_1327, %get3A_1328] {strides = array<i32>} : memref<128x128xf32, #tpu.memory_space<vmem>>, vector<1x16xf32>,
      %get3A_1330 = vector.shape_cast %get3A_1329 : vector<1x16xf32> to vector<16xf32>
      %swap3A_1331 = arith.index_cast %add3A_1322 : i32 to index
      %swap3A_1332 = arith.constant 96 : index
      %swap3A_1333 = tpu.vector_load %arg14[%swap3A_1331, %swap3A_1332] {strides = array<i32>} : memref<128x128xf32, #tpu.memory_space<vmem>>, vector<1x16xf32>,
      %swap3A_1334 = vector.shape_cast %swap3A_1333 : vector<1x16xf32> to vector<16xf32>
      %swap3A_1335 = vector.shape_cast %get3A_1330 : vector<16xf32> to vector<1x16xf32>
      tpu.vector_store %arg14[%swap3A_1331, %swap3A_1332], %swap3A_1335 {add = true, strides = array<i32>} : memref<128x128xf32, #tpu.memory_space<vmem>>, vector<1x16xf32>,
      %mul3A_1336 = arith.constant 4 : i32
      %mul3A_1337 = arith.muli %scan3A_1080, %mul3A_1336 : i32
      %add3A_1338 = arith.constant 1 : i32
      %add3A_1339 = arith.addi %mul3A_1337, %add3A_1338 : i32
      %mul3A_1340 = arith.constant 4 : i32
      %mul3A_1341 = arith.muli %scan3A_1080, %mul3A_1340 : i32
      %add3A_1342 = arith.constant 1 : i32
      %add3A_1343 = arith.addi %mul3A_1341, %add3A_1342 : i32
      %get3A_1344 = arith.index_cast %add3A_1343 : i32 to index
      %get3A_1345 = arith.constant 112 : index
      %get3A_1346 = tpu.vector_load %arg17[%get3A_1344, %get3A_1345] {strides = array<i32>} : memref<128x128xf32, #tpu.memory_space<vmem>>, vector<1x16xf32>,
      %get3A_1347 = vector.shape_cast %get3A_1346 : vector<1x16xf32> to vector<16xf32>
      %swap3A_1348 = arith.index_cast %add3A_1339 : i32 to index
      %swap3A_1349 = arith.constant 112 : index
      %swap3A_1350 = tpu.vector_load %arg14[%swap3A_1348, %swap3A_1349] {strides = array<i32>} : memref<128x128xf32, #tpu.memory_space<vmem>>, vector<1x16xf32>,
      %swap3A_1351 = vector.shape_cast %swap3A_1350 : vector<1x16xf32> to vector<16xf32>
      %swap3A_1352 = vector.shape_cast %get3A_1347 : vector<16xf32> to vector<1x16xf32>
      tpu.vector_store %arg14[%swap3A_1348, %swap3A_1349], %swap3A_1352 {add = true, strides = array<i32>} : memref<128x128xf32, #tpu.memory_space<vmem>>, vector<1x16xf32>,
      %mul3A_1353 = arith.constant 4 : i32
      %mul3A_1354 = arith.muli %scan3A_1080, %mul3A_1353 : i32
      %add3A_1355 = arith.constant 2 : i32
      %add3A_1356 = arith.addi %mul3A_1354, %add3A_1355 : i32
      %mul3A_1357 = arith.constant 4 : i32
      %mul3A_1358 = arith.muli %scan3A_1080, %mul3A_1357 : i32
      %add3A_1359 = arith.constant 2 : i32
      %add3A_1360 = arith.addi %mul3A_1358, %add3A_1359 : i32
      %get3A_1361 = arith.index_cast %add3A_1360 : i32 to index
      %get3A_1362 = arith.constant 0 : index
      %get3A_1363 = tpu.vector_load %arg17[%get3A_1361, %get3A_1362] {strides = array<i32>} : memref<128x128xf32, #tpu.memory_space<vmem>>, vector<1x16xf32>,
      %get3A_1364 = vector.shape_cast %get3A_1363 : vector<1x16xf32> to vector<16xf32>
      %swap3A_1365 = arith.index_cast %add3A_1356 : i32 to index
      %swap3A_1366 = arith.constant 0 : index
      %swap3A_1367 = tpu.vector_load %arg14[%swap3A_1365, %swap3A_1366] {strides = array<i32>} : memref<128x128xf32, #tpu.memory_space<vmem>>, vector<1x16xf32>,
      %swap3A_1368 = vector.shape_cast %swap3A_1367 : vector<1x16xf32> to vector<16xf32>
      %swap3A_1369 = vector.shape_cast %get3A_1364 : vector<16xf32> to vector<1x16xf32>
      tpu.vector_store %arg14[%swap3A_1365, %swap3A_1366], %swap3A_1369 {add = true, strides = array<i32>} : memref<128x128xf32, #tpu.memory_space<vmem>>, vector<1x16xf32>,
      %mul3A_1370 = arith.constant 4 : i32
      %mul3A_1371 = arith.muli %scan3A_1080, %mul3A_1370 : i32
      %add3A_1372 = arith.constant 2 : i32
      %add3A_1373 = arith.addi %mul3A_1371, %add3A_1372 : i32
      %mul3A_1374 = arith.constant 4 : i32
      %mul3A_1375 = arith.muli %scan3A_1080, %mul3A_1374 : i32
      %add3A_1376 = arith.constant 2 : i32
      %add3A_1377 = arith.addi %mul3A_1375, %add3A_1376 : i32
      %get3A_1378 = arith.index_cast %add3A_1377 : i32 to index
      %get3A_1379 = arith.constant 16 : index
      %get3A_1380 = tpu.vector_load %arg17[%get3A_1378, %get3A_1379] {strides = array<i32>} : memref<128x128xf32, #tpu.memory_space<vmem>>, vector<1x16xf32>,
      %get3A_1381 = vector.shape_cast %get3A_1380 : vector<1x16xf32> to vector<16xf32>
      %swap3A_1382 = arith.index_cast %add3A_1373 : i32 to index
      %swap3A_1383 = arith.constant 16 : index
      %swap3A_1384 = tpu.vector_load %arg14[%swap3A_1382, %swap3A_1383] {strides = array<i32>} : memref<128x128xf32, #tpu.memory_space<vmem>>, vector<1x16xf32>,
      %swap3A_1385 = vector.shape_cast %swap3A_1384 : vector<1x16xf32> to vector<16xf32>
      %swap3A_1386 = vector.shape_cast %get3A_1381 : vector<16xf32> to vector<1x16xf32>
      tpu.vector_store %arg14[%swap3A_1382, %swap3A_1383], %swap3A_1386 {add = true, strides = array<i32>} : memref<128x128xf32, #tpu.memory_space<vmem>>, vector<1x16xf32>,
      %mul3A_1387 = arith.constant 4 : i32
      %mul3A_1388 = arith.muli %scan3A_1080, %mul3A_1387 : i32
      %add3A_1389 = arith.constant 2 : i32
      %add3A_1390 = arith.addi %mul3A_1388, %add3A_1389 : i32
      %mul3A_1391 = arith.constant 4 : i32
      %mul3A_1392 = arith.muli %scan3A_1080, %mul3A_1391 : i32
      %add3A_1393 = arith.constant 2 : i32
      %add3A_1394 = arith.addi %mul3A_1392, %add3A_1393 : i32
      %get3A_1395 = arith.index_cast %add3A_1394 : i32 to index
      %get3A_1396 = arith.constant 32 : index
      %get3A_1397 = tpu.vector_load %arg17[%get3A_1395, %get3A_1396] {strides = array<i32>} : memref<128x128xf32, #tpu.memory_space<vmem>>, vector<1x16xf32>,
      %get3A_1398 = vector.shape_cast %get3A_1397 : vector<1x16xf32> to vector<16xf32>
      %swap3A_1399 = arith.index_cast %add3A_1390 : i32 to index
      %swap3A_1400 = arith.constant 32 : index
      %swap3A_1401 = tpu.vector_load %arg14[%swap3A_1399, %swap3A_1400] {strides = array<i32>} : memref<128x128xf32, #tpu.memory_space<vmem>>, vector<1x16xf32>,
      %swap3A_1402 = vector.shape_cast %swap3A_1401 : vector<1x16xf32> to vector<16xf32>
      %swap3A_1403 = vector.shape_cast %get3A_1398 : vector<16xf32> to vector<1x16xf32>
      tpu.vector_store %arg14[%swap3A_1399, %swap3A_1400], %swap3A_1403 {add = true, strides = array<i32>} : memref<128x128xf32, #tpu.memory_space<vmem>>, vector<1x16xf32>,
      %mul3A_1404 = arith.constant 4 : i32
      %mul3A_1405 = arith.muli %scan3A_1080, %mul3A_1404 : i32
      %add3A_1406 = arith.constant 2 : i32
      %add3A_1407 = arith.addi %mul3A_1405, %add3A_1406 : i32
      %mul3A_1408 = arith.constant 4 : i32
      %mul3A_1409 = arith.muli %scan3A_1080, %mul3A_1408 : i32
      %add3A_1410 = arith.constant 2 : i32
      %add3A_1411 = arith.addi %mul3A_1409, %add3A_1410 : i32
      %get3A_1412 = arith.index_cast %add3A_1411 : i32 to index
      %get3A_1413 = arith.constant 48 : index
      %get3A_1414 = tpu.vector_load %arg17[%get3A_1412, %get3A_1413] {strides = array<i32>} : memref<128x128xf32, #tpu.memory_space<vmem>>, vector<1x16xf32>,
      %get3A_1415 = vector.shape_cast %get3A_1414 : vector<1x16xf32> to vector<16xf32>
      %swap3A_1416 = arith.index_cast %add3A_1407 : i32 to index
      %swap3A_1417 = arith.constant 48 : index
      %swap3A_1418 = tpu.vector_load %arg14[%swap3A_1416, %swap3A_1417] {strides = array<i32>} : memref<128x128xf32, #tpu.memory_space<vmem>>, vector<1x16xf32>,
      %swap3A_1419 = vector.shape_cast %swap3A_1418 : vector<1x16xf32> to vector<16xf32>
      %swap3A_1420 = vector.shape_cast %get3A_1415 : vector<16xf32> to vector<1x16xf32>
      tpu.vector_store %arg14[%swap3A_1416, %swap3A_1417], %swap3A_1420 {add = true, strides = array<i32>} : memref<128x128xf32, #tpu.memory_space<vmem>>, vector<1x16xf32>,
      %mul3A_1421 = arith.constant 4 : i32
      %mul3A_1422 = arith.muli %scan3A_1080, %mul3A_1421 : i32
      %add3A_1423 = arith.constant 2 : i32
      %add3A_1424 = arith.addi %mul3A_1422, %add3A_1423 : i32
      %mul3A_1425 = arith.constant 4 : i32
      %mul3A_1426 = arith.muli %scan3A_1080, %mul3A_1425 : i32
      %add3A_1427 = arith.constant 2 : i32
      %add3A_1428 = arith.addi %mul3A_1426, %add3A_1427 : i32
      %get3A_1429 = arith.index_cast %add3A_1428 : i32 to index
      %get3A_1430 = arith.constant 64 : index
      %get3A_1431 = tpu.vector_load %arg17[%get3A_1429, %get3A_1430] {strides = array<i32>} : memref<128x128xf32, #tpu.memory_space<vmem>>, vector<1x16xf32>,
      %get3A_1432 = vector.shape_cast %get3A_1431 : vector<1x16xf32> to vector<16xf32>
      %swap3A_1433 = arith.index_cast %add3A_1424 : i32 to index
      %swap3A_1434 = arith.constant 64 : index
      %swap3A_1435 = tpu.vector_load %arg14[%swap3A_1433, %swap3A_1434] {strides = array<i32>} : memref<128x128xf32, #tpu.memory_space<vmem>>, vector<1x16xf32>,
      %swap3A_1436 = vector.shape_cast %swap3A_1435 : vector<1x16xf32> to vector<16xf32>
      %swap3A_1437 = vector.shape_cast %get3A_1432 : vector<16xf32> to vector<1x16xf32>
      tpu.vector_store %arg14[%swap3A_1433, %swap3A_1434], %swap3A_1437 {add = true, strides = array<i32>} : memref<128x128xf32, #tpu.memory_space<vmem>>, vector<1x16xf32>,
      %mul3A_1438 = arith.constant 4 : i32
      %mul3A_1439 = arith.muli %scan3A_1080, %mul3A_1438 : i32
      %add3A_1440 = arith.constant 2 : i32
      %add3A_1441 = arith.addi %mul3A_1439, %add3A_1440 : i32
      %mul3A_1442 = arith.constant 4 : i32
      %mul3A_1443 = arith.muli %scan3A_1080, %mul3A_1442 : i32
      %add3A_1444 = arith.constant 2 : i32
      %add3A_1445 = arith.addi %mul3A_1443, %add3A_1444 : i32
      %get3A_1446 = arith.index_cast %add3A_1445 : i32 to index
      %get3A_1447 = arith.constant 80 : index
      %get3A_1448 = tpu.vector_load %arg17[%get3A_1446, %get3A_1447] {strides = array<i32>} : memref<128x128xf32, #tpu.memory_space<vmem>>, vector<1x16xf32>,
      %get3A_1449 = vector.shape_cast %get3A_1448 : vector<1x16xf32> to vector<16xf32>
      %swap3A_1450 = arith.index_cast %add3A_1441 : i32 to index
      %swap3A_1451 = arith.constant 80 : index
      %swap3A_1452 = tpu.vector_load %arg14[%swap3A_1450, %swap3A_1451] {strides = array<i32>} : memref<128x128xf32, #tpu.memory_space<vmem>>, vector<1x16xf32>,
      %swap3A_1453 = vector.shape_cast %swap3A_1452 : vector<1x16xf32> to vector<16xf32>
      %swap3A_1454 = vector.shape_cast %get3A_1449 : vector<16xf32> to vector<1x16xf32>
      tpu.vector_store %arg14[%swap3A_1450, %swap3A_1451], %swap3A_1454 {add = true, strides = array<i32>} : memref<128x128xf32, #tpu.memory_space<vmem>>, vector<1x16xf32>,
      %mul3A_1455 = arith.constant 4 : i32
      %mul3A_1456 = arith.muli %scan3A_1080, %mul3A_1455 : i32
      %add3A_1457 = arith.constant 2 : i32
      %add3A_1458 = arith.addi %mul3A_1456, %add3A_1457 : i32
      %mul3A_1459 = arith.constant 4 : i32
      %mul3A_1460 = arith.muli %scan3A_1080, %mul3A_1459 : i32
      %add3A_1461 = arith.constant 2 : i32
      %add3A_1462 = arith.addi %mul3A_1460, %add3A_1461 : i32
      %get3A_1463 = arith.index_cast %add3A_1462 : i32 to index
      %get3A_1464 = arith.constant 96 : index
      %get3A_1465 = tpu.vector_load %arg17[%get3A_1463, %get3A_1464] {strides = array<i32>} : memref<128x128xf32, #tpu.memory_space<vmem>>, vector<1x16xf32>,
      %get3A_1466 = vector.shape_cast %get3A_1465 : vector<1x16xf32> to vector<16xf32>
      %swap3A_1467 = arith.index_cast %add3A_1458 : i32 to index
      %swap3A_1468 = arith.constant 96 : index
      %swap3A_1469 = tpu.vector_load %arg14[%swap3A_1467, %swap3A_1468] {strides = array<i32>} : memref<128x128xf32, #tpu.memory_space<vmem>>, vector<1x16xf32>,
      %swap3A_1470 = vector.shape_cast %swap3A_1469 : vector<1x16xf32> to vector<16xf32>
      %swap3A_1471 = vector.shape_cast %get3A_1466 : vector<16xf32> to vector<1x16xf32>
      tpu.vector_store %arg14[%swap3A_1467, %swap3A_1468], %swap3A_1471 {add = true, strides = array<i32>} : memref<128x128xf32, #tpu.memory_space<vmem>>, vector<1x16xf32>,
      %mul3A_1472 = arith.constant 4 : i32
      %mul3A_1473 = arith.muli %scan3A_1080, %mul3A_1472 : i32
      %add3A_1474 = arith.constant 2 : i32
      %add3A_1475 = arith.addi %mul3A_1473, %add3A_1474 : i32
      %mul3A_1476 = arith.constant 4 : i32
      %mul3A_1477 = arith.muli %scan3A_1080, %mul3A_1476 : i32
      %add3A_1478 = arith.constant 2 : i32
      %add3A_1479 = arith.addi %mul3A_1477, %add3A_1478 : i32
      %get3A_1480 = arith.index_cast %add3A_1479 : i32 to index
      %get3A_1481 = arith.constant 112 : index
      %get3A_1482 = tpu.vector_load %arg17[%get3A_1480, %get3A_1481] {strides = array<i32>} : memref<128x128xf32, #tpu.memory_space<vmem>>, vector<1x16xf32>,
      %get3A_1483 = vector.shape_cast %get3A_1482 : vector<1x16xf32> to vector<16xf32>
      %swap3A_1484 = arith.index_cast %add3A_1475 : i32 to index
      %swap3A_1485 = arith.constant 112 : index
      %swap3A_1486 = tpu.vector_load %arg14[%swap3A_1484, %swap3A_1485] {strides = array<i32>} : memref<128x128xf32, #tpu.memory_space<vmem>>, vector<1x16xf32>,
      %swap3A_1487 = vector.shape_cast %swap3A_1486 : vector<1x16xf32> to vector<16xf32>
      %swap3A_1488 = vector.shape_cast %get3A_1483 : vector<16xf32> to vector<1x16xf32>
      tpu.vector_store %arg14[%swap3A_1484, %swap3A_1485], %swap3A_1488 {add = true, strides = array<i32>} : memref<128x128xf32, #tpu.memory_space<vmem>>, vector<1x16xf32>,
      %mul3A_1489 = arith.constant 4 : i32
      %mul3A_1490 = arith.muli %scan3A_1080, %mul3A_1489 : i32
      %add3A_1491 = arith.constant 3 : i32
      %add3A_1492 = arith.addi %mul3A_1490, %add3A_1491 : i32
      %mul3A_1493 = arith.constant 4 : i32
      %mul3A_1494 = arith.muli %scan3A_1080, %mul3A_1493 : i32
      %add3A_1495 = arith.constant 3 : i32
      %add3A_1496 = arith.addi %mul3A_1494, %add3A_1495 : i32
      %get3A_1497 = arith.index_cast %add3A_1496 : i32 to index
      %get3A_1498 = arith.constant 0 : index
      %get3A_1499 = tpu.vector_load %arg17[%get3A_1497, %get3A_1498] {strides = array<i32>} : memref<128x128xf32, #tpu.memory_space<vmem>>, vector<1x16xf32>,
      %get3A_1500 = vector.shape_cast %get3A_1499 : vector<1x16xf32> to vector<16xf32>
      %swap3A_1501 = arith.index_cast %add3A_1492 : i32 to index
      %swap3A_1502 = arith.constant 0 : index
      %swap3A_1503 = tpu.vector_load %arg14[%swap3A_1501, %swap3A_1502] {strides = array<i32>} : memref<128x128xf32, #tpu.memory_space<vmem>>, vector<1x16xf32>,
      %swap3A_1504 = vector.shape_cast %swap3A_1503 : vector<1x16xf32> to vector<16xf32>
      %swap3A_1505 = vector.shape_cast %get3A_1500 : vector<16xf32> to vector<1x16xf32>
      tpu.vector_store %arg14[%swap3A_1501, %swap3A_1502], %swap3A_1505 {add = true, strides = array<i32>} : memref<128x128xf32, #tpu.memory_space<vmem>>, vector<1x16xf32>,
      %mul3A_1506 = arith.constant 4 : i32
      %mul3A_1507 = arith.muli %scan3A_1080, %mul3A_1506 : i32
      %add3A_1508 = arith.constant 3 : i32
      %add3A_1509 = arith.addi %mul3A_1507, %add3A_1508 : i32
      %mul3A_1510 = arith.constant 4 : i32
      %mul3A_1511 = arith.muli %scan3A_1080, %mul3A_1510 : i32
      %add3A_1512 = arith.constant 3 : i32
      %add3A_1513 = arith.addi %mul3A_1511, %add3A_1512 : i32
      %get3A_1514 = arith.index_cast %add3A_1513 : i32 to index
      %get3A_1515 = arith.constant 16 : index
      %get3A_1516 = tpu.vector_load %arg17[%get3A_1514, %get3A_1515] {strides = array<i32>} : memref<128x128xf32, #tpu.memory_space<vmem>>, vector<1x16xf32>,
      %get3A_1517 = vector.shape_cast %get3A_1516 : vector<1x16xf32> to vector<16xf32>
      %swap3A_1518 = arith.index_cast %add3A_1509 : i32 to index
      %swap3A_1519 = arith.constant 16 : index
      %swap3A_1520 = tpu.vector_load %arg14[%swap3A_1518, %swap3A_1519] {strides = array<i32>} : memref<128x128xf32, #tpu.memory_space<vmem>>, vector<1x16xf32>,
      %swap3A_1521 = vector.shape_cast %swap3A_1520 : vector<1x16xf32> to vector<16xf32>
      %swap3A_1522 = vector.shape_cast %get3A_1517 : vector<16xf32> to vector<1x16xf32>
      tpu.vector_store %arg14[%swap3A_1518, %swap3A_1519], %swap3A_1522 {add = true, strides = array<i32>} : memref<128x128xf32, #tpu.memory_space<vmem>>, vector<1x16xf32>,
      %mul3A_1523 = arith.constant 4 : i32
      %mul3A_1524 = arith.muli %scan3A_1080, %mul3A_1523 : i32
      %add3A_1525 = arith.constant 3 : i32
      %add3A_1526 = arith.addi %mul3A_1524, %add3A_1525 : i32
      %mul3A_1527 = arith.constant 4 : i32
      %mul3A_1528 = arith.muli %scan3A_1080, %mul3A_1527 : i32
      %add3A_1529 = arith.constant 3 : i32
      %add3A_1530 = arith.addi %mul3A_1528, %add3A_1529 : i32
      %get3A_1531 = arith.index_cast %add3A_1530 : i32 to index
      %get3A_1532 = arith.constant 32 : index
      %get3A_1533 = tpu.vector_load %arg17[%get3A_1531, %get3A_1532] {strides = array<i32>} : memref<128x128xf32, #tpu.memory_space<vmem>>, vector<1x16xf32>,
      %get3A_1534 = vector.shape_cast %get3A_1533 : vector<1x16xf32> to vector<16xf32>
      %swap3A_1535 = arith.index_cast %add3A_1526 : i32 to index
      %swap3A_1536 = arith.constant 32 : index
      %swap3A_1537 = tpu.vector_load %arg14[%swap3A_1535, %swap3A_1536] {strides = array<i32>} : memref<128x128xf32, #tpu.memory_space<vmem>>, vector<1x16xf32>,
      %swap3A_1538 = vector.shape_cast %swap3A_1537 : vector<1x16xf32> to vector<16xf32>
      %swap3A_1539 = vector.shape_cast %get3A_1534 : vector<16xf32> to vector<1x16xf32>
      tpu.vector_store %arg14[%swap3A_1535, %swap3A_1536], %swap3A_1539 {add = true, strides = array<i32>} : memref<128x128xf32, #tpu.memory_space<vmem>>, vector<1x16xf32>,
      %mul3A_1540 = arith.constant 4 : i32
      %mul3A_1541 = arith.muli %scan3A_1080, %mul3A_1540 : i32
      %add3A_1542 = arith.constant 3 : i32
      %add3A_1543 = arith.addi %mul3A_1541, %add3A_1542 : i32
      %mul3A_1544 = arith.constant 4 : i32
      %mul3A_1545 = arith.muli %scan3A_1080, %mul3A_1544 : i32
      %add3A_1546 = arith.constant 3 : i32
      %add3A_1547 = arith.addi %mul3A_1545, %add3A_1546 : i32
      %get3A_1548 = arith.index_cast %add3A_1547 : i32 to index
      %get3A_1549 = arith.constant 48 : index
      %get3A_1550 = tpu.vector_load %arg17[%get3A_1548, %get3A_1549] {strides = array<i32>} : memref<128x128xf32, #tpu.memory_space<vmem>>, vector<1x16xf32>,
      %get3A_1551 = vector.shape_cast %get3A_1550 : vector<1x16xf32> to vector<16xf32>
      %swap3A_1552 = arith.index_cast %add3A_1543 : i32 to index
      %swap3A_1553 = arith.constant 48 : index
      %swap3A_1554 = tpu.vector_load %arg14[%swap3A_1552, %swap3A_1553] {strides = array<i32>} : memref<128x128xf32, #tpu.memory_space<vmem>>, vector<1x16xf32>,
      %swap3A_1555 = vector.shape_cast %swap3A_1554 : vector<1x16xf32> to vector<16xf32>
      %swap3A_1556 = vector.shape_cast %get3A_1551 : vector<16xf32> to vector<1x16xf32>
      tpu.vector_store %arg14[%swap3A_1552, %swap3A_1553], %swap3A_1556 {add = true, strides = array<i32>} : memref<128x128xf32, #tpu.memory_space<vmem>>, vector<1x16xf32>,
      %mul3A_1557 = arith.constant 4 : i32
      %mul3A_1558 = arith.muli %scan3A_1080, %mul3A_1557 : i32
      %add3A_1559 = arith.constant 3 : i32
      %add3A_1560 = arith.addi %mul3A_1558, %add3A_1559 : i32
      %mul3A_1561 = arith.constant 4 : i32
      %mul3A_1562 = arith.muli %scan3A_1080, %mul3A_1561 : i32
      %add3A_1563 = arith.constant 3 : i32
      %add3A_1564 = arith.addi %mul3A_1562, %add3A_1563 : i32
      %get3A_1565 = arith.index_cast %add3A_1564 : i32 to index
      %get3A_1566 = arith.constant 64 : index
      %get3A_1567 = tpu.vector_load %arg17[%get3A_1565, %get3A_1566] {strides = array<i32>} : memref<128x128xf32, #tpu.memory_space<vmem>>, vector<1x16xf32>,
      %get3A_1568 = vector.shape_cast %get3A_1567 : vector<1x16xf32> to vector<16xf32>
      %swap3A_1569 = arith.index_cast %add3A_1560 : i32 to index
      %swap3A_1570 = arith.constant 64 : index
      %swap3A_1571 = tpu.vector_load %arg14[%swap3A_1569, %swap3A_1570] {strides = array<i32>} : memref<128x128xf32, #tpu.memory_space<vmem>>, vector<1x16xf32>,
      %swap3A_1572 = vector.shape_cast %swap3A_1571 : vector<1x16xf32> to vector<16xf32>
      %swap3A_1573 = vector.shape_cast %get3A_1568 : vector<16xf32> to vector<1x16xf32>
      tpu.vector_store %arg14[%swap3A_1569, %swap3A_1570], %swap3A_1573 {add = true, strides = array<i32>} : memref<128x128xf32, #tpu.memory_space<vmem>>, vector<1x16xf32>,
      %mul3A_1574 = arith.constant 4 : i32
      %mul3A_1575 = arith.muli %scan3A_1080, %mul3A_1574 : i32
      %add3A_1576 = arith.constant 3 : i32
      %add3A_1577 = arith.addi %mul3A_1575, %add3A_1576 : i32
      %mul3A_1578 = arith.constant 4 : i32
      %mul3A_1579 = arith.muli %scan3A_1080, %mul3A_1578 : i32
      %add3A_1580 = arith.constant 3 : i32
      %add3A_1581 = arith.addi %mul3A_1579, %add3A_1580 : i32
      %get3A_1582 = arith.index_cast %add3A_1581 : i32 to index
      %get3A_1583 = arith.constant 80 : index
      %get3A_1584 = tpu.vector_load %arg17[%get3A_1582, %get3A_1583] {strides = array<i32>} : memref<128x128xf32, #tpu.memory_space<vmem>>, vector<1x16xf32>,
      %get3A_1585 = vector.shape_cast %get3A_1584 : vector<1x16xf32> to vector<16xf32>
      %swap3A_1586 = arith.index_cast %add3A_1577 : i32 to index
      %swap3A_1587 = arith.constant 80 : index
      %swap3A_1588 = tpu.vector_load %arg14[%swap3A_1586, %swap3A_1587] {strides = array<i32>} : memref<128x128xf32, #tpu.memory_space<vmem>>, vector<1x16xf32>,
      %swap3A_1589 = vector.shape_cast %swap3A_1588 : vector<1x16xf32> to vector<16xf32>
      %swap3A_1590 = vector.shape_cast %get3A_1585 : vector<16xf32> to vector<1x16xf32>
      tpu.vector_store %arg14[%swap3A_1586, %swap3A_1587], %swap3A_1590 {add = true, strides = array<i32>} : memref<128x128xf32, #tpu.memory_space<vmem>>, vector<1x16xf32>,
      %mul3A_1591 = arith.constant 4 : i32
      %mul3A_1592 = arith.muli %scan3A_1080, %mul3A_1591 : i32
      %add3A_1593 = arith.constant 3 : i32
      %add3A_1594 = arith.addi %mul3A_1592, %add3A_1593 : i32
      %mul3A_1595 = arith.constant 4 : i32
      %mul3A_1596 = arith.muli %scan3A_1080, %mul3A_1595 : i32
      %add3A_1597 = arith.constant 3 : i32
      %add3A_1598 = arith.addi %mul3A_1596, %add3A_1597 : i32
      %get3A_1599 = arith.index_cast %add3A_1598 : i32 to index
      %get3A_1600 = arith.constant 96 : index
      %get3A_1601 = tpu.vector_load %arg17[%get3A_1599, %get3A_1600] {strides = array<i32>} : memref<128x128xf32, #tpu.memory_space<vmem>>, vector<1x16xf32>,
      %get3A_1602 = vector.shape_cast %get3A_1601 : vector<1x16xf32> to vector<16xf32>
      %swap3A_1603 = arith.index_cast %add3A_1594 : i32 to index
      %swap3A_1604 = arith.constant 96 : index
      %swap3A_1605 = tpu.vector_load %arg14[%swap3A_1603, %swap3A_1604] {strides = array<i32>} : memref<128x128xf32, #tpu.memory_space<vmem>>, vector<1x16xf32>,
      %swap3A_1606 = vector.shape_cast %swap3A_1605 : vector<1x16xf32> to vector<16xf32>
      %swap3A_1607 = vector.shape_cast %get3A_1602 : vector<16xf32> to vector<1x16xf32>
      tpu.vector_store %arg14[%swap3A_1603, %swap3A_1604], %swap3A_1607 {add = true, strides = array<i32>} : memref<128x128xf32, #tpu.memory_space<vmem>>, vector<1x16xf32>,
      %mul3A_1608 = arith.constant 4 : i32
      %mul3A_1609 = arith.muli %scan3A_1080, %mul3A_1608 : i32
      %add3A_1610 = arith.constant 3 : i32
      %add3A_1611 = arith.addi %mul3A_1609, %add3A_1610 : i32
      %mul3A_1612 = arith.constant 4 : i32
      %mul3A_1613 = arith.muli %scan3A_1080, %mul3A_1612 : i32
      %add3A_1614 = arith.constant 3 : i32
      %add3A_1615 = arith.addi %mul3A_1613, %add3A_1614 : i32
      %get3A_1616 = arith.index_cast %add3A_1615 : i32 to index
      %get3A_1617 = arith.constant 112 : index
      %get3A_1618 = tpu.vector_load %arg17[%get3A_1616, %get3A_1617] {strides = array<i32>} : memref<128x128xf32, #tpu.memory_space<vmem>>, vector<1x16xf32>,
      %get3A_1619 = vector.shape_cast %get3A_1618 : vector<1x16xf32> to vector<16xf32>
      %swap3A_1620 = arith.index_cast %add3A_1611 : i32 to index
      %swap3A_1621 = arith.constant 112 : index
      %swap3A_1622 = tpu.vector_load %arg14[%swap3A_1620, %swap3A_1621] {strides = array<i32>} : memref<128x128xf32, #tpu.memory_space<vmem>>, vector<1x16xf32>,
      %swap3A_1623 = vector.shape_cast %swap3A_1622 : vector<1x16xf32> to vector<16xf32>
      %swap3A_1624 = vector.shape_cast %get3A_1619 : vector<16xf32> to vector<1x16xf32>
      tpu.vector_store %arg14[%swap3A_1620, %swap3A_1621], %swap3A_1624 {add = true, strides = array<i32>} : memref<128x128xf32, #tpu.memory_space<vmem>>, vector<1x16xf32>,
    }
    %scan3A_1039 = arith.constant 32 : i32
    %add3A_1040 = arith.constant 256 : i32
    %add3A_1041 = arith.addi %mul3A_2, %add3A_1040 : i32
    %dma_start3A_1042 = arith.constant 0 : i32
    %dma_start3A_1043 = tpu.memref_slice %arg5[%add3A_1041, %dma_start3A_1042] : memref<16384x128xf32, #tpu.memory_space<hbm>> -> memref<128x128xf32, #tpu.memory_space<hbm>>
    %dma_start3A_1044 = arith.constant 0 : i32
    %dma_start3A_1045 = tpu.memref_slice %arg5[%add3A_1041, %dma_start3A_1044] : memref<16384x128xf32, #tpu.memory_space<hbm>> -> memref<128x128xf32, #tpu.memory_space<hbm>>
    tpu.enqueue_dma source(%arg14 : memref<128x128xf32, #tpu.memory_space<vmem>>) target(%dma_start3A_1045 : memref<128x128xf32, #tpu.memory_space<hbm>>) target_semaphore(%arg26 : memref<!tpu.dma_semaphore, #tpu.memory_space<semaphore_mem>>)
    %dma_wait3A_1046 = arith.constant 384 : i32
    %dma_wait3A_1047 = tpu.memref_slice %arg10[%dma_wait3A_1046] : memref<512xi32, #tpu.memory_space<vmem>> -> memref<128xi32, #tpu.memory_space<vmem>>
    %dma_wait3A_1048 = arith.constant 0 : i32
    %dma_wait3A_1049 = arith.constant 0 : i32
    %dma_wait3A_1050 = tpu.memref_slice %arg18[%dma_wait3A_1048, %dma_wait3A_1049] : memref<400x128xf32, #tpu.memory_space<vmem_shared>> -> memref<400x128xf32, #tpu.memory_space<vmem_shared>>
    tpu.wait_indirect_dma semaphore(%arg21 : memref<!tpu.dma_semaphore, #tpu.memory_space<semaphore_mem>>) src(%dma_wait3A_1050 : memref<400x128xf32, #tpu.memory_space<vmem_shared>>) dst(%arg12 : memref<128x128xf32, #tpu.memory_space<vmem>>)
    %dma_wait3A_1051 = arith.constant 384 : i32
    %dma_wait3A_1052 = tpu.memref_slice %arg11[%dma_wait3A_1051] : memref<512xi32, #tpu.memory_space<vmem>> -> memref<128xi32, #tpu.memory_space<vmem>>
    %dma_wait3A_1053 = arith.constant 0 : i32
    %dma_wait3A_1054 = arith.constant 0 : i32
    %dma_wait3A_1055 = tpu.memref_slice %arg19[%dma_wait3A_1053, %dma_wait3A_1054] : memref<100x128xf32, #tpu.memory_space<vmem_shared>> -> memref<100x128xf32, #tpu.memory_space<vmem_shared>>
    tpu.wait_indirect_dma semaphore(%arg21 : memref<!tpu.dma_semaphore, #tpu.memory_space<semaphore_mem>>) src(%dma_wait3A_1055 : memref<100x128xf32, #tpu.memory_space<vmem_shared>>) dst(%arg15 : memref<128x128xf32, #tpu.memory_space<vmem>>)
    %scan3A_1056 = arith.constant 0 : i32
    %scan3A_1057 = arith.constant 0 : i32
    %scan3A_1058 = arith.constant 32 : i32
    %scan3A_1059 = arith.addi %scan3A_1057, %scan3A_1058 : i32
    %scan3A_1060 = arith.constant 1 : i32
    scf.for %scan3A_1080 = %scan3A_1057 to %scan3A_1059 step %scan3A_1060  : i32 {
      %mul3A_1081 = arith.constant 4 : i32
      %mul3A_1082 = arith.muli %scan3A_1080, %mul3A_1081 : i32
      %add3A_1083 = arith.constant 0 : i32
      %add3A_1084 = arith.addi %mul3A_1082, %add3A_1083 : i32
      %mul3A_1085 = arith.constant 4 : i32
      %mul3A_1086 = arith.muli %scan3A_1080, %mul3A_1085 : i32
      %add3A_1087 = arith.constant 0 : i32
      %add3A_1088 = arith.addi %mul3A_1086, %add3A_1087 : i32
      %get3A_1089 = arith.index_cast %add3A_1088 : i32 to index
      %get3A_1090 = arith.constant 0 : index
      %get3A_1091 = tpu.vector_load %arg15[%get3A_1089, %get3A_1090] {strides = array<i32>} : memref<128x128xf32, #tpu.memory_space<vmem>>, vector<1x16xf32>,
      %get3A_1092 = vector.shape_cast %get3A_1091 : vector<1x16xf32> to vector<16xf32>
      %swap3A_1093 = arith.index_cast %add3A_1084 : i32 to index
      %swap3A_1094 = arith.constant 0 : index
      %swap3A_1095 = tpu.vector_load %arg12[%swap3A_1093, %swap3A_1094] {strides = array<i32>} : memref<128x128xf32, #tpu.memory_space<vmem>>, vector<1x16xf32>,
      %swap3A_1096 = vector.shape_cast %swap3A_1095 : vector<1x16xf32> to vector<16xf32>
      %swap3A_1097 = vector.shape_cast %get3A_1092 : vector<16xf32> to vector<1x16xf32>
      tpu.vector_store %arg12[%swap3A_1093, %swap3A_1094], %swap3A_1097 {add = true, strides = array<i32>} : memref<128x128xf32, #tpu.memory_space<vmem>>, vector<1x16xf32>,
      %mul3A_1098 = arith.constant 4 : i32
      %mul3A_1099 = arith.muli %scan3A_1080, %mul3A_1098 : i32
      %add3A_1100 = arith.constant 0 : i32
      %add3A_1101 = arith.addi %mul3A_1099, %add3A_1100 : i32
      %mul3A_1102 = arith.constant 4 : i32
      %mul3A_1103 = arith.muli %scan3A_1080, %mul3A_1102 : i32
      %add3A_1104 = arith.constant 0 : i32
      %add3A_1105 = arith.addi %mul3A_1103, %add3A_1104 : i32
      %get3A_1106 = arith.index_cast %add3A_1105 : i32 to index
      %get3A_1107 = arith.constant 16 : index
      %get3A_1108 = tpu.vector_load %arg15[%get3A_1106, %get3A_1107] {strides = array<i32>} : memref<128x128xf32, #tpu.memory_space<vmem>>, vector<1x16xf32>,
      %get3A_1109 = vector.shape_cast %get3A_1108 : vector<1x16xf32> to vector<16xf32>
      %swap3A_1110 = arith.index_cast %add3A_1101 : i32 to index
      %swap3A_1111 = arith.constant 16 : index
      %swap3A_1112 = tpu.vector_load %arg12[%swap3A_1110, %swap3A_1111] {strides = array<i32>} : memref<128x128xf32, #tpu.memory_space<vmem>>, vector<1x16xf32>,
      %swap3A_1113 = vector.shape_cast %swap3A_1112 : vector<1x16xf32> to vector<16xf32>
      %swap3A_1114 = vector.shape_cast %get3A_1109 : vector<16xf32> to vector<1x16xf32>
      tpu.vector_store %arg12[%swap3A_1110, %swap3A_1111], %swap3A_1114 {add = true, strides = array<i32>} : memref<128x128xf32, #tpu.memory_space<vmem>>, vector<1x16xf32>,
      %mul3A_1115 = arith.constant 4 : i32
      %mul3A_1116 = arith.muli %scan3A_1080, %mul3A_1115 : i32
      %add3A_1117 = arith.constant 0 : i32
      %add3A_1118 = arith.addi %mul3A_1116, %add3A_1117 : i32
      %mul3A_1119 = arith.constant 4 : i32
      %mul3A_1120 = arith.muli %scan3A_1080, %mul3A_1119 : i32
      %add3A_1121 = arith.constant 0 : i32
      %add3A_1122 = arith.addi %mul3A_1120, %add3A_1121 : i32
      %get3A_1123 = arith.index_cast %add3A_1122 : i32 to index
      %get3A_1124 = arith.constant 32 : index
      %get3A_1125 = tpu.vector_load %arg15[%get3A_1123, %get3A_1124] {strides = array<i32>} : memref<128x128xf32, #tpu.memory_space<vmem>>, vector<1x16xf32>,
      %get3A_1126 = vector.shape_cast %get3A_1125 : vector<1x16xf32> to vector<16xf32>
      %swap3A_1127 = arith.index_cast %add3A_1118 : i32 to index
      %swap3A_1128 = arith.constant 32 : index
      %swap3A_1129 = tpu.vector_load %arg12[%swap3A_1127, %swap3A_1128] {strides = array<i32>} : memref<128x128xf32, #tpu.memory_space<vmem>>, vector<1x16xf32>,
      %swap3A_1130 = vector.shape_cast %swap3A_1129 : vector<1x16xf32> to vector<16xf32>
      %swap3A_1131 = vector.shape_cast %get3A_1126 : vector<16xf32> to vector<1x16xf32>
      tpu.vector_store %arg12[%swap3A_1127, %swap3A_1128], %swap3A_1131 {add = true, strides = array<i32>} : memref<128x128xf32, #tpu.memory_space<vmem>>, vector<1x16xf32>,
      %mul3A_1132 = arith.constant 4 : i32
      %mul3A_1133 = arith.muli %scan3A_1080, %mul3A_1132 : i32
      %add3A_1134 = arith.constant 0 : i32
      %add3A_1135 = arith.addi %mul3A_1133, %add3A_1134 : i32
      %mul3A_1136 = arith.constant 4 : i32
      %mul3A_1137 = arith.muli %scan3A_1080, %mul3A_1136 : i32
      %add3A_1138 = arith.constant 0 : i32
      %add3A_1139 = arith.addi %mul3A_1137, %add3A_1138 : i32
      %get3A_1140 = arith.index_cast %add3A_1139 : i32 to index
      %get3A_1141 = arith.constant 48 : index
      %get3A_1142 = tpu.vector_load %arg15[%get3A_1140, %get3A_1141] {strides = array<i32>} : memref<128x128xf32, #tpu.memory_space<vmem>>, vector<1x16xf32>,
      %get3A_1143 = vector.shape_cast %get3A_1142 : vector<1x16xf32> to vector<16xf32>
      %swap3A_1144 = arith.index_cast %add3A_1135 : i32 to index
      %swap3A_1145 = arith.constant 48 : index
      %swap3A_1146 = tpu.vector_load %arg12[%swap3A_1144, %swap3A_1145] {strides = array<i32>} : memref<128x128xf32, #tpu.memory_space<vmem>>, vector<1x16xf32>,
      %swap3A_1147 = vector.shape_cast %swap3A_1146 : vector<1x16xf32> to vector<16xf32>
      %swap3A_1148 = vector.shape_cast %get3A_1143 : vector<16xf32> to vector<1x16xf32>
      tpu.vector_store %arg12[%swap3A_1144, %swap3A_1145], %swap3A_1148 {add = true, strides = array<i32>} : memref<128x128xf32, #tpu.memory_space<vmem>>, vector<1x16xf32>,
      %mul3A_1149 = arith.constant 4 : i32
      %mul3A_1150 = arith.muli %scan3A_1080, %mul3A_1149 : i32
      %add3A_1151 = arith.constant 0 : i32
      %add3A_1152 = arith.addi %mul3A_1150, %add3A_1151 : i32
      %mul3A_1153 = arith.constant 4 : i32
      %mul3A_1154 = arith.muli %scan3A_1080, %mul3A_1153 : i32
      %add3A_1155 = arith.constant 0 : i32
      %add3A_1156 = arith.addi %mul3A_1154, %add3A_1155 : i32
      %get3A_1157 = arith.index_cast %add3A_1156 : i32 to index
      %get3A_1158 = arith.constant 64 : index
      %get3A_1159 = tpu.vector_load %arg15[%get3A_1157, %get3A_1158] {strides = array<i32>} : memref<128x128xf32, #tpu.memory_space<vmem>>, vector<1x16xf32>,
      %get3A_1160 = vector.shape_cast %get3A_1159 : vector<1x16xf32> to vector<16xf32>
      %swap3A_1161 = arith.index_cast %add3A_1152 : i32 to index
      %swap3A_1162 = arith.constant 64 : index
      %swap3A_1163 = tpu.vector_load %arg12[%swap3A_1161, %swap3A_1162] {strides = array<i32>} : memref<128x128xf32, #tpu.memory_space<vmem>>, vector<1x16xf32>,
      %swap3A_1164 = vector.shape_cast %swap3A_1163 : vector<1x16xf32> to vector<16xf32>
      %swap3A_1165 = vector.shape_cast %get3A_1160 : vector<16xf32> to vector<1x16xf32>
      tpu.vector_store %arg12[%swap3A_1161, %swap3A_1162], %swap3A_1165 {add = true, strides = array<i32>} : memref<128x128xf32, #tpu.memory_space<vmem>>, vector<1x16xf32>,
      %mul3A_1166 = arith.constant 4 : i32
      %mul3A_1167 = arith.muli %scan3A_1080, %mul3A_1166 : i32
      %add3A_1168 = arith.constant 0 : i32
      %add3A_1169 = arith.addi %mul3A_1167, %add3A_1168 : i32
      %mul3A_1170 = arith.constant 4 : i32
      %mul3A_1171 = arith.muli %scan3A_1080, %mul3A_1170 : i32
      %add3A_1172 = arith.constant 0 : i32
      %add3A_1173 = arith.addi %mul3A_1171, %add3A_1172 : i32
      %get3A_1174 = arith.index_cast %add3A_1173 : i32 to index
      %get3A_1175 = arith.constant 80 : index
      %get3A_1176 = tpu.vector_load %arg15[%get3A_1174, %get3A_1175] {strides = array<i32>} : memref<128x128xf32, #tpu.memory_space<vmem>>, vector<1x16xf32>,
      %get3A_1177 = vector.shape_cast %get3A_1176 : vector<1x16xf32> to vector<16xf32>
      %swap3A_1178 = arith.index_cast %add3A_1169 : i32 to index
      %swap3A_1179 = arith.constant 80 : index
      %swap3A_1180 = tpu.vector_load %arg12[%swap3A_1178, %swap3A_1179] {strides = array<i32>} : memref<128x128xf32, #tpu.memory_space<vmem>>, vector<1x16xf32>,
      %swap3A_1181 = vector.shape_cast %swap3A_1180 : vector<1x16xf32> to vector<16xf32>
      %swap3A_1182 = vector.shape_cast %get3A_1177 : vector<16xf32> to vector<1x16xf32>
      tpu.vector_store %arg12[%swap3A_1178, %swap3A_1179], %swap3A_1182 {add = true, strides = array<i32>} : memref<128x128xf32, #tpu.memory_space<vmem>>, vector<1x16xf32>,
      %mul3A_1183 = arith.constant 4 : i32
      %mul3A_1184 = arith.muli %scan3A_1080, %mul3A_1183 : i32
      %add3A_1185 = arith.constant 0 : i32
      %add3A_1186 = arith.addi %mul3A_1184, %add3A_1185 : i32
      %mul3A_1187 = arith.constant 4 : i32
      %mul3A_1188 = arith.muli %scan3A_1080, %mul3A_1187 : i32
      %add3A_1189 = arith.constant 0 : i32
      %add3A_1190 = arith.addi %mul3A_1188, %add3A_1189 : i32
      %get3A_1191 = arith.index_cast %add3A_1190 : i32 to index
      %get3A_1192 = arith.constant 96 : index
      %get3A_1193 = tpu.vector_load %arg15[%get3A_1191, %get3A_1192] {strides = array<i32>} : memref<128x128xf32, #tpu.memory_space<vmem>>, vector<1x16xf32>,
      %get3A_1194 = vector.shape_cast %get3A_1193 : vector<1x16xf32> to vector<16xf32>
      %swap3A_1195 = arith.index_cast %add3A_1186 : i32 to index
      %swap3A_1196 = arith.constant 96 : index
      %swap3A_1197 = tpu.vector_load %arg12[%swap3A_1195, %swap3A_1196] {strides = array<i32>} : memref<128x128xf32, #tpu.memory_space<vmem>>, vector<1x16xf32>,
      %swap3A_1198 = vector.shape_cast %swap3A_1197 : vector<1x16xf32> to vector<16xf32>
      %swap3A_1199 = vector.shape_cast %get3A_1194 : vector<16xf32> to vector<1x16xf32>
      tpu.vector_store %arg12[%swap3A_1195, %swap3A_1196], %swap3A_1199 {add = true, strides = array<i32>} : memref<128x128xf32, #tpu.memory_space<vmem>>, vector<1x16xf32>,
      %mul3A_1200 = arith.constant 4 : i32
      %mul3A_1201 = arith.muli %scan3A_1080, %mul3A_1200 : i32
      %add3A_1202 = arith.constant 0 : i32
      %add3A_1203 = arith.addi %mul3A_1201, %add3A_1202 : i32
      %mul3A_1204 = arith.constant 4 : i32
      %mul3A_1205 = arith.muli %scan3A_1080, %mul3A_1204 : i32
      %add3A_1206 = arith.constant 0 : i32
      %add3A_1207 = arith.addi %mul3A_1205, %add3A_1206 : i32
      %get3A_1208 = arith.index_cast %add3A_1207 : i32 to index
      %get3A_1209 = arith.constant 112 : index
      %get3A_1210 = tpu.vector_load %arg15[%get3A_1208, %get3A_1209] {strides = array<i32>} : memref<128x128xf32, #tpu.memory_space<vmem>>, vector<1x16xf32>,
      %get3A_1211 = vector.shape_cast %get3A_1210 : vector<1x16xf32> to vector<16xf32>
      %swap3A_1212 = arith.index_cast %add3A_1203 : i32 to index
      %swap3A_1213 = arith.constant 112 : index
      %swap3A_1214 = tpu.vector_load %arg12[%swap3A_1212, %swap3A_1213] {strides = array<i32>} : memref<128x128xf32, #tpu.memory_space<vmem>>, vector<1x16xf32>,
      %swap3A_1215 = vector.shape_cast %swap3A_1214 : vector<1x16xf32> to vector<16xf32>
      %swap3A_1216 = vector.shape_cast %get3A_1211 : vector<16xf32> to vector<1x16xf32>
      tpu.vector_store %arg12[%swap3A_1212, %swap3A_1213], %swap3A_1216 {add = true, strides = array<i32>} : memref<128x128xf32, #tpu.memory_space<vmem>>, vector<1x16xf32>,
      %mul3A_1217 = arith.constant 4 : i32
      %mul3A_1218 = arith.muli %scan3A_1080, %mul3A_1217 : i32
      %add3A_1219 = arith.constant 1 : i32
      %add3A_1220 = arith.addi %mul3A_1218, %add3A_1219 : i32
      %mul3A_1221 = arith.constant 4 : i32
      %mul3A_1222 = arith.muli %scan3A_1080, %mul3A_1221 : i32
      %add3A_1223 = arith.constant 1 : i32
      %add3A_1224 = arith.addi %mul3A_1222, %add3A_1223 : i32
      %get3A_1225 = arith.index_cast %add3A_1224 : i32 to index
      %get3A_1226 = arith.constant 0 : index
      %get3A_1227 = tpu.vector_load %arg15[%get3A_1225, %get3A_1226] {strides = array<i32>} : memref<128x128xf32, #tpu.memory_space<vmem>>, vector<1x16xf32>,
      %get3A_1228 = vector.shape_cast %get3A_1227 : vector<1x16xf32> to vector<16xf32>
      %swap3A_1229 = arith.index_cast %add3A_1220 : i32 to index
      %swap3A_1230 = arith.constant 0 : index
      %swap3A_1231 = tpu.vector_load %arg12[%swap3A_1229, %swap3A_1230] {strides = array<i32>} : memref<128x128xf32, #tpu.memory_space<vmem>>, vector<1x16xf32>,
      %swap3A_1232 = vector.shape_cast %swap3A_1231 : vector<1x16xf32> to vector<16xf32>
      %swap3A_1233 = vector.shape_cast %get3A_1228 : vector<16xf32> to vector<1x16xf32>
      tpu.vector_store %arg12[%swap3A_1229, %swap3A_1230], %swap3A_1233 {add = true, strides = array<i32>} : memref<128x128xf32, #tpu.memory_space<vmem>>, vector<1x16xf32>,
      %mul3A_1234 = arith.constant 4 : i32
      %mul3A_1235 = arith.muli %scan3A_1080, %mul3A_1234 : i32
      %add3A_1236 = arith.constant 1 : i32
      %add3A_1237 = arith.addi %mul3A_1235, %add3A_1236 : i32
      %mul3A_1238 = arith.constant 4 : i32
      %mul3A_1239 = arith.muli %scan3A_1080, %mul3A_1238 : i32
      %add3A_1240 = arith.constant 1 : i32
      %add3A_1241 = arith.addi %mul3A_1239, %add3A_1240 : i32
      %get3A_1242 = arith.index_cast %add3A_1241 : i32 to index
      %get3A_1243 = arith.constant 16 : index
      %get3A_1244 = tpu.vector_load %arg15[%get3A_1242, %get3A_1243] {strides = array<i32>} : memref<128x128xf32, #tpu.memory_space<vmem>>, vector<1x16xf32>,
      %get3A_1245 = vector.shape_cast %get3A_1244 : vector<1x16xf32> to vector<16xf32>
      %swap3A_1246 = arith.index_cast %add3A_1237 : i32 to index
      %swap3A_1247 = arith.constant 16 : index
      %swap3A_1248 = tpu.vector_load %arg12[%swap3A_1246, %swap3A_1247] {strides = array<i32>} : memref<128x128xf32, #tpu.memory_space<vmem>>, vector<1x16xf32>,
      %swap3A_1249 = vector.shape_cast %swap3A_1248 : vector<1x16xf32> to vector<16xf32>
      %swap3A_1250 = vector.shape_cast %get3A_1245 : vector<16xf32> to vector<1x16xf32>
      tpu.vector_store %arg12[%swap3A_1246, %swap3A_1247], %swap3A_1250 {add = true, strides = array<i32>} : memref<128x128xf32, #tpu.memory_space<vmem>>, vector<1x16xf32>,
      %mul3A_1251 = arith.constant 4 : i32
      %mul3A_1252 = arith.muli %scan3A_1080, %mul3A_1251 : i32
      %add3A_1253 = arith.constant 1 : i32
      %add3A_1254 = arith.addi %mul3A_1252, %add3A_1253 : i32
      %mul3A_1255 = arith.constant 4 : i32
      %mul3A_1256 = arith.muli %scan3A_1080, %mul3A_1255 : i32
      %add3A_1257 = arith.constant 1 : i32
      %add3A_1258 = arith.addi %mul3A_1256, %add3A_1257 : i32
      %get3A_1259 = arith.index_cast %add3A_1258 : i32 to index
      %get3A_1260 = arith.constant 32 : index
      %get3A_1261 = tpu.vector_load %arg15[%get3A_1259, %get3A_1260] {strides = array<i32>} : memref<128x128xf32, #tpu.memory_space<vmem>>, vector<1x16xf32>,
      %get3A_1262 = vector.shape_cast %get3A_1261 : vector<1x16xf32> to vector<16xf32>
      %swap3A_1263 = arith.index_cast %add3A_1254 : i32 to index
      %swap3A_1264 = arith.constant 32 : index
      %swap3A_1265 = tpu.vector_load %arg12[%swap3A_1263, %swap3A_1264] {strides = array<i32>} : memref<128x128xf32, #tpu.memory_space<vmem>>, vector<1x16xf32>,
      %swap3A_1266 = vector.shape_cast %swap3A_1265 : vector<1x16xf32> to vector<16xf32>
      %swap3A_1267 = vector.shape_cast %get3A_1262 : vector<16xf32> to vector<1x16xf32>
      tpu.vector_store %arg12[%swap3A_1263, %swap3A_1264], %swap3A_1267 {add = true, strides = array<i32>} : memref<128x128xf32, #tpu.memory_space<vmem>>, vector<1x16xf32>,
      %mul3A_1268 = arith.constant 4 : i32
      %mul3A_1269 = arith.muli %scan3A_1080, %mul3A_1268 : i32
      %add3A_1270 = arith.constant 1 : i32
      %add3A_1271 = arith.addi %mul3A_1269, %add3A_1270 : i32
      %mul3A_1272 = arith.constant 4 : i32
      %mul3A_1273 = arith.muli %scan3A_1080, %mul3A_1272 : i32
      %add3A_1274 = arith.constant 1 : i32
      %add3A_1275 = arith.addi %mul3A_1273, %add3A_1274 : i32
      %get3A_1276 = arith.index_cast %add3A_1275 : i32 to index
      %get3A_1277 = arith.constant 48 : index
      %get3A_1278 = tpu.vector_load %arg15[%get3A_1276, %get3A_1277] {strides = array<i32>} : memref<128x128xf32, #tpu.memory_space<vmem>>, vector<1x16xf32>,
      %get3A_1279 = vector.shape_cast %get3A_1278 : vector<1x16xf32> to vector<16xf32>
      %swap3A_1280 = arith.index_cast %add3A_1271 : i32 to index
      %swap3A_1281 = arith.constant 48 : index
      %swap3A_1282 = tpu.vector_load %arg12[%swap3A_1280, %swap3A_1281] {strides = array<i32>} : memref<128x128xf32, #tpu.memory_space<vmem>>, vector<1x16xf32>,
      %swap3A_1283 = vector.shape_cast %swap3A_1282 : vector<1x16xf32> to vector<16xf32>
      %swap3A_1284 = vector.shape_cast %get3A_1279 : vector<16xf32> to vector<1x16xf32>
      tpu.vector_store %arg12[%swap3A_1280, %swap3A_1281], %swap3A_1284 {add = true, strides = array<i32>} : memref<128x128xf32, #tpu.memory_space<vmem>>, vector<1x16xf32>,
      %mul3A_1285 = arith.constant 4 : i32
      %mul3A_1286 = arith.muli %scan3A_1080, %mul3A_1285 : i32
      %add3A_1287 = arith.constant 1 : i32
      %add3A_1288 = arith.addi %mul3A_1286, %add3A_1287 : i32
      %mul3A_1289 = arith.constant 4 : i32
      %mul3A_1290 = arith.muli %scan3A_1080, %mul3A_1289 : i32
      %add3A_1291 = arith.constant 1 : i32
      %add3A_1292 = arith.addi %mul3A_1290, %add3A_1291 : i32
      %get3A_1293 = arith.index_cast %add3A_1292 : i32 to index
      %get3A_1294 = arith.constant 64 : index
      %get3A_1295 = tpu.vector_load %arg15[%get3A_1293, %get3A_1294] {strides = array<i32>} : memref<128x128xf32, #tpu.memory_space<vmem>>, vector<1x16xf32>,
      %get3A_1296 = vector.shape_cast %get3A_1295 : vector<1x16xf32> to vector<16xf32>
      %swap3A_1297 = arith.index_cast %add3A_1288 : i32 to index
      %swap3A_1298 = arith.constant 64 : index
      %swap3A_1299 = tpu.vector_load %arg12[%swap3A_1297, %swap3A_1298] {strides = array<i32>} : memref<128x128xf32, #tpu.memory_space<vmem>>, vector<1x16xf32>,
      %swap3A_1300 = vector.shape_cast %swap3A_1299 : vector<1x16xf32> to vector<16xf32>
      %swap3A_1301 = vector.shape_cast %get3A_1296 : vector<16xf32> to vector<1x16xf32>
      tpu.vector_store %arg12[%swap3A_1297, %swap3A_1298], %swap3A_1301 {add = true, strides = array<i32>} : memref<128x128xf32, #tpu.memory_space<vmem>>, vector<1x16xf32>,
      %mul3A_1302 = arith.constant 4 : i32
      %mul3A_1303 = arith.muli %scan3A_1080, %mul3A_1302 : i32
      %add3A_1304 = arith.constant 1 : i32
      %add3A_1305 = arith.addi %mul3A_1303, %add3A_1304 : i32
      %mul3A_1306 = arith.constant 4 : i32
      %mul3A_1307 = arith.muli %scan3A_1080, %mul3A_1306 : i32
      %add3A_1308 = arith.constant 1 : i32
      %add3A_1309 = arith.addi %mul3A_1307, %add3A_1308 : i32
      %get3A_1310 = arith.index_cast %add3A_1309 : i32 to index
      %get3A_1311 = arith.constant 80 : index
      %get3A_1312 = tpu.vector_load %arg15[%get3A_1310, %get3A_1311] {strides = array<i32>} : memref<128x128xf32, #tpu.memory_space<vmem>>, vector<1x16xf32>,
      %get3A_1313 = vector.shape_cast %get3A_1312 : vector<1x16xf32> to vector<16xf32>
      %swap3A_1314 = arith.index_cast %add3A_1305 : i32 to index
      %swap3A_1315 = arith.constant 80 : index
      %swap3A_1316 = tpu.vector_load %arg12[%swap3A_1314, %swap3A_1315] {strides = array<i32>} : memref<128x128xf32, #tpu.memory_space<vmem>>, vector<1x16xf32>,
      %swap3A_1317 = vector.shape_cast %swap3A_1316 : vector<1x16xf32> to vector<16xf32>
      %swap3A_1318 = vector.shape_cast %get3A_1313 : vector<16xf32> to vector<1x16xf32>
      tpu.vector_store %arg12[%swap3A_1314, %swap3A_1315], %swap3A_1318 {add = true, strides = array<i32>} : memref<128x128xf32, #tpu.memory_space<vmem>>, vector<1x16xf32>,
      %mul3A_1319 = arith.constant 4 : i32
      %mul3A_1320 = arith.muli %scan3A_1080, %mul3A_1319 : i32
      %add3A_1321 = arith.constant 1 : i32
      %add3A_1322 = arith.addi %mul3A_1320, %add3A_1321 : i32
      %mul3A_1323 = arith.constant 4 : i32
      %mul3A_1324 = arith.muli %scan3A_1080, %mul3A_1323 : i32
      %add3A_1325 = arith.constant 1 : i32
      %add3A_1326 = arith.addi %mul3A_1324, %add3A_1325 : i32
      %get3A_1327 = arith.index_cast %add3A_1326 : i32 to index
      %get3A_1328 = arith.constant 96 : index
      %get3A_1329 = tpu.vector_load %arg15[%get3A_1327, %get3A_1328] {strides = array<i32>} : memref<128x128xf32, #tpu.memory_space<vmem>>, vector<1x16xf32>,
      %get3A_1330 = vector.shape_cast %get3A_1329 : vector<1x16xf32> to vector<16xf32>
      %swap3A_1331 = arith.index_cast %add3A_1322 : i32 to index
      %swap3A_1332 = arith.constant 96 : index
      %swap3A_1333 = tpu.vector_load %arg12[%swap3A_1331, %swap3A_1332] {strides = array<i32>} : memref<128x128xf32, #tpu.memory_space<vmem>>, vector<1x16xf32>,
      %swap3A_1334 = vector.shape_cast %swap3A_1333 : vector<1x16xf32> to vector<16xf32>
      %swap3A_1335 = vector.shape_cast %get3A_1330 : vector<16xf32> to vector<1x16xf32>
      tpu.vector_store %arg12[%swap3A_1331, %swap3A_1332], %swap3A_1335 {add = true, strides = array<i32>} : memref<128x128xf32, #tpu.memory_space<vmem>>, vector<1x16xf32>,
      %mul3A_1336 = arith.constant 4 : i32
      %mul3A_1337 = arith.muli %scan3A_1080, %mul3A_1336 : i32
      %add3A_1338 = arith.constant 1 : i32
      %add3A_1339 = arith.addi %mul3A_1337, %add3A_1338 : i32
      %mul3A_1340 = arith.constant 4 : i32
      %mul3A_1341 = arith.muli %scan3A_1080, %mul3A_1340 : i32
      %add3A_1342 = arith.constant 1 : i32
      %add3A_1343 = arith.addi %mul3A_1341, %add3A_1342 : i32
      %get3A_1344 = arith.index_cast %add3A_1343 : i32 to index
      %get3A_1345 = arith.constant 112 : index
      %get3A_1346 = tpu.vector_load %arg15[%get3A_1344, %get3A_1345] {strides = array<i32>} : memref<128x128xf32, #tpu.memory_space<vmem>>, vector<1x16xf32>,
      %get3A_1347 = vector.shape_cast %get3A_1346 : vector<1x16xf32> to vector<16xf32>
      %swap3A_1348 = arith.index_cast %add3A_1339 : i32 to index
      %swap3A_1349 = arith.constant 112 : index
      %swap3A_1350 = tpu.vector_load %arg12[%swap3A_1348, %swap3A_1349] {strides = array<i32>} : memref<128x128xf32, #tpu.memory_space<vmem>>, vector<1x16xf32>,
      %swap3A_1351 = vector.shape_cast %swap3A_1350 : vector<1x16xf32> to vector<16xf32>
      %swap3A_1352 = vector.shape_cast %get3A_1347 : vector<16xf32> to vector<1x16xf32>
      tpu.vector_store %arg12[%swap3A_1348, %swap3A_1349], %swap3A_1352 {add = true, strides = array<i32>} : memref<128x128xf32, #tpu.memory_space<vmem>>, vector<1x16xf32>,
      %mul3A_1353 = arith.constant 4 : i32
      %mul3A_1354 = arith.muli %scan3A_1080, %mul3A_1353 : i32
      %add3A_1355 = arith.constant 2 : i32
      %add3A_1356 = arith.addi %mul3A_1354, %add3A_1355 : i32
      %mul3A_1357 = arith.constant 4 : i32
      %mul3A_1358 = arith.muli %scan3A_1080, %mul3A_1357 : i32
      %add3A_1359 = arith.constant 2 : i32
      %add3A_1360 = arith.addi %mul3A_1358, %add3A_1359 : i32
      %get3A_1361 = arith.index_cast %add3A_1360 : i32 to index
      %get3A_1362 = arith.constant 0 : index
      %get3A_1363 = tpu.vector_load %arg15[%get3A_1361, %get3A_1362] {strides = array<i32>} : memref<128x128xf32, #tpu.memory_space<vmem>>, vector<1x16xf32>,
      %get3A_1364 = vector.shape_cast %get3A_1363 : vector<1x16xf32> to vector<16xf32>
      %swap3A_1365 = arith.index_cast %add3A_1356 : i32 to index
      %swap3A_1366 = arith.constant 0 : index
      %swap3A_1367 = tpu.vector_load %arg12[%swap3A_1365, %swap3A_1366] {strides = array<i32>} : memref<128x128xf32, #tpu.memory_space<vmem>>, vector<1x16xf32>,
      %swap3A_1368 = vector.shape_cast %swap3A_1367 : vector<1x16xf32> to vector<16xf32>
      %swap3A_1369 = vector.shape_cast %get3A_1364 : vector<16xf32> to vector<1x16xf32>
      tpu.vector_store %arg12[%swap3A_1365, %swap3A_1366], %swap3A_1369 {add = true, strides = array<i32>} : memref<128x128xf32, #tpu.memory_space<vmem>>, vector<1x16xf32>,
      %mul3A_1370 = arith.constant 4 : i32
      %mul3A_1371 = arith.muli %scan3A_1080, %mul3A_1370 : i32
      %add3A_1372 = arith.constant 2 : i32
      %add3A_1373 = arith.addi %mul3A_1371, %add3A_1372 : i32
      %mul3A_1374 = arith.constant 4 : i32
      %mul3A_1375 = arith.muli %scan3A_1080, %mul3A_1374 : i32
      %add3A_1376 = arith.constant 2 : i32
      %add3A_1377 = arith.addi %mul3A_1375, %add3A_1376 : i32
      %get3A_1378 = arith.index_cast %add3A_1377 : i32 to index
      %get3A_1379 = arith.constant 16 : index
      %get3A_1380 = tpu.vector_load %arg15[%get3A_1378, %get3A_1379] {strides = array<i32>} : memref<128x128xf32, #tpu.memory_space<vmem>>, vector<1x16xf32>,
      %get3A_1381 = vector.shape_cast %get3A_1380 : vector<1x16xf32> to vector<16xf32>
      %swap3A_1382 = arith.index_cast %add3A_1373 : i32 to index
      %swap3A_1383 = arith.constant 16 : index
      %swap3A_1384 = tpu.vector_load %arg12[%swap3A_1382, %swap3A_1383] {strides = array<i32>} : memref<128x128xf32, #tpu.memory_space<vmem>>, vector<1x16xf32>,
      %swap3A_1385 = vector.shape_cast %swap3A_1384 : vector<1x16xf32> to vector<16xf32>
      %swap3A_1386 = vector.shape_cast %get3A_1381 : vector<16xf32> to vector<1x16xf32>
      tpu.vector_store %arg12[%swap3A_1382, %swap3A_1383], %swap3A_1386 {add = true, strides = array<i32>} : memref<128x128xf32, #tpu.memory_space<vmem>>, vector<1x16xf32>,
      %mul3A_1387 = arith.constant 4 : i32
      %mul3A_1388 = arith.muli %scan3A_1080, %mul3A_1387 : i32
      %add3A_1389 = arith.constant 2 : i32
      %add3A_1390 = arith.addi %mul3A_1388, %add3A_1389 : i32
      %mul3A_1391 = arith.constant 4 : i32
      %mul3A_1392 = arith.muli %scan3A_1080, %mul3A_1391 : i32
      %add3A_1393 = arith.constant 2 : i32
      %add3A_1394 = arith.addi %mul3A_1392, %add3A_1393 : i32
      %get3A_1395 = arith.index_cast %add3A_1394 : i32 to index
      %get3A_1396 = arith.constant 32 : index
      %get3A_1397 = tpu.vector_load %arg15[%get3A_1395, %get3A_1396] {strides = array<i32>} : memref<128x128xf32, #tpu.memory_space<vmem>>, vector<1x16xf32>,
      %get3A_1398 = vector.shape_cast %get3A_1397 : vector<1x16xf32> to vector<16xf32>
      %swap3A_1399 = arith.index_cast %add3A_1390 : i32 to index
      %swap3A_1400 = arith.constant 32 : index
      %swap3A_1401 = tpu.vector_load %arg12[%swap3A_1399, %swap3A_1400] {strides = array<i32>} : memref<128x128xf32, #tpu.memory_space<vmem>>, vector<1x16xf32>,
      %swap3A_1402 = vector.shape_cast %swap3A_1401 : vector<1x16xf32> to vector<16xf32>
      %swap3A_1403 = vector.shape_cast %get3A_1398 : vector<16xf32> to vector<1x16xf32>
      tpu.vector_store %arg12[%swap3A_1399, %swap3A_1400], %swap3A_1403 {add = true, strides = array<i32>} : memref<128x128xf32, #tpu.memory_space<vmem>>, vector<1x16xf32>,
      %mul3A_1404 = arith.constant 4 : i32
      %mul3A_1405 = arith.muli %scan3A_1080, %mul3A_1404 : i32
      %add3A_1406 = arith.constant 2 : i32
      %add3A_1407 = arith.addi %mul3A_1405, %add3A_1406 : i32
      %mul3A_1408 = arith.constant 4 : i32
      %mul3A_1409 = arith.muli %scan3A_1080, %mul3A_1408 : i32
      %add3A_1410 = arith.constant 2 : i32
      %add3A_1411 = arith.addi %mul3A_1409, %add3A_1410 : i32
      %get3A_1412 = arith.index_cast %add3A_1411 : i32 to index
      %get3A_1413 = arith.constant 48 : index
      %get3A_1414 = tpu.vector_load %arg15[%get3A_1412, %get3A_1413] {strides = array<i32>} : memref<128x128xf32, #tpu.memory_space<vmem>>, vector<1x16xf32>,
      %get3A_1415 = vector.shape_cast %get3A_1414 : vector<1x16xf32> to vector<16xf32>
      %swap3A_1416 = arith.index_cast %add3A_1407 : i32 to index
      %swap3A_1417 = arith.constant 48 : index
      %swap3A_1418 = tpu.vector_load %arg12[%swap3A_1416, %swap3A_1417] {strides = array<i32>} : memref<128x128xf32, #tpu.memory_space<vmem>>, vector<1x16xf32>,
      %swap3A_1419 = vector.shape_cast %swap3A_1418 : vector<1x16xf32> to vector<16xf32>
      %swap3A_1420 = vector.shape_cast %get3A_1415 : vector<16xf32> to vector<1x16xf32>
      tpu.vector_store %arg12[%swap3A_1416, %swap3A_1417], %swap3A_1420 {add = true, strides = array<i32>} : memref<128x128xf32, #tpu.memory_space<vmem>>, vector<1x16xf32>,
      %mul3A_1421 = arith.constant 4 : i32
      %mul3A_1422 = arith.muli %scan3A_1080, %mul3A_1421 : i32
      %add3A_1423 = arith.constant 2 : i32
      %add3A_1424 = arith.addi %mul3A_1422, %add3A_1423 : i32
      %mul3A_1425 = arith.constant 4 : i32
      %mul3A_1426 = arith.muli %scan3A_1080, %mul3A_1425 : i32
      %add3A_1427 = arith.constant 2 : i32
      %add3A_1428 = arith.addi %mul3A_1426, %add3A_1427 : i32
      %get3A_1429 = arith.index_cast %add3A_1428 : i32 to index
      %get3A_1430 = arith.constant 64 : index
      %get3A_1431 = tpu.vector_load %arg15[%get3A_1429, %get3A_1430] {strides = array<i32>} : memref<128x128xf32, #tpu.memory_space<vmem>>, vector<1x16xf32>,
      %get3A_1432 = vector.shape_cast %get3A_1431 : vector<1x16xf32> to vector<16xf32>
      %swap3A_1433 = arith.index_cast %add3A_1424 : i32 to index
      %swap3A_1434 = arith.constant 64 : index
      %swap3A_1435 = tpu.vector_load %arg12[%swap3A_1433, %swap3A_1434] {strides = array<i32>} : memref<128x128xf32, #tpu.memory_space<vmem>>, vector<1x16xf32>,
      %swap3A_1436 = vector.shape_cast %swap3A_1435 : vector<1x16xf32> to vector<16xf32>
      %swap3A_1437 = vector.shape_cast %get3A_1432 : vector<16xf32> to vector<1x16xf32>
      tpu.vector_store %arg12[%swap3A_1433, %swap3A_1434], %swap3A_1437 {add = true, strides = array<i32>} : memref<128x128xf32, #tpu.memory_space<vmem>>, vector<1x16xf32>,
      %mul3A_1438 = arith.constant 4 : i32
      %mul3A_1439 = arith.muli %scan3A_1080, %mul3A_1438 : i32
      %add3A_1440 = arith.constant 2 : i32
      %add3A_1441 = arith.addi %mul3A_1439, %add3A_1440 : i32
      %mul3A_1442 = arith.constant 4 : i32
      %mul3A_1443 = arith.muli %scan3A_1080, %mul3A_1442 : i32
      %add3A_1444 = arith.constant 2 : i32
      %add3A_1445 = arith.addi %mul3A_1443, %add3A_1444 : i32
      %get3A_1446 = arith.index_cast %add3A_1445 : i32 to index
      %get3A_1447 = arith.constant 80 : index
      %get3A_1448 = tpu.vector_load %arg15[%get3A_1446, %get3A_1447] {strides = array<i32>} : memref<128x128xf32, #tpu.memory_space<vmem>>, vector<1x16xf32>,
      %get3A_1449 = vector.shape_cast %get3A_1448 : vector<1x16xf32> to vector<16xf32>
      %swap3A_1450 = arith.index_cast %add3A_1441 : i32 to index
      %swap3A_1451 = arith.constant 80 : index
      %swap3A_1452 = tpu.vector_load %arg12[%swap3A_1450, %swap3A_1451] {strides = array<i32>} : memref<128x128xf32, #tpu.memory_space<vmem>>, vector<1x16xf32>,
      %swap3A_1453 = vector.shape_cast %swap3A_1452 : vector<1x16xf32> to vector<16xf32>
      %swap3A_1454 = vector.shape_cast %get3A_1449 : vector<16xf32> to vector<1x16xf32>
      tpu.vector_store %arg12[%swap3A_1450, %swap3A_1451], %swap3A_1454 {add = true, strides = array<i32>} : memref<128x128xf32, #tpu.memory_space<vmem>>, vector<1x16xf32>,
      %mul3A_1455 = arith.constant 4 : i32
      %mul3A_1456 = arith.muli %scan3A_1080, %mul3A_1455 : i32
      %add3A_1457 = arith.constant 2 : i32
      %add3A_1458 = arith.addi %mul3A_1456, %add3A_1457 : i32
      %mul3A_1459 = arith.constant 4 : i32
      %mul3A_1460 = arith.muli %scan3A_1080, %mul3A_1459 : i32
      %add3A_1461 = arith.constant 2 : i32
      %add3A_1462 = arith.addi %mul3A_1460, %add3A_1461 : i32
      %get3A_1463 = arith.index_cast %add3A_1462 : i32 to index
      %get3A_1464 = arith.constant 96 : index
      %get3A_1465 = tpu.vector_load %arg15[%get3A_1463, %get3A_1464] {strides = array<i32>} : memref<128x128xf32, #tpu.memory_space<vmem>>, vector<1x16xf32>,
      %get3A_1466 = vector.shape_cast %get3A_1465 : vector<1x16xf32> to vector<16xf32>
      %swap3A_1467 = arith.index_cast %add3A_1458 : i32 to index
      %swap3A_1468 = arith.constant 96 : index
      %swap3A_1469 = tpu.vector_load %arg12[%swap3A_1467, %swap3A_1468] {strides = array<i32>} : memref<128x128xf32, #tpu.memory_space<vmem>>, vector<1x16xf32>,
      %swap3A_1470 = vector.shape_cast %swap3A_1469 : vector<1x16xf32> to vector<16xf32>
      %swap3A_1471 = vector.shape_cast %get3A_1466 : vector<16xf32> to vector<1x16xf32>
      tpu.vector_store %arg12[%swap3A_1467, %swap3A_1468], %swap3A_1471 {add = true, strides = array<i32>} : memref<128x128xf32, #tpu.memory_space<vmem>>, vector<1x16xf32>,
      %mul3A_1472 = arith.constant 4 : i32
      %mul3A_1473 = arith.muli %scan3A_1080, %mul3A_1472 : i32
      %add3A_1474 = arith.constant 2 : i32
      %add3A_1475 = arith.addi %mul3A_1473, %add3A_1474 : i32
      %mul3A_1476 = arith.constant 4 : i32
      %mul3A_1477 = arith.muli %scan3A_1080, %mul3A_1476 : i32
      %add3A_1478 = arith.constant 2 : i32
      %add3A_1479 = arith.addi %mul3A_1477, %add3A_1478 : i32
      %get3A_1480 = arith.index_cast %add3A_1479 : i32 to index
      %get3A_1481 = arith.constant 112 : index
      %get3A_1482 = tpu.vector_load %arg15[%get3A_1480, %get3A_1481] {strides = array<i32>} : memref<128x128xf32, #tpu.memory_space<vmem>>, vector<1x16xf32>,
      %get3A_1483 = vector.shape_cast %get3A_1482 : vector<1x16xf32> to vector<16xf32>
      %swap3A_1484 = arith.index_cast %add3A_1475 : i32 to index
      %swap3A_1485 = arith.constant 112 : index
      %swap3A_1486 = tpu.vector_load %arg12[%swap3A_1484, %swap3A_1485] {strides = array<i32>} : memref<128x128xf32, #tpu.memory_space<vmem>>, vector<1x16xf32>,
      %swap3A_1487 = vector.shape_cast %swap3A_1486 : vector<1x16xf32> to vector<16xf32>
      %swap3A_1488 = vector.shape_cast %get3A_1483 : vector<16xf32> to vector<1x16xf32>
      tpu.vector_store %arg12[%swap3A_1484, %swap3A_1485], %swap3A_1488 {add = true, strides = array<i32>} : memref<128x128xf32, #tpu.memory_space<vmem>>, vector<1x16xf32>,
      %mul3A_1489 = arith.constant 4 : i32
      %mul3A_1490 = arith.muli %scan3A_1080, %mul3A_1489 : i32
      %add3A_1491 = arith.constant 3 : i32
      %add3A_1492 = arith.addi %mul3A_1490, %add3A_1491 : i32
      %mul3A_1493 = arith.constant 4 : i32
      %mul3A_1494 = arith.muli %scan3A_1080, %mul3A_1493 : i32
      %add3A_1495 = arith.constant 3 : i32
      %add3A_1496 = arith.addi %mul3A_1494, %add3A_1495 : i32
      %get3A_1497 = arith.index_cast %add3A_1496 : i32 to index
      %get3A_1498 = arith.constant 0 : index
      %get3A_1499 = tpu.vector_load %arg15[%get3A_1497, %get3A_1498] {strides = array<i32>} : memref<128x128xf32, #tpu.memory_space<vmem>>, vector<1x16xf32>,
      %get3A_1500 = vector.shape_cast %get3A_1499 : vector<1x16xf32> to vector<16xf32>
      %swap3A_1501 = arith.index_cast %add3A_1492 : i32 to index
      %swap3A_1502 = arith.constant 0 : index
      %swap3A_1503 = tpu.vector_load %arg12[%swap3A_1501, %swap3A_1502] {strides = array<i32>} : memref<128x128xf32, #tpu.memory_space<vmem>>, vector<1x16xf32>,
      %swap3A_1504 = vector.shape_cast %swap3A_1503 : vector<1x16xf32> to vector<16xf32>
      %swap3A_1505 = vector.shape_cast %get3A_1500 : vector<16xf32> to vector<1x16xf32>
      tpu.vector_store %arg12[%swap3A_1501, %swap3A_1502], %swap3A_1505 {add = true, strides = array<i32>} : memref<128x128xf32, #tpu.memory_space<vmem>>, vector<1x16xf32>,
      %mul3A_1506 = arith.constant 4 : i32
      %mul3A_1507 = arith.muli %scan3A_1080, %mul3A_1506 : i32
      %add3A_1508 = arith.constant 3 : i32
      %add3A_1509 = arith.addi %mul3A_1507, %add3A_1508 : i32
      %mul3A_1510 = arith.constant 4 : i32
      %mul3A_1511 = arith.muli %scan3A_1080, %mul3A_1510 : i32
      %add3A_1512 = arith.constant 3 : i32
      %add3A_1513 = arith.addi %mul3A_1511, %add3A_1512 : i32
      %get3A_1514 = arith.index_cast %add3A_1513 : i32 to index
      %get3A_1515 = arith.constant 16 : index
      %get3A_1516 = tpu.vector_load %arg15[%get3A_1514, %get3A_1515] {strides = array<i32>} : memref<128x128xf32, #tpu.memory_space<vmem>>, vector<1x16xf32>,
      %get3A_1517 = vector.shape_cast %get3A_1516 : vector<1x16xf32> to vector<16xf32>
      %swap3A_1518 = arith.index_cast %add3A_1509 : i32 to index
      %swap3A_1519 = arith.constant 16 : index
      %swap3A_1520 = tpu.vector_load %arg12[%swap3A_1518, %swap3A_1519] {strides = array<i32>} : memref<128x128xf32, #tpu.memory_space<vmem>>, vector<1x16xf32>,
      %swap3A_1521 = vector.shape_cast %swap3A_1520 : vector<1x16xf32> to vector<16xf32>
      %swap3A_1522 = vector.shape_cast %get3A_1517 : vector<16xf32> to vector<1x16xf32>
      tpu.vector_store %arg12[%swap3A_1518, %swap3A_1519], %swap3A_1522 {add = true, strides = array<i32>} : memref<128x128xf32, #tpu.memory_space<vmem>>, vector<1x16xf32>,
      %mul3A_1523 = arith.constant 4 : i32
      %mul3A_1524 = arith.muli %scan3A_1080, %mul3A_1523 : i32
      %add3A_1525 = arith.constant 3 : i32
      %add3A_1526 = arith.addi %mul3A_1524, %add3A_1525 : i32
      %mul3A_1527 = arith.constant 4 : i32
      %mul3A_1528 = arith.muli %scan3A_1080, %mul3A_1527 : i32
      %add3A_1529 = arith.constant 3 : i32
      %add3A_1530 = arith.addi %mul3A_1528, %add3A_1529 : i32
      %get3A_1531 = arith.index_cast %add3A_1530 : i32 to index
      %get3A_1532 = arith.constant 32 : index
      %get3A_1533 = tpu.vector_load %arg15[%get3A_1531, %get3A_1532] {strides = array<i32>} : memref<128x128xf32, #tpu.memory_space<vmem>>, vector<1x16xf32>,
      %get3A_1534 = vector.shape_cast %get3A_1533 : vector<1x16xf32> to vector<16xf32>
      %swap3A_1535 = arith.index_cast %add3A_1526 : i32 to index
      %swap3A_1536 = arith.constant 32 : index
      %swap3A_1537 = tpu.vector_load %arg12[%swap3A_1535, %swap3A_1536] {strides = array<i32>} : memref<128x128xf32, #tpu.memory_space<vmem>>, vector<1x16xf32>,
      %swap3A_1538 = vector.shape_cast %swap3A_1537 : vector<1x16xf32> to vector<16xf32>
      %swap3A_1539 = vector.shape_cast %get3A_1534 : vector<16xf32> to vector<1x16xf32>
      tpu.vector_store %arg12[%swap3A_1535, %swap3A_1536], %swap3A_1539 {add = true, strides = array<i32>} : memref<128x128xf32, #tpu.memory_space<vmem>>, vector<1x16xf32>,
      %mul3A_1540 = arith.constant 4 : i32
      %mul3A_1541 = arith.muli %scan3A_1080, %mul3A_1540 : i32
      %add3A_1542 = arith.constant 3 : i32
      %add3A_1543 = arith.addi %mul3A_1541, %add3A_1542 : i32
      %mul3A_1544 = arith.constant 4 : i32
      %mul3A_1545 = arith.muli %scan3A_1080, %mul3A_1544 : i32
      %add3A_1546 = arith.constant 3 : i32
      %add3A_1547 = arith.addi %mul3A_1545, %add3A_1546 : i32
      %get3A_1548 = arith.index_cast %add3A_1547 : i32 to index
      %get3A_1549 = arith.constant 48 : index
      %get3A_1550 = tpu.vector_load %arg15[%get3A_1548, %get3A_1549] {strides = array<i32>} : memref<128x128xf32, #tpu.memory_space<vmem>>, vector<1x16xf32>,
      %get3A_1551 = vector.shape_cast %get3A_1550 : vector<1x16xf32> to vector<16xf32>
      %swap3A_1552 = arith.index_cast %add3A_1543 : i32 to index
      %swap3A_1553 = arith.constant 48 : index
      %swap3A_1554 = tpu.vector_load %arg12[%swap3A_1552, %swap3A_1553] {strides = array<i32>} : memref<128x128xf32, #tpu.memory_space<vmem>>, vector<1x16xf32>,
      %swap3A_1555 = vector.shape_cast %swap3A_1554 : vector<1x16xf32> to vector<16xf32>
      %swap3A_1556 = vector.shape_cast %get3A_1551 : vector<16xf32> to vector<1x16xf32>
      tpu.vector_store %arg12[%swap3A_1552, %swap3A_1553], %swap3A_1556 {add = true, strides = array<i32>} : memref<128x128xf32, #tpu.memory_space<vmem>>, vector<1x16xf32>,
      %mul3A_1557 = arith.constant 4 : i32
      %mul3A_1558 = arith.muli %scan3A_1080, %mul3A_1557 : i32
      %add3A_1559 = arith.constant 3 : i32
      %add3A_1560 = arith.addi %mul3A_1558, %add3A_1559 : i32
      %mul3A_1561 = arith.constant 4 : i32
      %mul3A_1562 = arith.muli %scan3A_1080, %mul3A_1561 : i32
      %add3A_1563 = arith.constant 3 : i32
      %add3A_1564 = arith.addi %mul3A_1562, %add3A_1563 : i32
      %get3A_1565 = arith.index_cast %add3A_1564 : i32 to index
      %get3A_1566 = arith.constant 64 : index
      %get3A_1567 = tpu.vector_load %arg15[%get3A_1565, %get3A_1566] {strides = array<i32>} : memref<128x128xf32, #tpu.memory_space<vmem>>, vector<1x16xf32>,
      %get3A_1568 = vector.shape_cast %get3A_1567 : vector<1x16xf32> to vector<16xf32>
      %swap3A_1569 = arith.index_cast %add3A_1560 : i32 to index
      %swap3A_1570 = arith.constant 64 : index
      %swap3A_1571 = tpu.vector_load %arg12[%swap3A_1569, %swap3A_1570] {strides = array<i32>} : memref<128x128xf32, #tpu.memory_space<vmem>>, vector<1x16xf32>,
      %swap3A_1572 = vector.shape_cast %swap3A_1571 : vector<1x16xf32> to vector<16xf32>
      %swap3A_1573 = vector.shape_cast %get3A_1568 : vector<16xf32> to vector<1x16xf32>
      tpu.vector_store %arg12[%swap3A_1569, %swap3A_1570], %swap3A_1573 {add = true, strides = array<i32>} : memref<128x128xf32, #tpu.memory_space<vmem>>, vector<1x16xf32>,
      %mul3A_1574 = arith.constant 4 : i32
      %mul3A_1575 = arith.muli %scan3A_1080, %mul3A_1574 : i32
      %add3A_1576 = arith.constant 3 : i32
      %add3A_1577 = arith.addi %mul3A_1575, %add3A_1576 : i32
      %mul3A_1578 = arith.constant 4 : i32
      %mul3A_1579 = arith.muli %scan3A_1080, %mul3A_1578 : i32
      %add3A_1580 = arith.constant 3 : i32
      %add3A_1581 = arith.addi %mul3A_1579, %add3A_1580 : i32
      %get3A_1582 = arith.index_cast %add3A_1581 : i32 to index
      %get3A_1583 = arith.constant 80 : index
      %get3A_1584 = tpu.vector_load %arg15[%get3A_1582, %get3A_1583] {strides = array<i32>} : memref<128x128xf32, #tpu.memory_space<vmem>>, vector<1x16xf32>,
      %get3A_1585 = vector.shape_cast %get3A_1584 : vector<1x16xf32> to vector<16xf32>
      %swap3A_1586 = arith.index_cast %add3A_1577 : i32 to index
      %swap3A_1587 = arith.constant 80 : index
      %swap3A_1588 = tpu.vector_load %arg12[%swap3A_1586, %swap3A_1587] {strides = array<i32>} : memref<128x128xf32, #tpu.memory_space<vmem>>, vector<1x16xf32>,
      %swap3A_1589 = vector.shape_cast %swap3A_1588 : vector<1x16xf32> to vector<16xf32>
      %swap3A_1590 = vector.shape_cast %get3A_1585 : vector<16xf32> to vector<1x16xf32>
      tpu.vector_store %arg12[%swap3A_1586, %swap3A_1587], %swap3A_1590 {add = true, strides = array<i32>} : memref<128x128xf32, #tpu.memory_space<vmem>>, vector<1x16xf32>,
      %mul3A_1591 = arith.constant 4 : i32
      %mul3A_1592 = arith.muli %scan3A_1080, %mul3A_1591 : i32
      %add3A_1593 = arith.constant 3 : i32
      %add3A_1594 = arith.addi %mul3A_1592, %add3A_1593 : i32
      %mul3A_1595 = arith.constant 4 : i32
      %mul3A_1596 = arith.muli %scan3A_1080, %mul3A_1595 : i32
      %add3A_1597 = arith.constant 3 : i32
      %add3A_1598 = arith.addi %mul3A_1596, %add3A_1597 : i32
      %get3A_1599 = arith.index_cast %add3A_1598 : i32 to index
      %get3A_1600 = arith.constant 96 : index
      %get3A_1601 = tpu.vector_load %arg15[%get3A_1599, %get3A_1600] {strides = array<i32>} : memref<128x128xf32, #tpu.memory_space<vmem>>, vector<1x16xf32>,
      %get3A_1602 = vector.shape_cast %get3A_1601 : vector<1x16xf32> to vector<16xf32>
      %swap3A_1603 = arith.index_cast %add3A_1594 : i32 to index
      %swap3A_1604 = arith.constant 96 : index
      %swap3A_1605 = tpu.vector_load %arg12[%swap3A_1603, %swap3A_1604] {strides = array<i32>} : memref<128x128xf32, #tpu.memory_space<vmem>>, vector<1x16xf32>,
      %swap3A_1606 = vector.shape_cast %swap3A_1605 : vector<1x16xf32> to vector<16xf32>
      %swap3A_1607 = vector.shape_cast %get3A_1602 : vector<16xf32> to vector<1x16xf32>
      tpu.vector_store %arg12[%swap3A_1603, %swap3A_1604], %swap3A_1607 {add = true, strides = array<i32>} : memref<128x128xf32, #tpu.memory_space<vmem>>, vector<1x16xf32>,
      %mul3A_1608 = arith.constant 4 : i32
      %mul3A_1609 = arith.muli %scan3A_1080, %mul3A_1608 : i32
      %add3A_1610 = arith.constant 3 : i32
      %add3A_1611 = arith.addi %mul3A_1609, %add3A_1610 : i32
      %mul3A_1612 = arith.constant 4 : i32
      %mul3A_1613 = arith.muli %scan3A_1080, %mul3A_1612 : i32
      %add3A_1614 = arith.constant 3 : i32
      %add3A_1615 = arith.addi %mul3A_1613, %add3A_1614 : i32
      %get3A_1616 = arith.index_cast %add3A_1615 : i32 to index
      %get3A_1617 = arith.constant 112 : index
      %get3A_1618 = tpu.vector_load %arg15[%get3A_1616, %get3A_1617] {strides = array<i32>} : memref<128x128xf32, #tpu.memory_space<vmem>>, vector<1x16xf32>,
      %get3A_1619 = vector.shape_cast %get3A_1618 : vector<1x16xf32> to vector<16xf32>
      %swap3A_1620 = arith.index_cast %add3A_1611 : i32 to index
      %swap3A_1621 = arith.constant 112 : index
      %swap3A_1622 = tpu.vector_load %arg12[%swap3A_1620, %swap3A_1621] {strides = array<i32>} : memref<128x128xf32, #tpu.memory_space<vmem>>, vector<1x16xf32>,
      %swap3A_1623 = vector.shape_cast %swap3A_1622 : vector<1x16xf32> to vector<16xf32>
      %swap3A_1624 = vector.shape_cast %get3A_1619 : vector<16xf32> to vector<1x16xf32>
      tpu.vector_store %arg12[%swap3A_1620, %swap3A_1621], %swap3A_1624 {add = true, strides = array<i32>} : memref<128x128xf32, #tpu.memory_space<vmem>>, vector<1x16xf32>,
    }
    %scan3A_1061 = arith.constant 32 : i32
    %add3A_1062 = arith.constant 384 : i32
    %add3A_1063 = arith.addi %mul3A_2, %add3A_1062 : i32
    %dma_start3A_1064 = arith.constant 0 : i32
    %dma_start3A_1065 = tpu.memref_slice %arg5[%add3A_1063, %dma_start3A_1064] : memref<16384x128xf32, #tpu.memory_space<hbm>> -> memref<128x128xf32, #tpu.memory_space<hbm>>
    %dma_start3A_1066 = arith.constant 0 : i32
    %dma_start3A_1067 = tpu.memref_slice %arg5[%add3A_1063, %dma_start3A_1066] : memref<16384x128xf32, #tpu.memory_space<hbm>> -> memref<128x128xf32, #tpu.memory_space<hbm>>
    tpu.enqueue_dma source(%arg12 : memref<128x128xf32, #tpu.memory_space<vmem>>) target(%dma_start3A_1067 : memref<128x128xf32, #tpu.memory_space<hbm>>) target_semaphore(%arg24 : memref<!tpu.dma_semaphore, #tpu.memory_space<semaphore_mem>>)
    %dma_wait3A_1068 = arith.constant 0 : i32
    %dma_wait3A_1069 = tpu.memref_slice %arg5[%add3A_1019, %dma_wait3A_1068] : memref<16384x128xf32, #tpu.memory_space<hbm>> -> memref<128x128xf32, #tpu.memory_space<hbm>>
    %dma_wait3A_1070 = arith.constant 0 : i32
    %dma_wait3A_1071 = tpu.memref_slice %arg5[%add3A_1019, %dma_wait3A_1070] : memref<16384x128xf32, #tpu.memory_space<hbm>> -> memref<128x128xf32, #tpu.memory_space<hbm>>
    tpu.wait_dma2 semaphore(%arg25 : memref<!tpu.dma_semaphore, #tpu.memory_space<semaphore_mem>>) src(%arg13 : memref<128x128xf32, #tpu.memory_space<vmem>>) dst(%dma_wait3A_1071 : memref<128x128xf32, #tpu.memory_space<hbm>>)
    %dma_wait3A_1072 = arith.constant 0 : i32
    %dma_wait3A_1073 = tpu.memref_slice %arg5[%add3A_1041, %dma_wait3A_1072] : memref<16384x128xf32, #tpu.memory_space<hbm>> -> memref<128x128xf32, #tpu.memory_space<hbm>>
    %dma_wait3A_1074 = arith.constant 0 : i32
    %dma_wait3A_1075 = tpu.memref_slice %arg5[%add3A_1041, %dma_wait3A_1074] : memref<16384x128xf32, #tpu.memory_space<hbm>> -> memref<128x128xf32, #tpu.memory_space<hbm>>
    tpu.wait_dma2 semaphore(%arg26 : memref<!tpu.dma_semaphore, #tpu.memory_space<semaphore_mem>>) src(%arg14 : memref<128x128xf32, #tpu.memory_space<vmem>>) dst(%dma_wait3A_1075 : memref<128x128xf32, #tpu.memory_space<hbm>>)
    %dma_wait3A_1076 = arith.constant 0 : i32
    %dma_wait3A_1077 = tpu.memref_slice %arg5[%add3A_1063, %dma_wait3A_1076] : memref<16384x128xf32, #tpu.memory_space<hbm>> -> memref<128x128xf32, #tpu.memory_space<hbm>>
    %dma_wait3A_1078 = arith.constant 0 : i32
    %dma_wait3A_1079 = tpu.memref_slice %arg5[%add3A_1063, %dma_wait3A_1078] : memref<16384x128xf32, #tpu.memory_space<hbm>> -> memref<128x128xf32, #tpu.memory_space<hbm>>
    tpu.wait_dma2 semaphore(%arg24 : memref<!tpu.dma_semaphore, #tpu.memory_space<semaphore_mem>>) src(%arg12 : memref<128x128xf32, #tpu.memory_space<vmem>>) dst(%dma_wait3A_1079 : memref<128x128xf32, #tpu.memory_space<hbm>>)
    return
  }
}

module attributes {stable_mosaic.version = 14 : i64} {
  func.func @_build_tables_body(%arg0: memref<20x8xf32, #tpu.memory_space<vmem>>, %arg1: memref<20x16xf32, #tpu.memory_space<vmem>>, %arg2: memref<10x8xf32, #tpu.memory_space<vmem>>, %arg3: memref<10x8xf32, #tpu.memory_space<vmem>>, %arg4: memref<40x128xf32, #tpu.memory_space<vmem>>, %arg5: memref<1x128xf32, #tpu.memory_space<vmem>>, %arg6: memref<400x128xf32, #tpu.memory_space<vmem>>, %arg7: memref<100x128xf32, #tpu.memory_space<vmem>>) attributes {dimension_semantics = [], scalar_prefetch = 0 : i64, scratch_operands = 0 : i64, tpu.core_type = #tpu.core_type<tc>} {
    %get3A = arith.constant 0 : index
    %get3A_0 = arith.constant 0 : index
    %get3A_1 = vector.load %arg4[%get3A, %get3A_0] : memref<40x128xf32, #tpu.memory_space<vmem>>, vector<40x128xf32>
    %get3A_2 = arith.constant 0 : index
    %get3A_3 = arith.constant 0 : index
    %get3A_4 = vector.load %arg0[%get3A_2, %get3A_3] : memref<20x8xf32, #tpu.memory_space<vmem>>, vector<20x8xf32>
    %slice3A = vector.extract_strided_slice %get3A_1 {offsets = [0, 0], sizes = [8, 128], strides = [1, 1]} : vector<40x128xf32> to vector<8x128xf32>
    %dot_general3A = arith.constant dense<0.000000e+00> : vector<20x128xf32>
    %dot_general3A_5 = tpu.matmul %get3A_4, %slice3A, %dot_general3A {dimension_numbers = #tpu.dot_dimension_numbers<[1], [0], [0], [1], [0, 0, 1, 1], [], []>, transpose_lhs_hint = false} : vector<20x8xf32>, vector<8x128xf32>, vector<20x128xf32> -> vector<20x128xf32>
    %get3A_6 = arith.constant 0 : index
    %get3A_7 = arith.constant 0 : index
    %get3A_8 = vector.load %arg1[%get3A_6, %get3A_7] : memref<20x16xf32, #tpu.memory_space<vmem>>, vector<20x16xf32>
    %slice3A_9 = vector.extract_strided_slice %get3A_1 {offsets = [8, 0], sizes = [16, 128], strides = [1, 1]} : vector<40x128xf32> to vector<16x128xf32>
    %dot_general3A_10 = arith.constant dense<0.000000e+00> : vector<20x128xf32>
    %dot_general3A_11 = tpu.matmul %get3A_8, %slice3A_9, %dot_general3A_10 {dimension_numbers = #tpu.dot_dimension_numbers<[1], [0], [0], [1], [0, 0, 1, 1], [], []>, transpose_lhs_hint = false} : vector<20x16xf32>, vector<16x128xf32>, vector<20x128xf32> -> vector<20x128xf32>
    %get3A_12 = arith.constant 0 : index
    %get3A_13 = arith.constant 0 : index
    %get3A_14 = vector.load %arg2[%get3A_12, %get3A_13] : memref<10x8xf32, #tpu.memory_space<vmem>>, vector<10x8xf32>
    %slice3A_15 = vector.extract_strided_slice %get3A_1 {offsets = [24, 0], sizes = [8, 128], strides = [1, 1]} : vector<40x128xf32> to vector<8x128xf32>
    %dot_general3A_16 = arith.constant dense<0.000000e+00> : vector<10x128xf32>
    %dot_general3A_17 = tpu.matmul %get3A_14, %slice3A_15, %dot_general3A_16 {dimension_numbers = #tpu.dot_dimension_numbers<[1], [0], [0], [1], [0, 0, 1, 1], [], []>, transpose_lhs_hint = false} : vector<10x8xf32>, vector<8x128xf32>, vector<10x128xf32> -> vector<10x128xf32>
    %get3A_18 = arith.constant 0 : index
    %get3A_19 = arith.constant 0 : index
    %get3A_20 = vector.load %arg3[%get3A_18, %get3A_19] : memref<10x8xf32, #tpu.memory_space<vmem>>, vector<10x8xf32>
    %slice3A_21 = vector.extract_strided_slice %get3A_1 {offsets = [32, 0], sizes = [8, 128], strides = [1, 1]} : vector<40x128xf32> to vector<8x128xf32>
    %dot_general3A_22 = arith.constant dense<0.000000e+00> : vector<10x128xf32>
    %dot_general3A_23 = tpu.matmul %get3A_20, %slice3A_21, %dot_general3A_22 {dimension_numbers = #tpu.dot_dimension_numbers<[1], [0], [0], [1], [0, 0, 1, 1], [], []>, transpose_lhs_hint = false} : vector<10x8xf32>, vector<8x128xf32>, vector<10x128xf32> -> vector<10x128xf32>
    %get3A_24 = arith.constant 0 : index
    %get3A_25 = arith.constant 0 : index
    %get3A_26 = vector.load %arg5[%get3A_24, %get3A_25] : memref<1x128xf32, #tpu.memory_space<vmem>>, vector<1x128xf32>
    %slice3A_27 = vector.extract_strided_slice %dot_general3A_5 {offsets = [0, 0], sizes = [1, 128], strides = [1, 1]} : vector<20x128xf32> to vector<1x128xf32>
    %add3A = vector.broadcast %slice3A_27 : vector<1x128xf32> to vector<20x128xf32>
    %add3A_28 = arith.addf %add3A, %dot_general3A_11 : vector<20x128xf32>
    %swap3A = arith.constant 0 : index
    %swap3A_29 = arith.constant 0 : index
    %swap3A_30 = vector.load %arg6[%swap3A, %swap3A_29] : memref<400x128xf32, #tpu.memory_space<vmem>>, vector<20x128xf32>
    tpu.vector_store %arg6[%swap3A, %swap3A_29], %add3A_28 {strides = array<i32>} : memref<400x128xf32, #tpu.memory_space<vmem>>, vector<20x128xf32>,
    %slice3A_31 = vector.extract_strided_slice %dot_general3A_5 {offsets = [1, 0], sizes = [1, 128], strides = [1, 1]} : vector<20x128xf32> to vector<1x128xf32>
    %add3A_32 = vector.broadcast %slice3A_31 : vector<1x128xf32> to vector<20x128xf32>
    %add3A_33 = arith.addf %add3A_32, %dot_general3A_11 : vector<20x128xf32>
    %swap3A_34 = arith.constant 20 : index
    %swap3A_35 = arith.constant 0 : index
    %swap3A_36 = vector.load %arg6[%swap3A_34, %swap3A_35] : memref<400x128xf32, #tpu.memory_space<vmem>>, vector<20x128xf32>
    tpu.vector_store %arg6[%swap3A_34, %swap3A_35], %add3A_33 {strides = array<i32>} : memref<400x128xf32, #tpu.memory_space<vmem>>, vector<20x128xf32>,
    %slice3A_37 = vector.extract_strided_slice %dot_general3A_5 {offsets = [2, 0], sizes = [1, 128], strides = [1, 1]} : vector<20x128xf32> to vector<1x128xf32>
    %add3A_38 = vector.broadcast %slice3A_37 : vector<1x128xf32> to vector<20x128xf32>
    %add3A_39 = arith.addf %add3A_38, %dot_general3A_11 : vector<20x128xf32>
    %swap3A_40 = arith.constant 40 : index
    %swap3A_41 = arith.constant 0 : index
    %swap3A_42 = vector.load %arg6[%swap3A_40, %swap3A_41] : memref<400x128xf32, #tpu.memory_space<vmem>>, vector<20x128xf32>
    tpu.vector_store %arg6[%swap3A_40, %swap3A_41], %add3A_39 {strides = array<i32>} : memref<400x128xf32, #tpu.memory_space<vmem>>, vector<20x128xf32>,
    %slice3A_43 = vector.extract_strided_slice %dot_general3A_5 {offsets = [3, 0], sizes = [1, 128], strides = [1, 1]} : vector<20x128xf32> to vector<1x128xf32>
    %add3A_44 = vector.broadcast %slice3A_43 : vector<1x128xf32> to vector<20x128xf32>
    %add3A_45 = arith.addf %add3A_44, %dot_general3A_11 : vector<20x128xf32>
    %swap3A_46 = arith.constant 60 : index
    %swap3A_47 = arith.constant 0 : index
    %swap3A_48 = vector.load %arg6[%swap3A_46, %swap3A_47] : memref<400x128xf32, #tpu.memory_space<vmem>>, vector<20x128xf32>
    tpu.vector_store %arg6[%swap3A_46, %swap3A_47], %add3A_45 {strides = array<i32>} : memref<400x128xf32, #tpu.memory_space<vmem>>, vector<20x128xf32>,
    %slice3A_49 = vector.extract_strided_slice %dot_general3A_5 {offsets = [4, 0], sizes = [1, 128], strides = [1, 1]} : vector<20x128xf32> to vector<1x128xf32>
    %add3A_50 = vector.broadcast %slice3A_49 : vector<1x128xf32> to vector<20x128xf32>
    %add3A_51 = arith.addf %add3A_50, %dot_general3A_11 : vector<20x128xf32>
    %swap3A_52 = arith.constant 80 : index
    %swap3A_53 = arith.constant 0 : index
    %swap3A_54 = vector.load %arg6[%swap3A_52, %swap3A_53] : memref<400x128xf32, #tpu.memory_space<vmem>>, vector<20x128xf32>
    tpu.vector_store %arg6[%swap3A_52, %swap3A_53], %add3A_51 {strides = array<i32>} : memref<400x128xf32, #tpu.memory_space<vmem>>, vector<20x128xf32>,
    %slice3A_55 = vector.extract_strided_slice %dot_general3A_5 {offsets = [5, 0], sizes = [1, 128], strides = [1, 1]} : vector<20x128xf32> to vector<1x128xf32>
    %add3A_56 = vector.broadcast %slice3A_55 : vector<1x128xf32> to vector<20x128xf32>
    %add3A_57 = arith.addf %add3A_56, %dot_general3A_11 : vector<20x128xf32>
    %swap3A_58 = arith.constant 100 : index
    %swap3A_59 = arith.constant 0 : index
    %swap3A_60 = vector.load %arg6[%swap3A_58, %swap3A_59] : memref<400x128xf32, #tpu.memory_space<vmem>>, vector<20x128xf32>
    tpu.vector_store %arg6[%swap3A_58, %swap3A_59], %add3A_57 {strides = array<i32>} : memref<400x128xf32, #tpu.memory_space<vmem>>, vector<20x128xf32>,
    %slice3A_61 = vector.extract_strided_slice %dot_general3A_5 {offsets = [6, 0], sizes = [1, 128], strides = [1, 1]} : vector<20x128xf32> to vector<1x128xf32>
    %add3A_62 = vector.broadcast %slice3A_61 : vector<1x128xf32> to vector<20x128xf32>
    %add3A_63 = arith.addf %add3A_62, %dot_general3A_11 : vector<20x128xf32>
    %swap3A_64 = arith.constant 120 : index
    %swap3A_65 = arith.constant 0 : index
    %swap3A_66 = vector.load %arg6[%swap3A_64, %swap3A_65] : memref<400x128xf32, #tpu.memory_space<vmem>>, vector<20x128xf32>
    tpu.vector_store %arg6[%swap3A_64, %swap3A_65], %add3A_63 {strides = array<i32>} : memref<400x128xf32, #tpu.memory_space<vmem>>, vector<20x128xf32>,
    %slice3A_67 = vector.extract_strided_slice %dot_general3A_5 {offsets = [7, 0], sizes = [1, 128], strides = [1, 1]} : vector<20x128xf32> to vector<1x128xf32>
    %add3A_68 = vector.broadcast %slice3A_67 : vector<1x128xf32> to vector<20x128xf32>
    %add3A_69 = arith.addf %add3A_68, %dot_general3A_11 : vector<20x128xf32>
    %swap3A_70 = arith.constant 140 : index
    %swap3A_71 = arith.constant 0 : index
    %swap3A_72 = vector.load %arg6[%swap3A_70, %swap3A_71] : memref<400x128xf32, #tpu.memory_space<vmem>>, vector<20x128xf32>
    tpu.vector_store %arg6[%swap3A_70, %swap3A_71], %add3A_69 {strides = array<i32>} : memref<400x128xf32, #tpu.memory_space<vmem>>, vector<20x128xf32>,
    %slice3A_73 = vector.extract_strided_slice %dot_general3A_5 {offsets = [8, 0], sizes = [1, 128], strides = [1, 1]} : vector<20x128xf32> to vector<1x128xf32>
    %add3A_74 = vector.broadcast %slice3A_73 : vector<1x128xf32> to vector<20x128xf32>
    %add3A_75 = arith.addf %add3A_74, %dot_general3A_11 : vector<20x128xf32>
    %swap3A_76 = arith.constant 160 : index
    %swap3A_77 = arith.constant 0 : index
    %swap3A_78 = vector.load %arg6[%swap3A_76, %swap3A_77] : memref<400x128xf32, #tpu.memory_space<vmem>>, vector<20x128xf32>
    tpu.vector_store %arg6[%swap3A_76, %swap3A_77], %add3A_75 {strides = array<i32>} : memref<400x128xf32, #tpu.memory_space<vmem>>, vector<20x128xf32>,
    %slice3A_79 = vector.extract_strided_slice %dot_general3A_5 {offsets = [9, 0], sizes = [1, 128], strides = [1, 1]} : vector<20x128xf32> to vector<1x128xf32>
    %add3A_80 = vector.broadcast %slice3A_79 : vector<1x128xf32> to vector<20x128xf32>
    %add3A_81 = arith.addf %add3A_80, %dot_general3A_11 : vector<20x128xf32>
    %swap3A_82 = arith.constant 180 : index
    %swap3A_83 = arith.constant 0 : index
    %swap3A_84 = vector.load %arg6[%swap3A_82, %swap3A_83] : memref<400x128xf32, #tpu.memory_space<vmem>>, vector<20x128xf32>
    tpu.vector_store %arg6[%swap3A_82, %swap3A_83], %add3A_81 {strides = array<i32>} : memref<400x128xf32, #tpu.memory_space<vmem>>, vector<20x128xf32>,
    %slice3A_85 = vector.extract_strided_slice %dot_general3A_5 {offsets = [10, 0], sizes = [1, 128], strides = [1, 1]} : vector<20x128xf32> to vector<1x128xf32>
    %add3A_86 = vector.broadcast %slice3A_85 : vector<1x128xf32> to vector<20x128xf32>
    %add3A_87 = arith.addf %add3A_86, %dot_general3A_11 : vector<20x128xf32>
    %swap3A_88 = arith.constant 200 : index
    %swap3A_89 = arith.constant 0 : index
    %swap3A_90 = vector.load %arg6[%swap3A_88, %swap3A_89] : memref<400x128xf32, #tpu.memory_space<vmem>>, vector<20x128xf32>
    tpu.vector_store %arg6[%swap3A_88, %swap3A_89], %add3A_87 {strides = array<i32>} : memref<400x128xf32, #tpu.memory_space<vmem>>, vector<20x128xf32>,
    %slice3A_91 = vector.extract_strided_slice %dot_general3A_5 {offsets = [11, 0], sizes = [1, 128], strides = [1, 1]} : vector<20x128xf32> to vector<1x128xf32>
    %add3A_92 = vector.broadcast %slice3A_91 : vector<1x128xf32> to vector<20x128xf32>
    %add3A_93 = arith.addf %add3A_92, %dot_general3A_11 : vector<20x128xf32>
    %swap3A_94 = arith.constant 220 : index
    %swap3A_95 = arith.constant 0 : index
    %swap3A_96 = vector.load %arg6[%swap3A_94, %swap3A_95] : memref<400x128xf32, #tpu.memory_space<vmem>>, vector<20x128xf32>
    tpu.vector_store %arg6[%swap3A_94, %swap3A_95], %add3A_93 {strides = array<i32>} : memref<400x128xf32, #tpu.memory_space<vmem>>, vector<20x128xf32>,
    %slice3A_97 = vector.extract_strided_slice %dot_general3A_5 {offsets = [12, 0], sizes = [1, 128], strides = [1, 1]} : vector<20x128xf32> to vector<1x128xf32>
    %add3A_98 = vector.broadcast %slice3A_97 : vector<1x128xf32> to vector<20x128xf32>
    %add3A_99 = arith.addf %add3A_98, %dot_general3A_11 : vector<20x128xf32>
    %swap3A_100 = arith.constant 240 : index
    %swap3A_101 = arith.constant 0 : index
    %swap3A_102 = vector.load %arg6[%swap3A_100, %swap3A_101] : memref<400x128xf32, #tpu.memory_space<vmem>>, vector<20x128xf32>
    tpu.vector_store %arg6[%swap3A_100, %swap3A_101], %add3A_99 {strides = array<i32>} : memref<400x128xf32, #tpu.memory_space<vmem>>, vector<20x128xf32>,
    %slice3A_103 = vector.extract_strided_slice %dot_general3A_5 {offsets = [13, 0], sizes = [1, 128], strides = [1, 1]} : vector<20x128xf32> to vector<1x128xf32>
    %add3A_104 = vector.broadcast %slice3A_103 : vector<1x128xf32> to vector<20x128xf32>
    %add3A_105 = arith.addf %add3A_104, %dot_general3A_11 : vector<20x128xf32>
    %swap3A_106 = arith.constant 260 : index
    %swap3A_107 = arith.constant 0 : index
    %swap3A_108 = vector.load %arg6[%swap3A_106, %swap3A_107] : memref<400x128xf32, #tpu.memory_space<vmem>>, vector<20x128xf32>
    tpu.vector_store %arg6[%swap3A_106, %swap3A_107], %add3A_105 {strides = array<i32>} : memref<400x128xf32, #tpu.memory_space<vmem>>, vector<20x128xf32>,
    %slice3A_109 = vector.extract_strided_slice %dot_general3A_5 {offsets = [14, 0], sizes = [1, 128], strides = [1, 1]} : vector<20x128xf32> to vector<1x128xf32>
    %add3A_110 = vector.broadcast %slice3A_109 : vector<1x128xf32> to vector<20x128xf32>
    %add3A_111 = arith.addf %add3A_110, %dot_general3A_11 : vector<20x128xf32>
    %swap3A_112 = arith.constant 280 : index
    %swap3A_113 = arith.constant 0 : index
    %swap3A_114 = vector.load %arg6[%swap3A_112, %swap3A_113] : memref<400x128xf32, #tpu.memory_space<vmem>>, vector<20x128xf32>
    tpu.vector_store %arg6[%swap3A_112, %swap3A_113], %add3A_111 {strides = array<i32>} : memref<400x128xf32, #tpu.memory_space<vmem>>, vector<20x128xf32>,
    %slice3A_115 = vector.extract_strided_slice %dot_general3A_5 {offsets = [15, 0], sizes = [1, 128], strides = [1, 1]} : vector<20x128xf32> to vector<1x128xf32>
    %add3A_116 = vector.broadcast %slice3A_115 : vector<1x128xf32> to vector<20x128xf32>
    %add3A_117 = arith.addf %add3A_116, %dot_general3A_11 : vector<20x128xf32>
    %swap3A_118 = arith.constant 300 : index
    %swap3A_119 = arith.constant 0 : index
    %swap3A_120 = vector.load %arg6[%swap3A_118, %swap3A_119] : memref<400x128xf32, #tpu.memory_space<vmem>>, vector<20x128xf32>
    tpu.vector_store %arg6[%swap3A_118, %swap3A_119], %add3A_117 {strides = array<i32>} : memref<400x128xf32, #tpu.memory_space<vmem>>, vector<20x128xf32>,
    %slice3A_121 = vector.extract_strided_slice %dot_general3A_5 {offsets = [16, 0], sizes = [1, 128], strides = [1, 1]} : vector<20x128xf32> to vector<1x128xf32>
    %add3A_122 = vector.broadcast %slice3A_121 : vector<1x128xf32> to vector<20x128xf32>
    %add3A_123 = arith.addf %add3A_122, %dot_general3A_11 : vector<20x128xf32>
    %swap3A_124 = arith.constant 320 : index
    %swap3A_125 = arith.constant 0 : index
    %swap3A_126 = vector.load %arg6[%swap3A_124, %swap3A_125] : memref<400x128xf32, #tpu.memory_space<vmem>>, vector<20x128xf32>
    tpu.vector_store %arg6[%swap3A_124, %swap3A_125], %add3A_123 {strides = array<i32>} : memref<400x128xf32, #tpu.memory_space<vmem>>, vector<20x128xf32>,
    %slice3A_127 = vector.extract_strided_slice %dot_general3A_5 {offsets = [17, 0], sizes = [1, 128], strides = [1, 1]} : vector<20x128xf32> to vector<1x128xf32>
    %add3A_128 = vector.broadcast %slice3A_127 : vector<1x128xf32> to vector<20x128xf32>
    %add3A_129 = arith.addf %add3A_128, %dot_general3A_11 : vector<20x128xf32>
    %swap3A_130 = arith.constant 340 : index
    %swap3A_131 = arith.constant 0 : index
    %swap3A_132 = vector.load %arg6[%swap3A_130, %swap3A_131] : memref<400x128xf32, #tpu.memory_space<vmem>>, vector<20x128xf32>
    tpu.vector_store %arg6[%swap3A_130, %swap3A_131], %add3A_129 {strides = array<i32>} : memref<400x128xf32, #tpu.memory_space<vmem>>, vector<20x128xf32>,
    %slice3A_133 = vector.extract_strided_slice %dot_general3A_5 {offsets = [18, 0], sizes = [1, 128], strides = [1, 1]} : vector<20x128xf32> to vector<1x128xf32>
    %add3A_134 = vector.broadcast %slice3A_133 : vector<1x128xf32> to vector<20x128xf32>
    %add3A_135 = arith.addf %add3A_134, %dot_general3A_11 : vector<20x128xf32>
    %swap3A_136 = arith.constant 360 : index
    %swap3A_137 = arith.constant 0 : index
    %swap3A_138 = vector.load %arg6[%swap3A_136, %swap3A_137] : memref<400x128xf32, #tpu.memory_space<vmem>>, vector<20x128xf32>
    tpu.vector_store %arg6[%swap3A_136, %swap3A_137], %add3A_135 {strides = array<i32>} : memref<400x128xf32, #tpu.memory_space<vmem>>, vector<20x128xf32>,
    %slice3A_139 = vector.extract_strided_slice %dot_general3A_5 {offsets = [19, 0], sizes = [1, 128], strides = [1, 1]} : vector<20x128xf32> to vector<1x128xf32>
    %add3A_140 = vector.broadcast %slice3A_139 : vector<1x128xf32> to vector<20x128xf32>
    %add3A_141 = arith.addf %add3A_140, %dot_general3A_11 : vector<20x128xf32>
    %swap3A_142 = arith.constant 380 : index
    %swap3A_143 = arith.constant 0 : index
    %swap3A_144 = vector.load %arg6[%swap3A_142, %swap3A_143] : memref<400x128xf32, #tpu.memory_space<vmem>>, vector<20x128xf32>
    tpu.vector_store %arg6[%swap3A_142, %swap3A_143], %add3A_141 {strides = array<i32>} : memref<400x128xf32, #tpu.memory_space<vmem>>, vector<20x128xf32>,
    %add3A_145 = vector.broadcast %get3A_26 : vector<1x128xf32> to vector<10x128xf32>
    %add3A_146 = arith.addf %dot_general3A_23, %add3A_145 : vector<10x128xf32>
    %slice3A_147 = vector.extract_strided_slice %dot_general3A_17 {offsets = [0, 0], sizes = [1, 128], strides = [1, 1]} : vector<10x128xf32> to vector<1x128xf32>
    %add3A_148 = vector.broadcast %slice3A_147 : vector<1x128xf32> to vector<10x128xf32>
    %add3A_149 = arith.addf %add3A_148, %add3A_146 : vector<10x128xf32>
    %swap3A_150 = arith.constant 0 : index
    %swap3A_151 = arith.constant 0 : index
    %swap3A_152 = vector.load %arg7[%swap3A_150, %swap3A_151] : memref<100x128xf32, #tpu.memory_space<vmem>>, vector<10x128xf32>
    tpu.vector_store %arg7[%swap3A_150, %swap3A_151], %add3A_149 {strides = array<i32>} : memref<100x128xf32, #tpu.memory_space<vmem>>, vector<10x128xf32>,
    %slice3A_153 = vector.extract_strided_slice %dot_general3A_17 {offsets = [1, 0], sizes = [1, 128], strides = [1, 1]} : vector<10x128xf32> to vector<1x128xf32>
    %add3A_154 = vector.broadcast %slice3A_153 : vector<1x128xf32> to vector<10x128xf32>
    %add3A_155 = arith.addf %add3A_154, %add3A_146 : vector<10x128xf32>
    %swap3A_156 = arith.constant 10 : index
    %swap3A_157 = arith.constant 0 : index
    %swap3A_158 = vector.load %arg7[%swap3A_156, %swap3A_157] : memref<100x128xf32, #tpu.memory_space<vmem>>, vector<10x128xf32>
    tpu.vector_store %arg7[%swap3A_156, %swap3A_157], %add3A_155 {strides = array<i32>} : memref<100x128xf32, #tpu.memory_space<vmem>>, vector<10x128xf32>,
    %slice3A_159 = vector.extract_strided_slice %dot_general3A_17 {offsets = [2, 0], sizes = [1, 128], strides = [1, 1]} : vector<10x128xf32> to vector<1x128xf32>
    %add3A_160 = vector.broadcast %slice3A_159 : vector<1x128xf32> to vector<10x128xf32>
    %add3A_161 = arith.addf %add3A_160, %add3A_146 : vector<10x128xf32>
    %swap3A_162 = arith.constant 20 : index
    %swap3A_163 = arith.constant 0 : index
    %swap3A_164 = vector.load %arg7[%swap3A_162, %swap3A_163] : memref<100x128xf32, #tpu.memory_space<vmem>>, vector<10x128xf32>
    tpu.vector_store %arg7[%swap3A_162, %swap3A_163], %add3A_161 {strides = array<i32>} : memref<100x128xf32, #tpu.memory_space<vmem>>, vector<10x128xf32>,
    %slice3A_165 = vector.extract_strided_slice %dot_general3A_17 {offsets = [3, 0], sizes = [1, 128], strides = [1, 1]} : vector<10x128xf32> to vector<1x128xf32>
    %add3A_166 = vector.broadcast %slice3A_165 : vector<1x128xf32> to vector<10x128xf32>
    %add3A_167 = arith.addf %add3A_166, %add3A_146 : vector<10x128xf32>
    %swap3A_168 = arith.constant 30 : index
    %swap3A_169 = arith.constant 0 : index
    %swap3A_170 = vector.load %arg7[%swap3A_168, %swap3A_169] : memref<100x128xf32, #tpu.memory_space<vmem>>, vector<10x128xf32>
    tpu.vector_store %arg7[%swap3A_168, %swap3A_169], %add3A_167 {strides = array<i32>} : memref<100x128xf32, #tpu.memory_space<vmem>>, vector<10x128xf32>,
    %slice3A_171 = vector.extract_strided_slice %dot_general3A_17 {offsets = [4, 0], sizes = [1, 128], strides = [1, 1]} : vector<10x128xf32> to vector<1x128xf32>
    %add3A_172 = vector.broadcast %slice3A_171 : vector<1x128xf32> to vector<10x128xf32>
    %add3A_173 = arith.addf %add3A_172, %add3A_146 : vector<10x128xf32>
    %swap3A_174 = arith.constant 40 : index
    %swap3A_175 = arith.constant 0 : index
    %swap3A_176 = vector.load %arg7[%swap3A_174, %swap3A_175] : memref<100x128xf32, #tpu.memory_space<vmem>>, vector<10x128xf32>
    tpu.vector_store %arg7[%swap3A_174, %swap3A_175], %add3A_173 {strides = array<i32>} : memref<100x128xf32, #tpu.memory_space<vmem>>, vector<10x128xf32>,
    %slice3A_177 = vector.extract_strided_slice %dot_general3A_17 {offsets = [5, 0], sizes = [1, 128], strides = [1, 1]} : vector<10x128xf32> to vector<1x128xf32>
    %add3A_178 = vector.broadcast %slice3A_177 : vector<1x128xf32> to vector<10x128xf32>
    %add3A_179 = arith.addf %add3A_178, %add3A_146 : vector<10x128xf32>
    %swap3A_180 = arith.constant 50 : index
    %swap3A_181 = arith.constant 0 : index
    %swap3A_182 = vector.load %arg7[%swap3A_180, %swap3A_181] : memref<100x128xf32, #tpu.memory_space<vmem>>, vector<10x128xf32>
    tpu.vector_store %arg7[%swap3A_180, %swap3A_181], %add3A_179 {strides = array<i32>} : memref<100x128xf32, #tpu.memory_space<vmem>>, vector<10x128xf32>,
    %slice3A_183 = vector.extract_strided_slice %dot_general3A_17 {offsets = [6, 0], sizes = [1, 128], strides = [1, 1]} : vector<10x128xf32> to vector<1x128xf32>
    %add3A_184 = vector.broadcast %slice3A_183 : vector<1x128xf32> to vector<10x128xf32>
    %add3A_185 = arith.addf %add3A_184, %add3A_146 : vector<10x128xf32>
    %swap3A_186 = arith.constant 60 : index
    %swap3A_187 = arith.constant 0 : index
    %swap3A_188 = vector.load %arg7[%swap3A_186, %swap3A_187] : memref<100x128xf32, #tpu.memory_space<vmem>>, vector<10x128xf32>
    tpu.vector_store %arg7[%swap3A_186, %swap3A_187], %add3A_185 {strides = array<i32>} : memref<100x128xf32, #tpu.memory_space<vmem>>, vector<10x128xf32>,
    %slice3A_189 = vector.extract_strided_slice %dot_general3A_17 {offsets = [7, 0], sizes = [1, 128], strides = [1, 1]} : vector<10x128xf32> to vector<1x128xf32>
    %add3A_190 = vector.broadcast %slice3A_189 : vector<1x128xf32> to vector<10x128xf32>
    %add3A_191 = arith.addf %add3A_190, %add3A_146 : vector<10x128xf32>
    %swap3A_192 = arith.constant 70 : index
    %swap3A_193 = arith.constant 0 : index
    %swap3A_194 = vector.load %arg7[%swap3A_192, %swap3A_193] : memref<100x128xf32, #tpu.memory_space<vmem>>, vector<10x128xf32>
    tpu.vector_store %arg7[%swap3A_192, %swap3A_193], %add3A_191 {strides = array<i32>} : memref<100x128xf32, #tpu.memory_space<vmem>>, vector<10x128xf32>,
    %slice3A_195 = vector.extract_strided_slice %dot_general3A_17 {offsets = [8, 0], sizes = [1, 128], strides = [1, 1]} : vector<10x128xf32> to vector<1x128xf32>
    %add3A_196 = vector.broadcast %slice3A_195 : vector<1x128xf32> to vector<10x128xf32>
    %add3A_197 = arith.addf %add3A_196, %add3A_146 : vector<10x128xf32>
    %swap3A_198 = arith.constant 80 : index
    %swap3A_199 = arith.constant 0 : index
    %swap3A_200 = vector.load %arg7[%swap3A_198, %swap3A_199] : memref<100x128xf32, #tpu.memory_space<vmem>>, vector<10x128xf32>
    tpu.vector_store %arg7[%swap3A_198, %swap3A_199], %add3A_197 {strides = array<i32>} : memref<100x128xf32, #tpu.memory_space<vmem>>, vector<10x128xf32>,
    %slice3A_201 = vector.extract_strided_slice %dot_general3A_17 {offsets = [9, 0], sizes = [1, 128], strides = [1, 1]} : vector<10x128xf32> to vector<1x128xf32>
    %add3A_202 = vector.broadcast %slice3A_201 : vector<1x128xf32> to vector<10x128xf32>
    %add3A_203 = arith.addf %add3A_202, %add3A_146 : vector<10x128xf32>
    %swap3A_204 = arith.constant 90 : index
    %swap3A_205 = arith.constant 0 : index
    %swap3A_206 = vector.load %arg7[%swap3A_204, %swap3A_205] : memref<100x128xf32, #tpu.memory_space<vmem>>, vector<10x128xf32>
    tpu.vector_store %arg7[%swap3A_204, %swap3A_205], %add3A_203 {strides = array<i32>} : memref<100x128xf32, #tpu.memory_space<vmem>>, vector<10x128xf32>,
    return
  }
}

</mosaic_0001>

<sc_bundles>
// kernel: kernel.4.cloned.1.call-start
scs
__scs_entry_jumppad:
0x0: {  	(pc) =	sbr.rel $0x88, $3  }
0x1: {  	(tag) =	ssettag $0x0;
	lr =	simm.s32 $0x1  }
0x2: {  	[smem:$0x3F9A] =	sst lr;
	_ =	strace $0xD0000000  }
0x3: {  	_ = 	snop  }
0x4: {  	_ = 	snop  }
0x5: {  	_ = 	snop  }
0x6: {  	_ = 	snop  }
0x7: {  	_ = 	snop  }
__scs_overlays_trampoline_lowered:
0x8: {  	[smem:$0x3FA9] =	sst s0  }
0x9: {  	[smem:$0x3FAA] =	sst s1  }
0xa: {  	[smem:$0x3FAB] =	sst s2  }
0xb: {  	[smem:$0x3FAC] =	sst s3  }
0xc: {  	[smem:$0x3FAD] =	sst s4  }
0xd: {  	[smem:$0x3FAE] =	sst s5  }
0xe: {  	[smem:$0x3FAF] =	sst s6  }
0xf: {  	[smem:$0x3FB0] =	sst s7  }
0x10: {  	[smem:$0x3FB1] =	sst s8  }
0x11: {  	[smem:$0x3FB2] =	sst s9;
	s0 =	simm.s32 @!p0 $0x0  }
0x12: {  	s1 =	sld [smem:$0x3F98];
	s0 =	simm.s32 @p0 $0x1  }
0x13: {  	[smem:$0x3FB3] =	sst s0;
	s0 =	simm.s32 @!p1 $0x0  }
0x14: {  	s2 =	sld [smem:$0x3F97];
	s0 =	simm.s32 @p1 $0x1  }
0x15: {  	[smem:$0x3FB4] =	sst s0;
	s0 =	simm.s32 @!p2 $0x0  }
0x16: {  	s3 =	sld [smem:$0x3FDB];
	s0 =	simm.s32 @p2 $0x1  }
0x17: {  	s4 =	simm.s32 $0x1BF5;
	[smem:$0x3FB6] =	sst s0  }
0x18: {  	s0 =	sld [smem:$0x3F99];
	_ =	swait.ge [sflag:s4], $0x0  }
0x19: {  	s7 =	sld [smem:$0x3F9A]  }
0x1a: {  	s8 =	sadd.s32 $0xFFFFE003, lr  }
0x1b: {  	s9 =	sadd.s32 $0xFFFFFEF7, lr;
	s5 =	simm.s32 $0xFFFFFFFF;
	p2 =	slt.u32 s8, $0xFFFFF086  }
0x1c: {  	p1 =	slt.u32 s9, $0xF7A;
	s5 =	simm.s32 @!p2 $0x0  }
0x1d: {  	s5 =	simm.s32 @p1 $0x1;
	p0 =	seq.s32 s7, s2  }
0x1e: {  	s7 =	smul.u32 @!p0 $0xF7A, s2;
	p2 =	seq.s32 @!p0 s5, $0x0  }
0x1f: {  	s9 =	smul.u32 $0xF7A, s1;
	s8 =	simm.s32 @!p0 $0x1BF5;
	p2 =	por !p2, p0  }
0x20: {  	[sflag:s8] =	ssyncset.s32 @!p0 $0xFFFFF086;
	s6 =	sadd.s32 @!p0 s3, s7;
	s7 =	simm.s32 @!p0 $0x108  }
0x21: {  	s3 =	sadd.s32 s3, s9;
	s6 =	sadd.s32 @!p0 $0x88, s6;
	s7 =	simm.s32 @p2 $0x1082  }
0x22: {  	[simem:s7], [sflag:s8] =	dma.local @!p0 [hbm:s6], $0xF7A  }
0x23: {  	s9 =	sor.u32 $0xD0000000, s2;
	s6 =	simm.s32 $0x108;
	_ =	swait.ge @!p0 [sflag:s8], $0x0  }
0x24: {  	s3 =	sadd.s32 $0x88, s3;
	s6 =	simm.s32 @!p1 $0x1082;
	[sflag:s4] =	ssyncset.s32 $0xFFFFF086  }
0x25: {  	[simem:s6], [sflag:s4] =	dma.local [hbm:s3], $0xF7A  }
0x26: {  	[smem:$0x3F9A] =	sst s1;
	(tag) =	ssettag s2;
	_ =	strace s9  }
0x27: {  	s1 =	sld [smem:$0x3FAA]  }
0x28: {  	s2 =	sld [smem:$0x3FAB]  }
0x29: {  	s4 =	sld [smem:$0x3FAD]  }
0x2a: {  	p0 =	seq.s32 s5, $0x0;
	s5 =	sld [smem:$0x3FAE]  }
0x2b: {  	s6 =	sld [smem:$0x3FAF]  }
0x2c: {  	s7 =	sld [smem:$0x3FB0]  }
0x2d: {  	s3 =	simm.s32 $0x108;
	s8 =	sld [smem:$0x3FB1]  }
0x2e: {  	s3 =	simm.s32 @!p0 $0x1082;
	s9 =	sld [smem:$0x3FB2]  }
0x2f: {  	lr =	sadd.s32 s0, s3;
	s0 =	sld [smem:$0x3FA9]  }
0x30: {  	s3 =	sld [smem:$0x3FAC]  }
0x31: {  	[smem:$0x3FB5] =	sst s10  }
0x32: {  	s10 =	sld [smem:$0x3FB3];
	_ =	sdelay $0x3  }
0x33: {  	p0 =	seq.s32 s10, $0x1;
	s10 =	sld [smem:$0x3FB5];
	_ =	sdelay $0x3  }
0x34: {  	[smem:$0x3FB5] =	sst s10  }
0x35: {  	s10 =	sld [smem:$0x3FB4];
	_ =	sdelay $0x3  }
0x36: {  	p1 =	seq.s32 s10, $0x1;
	s10 =	sld [smem:$0x3FB5];
	_ =	sdelay $0x3  }
0x37: {  	[smem:$0x3FB5] =	sst s10  }
0x38: {  	s10 =	sld [smem:$0x3FB6]  }
0x39: {  	_ = 	snop;
	(pc) =	sbr.ind lr, $3  }
0x3a: {  	_ = 	snop  }
0x3b: {  	_ = 	snop  }
0x3c: {  	p2 =	seq.s32 s10, $0x1;
	s10 =	sld [smem:$0x3FB5]  }
0x3d: {  	_ =	shalt  }
0x3e: {  	_ =	shalt  }
0x3f: {  	_ =	shalt  }
0x40: {  	_ =	shalt  }
0x41: {  	_ =	shalt  }
0x42: {  	_ =	shalt  }
0x43: {  	_ =	shalt  }
0x44: {  	_ =	shalt  }
0x45: {  	_ =	shalt  }
0x46: {  	_ =	shalt  }
0x47: {  	_ =	shalt  }
0x48: {  	_ =	shalt  }
0x49: {  	_ =	shalt  }
0x4a: {  	_ =	shalt  }
0x4b: {  	_ =	shalt  }
0x4c: {  	_ =	shalt  }
0x4d: {  	_ =	shalt  }
0x4e: {  	_ =	shalt  }
0x4f: {  	_ =	shalt  }
0x50: {  	_ =	shalt  }
0x51: {  	_ =	shalt  }
0x52: {  	_ =	shalt  }
0x53: {  	_ =	shalt  }
0x54: {  	_ =	shalt  }
0x55: {  	_ =	shalt  }
0x56: {  	_ =	shalt  }
0x57: {  	_ =	shalt  }
0x58: {  	_ =	shalt  }
0x59: {  	_ =	shalt  }
0x5a: {  	_ =	shalt  }
0x5b: {  	_ =	shalt  }
0x5c: {  	_ =	shalt  }
0x5d: {  	_ =	shalt  }
0x5e: {  	_ =	shalt  }
0x5f: {  	_ =	shalt  }
0x60: {  	_ =	shalt  }
0x61: {  	_ =	shalt  }
0x62: {  	_ =	shalt  }
0x63: {  	_ =	shalt  }
0x64: {  	_ =	shalt  }
0x65: {  	_ =	shalt  }
0x66: {  	_ =	shalt  }
0x67: {  	_ =	shalt  }
0x68: {  	_ =	shalt  }
0x69: {  	_ =	shalt  }
0x6a: {  	_ =	shalt  }
0x6b: {  	_ =	shalt  }
0x6c: {  	_ =	shalt  }
0x6d: {  	_ =	shalt  }
0x6e: {  	_ =	shalt  }
0x6f: {  	_ =	shalt  }
0x70: {  	_ =	shalt  }
0x71: {  	_ =	shalt  }
0x72: {  	_ =	shalt  }
0x73: {  	_ =	shalt  }
0x74: {  	_ =	shalt  }
0x75: {  	_ =	shalt  }
0x76: {  	_ =	shalt  }
0x77: {  	_ =	shalt  }
0x78: {  	_ =	shalt  }
0x79: {  	_ =	shalt  }
0x7a: {  	_ =	shalt  }
0x7b: {  	_ =	shalt  }
0x7c: {  	_ =	shalt  }
0x7d: {  	_ =	shalt  }
0x7e: {  	_ =	shalt  }
0x7f: {  	_ =	shalt  }
0x80: {  	_ =	shalt  }
0x81: {  	_ =	shalt  }
0x82: {  	_ =	shalt  }
0x83: {  	_ =	shalt  }
0x84: {  	_ =	shalt  }
0x85: {  	_ =	shalt  }
0x86: {  	_ =	shalt  }
0x87: {  	_ =	shalt  }
.Lfunc_end0:
.L_simem_size_0:
called_computation_lowered:
.L_overlay_start_0:
0x88: {  	s2 =	sld [smem:$0x3FD9]  }
0x89: {  	s3 =	sld [smem:$0x3FFE];
	_ =	sdelay $0x1  }
0x8a: {  	s1 =	srdreg.scid  }
0x8b: {  	s0 =	sand.u32 $0x1, s1  }
0x8c: {  	s17 =	sshll.u32 s0, $0xA;
	s2 =	sadd.s32 s3, s2  }
0x8d: {  	s2 =	sadd.s32 s2, s17  }
0x8e: {  	[smem:$0x3FC1] =	sst s2  }
0x8f: {  	_ = 	snop  }
0x90: {  	s2 =	sld [smem:$0x3FC9]  }
0x91: {  	s18 =	sld [smem:$0x3FD0];
	(tm) =	ssettm $0x1  }
0x92: {  	s4 =	sld [smem:$0x3FFB];
	_ =	sdelay $0x3  }
0x93: {  	_ =	strace s4  }
0x94: {  	s4 =	sld [smem:$0x3FFC];
	_ =	sdelay $0x3  }
0x95: {  	_ =	strace s4  }
0x96: {  	s4 =	sld [smem:$0x3FFD];
	_ =	sdelay $0x3  }
0x97: {  	_ =	strace s4  }
0x98: {  	_ =	strace $0x8FFFFFFF  }
0x99: {  	s19 =	sld [smem:$0x3FDB];
	_ =	sdelay $0x1  }
0x9a: {  	s5 =	simm.s32 $_scs_section_size  }
0x9b: {  	s6 =	simm.s32 $_size__tile_overlayer_lowered;
	s7 =	simm.s32 $_tile_overlayer_lowered  }
0x9c: {  	s22 =	simm.s32 $0x1BFF;
	s21 =	sshll.u32 s7, $0x1;
	s4 =	sadd.s32 s5, s19  }
0x9d: {  	s8 =	simm.s32 $0x0;
	s20 =	sshll.u32 s6, $0x1;
	s6 =	sadd.s32 s21, s4  }
0x9e: {  	[timem:s8], [sflag:s22] =	dma.local [hbm:s6], s20  }
0x9f: {  	_ =	swait.ge [sflag:s22], s20  }
0xa0: {  	s5 =	ssub.s32 $0x0, s20;
	[sflag:s22] =	ssyncset.done $0x0  }
0xa1: {  	[sflag:s22] =	ssyncadd.s32 s5;
	_ =	sdelay $0x1  }
0xa2: {  	s23 =	simm.s32 $0x1B8B  }
0xa3: {  	_ =	swait.ge [sflag:s23], $0x1  }
0xa4: {  	[sflag:s23] =	ssyncset.done $0x0  }
0xa5: {  	s25 =	simm.s32 $0x1B8E;
	s24 =	sld [smem:$0x3FFE];
	[sflag:s23] =	ssyncadd.s32 $0xFFFFFFFF  }
0xa6: {  	s26 =	simm.s32 $execute0_lowered;
	[smem:$0x3FD2] =	sst s25  }
0xa7: {  	s6 =	sshll.u32 s26, $0x1;
	_ =	strace $0x80000046;
	[dreg:$0x1] =	wrdreg $0xFFFFFFFF  }
0xa8: {  	s28 =	simm.s32 $_size_execute0_lowered;
	s4 =	sadd.s32 s4, s6;
	[dreg:$0x0] =	wrdreg $0x0  }
0xa9: {  	s6 =	sshll.u32 s28, $0x1;
	[dreg:$0x2] =	wrdreg s4  }
0xaa: {  	[dreg:$0x3] =	wrdreg s6  }
0xab: {  	[dreg:$0x4] =	wrdreg $0xC0  }
0xac: {  	_ =	task [dreg:s8], $0x5FFFF  }
0xad: {  	[dreg:$0x1] =	wrdreg $0xFFFFFFFF  }
0xae: {  	[dreg:$0x0] =	wrdreg $0x60  }
0xaf: {  	[dreg:$0x2] =	wrdreg s2  }
0xb0: {  	[dreg:$0x3] =	wrdreg s24  }
0xb1: {  	[dreg:$0x4] =	wrdreg s18  }
0xb2: {  	[dreg:$0x5] =	wrdreg $0x18C000  }
0xb3: {  	[dreg:$0x6] =	wrdreg $0x198800  }
0xb4: {  	[dreg:$0x7] =	wrdreg $0x9  }
0xb5: {  	_ =	task.clear_ibuf [dreg:s8], $0x8FFFF;
	_ =	strace $0x90000046  }
0xb6: {  	s29 =	simm.s32 $0x9;
	_ =	strace $0x80000048  }
0xb7: {  	_ =	swait.ge [sflag:s29], $0x1  }
0xb8: {  	[sflag:s29] =	ssyncadd.s32 $0xFFFFFFFF  }
0xb9: {  	_ =	strace $0x90000048  }
0xba: {  	_ =	sfence  }
0xbb: {  	s30 =	sld [smem:$0x0];
	_ =	sdelay $0x2  }
0xbc: {  	s31 =	sshll.u32 s1, $0xD;
	s1 =	sshrl.u32 s1, $0x2  }
0xbd: {  	s3 =	sand.u32 $0x4000, s31;
	s1 =	sadd.s32 s1, s30  }
0xbe: {  	s0 =	sor.u32 s3, s0;
	s1 =	sshll.u32 s1, $0x11  }
0xbf: {  	s0 =	sor.u32 s1, s0  }
0xc0: {  	s0 =	sadd.s32 $0x8F2B, s0  }
0xc1: {  	[sflag:s0] =	ssyncadd.remote.s32 $0x1  }
0xc2: {  	_ =	sfence.sel $0xFFFF  }
0xc3: {  	[dreg:$0x0] =	wrdreg $0xFFFFFFFF;
	(pc) =	sbr.abs _section_cstart, $3  }
0xc4: {  	[dreg:$0x1] =	wrdreg $0xFFFFFFFF  }
0xc5: {  	_ =	task.clear_ibuf [dreg:s8], $0x2FFFF;
	_ =	strace $0x9FFFFFFF  }
0xc6: {  	(tm) =	ssettm $0x7FFFFFFF  }
0xc7: {  	_ =	shalt  }
tec
execute0_lowered:
.L_overlay_start_1:
0x0: {  	(tag) =	ssettag $0x1  }
0x1: {  	s0 =	rddreg [dreg:$0x0]  }
0x2: {  	s3 =	rddreg [dreg:$0x1]  }
0x3: {  	s10 =	rddreg [dreg:$0x2]  }
0x4: {  	s1 =	rddreg [dreg:$0x3]  }
0x5: {  	s2 =	rddreg [dreg:$0x4]  }
0x6: {  	s4 =	srdreg.scid;
	s29 =	simm.s32 $0x0;
	s15 =	stileid.u32  }
0x7: {  	s16 =	simm.s32 $0x200;
	s21 =	simm.s32 $0x1;
	s28 =	simm.s32 $0x4C00  }
0x8: {  	s22 =	simm.s32 $0x2;
	s30 =	simm.s32 $0x3;
	s31 =	simm.s32 $0x4  }
0x9: {  	s17 =	simm.s32 $0x6;
	s18 =	simm.s32 $0x7;
	s5 =	sand.u32 $0x1, s4  }
0xa: {  	[smem:$0x7FF] =	sst s29;
	s23 =	sshll.u32 s15, $0xA;
	s4 =	sadd.s32 $0xE00, s3  }
0xb: {  	p0 =	sne.s32 s15, $0x0;
	s15 =	simm.s32 $0x80;
	s6 =	sshll.u32 s5, $0x9  }
0xc: {  	_ =	strace $0x80000047;
	s7 =	ssub.s32 $0x2, s5;
	s5 =	sadd.s32 $0x2800, s3  }
0xd: {  	s19 =	sshrl.u32 @!p0 s1, $0x3;
	s20 =	sshrl.u32 @!p0 s2, $0x3;
	s8 =	sor.u32 s6, s23  }
0xe: {  	s24 =	sshrl.u32 s7, $0x1;
	s23 =	simm.s32 $0xC00;
	s6 =	sshrl.u32 s8, $0x1  }
0xf: {  	s25 =	ssub.s32 s7, s24;
	s26 =	sshll.u32 s8, $0x4;
	s24 =	simm.s32 $0x5  }
0x10: {  	s6 =	sadd.s32 s0, s6;
	s10 =	sadd.s32 s10, s26;
	s14 =	smax.u32 s25, $0x1  }
0x11: {  	s25 =	simm.s32 $0xCC00;
	s0 =	simm.s32 $0x8C00;
	s26 =	simm.s32 $0x0  }
0x12: {  	s7 =	sadd.s32 $0x10, s6;
	s8 =	sadd.s32 $0x20, s6;
	s9 =	sadd.s32 $0x30, s6  }
0x13: {  	s11 =	sadd.s32 $0x800, s10;
	s12 =	sadd.s32 $0x1000, s10;
	s13 =	sadd.s32 $0x1800, s10  }
.LBB2_1:
0x14: {  	[tilespmem:s29], [sflag:$0x1] =	stream.strided.gather [hbm4b:s6+s15], $0x200, s16, s15, $0x38;
	[tilespmem:$0x19BA0] =	vst v63  }
0x15: {  	_ = 	snop  }
0x16: {  	[tilespmem:s16], [sflag:$0x1] =	stream.strided.gather [hbm4b:s7+s15], $0x200, s16, s15, $0x38;
	[tilespmem:$0x19BA0] =	vst v63  }
0x17: {  	s3 =	simm.s32 $0x400  }
0x18: {  	[tilespmem:s3], [sflag:$0x1] =	stream.strided.gather [hbm4b:s8+s15], $0x200, s16, s15, $0x38;
	[tilespmem:$0x19BA0] =	vst v63  }
0x19: {  	s3 =	simm.s32 $0x600  }
0x1a: {  	[tilespmem:s3], [sflag:$0x1] =	stream.strided.gather [hbm4b:s9+s15], $0x200, s16, s15, $0x38;
	[tilespmem:$0x19BA0] =	vst v63  }
0x1b: {  	s29 =	simm.s32 @!p0 $0x8;
	s3 =	simm.s32 @!p0 $0x1C08  }
0x1c: {  	[spmem:s19], [sflag:s3] =	dma.local @!p0 [hbm:s4], $0x1900  }
0x1d: {  	_ =	swait.ge @!p0 [sflag:s29], $0x1900  }
0x1e: {  	[sflag:s29] =	ssyncset.done @!p0 $0x0  }
0x1f: {  	[sflag:s29] =	ssyncadd.s32 @!p0 $0xFFFFE700  }
0x20: {  	[spmem:s20], [sflag:s3] =	dma.local @!p0 [hbm:s5], $0x640  }
0x21: {  	_ =	swait.ge @!p0 [sflag:s29], $0x640  }
0x22: {  	[sflag:s29] =	ssyncset.done @!p0 $0x0  }
0x23: {  	[sflag:s29] =	ssyncadd.s32 @!p0 $0xFFFFF9C0  }
0x24: {  	_ =	swait.ge [sflag:s21], $0x200  }
0x25: {  	[sflag:s21] =	ssyncset.done $0x0  }
0x26: {  	[sflag:s21] =	ssyncadd.s32 $0xFFFFFE00  }
0x27: {  	_ =	swait.ge [sflag:s21], $0x200  }
0x28: {  	[sflag:s21] =	ssyncset.done $0x0  }
0x29: {  	[sflag:s21] =	ssyncadd.s32 $0xFFFFFE00  }
0x2a: {  	_ =	swait.ge [sflag:s21], $0x200  }
0x2b: {  	[sflag:s21] =	ssyncset.done $0x0  }
0x2c: {  	[sflag:s21] =	ssyncadd.s32 $0xFFFFFE00  }
0x2d: {  	_ =	swait.ge [sflag:s21], $0x200  }
0x2e: {  	[sflag:s21] =	ssyncset.done $0x0  }
0x2f: {  	[sflag:s21] =	ssyncadd.s32 $0xFFFFFE00  }
0x30: {  	v0 =	vld [tilespmem:$0x0]  }
0x31: {  	v2 =	vld [tilespmem:$0x200]  }
0x32: {  	v6 =	vld [tilespmem:$0x400]  }
0x33: {  	v7 =	vld [tilespmem:$0x600]  }
0x34: {  	v8 =	vld [tilespmem:$0x10]  }
0x35: {  	v9 =	vld [tilespmem:$0x210]  }
0x36: {  	v10 =	vld [tilespmem:$0x410]  }
0x37: {  	v11 =	vld [tilespmem:$0x610]  }
0x38: {  	v12 =	vld [tilespmem:$0x20]  }
0x39: {  	v13 =	vld [tilespmem:$0x220]  }
0x3a: {  	v14 =	vld [tilespmem:$0x420]  }
0x3b: {  	v15 =	vld [tilespmem:$0x620]  }
0x3c: {  	v16 =	vld [tilespmem:$0x30]  }
0x3d: {  	v17 =	vld [tilespmem:$0x230]  }
0x3e: {  	v18 =	vld [tilespmem:$0x430]  }
0x3f: {  	v19 =	vld [tilespmem:$0x630]  }
0x40: {  	v20 =	vld [tilespmem:$0x40]  }
0x41: {  	v21 =	vld [tilespmem:$0x240]  }
0x42: {  	v22 =	vld [tilespmem:$0x440]  }
0x43: {  	v23 =	vld [tilespmem:$0x640]  }
0x44: {  	v24 =	vld [tilespmem:$0x50]  }
0x45: {  	v25 =	vld [tilespmem:$0x250]  }
0x46: {  	v26 =	vld [tilespmem:$0x450]  }
0x47: {  	v27 =	vld [tilespmem:$0x650]  }
0x48: {  	v28 =	vld [tilespmem:$0x60]  }
0x49: {  	v29 =	vld [tilespmem:$0x260]  }
0x4a: {  	v30 =	vld [tilespmem:$0x460]  }
0x4b: {  	v31 =	vld [tilespmem:$0x660]  }
0x4c: {  	v32 =	vld [tilespmem:$0x70]  }
0x4d: {  	v33 =	vld [tilespmem:$0x270]  }
0x4e: {  	v34 =	vld [tilespmem:$0x470]  }
0x4f: {  	v35 =	vld [tilespmem:$0x670]  }
0x50: {  	v36 =	vld [tilespmem:$0x80]  }
0x51: {  	v37 =	vld [tilespmem:$0x280]  }
0x52: {  	v38 =	vld [tilespmem:$0x480]  }
0x53: {  	v39 =	vld [tilespmem:$0x680]  }
0x54: {  	v40 =	vld [tilespmem:$0x90]  }
0x55: {  	v41 =	vld [tilespmem:$0x290]  }
0x56: {  	v42 =	vld [tilespmem:$0x490]  }
0x57: {  	v43 =	vld [tilespmem:$0x690]  }
0x58: {  	v44 =	vld [tilespmem:$0xA0]  }
0x59: {  	v45 =	vld [tilespmem:$0x2A0]  }
0x5a: {  	v46 =	vld [tilespmem:$0x4A0]  }
0x5b: {  	v47 =	vld [tilespmem:$0x6A0]  }
0x5c: {  	v48 =	vld [tilespmem:$0xB0]  }
0x5d: {  	v49 =	vld [tilespmem:$0x2B0]  }
0x5e: {  	v50 =	vld [tilespmem:$0x4B0]  }
0x5f: {  	v51 =	vld [tilespmem:$0x6B0]  }
0x60: {  	v52 =	vld [tilespmem:$0xC0]  }
0x61: {  	v53 =	vld [tilespmem:$0x2C0]  }
0x62: {  	v54 =	vld [tilespmem:$0x4C0]  }
0x63: {  	v55 =	vld [tilespmem:$0x6C0]  }
0x64: {  	v56 =	vld [tilespmem:$0xD0]  }
0x65: {  	v57 =	vld [tilespmem:$0x2D0]  }
0x66: {  	v58 =	vld [tilespmem:$0x4D0]  }
0x67: {  	v59 =	vld [tilespmem:$0x6D0]  }
0x68: {  	v60 =	vld [tilespmem:$0xE0]  }
0x69: {  	v61 =	vld [tilespmem:$0x2E0]  }
0x6a: {  	v1 =	vld [tilespmem:$0x2F0]  }
0x6b: {  	v62 =	vld [tilespmem:$0x4E0]  }
0x6c: {  	v5 =	vld [tilespmem:$0x6F0]  }
0x6d: {  	v63 =	vld [tilespmem:$0x6E0]  }
0x6e: {  	v3 =	vld [tilespmem:$0xF0]  }
0x6f: {  	[tilespmem:$0x1FFB0] =	vst v1;
	v1 =	vld [tilespmem:$0x300]  }
0x70: {  	v4 =	vld [tilespmem:$0x4F0];
	v0 =	vmul.u32 $0x14, v0  }
0x71: {  	[tilespmem:$0x1FFC0] =	vst v5;
	v5 =	vld [tilespmem:$0x100];
	v8 =	vmul.u32 $0x14, v8  }
0x72: {  	v0 =	vadd.s32 v2, v0;
	v2 =	vld [tilespmem:$0x310]  }
0x73: {  	[tilespmem:$0x800] =	vst v0;
	v0 =	vadd.s32 v9, v8;
	v8 =	vmul.u32 $0x14, v12;
	v9 =	vld [tilespmem:$0x120]  }
0x74: {  	v12 =	vmul.u32 $0xA, v14;
	[tilespmem:$0x1FFE0] =	vst v1;
	v1 =	vld [tilespmem:$0x500]  }
0x75: {  	v14 =	vadd.s32 v13, v8;
	v8 =	vmul.u32 $0x14, v16;
	v16 =	vmul.u32 $0xA, v18;
	v13 =	vld [tilespmem:$0x720]  }
0x76: {  	v18 =	vmul.u32 $0x14, v20;
	[tilespmem:$0x820] =	vst v14;
	v14 =	vld [tilespmem:$0x130]  }
0x77: {  	v20 =	vmul.u32 $0xA, v22;
	v19 =	vadd.s32 v19, v16;
	v16 =	vld [tilespmem:$0x530]  }
0x78: {  	v22 =	vmul.u32 $0x14, v24;
	v21 =	vadd.s32 v21, v18;
	v18 =	vld [tilespmem:$0x140]  }
0x79: {  	v24 =	vmul.u32 $0xA, v26;
	v23 =	vadd.s32 v23, v20;
	v20 =	vld [tilespmem:$0x540]  }
0x7a: {  	v26 =	vmul.u32 $0x14, v28;
	v25 =	vadd.s32 v25, v22;
	v22 =	vld [tilespmem:$0x150]  }
0x7b: {  	[tilespmem:$0x810] =	vst v0;
	v17 =	vadd.s32 v17, v8;
	v27 =	vadd.s32 v27, v24;
	v24 =	vld [tilespmem:$0x550]  }
0x7c: {  	v29 =	vadd.s32 v29, v26;
	v26 =	vld [tilespmem:$0x160];
	[tilespmem:$0x830] =	vst v17  }
0x7d: {  	v8 =	vld [tilespmem:$0x380];
	[tilespmem:$0xA30] =	vst v19  }
0x7e: {  	[tilespmem:$0x840] =	vst v21;
	v17 =	vld [tilespmem:$0x730]  }
0x7f: {  	[tilespmem:$0xA40] =	vst v23;
	v19 =	vld [tilespmem:$0x340]  }
0x80: {  	v28 =	vmul.u32 $0xA, v30;
	v30 =	vmul.u32 $0x14, v32;
	v32 =	vmul.u32 $0xA, v34;
	[tilespmem:$0x850] =	vst v25;
	v21 =	vld [tilespmem:$0x740]  }
0x81: {  	v34 =	vmul.u32 $0x14, v36;
	v36 =	vmul.u32 $0xA, v38;
	v38 =	vmul.u32 $0x14, v40;
	[tilespmem:$0xA50] =	vst v27;
	v23 =	vld [tilespmem:$0x350]  }
0x82: {  	v42 =	vmul.u32 $0xA, v42;
	v31 =	vadd.s32 v31, v28;
	[tilespmem:$0x860] =	vst v29;
	v25 =	vld [tilespmem:$0x750]  }
0x83: {  	v28 =	vadd.s32 v41, v38;
	[tilespmem:$0xA60] =	vst v31;
	v27 =	vld [tilespmem:$0x360]  }
0x84: {  	v33 =	vadd.s32 v33, v30;
	v30 =	vadd.s32 v43, v42;
	[tilespmem:$0x890] =	vst v28;
	v28 =	vld [tilespmem:$0x560]  }
0x85: {  	v35 =	vadd.s32 v35, v32;
	v37 =	vadd.s32 v37, v34;
	v40 =	vadd.s32 v39, v36;
	[tilespmem:$0xA90] =	vst v30;
	v30 =	vld [tilespmem:$0x170]  }
0x86: {  	v39 =	vmul.u32 $0xA, v54;
	[tilespmem:$0xA70] =	vst v35;
	v35 =	vmul.u32 $0xA, v50;
	v50 =	vmul.u32 $0xA, v4;
	v4 =	vld [tilespmem:$0x580]  }
0x87: {  	v41 =	vmul.u32 $0x14, v56;
	[tilespmem:$0x880] =	vst v37;
	v37 =	vmul.u32 $0x14, v52;
	v52 =	vmul.u32 $0x14, v5;
	v5 =	vld [tilespmem:$0x780]  }
0x88: {  	[tilespmem:$0x870] =	vst v33;
	v42 =	vadd.s32 v55, v39;
	v55 =	vld [tilespmem:$0x1FFE0]  }
0x89: {  	[tilespmem:$0xA80] =	vst v40;
	v29 =	vmul.u32 $0x14, v44;
	v44 =	vadd.s32 v57, v41;
	v41 =	vld [tilespmem:$0x1B0]  }
0x8a: {  	v43 =	vmul.u32 $0xA, v58;
	v31 =	vmul.u32 $0xA, v46;
	[tilespmem:$0x1FFD0] =	vst v1;
	v1 =	vld [tilespmem:$0x700]  }
0x8b: {  	v33 =	vmul.u32 $0x14, v48;
	v32 =	vadd.s32 v45, v29;
	v29 =	vld [tilespmem:$0x760];
	[tilespmem:$0xAC0] =	vst v42  }
0x8c: {  	v46 =	vadd.s32 v59, v43;
	v34 =	vadd.s32 v47, v31;
	v31 =	vld [tilespmem:$0x370];
	[tilespmem:$0x8D0] =	vst v44  }
0x8d: {  	v36 =	vadd.s32 v49, v33;
	v33 =	vld [tilespmem:$0x770];
	[tilespmem:$0xAD0] =	vst v46  }
0x8e: {  	v38 =	vadd.s32 v51, v35;
	v51 =	vld [tilespmem:$0x1FFB0];
	[tilespmem:$0x8A0] =	vst v32  }
0x8f: {  	v40 =	vadd.s32 v53, v37;
	v53 =	vld [tilespmem:$0x1FFC0];
	[tilespmem:$0xAA0] =	vst v34  }
0x90: {  	v45 =	vmul.u32 $0x14, v60;
	v35 =	vld [tilespmem:$0x190];
	[tilespmem:$0x8B0] =	vst v36  }
0x91: {  	v47 =	vmul.u32 $0xA, v62;
	v60 =	vmul.u32 $0x14, v9;
	v9 =	vld [tilespmem:$0x3A0];
	[tilespmem:$0xAB0] =	vst v38  }
0x92: {  	v44 =	vld [tilespmem:$0x3B0];
	[tilespmem:$0x8C0] =	vst v40;
	v48 =	vadd.s32 v61, v45  }
0x93: {  	v32 =	vld [tilespmem:$0x570];
	v49 =	vadd.s32 v63, v47;
	v16 =	vmul.u32 $0xA, v16;
	[tilespmem:$0x8E0] =	vst v48  }
0x94: {  	v34 =	vld [tilespmem:$0x180];
	v37 =	vmul.u32 $0x14, v18;
	[tilespmem:$0xAE0] =	vst v49  }
0x95: {  	v54 =	vld [tilespmem:$0x1FFD0];
	v40 =	vmul.u32 $0xA, v20;
	v39 =	vadd.s32 v17, v16;
	[tilespmem:$0x1FFF0] =	vst v1  }
0x96: {  	v38 =	vld [tilespmem:$0x7A0];
	v43 =	vmul.u32 $0x14, v22;
	v42 =	vadd.s32 v19, v37;
	[tilespmem:$0xB30] =	vst v39  }
0x97: {  	v47 =	vld [tilespmem:$0x5B0];
	v45 =	vadd.s32 v21, v40;
	v21 =	vmul.u32 $0xA, v4;
	v1 =	vmul.u32 $0xA, v6;
	[tilespmem:$0x940] =	vst v42  }
0x98: {  	v22 =	vld [tilespmem:$0x1D0];
	v49 =	vmul.u32 $0x14, v26;
	v48 =	vadd.s32 v23, v43;
	[tilespmem:$0xB40] =	vst v45  }
0x99: {  	v40 =	vld [tilespmem:$0x5E0];
	[tilespmem:$0x950] =	vst v48;
	v26 =	vadd.s32 v5, v21;
	v7 =	vadd.s32 v7, v1;
	v1 =	vmul.u32 $0xA, v10  }
0x9a: {  	v6 =	vld [tilespmem:$0x110];
	[tilespmem:$0xB80] =	vst v26  }
0x9b: {  	v43 =	vld [tilespmem:$0x7E0];
	[tilespmem:$0xA00] =	vst v7;
	v0 =	vadd.s32 v11, v1  }
0x9c: {  	v3 =	vmul.u32 $0x14, v3;
	v57 =	vld [tilespmem:$0x1FFF0];
	v1 =	vmul.u32 $0xA, v54;
	v54 =	vadd.s32 v27, v49;
	[tilespmem:$0xA10] =	vst v0  }
0x9d: {  	v46 =	vmul.u32 $0xA, v24;
	v10 =	vld [tilespmem:$0x510];
	v0 =	vadd.s32 v15, v12;
	[tilespmem:$0x960] =	vst v54  }
0x9e: {  	v7 =	vld [tilespmem:$0x710];
	[tilespmem:$0xA20] =	vst v0;
	v0 =	vadd.s32 v51, v3  }
0x9f: {  	v11 =	vld [tilespmem:$0x320];
	v56 =	vmul.u32 $0x14, v6;
	v51 =	vadd.s32 v25, v46;
	[tilespmem:$0x8F0] =	vst v0  }
0xa0: {  	v49 =	vld [tilespmem:$0x5F0];
	v0 =	vadd.s32 v53, v50;
	[tilespmem:$0xB50] =	vst v51  }
0xa1: {  	v12 =	vld [tilespmem:$0x520];
	v59 =	vadd.s32 v2, v56;
	[tilespmem:$0xAF0] =	vst v0  }
0xa2: {  	v15 =	vld [tilespmem:$0x330];
	v58 =	vmul.u32 $0xA, v10;
	v0 =	vadd.s32 v55, v52;
	[tilespmem:$0x910] =	vst v59  }
0xa3: {  	v6 =	vld [tilespmem:$0x390];
	[tilespmem:$0x900] =	vst v0;
	v0 =	vadd.s32 v57, v1  }
0xa4: {  	v3 =	vld [tilespmem:$0x790];
	v52 =	vmul.u32 $0xA, v28;
	v61 =	vadd.s32 v7, v58;
	[tilespmem:$0xB00] =	vst v0  }
0xa5: {  	v25 =	vld [tilespmem:$0x3D0];
	v55 =	vmul.u32 $0x14, v30;
	v63 =	vadd.s32 v11, v60;
	[tilespmem:$0xB10] =	vst v61  }
0xa6: {  	v24 =	vmul.u32 $0x14, v35;
	v46 =	vld [tilespmem:$0x1F0];
	[tilespmem:$0x920] =	vst v63;
	v57 =	vadd.s32 v29, v52  }
0xa7: {  	v10 =	vld [tilespmem:$0x590];
	v58 =	vmul.u32 $0xA, v32;
	v60 =	vadd.s32 v31, v55;
	[tilespmem:$0xB60] =	vst v57  }
0xa8: {  	v53 =	vld [tilespmem:$0x1C0];
	v62 =	vmul.u32 $0xA, v12;
	v29 =	vadd.s32 v6, v24;
	[tilespmem:$0x970] =	vst v60  }
0xa9: {  	v50 =	vld [tilespmem:$0x7B0];
	v12 =	vmul.u32 $0x14, v14;
	v63 =	vadd.s32 v33, v58;
	[tilespmem:$0x990] =	vst v29  }
0xaa: {  	v56 =	vld [tilespmem:$0x3C0];
	v61 =	vmul.u32 $0x14, v34;
	v14 =	vadd.s32 v13, v62;
	[tilespmem:$0xB70] =	vst v63  }
0xab: {  	v48 =	vmul.u32 $0x14, v22;
	v28 =	vld [tilespmem:$0x5D0];
	v36 =	vadd.s32 v15, v12;
	[tilespmem:$0xB20] =	vst v14  }
0xac: {  	v7 =	vld [tilespmem:$0x1A0];
	v57 =	vmul.u32 $0xA, v40;
	v23 =	vadd.s32 v8, v61;
	[tilespmem:$0x930] =	vst v36  }
0xad: {  	v11 =	vld [tilespmem:$0x5A0];
	v27 =	vmul.u32 $0xA, v10;
	v42 =	vmul.u32 $0x14, v53;
	v53 =	vadd.s32 v25, v48;
	[tilespmem:$0x980] =	vst v23  }
0xae: {  	v31 =	vld [tilespmem:$0x7D0];
	[tilespmem:$0x9D0] =	vst v53;
	v60 =	vadd.s32 v43, v57  }
0xaf: {  	v55 =	vld [tilespmem:$0x7F0];
	v36 =	vmul.u32 $0x14, v41;
	v32 =	vadd.s32 v3, v27;
	[tilespmem:$0xBE0] =	vst v60  }
0xb0: {  	v39 =	vmul.u32 $0xA, v47;
	v59 =	vld [tilespmem:$0x5C0];
	v47 =	vadd.s32 v56, v42;
	[tilespmem:$0xB90] =	vst v32  }
0xb1: {  	v34 =	vld [tilespmem:$0x1E0];
	v51 =	vmul.u32 $0xA, v28;
	v41 =	vadd.s32 v44, v36;
	[tilespmem:$0x9C0] =	vst v47  }
0xb2: {  	v62 =	vld [tilespmem:$0x7C0];
	v61 =	vmul.u32 $0xA, v49;
	v44 =	vadd.s32 v50, v39;
	[tilespmem:$0x9B0] =	vst v41  }
0xb3: {  	v37 =	vld [tilespmem:$0x3E0];
	v30 =	vmul.u32 $0x14, v7;
	v56 =	vadd.s32 v31, v51;
	[tilespmem:$0xBB0] =	vst v44  }
0xb4: {  	v52 =	vld [tilespmem:$0x3F0];
	v33 =	vmul.u32 $0xA, v11;
	v63 =	vadd.s32 v55, v61;
	[tilespmem:$0xBD0] =	vst v56  }
0xb5: {  	v45 =	vmul.u32 $0xA, v59;
	v35 =	vadd.s32 v9, v30;
	[tilespmem:$0xBF0] =	vst v63  }
0xb6: {  	v54 =	vmul.u32 $0x14, v34;
	v38 =	vadd.s32 v38, v33;
	[tilespmem:$0x9A0] =	vst v35  }
0xb7: {  	v59 =	vmul.u32 $0x14, v46;
	[tilespmem:$0xBA0] =	vst v38;
	v50 =	vadd.s32 v62, v45  }
0xb8: {  	v58 =	vadd.s32 v37, v54;
	[tilespmem:$0xBC0] =	vst v50  }
0xb9: {  	v62 =	vadd.s32 v52, v59;
	[tilespmem:$0x9E0] =	vst v58  }
0xba: {  	[tilespmem:$0x9F0] =	vst v62  }
0xbb: {  	s3 =	simm.s32 $0x800;
	[bflag:$0x0] =	sbarrier.arrive $0xFFFF  }
0xbc: {  	[tilespmem:s23], [sflag:$0x2] =	stream.indirect.gather [spmem:s1], $0x80, s3, s15, $0xb8;
	[tilespmem:$0x19BA0] =	vst v63  }
0xbd: {  	s3 =	simm.s32 $0xA00  }
0xbe: {  	[tilespmem:s25], [sflag:$0x2] =	stream.indirect.gather [spmem:s2], $0x80, s3, s15, $0xb8;
	[tilespmem:$0x19BA0] =	vst v63  }
0xbf: {  	s3 =	simm.s32 $0x880  }
0xc0: {  	[tilespmem:s28], [sflag:$0x3] =	stream.indirect.gather [spmem:s1], $0x80, s3, s15, $0xb8;
	[tilespmem:$0x19BA0] =	vst v63  }
0xc1: {  	s29 =	simm.s32 $0x10C00;
	s3 =	simm.s32 $0xA80  }
0xc2: {  	[tilespmem:s29], [sflag:$0x3] =	stream.indirect.gather [spmem:s2], $0x80, s3, s15, $0xb8;
	[tilespmem:$0x19BA0] =	vst v63  }
0xc3: {  	s3 =	simm.s32 $0x900  }
0xc4: {  	[tilespmem:s0], [sflag:$0x4] =	stream.indirect.gather [spmem:s1], $0x80, s3, s15, $0xb8;
	[tilespmem:$0x19BA0] =	vst v63  }
0xc5: {  	s29 =	simm.s32 $0x14C00;
	s3 =	simm.s32 $0xB00  }
0xc6: {  	[tilespmem:s29], [sflag:$0x4] =	stream.indirect.gather [spmem:s2], $0x80, s3, s15, $0xb8;
	[tilespmem:$0x19BA0] =	vst v63  }
0xc7: {  	_ =	swait.ge [sflag:s22], $0x4000  }
0xc8: {  	[sflag:s22] =	ssyncset.done $0x0  }
0xc9: {  	[sflag:s22] =	ssyncadd.s32 $0xFFFFC000  }
0xca: {  	_ =	swait.ge [sflag:s22], $0x4000  }
0xcb: {  	[sflag:s22] =	ssyncset.done $0x0  }
0xcc: {  	s29 =	simm.s32 $0x0;
	s3 =	simm.s32 $0x800;
	[sflag:s22] =	ssyncadd.s32 $0xFFFFC000  }
.LBB2_2:
0xcd: {  	p1 =	sne.s32 s3, $0xF800;
	v0 =	vld [tilespmem:s29+$0xCDF0]  }
0xce: {  	v1 =	vld [tilespmem:s29+$0xCC00]  }
0xcf: {  	v2 =	vld [tilespmem:s29+$0xCC10]  }
0xd0: {  	v3 =	vld [tilespmem:s29+$0xCC20]  }
0xd1: {  	v4 =	vld [tilespmem:s29+$0xCC30]  }
0xd2: {  	[tilespmem:s29+$0xDF0] =	vst.add.f32.msk $0xffff, v0  }
0xd3: {  	v0 =	vld [tilespmem:s29+$0xCC40]  }
0xd4: {  	v5 =	vld [tilespmem:s29+$0xCC50]  }
0xd5: {  	v6 =	vld [tilespmem:s29+$0xCC60]  }
0xd6: {  	v7 =	vld [tilespmem:s29+$0xCC70]  }
0xd7: {  	v8 =	vld [tilespmem:s29+$0xCC80]  }
0xd8: {  	v9 =	vld [tilespmem:s29+$0xCC90]  }
0xd9: {  	v10 =	vld [tilespmem:s29+$0xCCA0]  }
0xda: {  	v11 =	vld [tilespmem:s29+$0xCCB0]  }
0xdb: {  	v12 =	vld [tilespmem:s29+$0xCCC0]  }
0xdc: {  	v13 =	vld [tilespmem:s29+$0xCCD0]  }
0xdd: {  	v14 =	vld [tilespmem:s29+$0xCCE0]  }
0xde: {  	v15 =	vld [tilespmem:s29+$0xCCF0]  }
0xdf: {  	v16 =	vld [tilespmem:s29+$0xCD00]  }
0xe0: {  	v17 =	vld [tilespmem:s29+$0xCD10]  }
0xe1: {  	v18 =	vld [tilespmem:s29+$0xCD20]  }
0xe2: {  	v19 =	vld [tilespmem:s29+$0xCD30]  }
0xe3: {  	v20 =	vld [tilespmem:s29+$0xCD40]  }
0xe4: {  	v21 =	vld [tilespmem:s29+$0xCD50]  }
0xe5: {  	v22 =	vld [tilespmem:s29+$0xCD60]  }
0xe6: {  	v23 =	vld [tilespmem:s29+$0xCD70]  }
0xe7: {  	v24 =	vld [tilespmem:s29+$0xCD80]  }
0xe8: {  	v25 =	vld [tilespmem:s29+$0xCD90]  }
0xe9: {  	v26 =	vld [tilespmem:s29+$0xCDA0]  }
0xea: {  	v27 =	vld [tilespmem:s29+$0xCDB0]  }
0xeb: {  	v28 =	vld [tilespmem:s29+$0xCDC0]  }
0xec: {  	v29 =	vld [tilespmem:s29+$0xCDD0]  }
0xed: {  	v30 =	vld [tilespmem:s29+$0xCDE0]  }
0xee: {  	[tilespmem:s29+$0xC00] =	vst.add.f32.msk $0xffff, v1  }
0xef: {  	[tilespmem:s29+$0xC10] =	vst.add.f32.msk $0xffff, v2  }
0xf0: {  	[tilespmem:s29+$0xC20] =	vst.add.f32.msk $0xffff, v3  }
0xf1: {  	[tilespmem:s29+$0xC30] =	vst.add.f32.msk $0xffff, v4  }
0xf2: {  	[tilespmem:s29+$0xC40] =	vst.add.f32.msk $0xffff, v0  }
0xf3: {  	[tilespmem:s29+$0xC50] =	vst.add.f32.msk $0xffff, v5  }
0xf4: {  	[tilespmem:s29+$0xC60] =	vst.add.f32.msk $0xffff, v6  }
0xf5: {  	[tilespmem:s29+$0xC70] =	vst.add.f32.msk $0xffff, v7  }
0xf6: {  	[tilespmem:s29+$0xC80] =	vst.add.f32.msk $0xffff, v8  }
0xf7: {  	[tilespmem:s29+$0xC90] =	vst.add.f32.msk $0xffff, v9  }
0xf8: {  	[tilespmem:s29+$0xCA0] =	vst.add.f32.msk $0xffff, v10  }
0xf9: {  	[tilespmem:s29+$0xCB0] =	vst.add.f32.msk $0xffff, v11  }
0xfa: {  	[tilespmem:s29+$0xCC0] =	vst.add.f32.msk $0xffff, v12  }
0xfb: {  	[tilespmem:s29+$0xCD0] =	vst.add.f32.msk $0xffff, v13  }
0xfc: {  	[tilespmem:s29+$0xCE0] =	vst.add.f32.msk $0xffff, v14  }
0xfd: {  	[tilespmem:s29+$0xCF0] =	vst.add.f32.msk $0xffff, v15  }
0xfe: {  	[tilespmem:s29+$0xD00] =	vst.add.f32.msk $0xffff, v16  }
0xff: {  	[tilespmem:s29+$0xD10] =	vst.add.f32.msk $0xffff, v17  }
0x100: {  	[tilespmem:s29+$0xD20] =	vst.add.f32.msk $0xffff, v18  }
0x101: {  	[tilespmem:s29+$0xD30] =	vst.add.f32.msk $0xffff, v19  }
0x102: {  	[tilespmem:s29+$0xD40] =	vst.add.f32.msk $0xffff, v20  }
0x103: {  	[tilespmem:s29+$0xD50] =	vst.add.f32.msk $0xffff, v21  }
0x104: {  	[tilespmem:s29+$0xD60] =	vst.add.f32.msk $0xffff, v22  }
0x105: {  	[tilespmem:s29+$0xD70] =	vst.add.f32.msk $0xffff, v23  }
0x106: {  	[tilespmem:s29+$0xD80] =	vst.add.f32.msk $0xffff, v24  }
0x107: {  	[tilespmem:s29+$0xD90] =	vst.add.f32.msk $0xffff, v25  }
.Ltmp0:
0x108: {  	[tilespmem:s29+$0xDA0] =	vst.add.f32.msk $0xffff, v26;
	(pc) =	sbr.rel @p1 .LBB2_2-.Ltmp0, $4  }
0x109: {  	[tilespmem:s29+$0xDB0] =	vst.add.f32.msk $0xffff, v27  }
0x10a: {  	[tilespmem:s29+$0xDC0] =	vst.add.f32.msk $0xffff, v28  }
0x10b: {  	[tilespmem:s29+$0xDD0] =	vst.add.f32.msk $0xffff, v29  }
0x10c: {  	[tilespmem:s29+$0xDE0] =	vst.add.f32.msk $0xffff, v30;
	s29 =	sshra.s32 s3, $0x2;
	s3 =	sadd.s32 $0x800, s3  }
0x10d: {  	v0 =	vld [tilespmem:s29+$0xCDF0]  }
0x10e: {  	v1 =	vld [tilespmem:s29+$0xCC00]  }
0x10f: {  	v2 =	vld [tilespmem:s29+$0xCC10]  }
0x110: {  	v3 =	vld [tilespmem:s29+$0xCC20]  }
0x111: {  	v4 =	vld [tilespmem:s29+$0xCC30]  }
0x112: {  	v63 =	vld [tilespmem:s29+$0xCC40]  }
0x113: {  	v5 =	vld [tilespmem:s29+$0xCC50]  }
0x114: {  	v6 =	vld [tilespmem:s29+$0xCC60]  }
0x115: {  	v7 =	vld [tilespmem:s29+$0xCC70]  }
0x116: {  	v8 =	vld [tilespmem:s29+$0xCC80]  }
0x117: {  	v9 =	vld [tilespmem:s29+$0xCC90]  }
0x118: {  	v10 =	vld [tilespmem:s29+$0xCCA0]  }
0x119: {  	v11 =	vld [tilespmem:s29+$0xCCB0]  }
0x11a: {  	v12 =	vld [tilespmem:s29+$0xCCC0]  }
0x11b: {  	v13 =	vld [tilespmem:s29+$0xCCD0]  }
0x11c: {  	v14 =	vld [tilespmem:s29+$0xCCE0]  }
0x11d: {  	v15 =	vld [tilespmem:s29+$0xCCF0]  }
0x11e: {  	v16 =	vld [tilespmem:s29+$0xCD00]  }
0x11f: {  	v17 =	vld [tilespmem:s29+$0xCD10]  }
0x120: {  	v18 =	vld [tilespmem:s29+$0xCD20]  }
0x121: {  	v19 =	vld [tilespmem:s29+$0xCD30]  }
0x122: {  	v20 =	vld [tilespmem:s29+$0xCD40]  }
0x123: {  	v21 =	vld [tilespmem:s29+$0xCD50]  }
0x124: {  	v22 =	vld [tilespmem:s29+$0xCD60]  }
0x125: {  	v23 =	vld [tilespmem:s29+$0xCD70]  }
0x126: {  	v24 =	vld [tilespmem:s29+$0xCD80]  }
0x127: {  	v25 =	vld [tilespmem:s29+$0xCD90]  }
0x128: {  	v26 =	vld [tilespmem:s29+$0xCDA0]  }
0x129: {  	v27 =	vld [tilespmem:s29+$0xCDB0]  }
0x12a: {  	v28 =	vld [tilespmem:s29+$0xCDC0]  }
0x12b: {  	v29 =	vld [tilespmem:s29+$0xCDD0]  }
0x12c: {  	v30 =	vld [tilespmem:s29+$0xCDE0]  }
0x12d: {  	[tilespmem:s29+$0xDF0] =	vst.add.f32.msk $0xffff, v0  }
0x12e: {  	[tilespmem:s29+$0xC00] =	vst.add.f32.msk $0xffff, v1  }
0x12f: {  	[tilespmem:s29+$0xC10] =	vst.add.f32.msk $0xffff, v2  }
0x130: {  	[tilespmem:s29+$0xC20] =	vst.add.f32.msk $0xffff, v3  }
0x131: {  	[tilespmem:s29+$0xC30] =	vst.add.f32.msk $0xffff, v4  }
0x132: {  	[tilespmem:s29+$0xC40] =	vst.add.f32.msk $0xffff, v63  }
0x133: {  	[tilespmem:s29+$0xC50] =	vst.add.f32.msk $0xffff, v5  }
0x134: {  	[tilespmem:s29+$0xC60] =	vst.add.f32.msk $0xffff, v6  }
0x135: {  	[tilespmem:s29+$0xC70] =	vst.add.f32.msk $0xffff, v7  }
0x136: {  	[tilespmem:s29+$0xC80] =	vst.add.f32.msk $0xffff, v8  }
0x137: {  	[tilespmem:s29+$0xC90] =	vst.add.f32.msk $0xffff, v9  }
0x138: {  	[tilespmem:s29+$0xCA0] =	vst.add.f32.msk $0xffff, v10  }
0x139: {  	[tilespmem:s29+$0xCB0] =	vst.add.f32.msk $0xffff, v11  }
0x13a: {  	[tilespmem:s29+$0xCC0] =	vst.add.f32.msk $0xffff, v12  }
0x13b: {  	[tilespmem:s29+$0xCD0] =	vst.add.f32.msk $0xffff, v13  }
0x13c: {  	[tilespmem:s29+$0xCE0] =	vst.add.f32.msk $0xffff, v14  }
0x13d: {  	[tilespmem:s29+$0xCF0] =	vst.add.f32.msk $0xffff, v15  }
0x13e: {  	[tilespmem:s29+$0xD00] =	vst.add.f32.msk $0xffff, v16  }
0x13f: {  	[tilespmem:s29+$0xD10] =	vst.add.f32.msk $0xffff, v17  }
0x140: {  	[tilespmem:s29+$0xD20] =	vst.add.f32.msk $0xffff, v18  }
0x141: {  	[tilespmem:s29+$0xD30] =	vst.add.f32.msk $0xffff, v19  }
0x142: {  	[tilespmem:s29+$0xD40] =	vst.add.f32.msk $0xffff, v20  }
0x143: {  	[tilespmem:s29+$0xD50] =	vst.add.f32.msk $0xffff, v21  }
0x144: {  	[tilespmem:s29+$0xD60] =	vst.add.f32.msk $0xffff, v22  }
0x145: {  	[tilespmem:s29+$0xD70] =	vst.add.f32.msk $0xffff, v23  }
0x146: {  	[tilespmem:s29+$0xD80] =	vst.add.f32.msk $0xffff, v24  }
0x147: {  	[tilespmem:s29+$0xD90] =	vst.add.f32.msk $0xffff, v25  }
0x148: {  	[tilespmem:s29+$0xDA0] =	vst.add.f32.msk $0xffff, v26  }
0x149: {  	[tilespmem:s29+$0xDB0] =	vst.add.f32.msk $0xffff, v27  }
0x14a: {  	[tilespmem:s29+$0xDC0] =	vst.add.f32.msk $0xffff, v28  }
0x14b: {  	[tilespmem:s29+$0xDD0] =	vst.add.f32.msk $0xffff, v29  }
0x14c: {  	s3 =	simm.s32 $0x0;
	[tilespmem:s29+$0xDE0] =	vst.add.f32.msk $0xffff, v30  }
0x14d: {  	[hbm4b:s10+s3] =	stream.linear.scatter [tilespmem:s23], [sflag:$0x5], $0x4000, $0x38;
	[tilespmem:$0x19BA0] =	vst v63  }
0x14e: {  	_ =	swait.ge [sflag:s24], $0x4000  }
0x14f: {  	[sflag:s24] =	ssyncset.done $0x0  }
0x150: {  	s3 =	simm.s32 $0x980;
	[sflag:s24] =	ssyncadd.s32 $0xFFFFC000  }
0x151: {  	[tilespmem:s23], [sflag:$0x2] =	stream.indirect.gather [spmem:s1], $0x80, s3, s15, $0xb8;
	[tilespmem:$0x19BA0] =	vst v63  }
0x152: {  	s3 =	simm.s32 $0xB80  }
0x153: {  	[tilespmem:s25], [sflag:$0x2] =	stream.indirect.gather [spmem:s2], $0x80, s3, s15, $0xb8;
	[tilespmem:$0x19BA0] =	vst v63  }
0x154: {  	_ =	swait.ge [sflag:s30], $0x4000  }
0x155: {  	[sflag:s30] =	ssyncset.done $0x0  }
0x156: {  	[sflag:s30] =	ssyncadd.s32 $0xFFFFC000  }
0x157: {  	_ =	swait.ge [sflag:s30], $0x4000  }
0x158: {  	[sflag:s30] =	ssyncset.done $0x0  }
0x159: {  	s29 =	simm.s32 $0x0;
	s3 =	simm.s32 $0x800;
	[sflag:s30] =	ssyncadd.s32 $0xFFFFC000  }
.LBB2_4:
0x15a: {  	p1 =	sne.s32 s3, $0xF800;
	v0 =	vld [tilespmem:s29+$0x10DF0]  }
0x15b: {  	v1 =	vld [tilespmem:s29+$0x10C00]  }
0x15c: {  	v2 =	vld [tilespmem:s29+$0x10C10]  }
0x15d: {  	v3 =	vld [tilespmem:s29+$0x10C20]  }
0x15e: {  	v4 =	vld [tilespmem:s29+$0x10C30]  }
0x15f: {  	[tilespmem:s29+$0x4DF0] =	vst.add.f32.msk $0xffff, v0  }
0x160: {  	v0 =	vld [tilespmem:s29+$0x10C40]  }
0x161: {  	v5 =	vld [tilespmem:s29+$0x10C50]  }
0x162: {  	v6 =	vld [tilespmem:s29+$0x10C60]  }
0x163: {  	v7 =	vld [tilespmem:s29+$0x10C70]  }
0x164: {  	v8 =	vld [tilespmem:s29+$0x10C80]  }
0x165: {  	v9 =	vld [tilespmem:s29+$0x10C90]  }
0x166: {  	v10 =	vld [tilespmem:s29+$0x10CA0]  }
0x167: {  	v11 =	vld [tilespmem:s29+$0x10CB0]  }
0x168: {  	v12 =	vld [tilespmem:s29+$0x10CC0]  }
0x169: {  	v13 =	vld [tilespmem:s29+$0x10CD0]  }
0x16a: {  	v14 =	vld [tilespmem:s29+$0x10CE0]  }
0x16b: {  	v15 =	vld [tilespmem:s29+$0x10CF0]  }
0x16c: {  	v16 =	vld [tilespmem:s29+$0x10D00]  }
0x16d: {  	v17 =	vld [tilespmem:s29+$0x10D10]  }
0x16e: {  	v18 =	vld [tilespmem:s29+$0x10D20]  }
0x16f: {  	v19 =	vld [tilespmem:s29+$0x10D30]  }
0x170: {  	v20 =	vld [tilespmem:s29+$0x10D40]  }
0x171: {  	v21 =	vld [tilespmem:s29+$0x10D50]  }
0x172: {  	v22 =	vld [tilespmem:s29+$0x10D60]  }
0x173: {  	v23 =	vld [tilespmem:s29+$0x10D70]  }
0x174: {  	v24 =	vld [tilespmem:s29+$0x10D80]  }
0x175: {  	v25 =	vld [tilespmem:s29+$0x10D90]  }
0x176: {  	v26 =	vld [tilespmem:s29+$0x10DA0]  }
0x177: {  	v27 =	vld [tilespmem:s29+$0x10DB0]  }
0x178: {  	v28 =	vld [tilespmem:s29+$0x10DC0]  }
0x179: {  	v29 =	vld [tilespmem:s29+$0x10DD0]  }
0x17a: {  	v30 =	vld [tilespmem:s29+$0x10DE0]  }
0x17b: {  	[tilespmem:s29+$0x4C00] =	vst.add.f32.msk $0xffff, v1  }
0x17c: {  	[tilespmem:s29+$0x4C10] =	vst.add.f32.msk $0xffff, v2  }
0x17d: {  	[tilespmem:s29+$0x4C20] =	vst.add.f32.msk $0xffff, v3  }
0x17e: {  	[tilespmem:s29+$0x4C30] =	vst.add.f32.msk $0xffff, v4  }
0x17f: {  	[tilespmem:s29+$0x4C40] =	vst.add.f32.msk $0xffff, v0  }
0x180: {  	[tilespmem:s29+$0x4C50] =	vst.add.f32.msk $0xffff, v5  }
0x181: {  	[tilespmem:s29+$0x4C60] =	vst.add.f32.msk $0xffff, v6  }
0x182: {  	[tilespmem:s29+$0x4C70] =	vst.add.f32.msk $0xffff, v7  }
0x183: {  	[tilespmem:s29+$0x4C80] =	vst.add.f32.msk $0xffff, v8  }
0x184: {  	[tilespmem:s29+$0x4C90] =	vst.add.f32.msk $0xffff, v9  }
0x185: {  	[tilespmem:s29+$0x4CA0] =	vst.add.f32.msk $0xffff, v10  }
0x186: {  	[tilespmem:s29+$0x4CB0] =	vst.add.f32.msk $0xffff, v11  }
0x187: {  	[tilespmem:s29+$0x4CC0] =	vst.add.f32.msk $0xffff, v12  }
0x188: {  	[tilespmem:s29+$0x4CD0] =	vst.add.f32.msk $0xffff, v13  }
0x189: {  	[tilespmem:s29+$0x4CE0] =	vst.add.f32.msk $0xffff, v14  }
0x18a: {  	[tilespmem:s29+$0x4CF0] =	vst.add.f32.msk $0xffff, v15  }
0x18b: {  	[tilespmem:s29+$0x4D00] =	vst.add.f32.msk $0xffff, v16  }
0x18c: {  	[tilespmem:s29+$0x4D10] =	vst.add.f32.msk $0xffff, v17  }
0x18d: {  	[tilespmem:s29+$0x4D20] =	vst.add.f32.msk $0xffff, v18  }
0x18e: {  	[tilespmem:s29+$0x4D30] =	vst.add.f32.msk $0xffff, v19  }
0x18f: {  	[tilespmem:s29+$0x4D40] =	vst.add.f32.msk $0xffff, v20  }
0x190: {  	[tilespmem:s29+$0x4D50] =	vst.add.f32.msk $0xffff, v21  }
0x191: {  	[tilespmem:s29+$0x4D60] =	vst.add.f32.msk $0xffff, v22  }
0x192: {  	[tilespmem:s29+$0x4D70] =	vst.add.f32.msk $0xffff, v23  }
0x193: {  	[tilespmem:s29+$0x4D80] =	vst.add.f32.msk $0xffff, v24  }
0x194: {  	[tilespmem:s29+$0x4D90] =	vst.add.f32.msk $0xffff, v25  }
.Ltmp1:
0x195: {  	[tilespmem:s29+$0x4DA0] =	vst.add.f32.msk $0xffff, v26;
	(pc) =	sbr.rel @p1 .LBB2_4-.Ltmp1, $4  }
0x196: {  	[tilespmem:s29+$0x4DB0] =	vst.add.f32.msk $0xffff, v27  }
0x197: {  	[tilespmem:s29+$0x4DC0] =	vst.add.f32.msk $0xffff, v28  }
0x198: {  	[tilespmem:s29+$0x4DD0] =	vst.add.f32.msk $0xffff, v29  }
0x199: {  	[tilespmem:s29+$0x4DE0] =	vst.add.f32.msk $0xffff, v30;
	s29 =	sshra.s32 s3, $0x2;
	s3 =	sadd.s32 $0x800, s3  }
0x19a: {  	v0 =	vld [tilespmem:s29+$0x10DF0]  }
0x19b: {  	v1 =	vld [tilespmem:s29+$0x10C00]  }
0x19c: {  	v2 =	vld [tilespmem:s29+$0x10C10]  }
0x19d: {  	v3 =	vld [tilespmem:s29+$0x10C20]  }
0x19e: {  	v4 =	vld [tilespmem:s29+$0x10C30]  }
0x19f: {  	v63 =	vld [tilespmem:s29+$0x10C40]  }
0x1a0: {  	v5 =	vld [tilespmem:s29+$0x10C50]  }
0x1a1: {  	v6 =	vld [tilespmem:s29+$0x10C60]  }
0x1a2: {  	v7 =	vld [tilespmem:s29+$0x10C70]  }
0x1a3: {  	v8 =	vld [tilespmem:s29+$0x10C80]  }
0x1a4: {  	v9 =	vld [tilespmem:s29+$0x10C90]  }
0x1a5: {  	v10 =	vld [tilespmem:s29+$0x10CA0]  }
0x1a6: {  	v11 =	vld [tilespmem:s29+$0x10CB0]  }
0x1a7: {  	v12 =	vld [tilespmem:s29+$0x10CC0]  }
0x1a8: {  	v13 =	vld [tilespmem:s29+$0x10CD0]  }
0x1a9: {  	v14 =	vld [tilespmem:s29+$0x10CE0]  }
0x1aa: {  	v15 =	vld [tilespmem:s29+$0x10CF0]  }
0x1ab: {  	v16 =	vld [tilespmem:s29+$0x10D00]  }
0x1ac: {  	v17 =	vld [tilespmem:s29+$0x10D10]  }
0x1ad: {  	v18 =	vld [tilespmem:s29+$0x10D20]  }
0x1ae: {  	v19 =	vld [tilespmem:s29+$0x10D30]  }
0x1af: {  	v20 =	vld [tilespmem:s29+$0x10D40]  }
0x1b0: {  	v21 =	vld [tilespmem:s29+$0x10D50]  }
0x1b1: {  	v22 =	vld [tilespmem:s29+$0x10D60]  }
0x1b2: {  	v23 =	vld [tilespmem:s29+$0x10D70]  }
0x1b3: {  	v24 =	vld [tilespmem:s29+$0x10D80]  }
0x1b4: {  	v25 =	vld [tilespmem:s29+$0x10D90]  }
0x1b5: {  	v26 =	vld [tilespmem:s29+$0x10DA0]  }
0x1b6: {  	v27 =	vld [tilespmem:s29+$0x10DB0]  }
0x1b7: {  	v28 =	vld [tilespmem:s29+$0x10DC0]  }
0x1b8: {  	v29 =	vld [tilespmem:s29+$0x10DD0]  }
0x1b9: {  	v30 =	vld [tilespmem:s29+$0x10DE0]  }
0x1ba: {  	[tilespmem:s29+$0x4DF0] =	vst.add.f32.msk $0xffff, v0  }
0x1bb: {  	[tilespmem:s29+$0x4C00] =	vst.add.f32.msk $0xffff, v1  }
0x1bc: {  	[tilespmem:s29+$0x4C10] =	vst.add.f32.msk $0xffff, v2  }
0x1bd: {  	[tilespmem:s29+$0x4C20] =	vst.add.f32.msk $0xffff, v3  }
0x1be: {  	[tilespmem:s29+$0x4C30] =	vst.add.f32.msk $0xffff, v4  }
0x1bf: {  	[tilespmem:s29+$0x4C40] =	vst.add.f32.msk $0xffff, v63  }
0x1c0: {  	[tilespmem:s29+$0x4C50] =	vst.add.f32.msk $0xffff, v5  }
0x1c1: {  	[tilespmem:s29+$0x4C60] =	vst.add.f32.msk $0xffff, v6  }
0x1c2: {  	[tilespmem:s29+$0x4C70] =	vst.add.f32.msk $0xffff, v7  }
0x1c3: {  	[tilespmem:s29+$0x4C80] =	vst.add.f32.msk $0xffff, v8  }
0x1c4: {  	[tilespmem:s29+$0x4C90] =	vst.add.f32.msk $0xffff, v9  }
0x1c5: {  	[tilespmem:s29+$0x4CA0] =	vst.add.f32.msk $0xffff, v10  }
0x1c6: {  	[tilespmem:s29+$0x4CB0] =	vst.add.f32.msk $0xffff, v11  }
0x1c7: {  	[tilespmem:s29+$0x4CC0] =	vst.add.f32.msk $0xffff, v12  }
0x1c8: {  	[tilespmem:s29+$0x4CD0] =	vst.add.f32.msk $0xffff, v13  }
0x1c9: {  	[tilespmem:s29+$0x4CE0] =	vst.add.f32.msk $0xffff, v14  }
0x1ca: {  	[tilespmem:s29+$0x4CF0] =	vst.add.f32.msk $0xffff, v15  }
0x1cb: {  	[tilespmem:s29+$0x4D00] =	vst.add.f32.msk $0xffff, v16  }
0x1cc: {  	[tilespmem:s29+$0x4D10] =	vst.add.f32.msk $0xffff, v17  }
0x1cd: {  	[tilespmem:s29+$0x4D20] =	vst.add.f32.msk $0xffff, v18  }
0x1ce: {  	[tilespmem:s29+$0x4D30] =	vst.add.f32.msk $0xffff, v19  }
0x1cf: {  	[tilespmem:s29+$0x4D40] =	vst.add.f32.msk $0xffff, v20  }
0x1d0: {  	[tilespmem:s29+$0x4D50] =	vst.add.f32.msk $0xffff, v21  }
0x1d1: {  	[tilespmem:s29+$0x4D60] =	vst.add.f32.msk $0xffff, v22  }
0x1d2: {  	[tilespmem:s29+$0x4D70] =	vst.add.f32.msk $0xffff, v23  }
0x1d3: {  	[tilespmem:s29+$0x4D80] =	vst.add.f32.msk $0xffff, v24  }
0x1d4: {  	[tilespmem:s29+$0x4D90] =	vst.add.f32.msk $0xffff, v25  }
0x1d5: {  	[tilespmem:s29+$0x4DA0] =	vst.add.f32.msk $0xffff, v26  }
0x1d6: {  	[tilespmem:s29+$0x4DB0] =	vst.add.f32.msk $0xffff, v27  }
0x1d7: {  	[tilespmem:s29+$0x4DC0] =	vst.add.f32.msk $0xffff, v28  }
0x1d8: {  	[tilespmem:s29+$0x4DD0] =	vst.add.f32.msk $0xffff, v29  }
0x1d9: {  	s3 =	simm.s32 $0x0;
	[tilespmem:s29+$0x4DE0] =	vst.add.f32.msk $0xffff, v30  }
0x1da: {  	[hbm4b:s11+s3] =	stream.linear.scatter [tilespmem:s28], [sflag:$0x6], $0x4000, $0x38;
	[tilespmem:$0x19BA0] =	vst v63  }
0x1db: {  	_ =	swait.ge [sflag:s31], $0x4000  }
0x1dc: {  	[sflag:s31] =	ssyncset.done $0x0  }
0x1dd: {  	[sflag:s31] =	ssyncadd.s32 $0xFFFFC000  }
0x1de: {  	_ =	swait.ge [sflag:s31], $0x4000  }
0x1df: {  	[sflag:s31] =	ssyncset.done $0x0  }
0x1e0: {  	s29 =	simm.s32 $0x0;
	s3 =	simm.s32 $0x800;
	[sflag:s31] =	ssyncadd.s32 $0xFFFFC000  }
.LBB2_6:
0x1e1: {  	p1 =	sne.s32 s3, $0xF800;
	v0 =	vld [tilespmem:s29+$0x14DF0]  }
0x1e2: {  	v1 =	vld [tilespmem:s29+$0x14C00]  }
0x1e3: {  	v2 =	vld [tilespmem:s29+$0x14C10]  }
0x1e4: {  	v3 =	vld [tilespmem:s29+$0x14C20]  }
0x1e5: {  	v4 =	vld [tilespmem:s29+$0x14C30]  }
0x1e6: {  	[tilespmem:s29+$0x8DF0] =	vst.add.f32.msk $0xffff, v0  }
0x1e7: {  	v0 =	vld [tilespmem:s29+$0x14C40]  }
0x1e8: {  	v5 =	vld [tilespmem:s29+$0x14C50]  }
0x1e9: {  	v6 =	vld [tilespmem:s29+$0x14C60]  }
0x1ea: {  	v7 =	vld [tilespmem:s29+$0x14C70]  }
0x1eb: {  	v8 =	vld [tilespmem:s29+$0x14C80]  }
0x1ec: {  	v9 =	vld [tilespmem:s29+$0x14C90]  }
0x1ed: {  	v10 =	vld [tilespmem:s29+$0x14CA0]  }
0x1ee: {  	v11 =	vld [tilespmem:s29+$0x14CB0]  }
0x1ef: {  	v12 =	vld [tilespmem:s29+$0x14CC0]  }
0x1f0: {  	v13 =	vld [tilespmem:s29+$0x14CD0]  }
0x1f1: {  	v14 =	vld [tilespmem:s29+$0x14CE0]  }
0x1f2: {  	v15 =	vld [tilespmem:s29+$0x14CF0]  }
0x1f3: {  	v16 =	vld [tilespmem:s29+$0x14D00]  }
0x1f4: {  	v17 =	vld [tilespmem:s29+$0x14D10]  }
0x1f5: {  	v18 =	vld [tilespmem:s29+$0x14D20]  }
0x1f6: {  	v19 =	vld [tilespmem:s29+$0x14D30]  }
0x1f7: {  	v20 =	vld [tilespmem:s29+$0x14D40]  }
0x1f8: {  	v21 =	vld [tilespmem:s29+$0x14D50]  }
0x1f9: {  	v22 =	vld [tilespmem:s29+$0x14D60]  }
0x1fa: {  	v23 =	vld [tilespmem:s29+$0x14D70]  }
0x1fb: {  	v24 =	vld [tilespmem:s29+$0x14D80]  }
0x1fc: {  	v25 =	vld [tilespmem:s29+$0x14D90]  }
0x1fd: {  	v26 =	vld [tilespmem:s29+$0x14DA0]  }
0x1fe: {  	v27 =	vld [tilespmem:s29+$0x14DB0]  }
0x1ff: {  	v28 =	vld [tilespmem:s29+$0x14DC0]  }
0x200: {  	v29 =	vld [tilespmem:s29+$0x14DD0]  }
0x201: {  	v30 =	vld [tilespmem:s29+$0x14DE0]  }
0x202: {  	[tilespmem:s29+$0x8C00] =	vst.add.f32.msk $0xffff, v1  }
0x203: {  	[tilespmem:s29+$0x8C10] =	vst.add.f32.msk $0xffff, v2  }
0x204: {  	[tilespmem:s29+$0x8C20] =	vst.add.f32.msk $0xffff, v3  }
0x205: {  	[tilespmem:s29+$0x8C30] =	vst.add.f32.msk $0xffff, v4  }
0x206: {  	[tilespmem:s29+$0x8C40] =	vst.add.f32.msk $0xffff, v0  }
0x207: {  	[tilespmem:s29+$0x8C50] =	vst.add.f32.msk $0xffff, v5  }
0x208: {  	[tilespmem:s29+$0x8C60] =	vst.add.f32.msk $0xffff, v6  }
0x209: {  	[tilespmem:s29+$0x8C70] =	vst.add.f32.msk $0xffff, v7  }
0x20a: {  	[tilespmem:s29+$0x8C80] =	vst.add.f32.msk $0xffff, v8  }
0x20b: {  	[tilespmem:s29+$0x8C90] =	vst.add.f32.msk $0xffff, v9  }
0x20c: {  	[tilespmem:s29+$0x8CA0] =	vst.add.f32.msk $0xffff, v10  }
0x20d: {  	[tilespmem:s29+$0x8CB0] =	vst.add.f32.msk $0xffff, v11  }
0x20e: {  	[tilespmem:s29+$0x8CC0] =	vst.add.f32.msk $0xffff, v12  }
0x20f: {  	[tilespmem:s29+$0x8CD0] =	vst.add.f32.msk $0xffff, v13  }
0x210: {  	[tilespmem:s29+$0x8CE0] =	vst.add.f32.msk $0xffff, v14  }
0x211: {  	[tilespmem:s29+$0x8CF0] =	vst.add.f32.msk $0xffff, v15  }
0x212: {  	[tilespmem:s29+$0x8D00] =	vst.add.f32.msk $0xffff, v16  }
0x213: {  	[tilespmem:s29+$0x8D10] =	vst.add.f32.msk $0xffff, v17  }
0x214: {  	[tilespmem:s29+$0x8D20] =	vst.add.f32.msk $0xffff, v18  }
0x215: {  	[tilespmem:s29+$0x8D30] =	vst.add.f32.msk $0xffff, v19  }
0x216: {  	[tilespmem:s29+$0x8D40] =	vst.add.f32.msk $0xffff, v20  }
0x217: {  	[tilespmem:s29+$0x8D50] =	vst.add.f32.msk $0xffff, v21  }
0x218: {  	[tilespmem:s29+$0x8D60] =	vst.add.f32.msk $0xffff, v22  }
0x219: {  	[tilespmem:s29+$0x8D70] =	vst.add.f32.msk $0xffff, v23  }
0x21a: {  	[tilespmem:s29+$0x8D80] =	vst.add.f32.msk $0xffff, v24  }
0x21b: {  	[tilespmem:s29+$0x8D90] =	vst.add.f32.msk $0xffff, v25  }
.Ltmp2:
0x21c: {  	[tilespmem:s29+$0x8DA0] =	vst.add.f32.msk $0xffff, v26;
	(pc) =	sbr.rel @p1 .LBB2_6-.Ltmp2, $4  }
0x21d: {  	[tilespmem:s29+$0x8DB0] =	vst.add.f32.msk $0xffff, v27  }
0x21e: {  	[tilespmem:s29+$0x8DC0] =	vst.add.f32.msk $0xffff, v28  }
0x21f: {  	[tilespmem:s29+$0x8DD0] =	vst.add.f32.msk $0xffff, v29  }
0x220: {  	[tilespmem:s29+$0x8DE0] =	vst.add.f32.msk $0xffff, v30;
	s29 =	sshra.s32 s3, $0x2;
	s3 =	sadd.s32 $0x800, s3  }
0x221: {  	v0 =	vld [tilespmem:s29+$0x14DF0]  }
0x222: {  	v1 =	vld [tilespmem:s29+$0x14C00]  }
0x223: {  	v2 =	vld [tilespmem:s29+$0x14C10]  }
0x224: {  	v3 =	vld [tilespmem:s29+$0x14C20]  }
0x225: {  	v4 =	vld [tilespmem:s29+$0x14C30]  }
0x226: {  	v63 =	vld [tilespmem:s29+$0x14C40]  }
0x227: {  	v5 =	vld [tilespmem:s29+$0x14C50]  }
0x228: {  	v6 =	vld [tilespmem:s29+$0x14C60]  }
0x229: {  	v7 =	vld [tilespmem:s29+$0x14C70]  }
0x22a: {  	v8 =	vld [tilespmem:s29+$0x14C80]  }
0x22b: {  	v9 =	vld [tilespmem:s29+$0x14C90]  }
0x22c: {  	v10 =	vld [tilespmem:s29+$0x14CA0]  }
0x22d: {  	v11 =	vld [tilespmem:s29+$0x14CB0]  }
0x22e: {  	v12 =	vld [tilespmem:s29+$0x14CC0]  }
0x22f: {  	v13 =	vld [tilespmem:s29+$0x14CD0]  }
0x230: {  	v14 =	vld [tilespmem:s29+$0x14CE0]  }
0x231: {  	v15 =	vld [tilespmem:s29+$0x14CF0]  }
0x232: {  	v16 =	vld [tilespmem:s29+$0x14D00]  }
0x233: {  	v17 =	vld [tilespmem:s29+$0x14D10]  }
0x234: {  	v18 =	vld [tilespmem:s29+$0x14D20]  }
0x235: {  	v19 =	vld [tilespmem:s29+$0x14D30]  }
0x236: {  	v20 =	vld [tilespmem:s29+$0x14D40]  }
0x237: {  	v21 =	vld [tilespmem:s29+$0x14D50]  }
0x238: {  	v22 =	vld [tilespmem:s29+$0x14D60]  }
0x239: {  	v23 =	vld [tilespmem:s29+$0x14D70]  }
0x23a: {  	v24 =	vld [tilespmem:s29+$0x14D80]  }
0x23b: {  	v25 =	vld [tilespmem:s29+$0x14D90]  }
0x23c: {  	v26 =	vld [tilespmem:s29+$0x14DA0]  }
0x23d: {  	v27 =	vld [tilespmem:s29+$0x14DB0]  }
0x23e: {  	v28 =	vld [tilespmem:s29+$0x14DC0]  }
0x23f: {  	v29 =	vld [tilespmem:s29+$0x14DD0]  }
0x240: {  	v30 =	vld [tilespmem:s29+$0x14DE0]  }
0x241: {  	[tilespmem:s29+$0x8DF0] =	vst.add.f32.msk $0xffff, v0  }
0x242: {  	[tilespmem:s29+$0x8C00] =	vst.add.f32.msk $0xffff, v1  }
0x243: {  	[tilespmem:s29+$0x8C10] =	vst.add.f32.msk $0xffff, v2  }
0x244: {  	[tilespmem:s29+$0x8C20] =	vst.add.f32.msk $0xffff, v3  }
0x245: {  	[tilespmem:s29+$0x8C30] =	vst.add.f32.msk $0xffff, v4  }
0x246: {  	[tilespmem:s29+$0x8C40] =	vst.add.f32.msk $0xffff, v63  }
0x247: {  	[tilespmem:s29+$0x8C50] =	vst.add.f32.msk $0xffff, v5  }
0x248: {  	[tilespmem:s29+$0x8C60] =	vst.add.f32.msk $0xffff, v6  }
0x249: {  	[tilespmem:s29+$0x8C70] =	vst.add.f32.msk $0xffff, v7  }
0x24a: {  	[tilespmem:s29+$0x8C80] =	vst.add.f32.msk $0xffff, v8  }
0x24b: {  	[tilespmem:s29+$0x8C90] =	vst.add.f32.msk $0xffff, v9  }
0x24c: {  	[tilespmem:s29+$0x8CA0] =	vst.add.f32.msk $0xffff, v10  }
0x24d: {  	[tilespmem:s29+$0x8CB0] =	vst.add.f32.msk $0xffff, v11  }
0x24e: {  	[tilespmem:s29+$0x8CC0] =	vst.add.f32.msk $0xffff, v12  }
0x24f: {  	[tilespmem:s29+$0x8CD0] =	vst.add.f32.msk $0xffff, v13  }
0x250: {  	[tilespmem:s29+$0x8CE0] =	vst.add.f32.msk $0xffff, v14  }
0x251: {  	[tilespmem:s29+$0x8CF0] =	vst.add.f32.msk $0xffff, v15  }
0x252: {  	[tilespmem:s29+$0x8D00] =	vst.add.f32.msk $0xffff, v16  }
0x253: {  	[tilespmem:s29+$0x8D10] =	vst.add.f32.msk $0xffff, v17  }
0x254: {  	[tilespmem:s29+$0x8D20] =	vst.add.f32.msk $0xffff, v18  }
0x255: {  	[tilespmem:s29+$0x8D30] =	vst.add.f32.msk $0xffff, v19  }
0x256: {  	[tilespmem:s29+$0x8D40] =	vst.add.f32.msk $0xffff, v20  }
0x257: {  	[tilespmem:s29+$0x8D50] =	vst.add.f32.msk $0xffff, v21  }
0x258: {  	[tilespmem:s29+$0x8D60] =	vst.add.f32.msk $0xffff, v22  }
0x259: {  	[tilespmem:s29+$0x8D70] =	vst.add.f32.msk $0xffff, v23  }
0x25a: {  	[tilespmem:s29+$0x8D80] =	vst.add.f32.msk $0xffff, v24  }
0x25b: {  	[tilespmem:s29+$0x8D90] =	vst.add.f32.msk $0xffff, v25  }
0x25c: {  	[tilespmem:s29+$0x8DA0] =	vst.add.f32.msk $0xffff, v26  }
0x25d: {  	[tilespmem:s29+$0x8DB0] =	vst.add.f32.msk $0xffff, v27  }
0x25e: {  	[tilespmem:s29+$0x8DC0] =	vst.add.f32.msk $0xffff, v28  }
0x25f: {  	[tilespmem:s29+$0x8DD0] =	vst.add.f32.msk $0xffff, v29  }
0x260: {  	s3 =	simm.s32 $0x0;
	[tilespmem:s29+$0x8DE0] =	vst.add.f32.msk $0xffff, v30  }
0x261: {  	[hbm4b:s12+s3] =	stream.linear.scatter [tilespmem:s0], [sflag:$0x7], $0x4000, $0x38;
	[tilespmem:$0x19BA0] =	vst v63  }
0x262: {  	_ =	swait.ge [sflag:s22], $0x4000  }
0x263: {  	[sflag:s22] =	ssyncset.done $0x0  }
0x264: {  	[sflag:s22] =	ssyncadd.s32 $0xFFFFC000  }
0x265: {  	_ =	swait.ge [sflag:s22], $0x4000  }
0x266: {  	[sflag:s22] =	ssyncset.done $0x0  }
0x267: {  	s29 =	simm.s32 $0x0;
	s3 =	simm.s32 $0x800;
	[sflag:s22] =	ssyncadd.s32 $0xFFFFC000  }
.LBB2_8:
0x268: {  	p1 =	sne.s32 s3, $0xF800;
	v0 =	vld [tilespmem:s29+$0xCDF0]  }
0x269: {  	v1 =	vld [tilespmem:s29+$0xCC00]  }
0x26a: {  	v2 =	vld [tilespmem:s29+$0xCC10]  }
0x26b: {  	v3 =	vld [tilespmem:s29+$0xCC20]  }
0x26c: {  	v4 =	vld [tilespmem:s29+$0xCC30]  }
0x26d: {  	[tilespmem:s29+$0xDF0] =	vst.add.f32.msk $0xffff, v0  }
0x26e: {  	v0 =	vld [tilespmem:s29+$0xCC40]  }
0x26f: {  	v5 =	vld [tilespmem:s29+$0xCC50]  }
0x270: {  	v6 =	vld [tilespmem:s29+$0xCC60]  }
0x271: {  	v7 =	vld [tilespmem:s29+$0xCC70]  }
0x272: {  	v8 =	vld [tilespmem:s29+$0xCC80]  }
0x273: {  	v9 =	vld [tilespmem:s29+$0xCC90]  }
0x274: {  	v10 =	vld [tilespmem:s29+$0xCCA0]  }
0x275: {  	v11 =	vld [tilespmem:s29+$0xCCB0]  }
0x276: {  	v12 =	vld [tilespmem:s29+$0xCCC0]  }
0x277: {  	v13 =	vld [tilespmem:s29+$0xCCD0]  }
0x278: {  	v14 =	vld [tilespmem:s29+$0xCCE0]  }
0x279: {  	v15 =	vld [tilespmem:s29+$0xCCF0]  }
0x27a: {  	v16 =	vld [tilespmem:s29+$0xCD00]  }
0x27b: {  	v17 =	vld [tilespmem:s29+$0xCD10]  }
0x27c: {  	v18 =	vld [tilespmem:s29+$0xCD20]  }
0x27d: {  	v19 =	vld [tilespmem:s29+$0xCD30]  }
0x27e: {  	v20 =	vld [tilespmem:s29+$0xCD40]  }
0x27f: {  	v21 =	vld [tilespmem:s29+$0xCD50]  }
0x280: {  	v22 =	vld [tilespmem:s29+$0xCD60]  }
0x281: {  	v23 =	vld [tilespmem:s29+$0xCD70]  }
0x282: {  	v24 =	vld [tilespmem:s29+$0xCD80]  }
0x283: {  	v25 =	vld [tilespmem:s29+$0xCD90]  }
0x284: {  	v26 =	vld [tilespmem:s29+$0xCDA0]  }
0x285: {  	v27 =	vld [tilespmem:s29+$0xCDB0]  }
0x286: {  	v28 =	vld [tilespmem:s29+$0xCDC0]  }
0x287: {  	v29 =	vld [tilespmem:s29+$0xCDD0]  }
0x288: {  	v30 =	vld [tilespmem:s29+$0xCDE0]  }
0x289: {  	[tilespmem:s29+$0xC00] =	vst.add.f32.msk $0xffff, v1  }
0x28a: {  	[tilespmem:s29+$0xC10] =	vst.add.f32.msk $0xffff, v2  }
0x28b: {  	[tilespmem:s29+$0xC20] =	vst.add.f32.msk $0xffff, v3  }
0x28c: {  	[tilespmem:s29+$0xC30] =	vst.add.f32.msk $0xffff, v4  }
0x28d: {  	[tilespmem:s29+$0xC40] =	vst.add.f32.msk $0xffff, v0  }
0x28e: {  	[tilespmem:s29+$0xC50] =	vst.add.f32.msk $0xffff, v5  }
0x28f: {  	[tilespmem:s29+$0xC60] =	vst.add.f32.msk $0xffff, v6  }
0x290: {  	[tilespmem:s29+$0xC70] =	vst.add.f32.msk $0xffff, v7  }
0x291: {  	[tilespmem:s29+$0xC80] =	vst.add.f32.msk $0xffff, v8  }
0x292: {  	[tilespmem:s29+$0xC90] =	vst.add.f32.msk $0xffff, v9  }
0x293: {  	[tilespmem:s29+$0xCA0] =	vst.add.f32.msk $0xffff, v10  }
0x294: {  	[tilespmem:s29+$0xCB0] =	vst.add.f32.msk $0xffff, v11  }
0x295: {  	[tilespmem:s29+$0xCC0] =	vst.add.f32.msk $0xffff, v12  }
0x296: {  	[tilespmem:s29+$0xCD0] =	vst.add.f32.msk $0xffff, v13  }
0x297: {  	[tilespmem:s29+$0xCE0] =	vst.add.f32.msk $0xffff, v14  }
0x298: {  	[tilespmem:s29+$0xCF0] =	vst.add.f32.msk $0xffff, v15  }
0x299: {  	[tilespmem:s29+$0xD00] =	vst.add.f32.msk $0xffff, v16  }
0x29a: {  	[tilespmem:s29+$0xD10] =	vst.add.f32.msk $0xffff, v17  }
0x29b: {  	[tilespmem:s29+$0xD20] =	vst.add.f32.msk $0xffff, v18  }
0x29c: {  	[tilespmem:s29+$0xD30] =	vst.add.f32.msk $0xffff, v19  }
0x29d: {  	[tilespmem:s29+$0xD40] =	vst.add.f32.msk $0xffff, v20  }
0x29e: {  	[tilespmem:s29+$0xD50] =	vst.add.f32.msk $0xffff, v21  }
0x29f: {  	[tilespmem:s29+$0xD60] =	vst.add.f32.msk $0xffff, v22  }
0x2a0: {  	[tilespmem:s29+$0xD70] =	vst.add.f32.msk $0xffff, v23  }
0x2a1: {  	[tilespmem:s29+$0xD80] =	vst.add.f32.msk $0xffff, v24  }
0x2a2: {  	[tilespmem:s29+$0xD90] =	vst.add.f32.msk $0xffff, v25  }
.Ltmp3:
0x2a3: {  	[tilespmem:s29+$0xDA0] =	vst.add.f32.msk $0xffff, v26;
	(pc) =	sbr.rel @p1 .LBB2_8-.Ltmp3, $4  }
0x2a4: {  	[tilespmem:s29+$0xDB0] =	vst.add.f32.msk $0xffff, v27  }
0x2a5: {  	[tilespmem:s29+$0xDC0] =	vst.add.f32.msk $0xffff, v28  }
0x2a6: {  	[tilespmem:s29+$0xDD0] =	vst.add.f32.msk $0xffff, v29  }
0x2a7: {  	[tilespmem:s29+$0xDE0] =	vst.add.f32.msk $0xffff, v30;
	s29 =	sshra.s32 s3, $0x2;
	s3 =	sadd.s32 $0x800, s3  }
0x2a8: {  	v0 =	vld [tilespmem:s29+$0xCDF0]  }
0x2a9: {  	v1 =	vld [tilespmem:s29+$0xCC00]  }
0x2aa: {  	v2 =	vld [tilespmem:s29+$0xCC10]  }
0x2ab: {  	v3 =	vld [tilespmem:s29+$0xCC20]  }
0x2ac: {  	v4 =	vld [tilespmem:s29+$0xCC30]  }
0x2ad: {  	v63 =	vld [tilespmem:s29+$0xCC40]  }
0x2ae: {  	v5 =	vld [tilespmem:s29+$0xCC50]  }
0x2af: {  	v6 =	vld [tilespmem:s29+$0xCC60]  }
0x2b0: {  	v7 =	vld [tilespmem:s29+$0xCC70]  }
0x2b1: {  	v8 =	vld [tilespmem:s29+$0xCC80]  }
0x2b2: {  	v9 =	vld [tilespmem:s29+$0xCC90]  }
0x2b3: {  	v10 =	vld [tilespmem:s29+$0xCCA0]  }
0x2b4: {  	v11 =	vld [tilespmem:s29+$0xCCB0]  }
0x2b5: {  	v12 =	vld [tilespmem:s29+$0xCCC0]  }
0x2b6: {  	v13 =	vld [tilespmem:s29+$0xCCD0]  }
0x2b7: {  	v14 =	vld [tilespmem:s29+$0xCCE0]  }
0x2b8: {  	v15 =	vld [tilespmem:s29+$0xCCF0]  }
0x2b9: {  	v16 =	vld [tilespmem:s29+$0xCD00]  }
0x2ba: {  	v17 =	vld [tilespmem:s29+$0xCD10]  }
0x2bb: {  	v18 =	vld [tilespmem:s29+$0xCD20]  }
0x2bc: {  	v19 =	vld [tilespmem:s29+$0xCD30]  }
0x2bd: {  	v20 =	vld [tilespmem:s29+$0xCD40]  }
0x2be: {  	v21 =	vld [tilespmem:s29+$0xCD50]  }
0x2bf: {  	v22 =	vld [tilespmem:s29+$0xCD60]  }
0x2c0: {  	v23 =	vld [tilespmem:s29+$0xCD70]  }
0x2c1: {  	v24 =	vld [tilespmem:s29+$0xCD80]  }
0x2c2: {  	v25 =	vld [tilespmem:s29+$0xCD90]  }
0x2c3: {  	v26 =	vld [tilespmem:s29+$0xCDA0]  }
0x2c4: {  	v27 =	vld [tilespmem:s29+$0xCDB0]  }
0x2c5: {  	v28 =	vld [tilespmem:s29+$0xCDC0]  }
0x2c6: {  	v29 =	vld [tilespmem:s29+$0xCDD0]  }
0x2c7: {  	v30 =	vld [tilespmem:s29+$0xCDE0]  }
0x2c8: {  	[tilespmem:s29+$0xDF0] =	vst.add.f32.msk $0xffff, v0  }
0x2c9: {  	[tilespmem:s29+$0xC00] =	vst.add.f32.msk $0xffff, v1  }
0x2ca: {  	[tilespmem:s29+$0xC10] =	vst.add.f32.msk $0xffff, v2  }
0x2cb: {  	[tilespmem:s29+$0xC20] =	vst.add.f32.msk $0xffff, v3  }
0x2cc: {  	[tilespmem:s29+$0xC30] =	vst.add.f32.msk $0xffff, v4  }
0x2cd: {  	[tilespmem:s29+$0xC40] =	vst.add.f32.msk $0xffff, v63  }
0x2ce: {  	[tilespmem:s29+$0xC50] =	vst.add.f32.msk $0xffff, v5  }
0x2cf: {  	[tilespmem:s29+$0xC60] =	vst.add.f32.msk $0xffff, v6  }
0x2d0: {  	[tilespmem:s29+$0xC70] =	vst.add.f32.msk $0xffff, v7  }
0x2d1: {  	[tilespmem:s29+$0xC80] =	vst.add.f32.msk $0xffff, v8  }
0x2d2: {  	[tilespmem:s29+$0xC90] =	vst.add.f32.msk $0xffff, v9  }
0x2d3: {  	[tilespmem:s29+$0xCA0] =	vst.add.f32.msk $0xffff, v10  }
0x2d4: {  	[tilespmem:s29+$0xCB0] =	vst.add.f32.msk $0xffff, v11  }
0x2d5: {  	[tilespmem:s29+$0xCC0] =	vst.add.f32.msk $0xffff, v12  }
0x2d6: {  	[tilespmem:s29+$0xCD0] =	vst.add.f32.msk $0xffff, v13  }
0x2d7: {  	[tilespmem:s29+$0xCE0] =	vst.add.f32.msk $0xffff, v14  }
0x2d8: {  	[tilespmem:s29+$0xCF0] =	vst.add.f32.msk $0xffff, v15  }
0x2d9: {  	[tilespmem:s29+$0xD00] =	vst.add.f32.msk $0xffff, v16  }
0x2da: {  	[tilespmem:s29+$0xD10] =	vst.add.f32.msk $0xffff, v17  }
0x2db: {  	[tilespmem:s29+$0xD20] =	vst.add.f32.msk $0xffff, v18  }
0x2dc: {  	[tilespmem:s29+$0xD30] =	vst.add.f32.msk $0xffff, v19  }
0x2dd: {  	[tilespmem:s29+$0xD40] =	vst.add.f32.msk $0xffff, v20  }
0x2de: {  	[tilespmem:s29+$0xD50] =	vst.add.f32.msk $0xffff, v21  }
0x2df: {  	[tilespmem:s29+$0xD60] =	vst.add.f32.msk $0xffff, v22  }
0x2e0: {  	[tilespmem:s29+$0xD70] =	vst.add.f32.msk $0xffff, v23  }
0x2e1: {  	[tilespmem:s29+$0xD80] =	vst.add.f32.msk $0xffff, v24  }
0x2e2: {  	[tilespmem:s29+$0xD90] =	vst.add.f32.msk $0xffff, v25  }
0x2e3: {  	[tilespmem:s29+$0xDA0] =	vst.add.f32.msk $0xffff, v26  }
0x2e4: {  	[tilespmem:s29+$0xDB0] =	vst.add.f32.msk $0xffff, v27  }
0x2e5: {  	[tilespmem:s29+$0xDC0] =	vst.add.f32.msk $0xffff, v28  }
0x2e6: {  	[tilespmem:s29+$0xDD0] =	vst.add.f32.msk $0xffff, v29  }
0x2e7: {  	[tilespmem:s29+$0xDE0] =	vst.add.f32.msk $0xffff, v30;
	s29 =	simm.s32 $0x0  }
0x2e8: {  	[hbm4b:s13+s29] =	stream.linear.scatter [tilespmem:s23], [sflag:$0x5], $0x4000, $0x38;
	[tilespmem:$0x19BA0] =	vst v63  }
0x2e9: {  	_ =	swait.ge [sflag:s17], $0x4000  }
0x2ea: {  	[sflag:s17] =	ssyncset.done $0x0  }
0x2eb: {  	s26 =	sadd.s32 $0x1, s26;
	[sflag:s17] =	ssyncadd.s32 $0xFFFFC000  }
0x2ec: {  	p1 =	sne.s32 s26, s14;
	_ =	swait.ge [sflag:s18], $0x4000  }
.Ltmp4:
0x2ed: {  	[sflag:s18] =	ssyncset.done $0x0;
	(pc) =	sbr.rel @p1 .LBB2_1-.Ltmp4, $4  }
0x2ee: {  	[sflag:s18] =	ssyncadd.s32 $0xFFFFC000  }
0x2ef: {  	_ =	swait.ge [sflag:s24], $0x4000  }
0x2f0: {  	[sflag:s24] =	ssyncset.done $0x0  }
0x2f1: {  	[sflag:s24] =	ssyncadd.s32 $0xFFFFC000  }
0x2f2: {  	_ =	sfence.sel $0x180000  }
0x2f3: {  	[bflag:$0x0] =	sbarrier.arrive $0xFFFF  }
0x2f4: {  	_ =	strace $0x90000047  }
0x2f5: {  	[bflag:$0x2] =	sbarrier.arrive $0xFFFF  }
0x2f6: {  	s0 =	rddreg [dreg:$0x5]  }
0x2f7: {  	s0 =	sadd.s32 @!p0 $0x100000, s0  }
0x2f8: {  	[sflag:s0] =	ssyncadd.tile.s32 @!p0 $0x1;
	_ =	shalt  }
.Lfunc_end2:
_tile_overlayer_lowered:
.L_overlay_start_2:
0x2f9: {  	(tag) =	ssettag $0x2  }
0x2fa: {  	s0 =	rddreg [dreg:$0x0];
	s2 =	stileid.u32  }
0x2fb: {  	s1 =	rddreg [dreg:$0x1];
	p0 =	sne.s32 s2, $0x0  }
0x2fc: {  	s3 =	rddreg [dreg:$0x2];
	[bflag:$0x3] =	sbarrier.arrive $0xFFFF;
	s2 =	simm.s32 @!p0 $0x1C08  }
0x2fd: {  	[timem:s3], [sflag:s2] =	dma.local @!p0 [hbm:s0], s1  }
0x2fe: {  	s0 =	simm.s32 @!p0 $0x8  }
0x2ff: {  	_ =	swait.ge @!p0 [sflag:s0], s1  }
0x300: {  	s1 =	ssub.s32 @!p0 $0x0, s1;
	[sflag:s0] =	ssyncset.done @!p0 $0x0  }
0x301: {  	[sflag:s0] =	ssyncadd.s32 @!p0 s1  }
0x302: {  	[bflag:$0x3] =	sbarrier.arrive $0xFFFF  }
0x303: {  	_ =	shalt  }

</sc_bundles>
